<compile_context>
chip_gen: v7x
topology: tpu7x:2x2x1
jax: 0.10.2.dev20260603
libtpu: 0.0.44.dev20260713+nightly
codegen_flags: <defaults>
</compile_context>

<pallas_src>
import functools
import jax
import jax.numpy as jnp
from jax import lax
from jax.experimental import pallas as pl
from jax.experimental.pallas import tpu as pltpu
from jax.experimental.pallas import tpu_sc as plsc

NC = 2
NS = 16
NW = NC * NS
CH = 128

F32 = jnp.float32


def _mesh():
    return plsc.VectorSubcoreMesh(
        core_axis_name="c", subcore_axis_name="s", num_cores=NC, num_subcores=NS
    )


def _sc_deg_body(cpt, rps, dstc, ones_h, zeros_h, out, dst_v, ones_v, acc):
    c = lax.axis_index("c")
    s = lax.axis_index("s")
    wid = s * NC + c
    off = pl.multiple_of(s * rps, 8)
    pltpu.sync_copy(dstc.at[pl.ds(pl.multiple_of(wid * cpt, 8), cpt)], dst_v)
    pltpu.sync_copy(ones_h, ones_v)
    pltpu.sync_copy(zeros_h.at[pl.ds(off, rps)], acc.at[pl.ds(off, rps)])
    plsc.subcore_barrier()

    def body(j, carry):
        pltpu.sync_copy(ones_v, acc.at[dst_v.at[j]], add=True)
        return carry

    lax.fori_loop(0, cpt, body, 0)
    plsc.subcore_barrier()
    pltpu.sync_copy(acc.at[pl.ds(off, rps)], out.at[c, pl.ds(off, rps)])


KB = 4


def _sc_prop_body(gpt, rps, g_h, srcc, dstc, zeros_h, out,
                  src_v, dst_v, buf, acc, gsem, ssem):
    c = lax.axis_index("c")
    s = lax.axis_index("s")
    wid = s * NC + c
    gstart = wid * gpt
    off = pl.multiple_of(s * rps, 8)
    pltpu.sync_copy(srcc.at[pl.ds(gstart, gpt)], src_v)
    pltpu.sync_copy(dstc.at[pl.ds(gstart, gpt)], dst_v)
    pltpu.async_copy(g_h.at[src_v.at[0]], buf.at[0], gsem.at[0])
    pltpu.async_copy(g_h.at[src_v.at[1]], buf.at[1], gsem.at[1])
    pltpu.sync_copy(zeros_h.at[pl.ds(off, rps)], acc.at[pl.ds(off, rps)])
    plsc.subcore_barrier()

    def body(i, carry):
        j = 2 * i
        jn = lax.rem(j + 2, gpt)
        jn1 = lax.rem(j + 3, gpt)
        pltpu.make_async_copy(g_h.at[src_v.at[j]], buf.at[0], gsem.at[0]).wait()
        pltpu.async_copy(buf.at[0], acc.at[dst_v.at[j]], ssem.at[0], add=True)
        pltpu.make_async_copy(g_h.at[src_v.at[j + 1]], buf.at[1], gsem.at[1]).wait()
        pltpu.async_copy(buf.at[1], acc.at[dst_v.at[j + 1]], ssem.at[1], add=True)
        pltpu.make_async_copy(buf.at[0], acc.at[dst_v.at[j]], ssem.at[0]).wait()
        pltpu.async_copy(g_h.at[src_v.at[jn]], buf.at[0], gsem.at[0])
        pltpu.make_async_copy(buf.at[1], acc.at[dst_v.at[j + 1]], ssem.at[1]).wait()
        pltpu.async_copy(g_h.at[src_v.at[jn1]], buf.at[1], gsem.at[1])
        return carry

    lax.fori_loop(0, gpt // 2, body, 0)
    pltpu.make_async_copy(g_h.at[src_v.at[0]], buf.at[0], gsem.at[0]).wait()
    pltpu.make_async_copy(g_h.at[src_v.at[1]], buf.at[1], gsem.at[1]).wait()
    plsc.subcore_barrier()
    pltpu.sync_copy(acc.at[pl.ds(off, rps)], out.at[c, pl.ds(off, rps)])


def _tc0_body(x_ref, w_ref, b_ref, o_ref):
    o_ref[...] = jax.nn.relu(
        jnp.dot(x_ref[...], w_ref[...], preferred_element_type=F32) + b_ref[...]
    )


def _tc1_body(h0_ref, d0_ref, d1_ref, w_ref, g_ref, dis_ref):
    deg = d0_ref[:, :1] + d1_ref[:, :1] + 1.0
    dis = lax.rsqrt(deg)
    dis_ref[...] = dis
    g_ref[...] = dis * jnp.dot(h0_ref[...], w_ref[...], preferred_element_type=F32)


def _tc2_body(a0_ref, a1_ref, g_ref, dis_ref, w_ref, b_ref, gn_ref):
    dis = dis_ref[...]
    h = jax.nn.relu(dis * (a0_ref[...] + a1_ref[...] + g_ref[...]) + b_ref[...])
    gn_ref[...] = dis * jnp.dot(h, w_ref[...], preferred_element_type=F32)


def _tc4_body(nblk, a0_ref, a1_ref, g_ref, dis_ref, b_ref, bat_ref, wo_ref,
              bo_ref, o_ref, psum, csum):
    i = pl.program_id(0)

    @pl.when(i == 0)
    def _():
        psum[...] = jnp.zeros_like(psum)
        csum[...] = jnp.zeros_like(csum)

    dis = dis_ref[...]
    h = jax.nn.relu(dis * (a0_ref[...] + a1_ref[...] + g_ref[...]) + b_ref[...])
    r = h.shape[0]
    oh = (lax.broadcasted_iota(jnp.int32, (16, r), 0) == bat_ref[0]).astype(F32)
    psum[...] += jnp.dot(oh, h, preferred_element_type=F32)
    csum[...] += jnp.sum(oh, axis=1, keepdims=True)

    @pl.when(i == nblk - 1)
    def _():
        pooled = psum[...] / jnp.maximum(csum[...], 1.0)
        o_ref[...] = jnp.dot(pooled, wo_ref[...], preferred_element_type=F32) + bo_ref[...]


def kernel(x, edge_index, batch, W_proj, b_proj, W1, b1, W2, b2, W3, b3,
           W_out, b_out):
    n, f_in = x.shape
    h = W1.shape[0]
    out_dim = W_out.shape[1]
    e = edge_index.shape[1]

    cpt = -(-e // (NW * CH * 2 * KB)) * 2 * KB
    epad = NW * CH * cpt
    totc = epad // CH
    gpt = cpt // KB
    accr = -(-(n + 1) // (NS * 8)) * (NS * 8)
    rps = accr // NS

    src = edge_index[0]
    dst = edge_index[1]
    pad = epad - e
    dst_pad = n + jnp.arange(pad, dtype=jnp.int32) % (accr - n)
    srcc = jnp.concatenate([src, jnp.zeros((pad,), jnp.int32)]).reshape(totc, CH)
    dstc = jnp.concatenate([dst, dst_pad]).reshape(totc, CH)
    srcg = srcc.reshape(totc // KB, KB * CH)
    dstg = dstc.reshape(totc // KB, KB * CH)
    zeros16 = jnp.zeros((accr, 16), F32)
    zeros64 = jnp.zeros((accr, h), F32)
    ones16 = jnp.ones((CH, 16), F32)

    sc_deg = pl.kernel(
        functools.partial(_sc_deg_body, cpt, rps),
        out_type=jax.ShapeDtypeStruct((NC, accr, 16), F32),
        mesh=_mesh(),
        compiler_params=pltpu.CompilerParams(use_tc_tiling_on_sc=False),
        scratch_types=[
            pltpu.VMEM((cpt, CH), jnp.int32),
            pltpu.VMEM((CH, 16), F32),
            pltpu.VMEM_SHARED((accr, 16), F32),
        ],
    )
    sc_prop = pl.kernel(
        functools.partial(_sc_prop_body, gpt, rps),
        out_type=jax.ShapeDtypeStruct((NC, accr, h), F32),
        mesh=_mesh(),
        compiler_params=pltpu.CompilerParams(use_tc_tiling_on_sc=False),
        scratch_types=[
            pltpu.VMEM((gpt, KB * CH), jnp.int32),
            pltpu.VMEM((gpt, KB * CH), jnp.int32),
            pltpu.VMEM((2, KB * CH, h), F32),
            pltpu.VMEM_SHARED((accr, h), F32),
            pltpu.SemaphoreType.DMA((2,)),
            pltpu.SemaphoreType.DMA((2,)),
        ],
    )

    nblk = 10
    r = n // nblk
    row_spec = lambda w: pl.BlockSpec((r, w), lambda i: (i, 0))
    full_spec = lambda a, b: pl.BlockSpec((a, b), lambda i: (0, 0))

    tc0 = pl.pallas_call(
        _tc0_body,
        grid=(nblk,),
        in_specs=[row_spec(f_in), full_spec(f_in, h), full_spec(1, h)],
        out_specs=row_spec(h),
        out_shape=jax.ShapeDtypeStruct((n, h), F32),
    )
    tc1 = pl.pallas_call(
        _tc1_body,
        grid=(nblk,),
        in_specs=[row_spec(h), row_spec(16), row_spec(16), full_spec(h, h)],
        out_specs=[row_spec(h), row_spec(1)],
        out_shape=[jax.ShapeDtypeStruct((n, h), F32),
                   jax.ShapeDtypeStruct((n, 1), F32)],
    )
    tc2 = pl.pallas_call(
        _tc2_body,
        grid=(nblk,),
        in_specs=[row_spec(h), row_spec(h), row_spec(h), row_spec(1),
                  full_spec(h, h), full_spec(1, h)],
        out_specs=row_spec(h),
        out_shape=jax.ShapeDtypeStruct((n, h), F32),
    )
    tc4 = pl.pallas_call(
        functools.partial(_tc4_body, nblk),
        grid=(nblk,),
        in_specs=[row_spec(h), row_spec(h), row_spec(h), row_spec(1),
                  full_spec(1, h), pl.BlockSpec((1, 1, r), lambda i: (i, 0, 0)),
                  full_spec(h, out_dim), full_spec(1, out_dim)],
        out_specs=full_spec(16, out_dim),
        out_shape=jax.ShapeDtypeStruct((16, out_dim), F32),
        scratch_shapes=[pltpu.VMEM((16, h), F32), pltpu.VMEM((16, 1), F32)],
    )

    degp = sc_deg(dstc, ones16, zeros16)
    h0 = tc0(x, W_proj, b_proj.reshape(1, h))
    g1, dis = tc1(h0, degp[0, :n, :], degp[1, :n, :], W1)

    acc1 = sc_prop(g1, srcg, dstg, zeros64)
    g2 = tc2(acc1[0, :n, :], acc1[1, :n, :], g1, dis, W2, b1.reshape(1, h))
    acc2 = sc_prop(g2, srcg, dstg, zeros64)
    g3 = tc2(acc2[0, :n, :], acc2[1, :n, :], g2, dis, W3, b2.reshape(1, h))
    acc3 = sc_prop(g3, srcg, dstg, zeros64)

    out = tc4(acc3[0, :n, :], acc3[1, :n, :], g3, dis, b3.reshape(1, h),
              batch.reshape(nblk, 1, r), W_out, b_out.reshape(1, out_dim))
    return out

# --- scband reference (transcript-rebuilt; emitter-appended) ---
"""Pipeline reference for scband-graph-embedding-89008902242794 (READ-ONLY COPY).

The authoritative reference and input builder live on the scoring server;
editing this copy changes nothing except your own understanding.
"""

import jax, jax.numpy as jnp
import numpy as np

N = 10000
E = 320000
F_IN = 128
H = 64
OUT = 32
B = 16


def setup_inputs(seed: int = 0) -> dict:
    key = jax.random.key(seed)
    ks = jax.random.split(key, 14)
    x = jax.random.normal(ks[0], (N, F_IN), dtype=jnp.float32)
    edge_index = jax.random.randint(ks[1], (2, E), 0, N, dtype=jnp.int32)
    batch = jnp.sort(jax.random.randint(ks[2], (N,), 0, B, dtype=jnp.int32))
    W_proj = jax.random.normal(ks[3], (F_IN, H), dtype=jnp.float32) * 0.05
    b_proj = jnp.zeros((H,), dtype=jnp.float32)
    W1 = jax.random.normal(ks[4], (H, H), dtype=jnp.float32) * 0.05
    b1 = jnp.zeros((H,), dtype=jnp.float32)
    W2 = jax.random.normal(ks[5], (H, H), dtype=jnp.float32) * 0.05
    b2 = jnp.zeros((H,), dtype=jnp.float32)
    W3 = jax.random.normal(ks[6], (H, H), dtype=jnp.float32) * 0.05
    b3 = jnp.zeros((H,), dtype=jnp.float32)
    W_out = jax.random.normal(ks[7], (H, OUT), dtype=jnp.float32) * 0.05
    b_out = jnp.zeros((OUT,), dtype=jnp.float32)
    return {"x": x, "edge_index": edge_index, "batch": batch,
            "W_proj": W_proj, "b_proj": b_proj,
            "W1": W1, "b1": b1, "W2": W2, "b2": b2, "W3": W3, "b3": b3,
            "W_out": W_out, "b_out": b_out}


def _gcn_conv(h, src, dst, W, b):
    # PyG GCNConv: add self-loops, symmetric normalization D^-1/2 (A+I) D^-1/2, lin then aggregate, bias after
    loop = jnp.arange(N, dtype=src.dtype)
    s = jnp.concatenate([src, loop])
    d = jnp.concatenate([dst, loop])
    deg = jax.ops.segment_sum(jnp.ones(s.shape[0], dtype=jnp.float32), d, num_segments=N)
    deg_inv_sqrt = jnp.where(deg > 0, 1.0 / jnp.sqrt(deg), 0.0)
    norm = deg_inv_sqrt[s] * deg_inv_sqrt[d]
    hW = h @ W
    msg = hW[s] * norm[:, None]
    out = jax.ops.segment_sum(msg, d, num_segments=N)
    return out + b


def reference(x, edge_index, batch, W_proj, b_proj, W1, b1, W2, b2, W3, b3, W_out, b_out):
    src = edge_index[0]
    dst = edge_index[1]
    h = jax.nn.relu(x @ W_proj + b_proj)
    for W, b in ((W1, b1), (W2, b2), (W3, b3)):
        h = jax.nn.relu(_gcn_conv(h, src, dst, W, b))
    # global mean pool over graphs in batch
    counts = jax.ops.segment_sum(jnp.ones(N, dtype=jnp.float32), batch, num_segments=B)
    pooled = jax.ops.segment_sum(h, batch, num_segments=B) / jnp.clip(counts, 1.0)[:, None]
    graph_embedding = pooled @ W_out + b_out
    return graph_embedding

if __name__ == "__main__":
    import jax
    _d = setup_inputs()
    print(jax.jit(kernel)(*tuple(_d.values())))

</pallas_src>

<mosaic_0001>
#map = affine_map<(d0, d1) -> (0, 0)>
#map1 = affine_map<(d0, d1) -> (0, 0, 0)>
module attributes {stable_mosaic.version = 14 : i64} {
  func.func @_sc_prop_body(%arg0: i32, %arg1: i32, %arg2: memref<10000x64xf32, #tpu.memory_space<hbm>>, %arg3: memref<640x512xi32, #tpu.memory_space<hbm>>, %arg4: memref<640x512xi32, #tpu.memory_space<hbm>>, %arg5: memref<10112x64xf32, #tpu.memory_space<hbm>>, %arg6: memref<2x10112x64xf32, #tpu.memory_space<hbm>>, %arg7: memref<20x512xi32, #tpu.memory_space<vmem>>, %arg8: memref<20x512xi32, #tpu.memory_space<vmem>>, %arg9: memref<2x512x64xf32, #tpu.memory_space<vmem>>, %arg10: memref<10112x64xf32, #tpu.memory_space<vmem_shared>>, %arg11: memref<2x!tpu.dma_semaphore, #tpu.memory_space<semaphore_mem>>, %arg12: memref<2x!tpu.dma_semaphore, #tpu.memory_space<semaphore_mem>>) attributes {dimension_semantics = [#tpu.dimension_semantics<core_parallel>, #tpu.dimension_semantics<subcore_parallel>], iteration_bounds = array<i64: 2, 16>, scalar_prefetch = 0 : i64, scratch_operands = 6 : i64, tpu.core_type = #tpu.core_type<sc_vector_subcore>, window_params = [{transform_indices = #map}, {transform_indices = #map}, {transform_indices = #map}, {transform_indices = #map}, {transform_indices = #map1}]} {
    %mul3A = arith.constant 2 : i32
    %mul3A_0 = arith.muli %arg1, %mul3A : i32
    %add3A = arith.addi %mul3A_0, %arg0 : i32
    %mul3A_1 = arith.constant 20 : i32
    %mul3A_2 = arith.muli %add3A, %mul3A_1 : i32
    %mul3A_3 = arith.constant 632 : i32
    %mul3A_4 = arith.muli %arg1, %mul3A_3 : i32
    %multiple_of3A = tpu.assume_multiple %mul3A_4, 8 : i32
    "tpu.region"() ({
      %run_scoped3A = tpu.sem_alloc : memref<!tpu.dma_semaphore, #tpu.memory_space<semaphore_mem>>
      %dma_start3A_69 = arith.constant 0 : i32
      %dma_start3A_70 = tpu.memref_slice %arg3[%mul3A_2, %dma_start3A_69] : memref<640x512xi32, #tpu.memory_space<hbm>> -> memref<20x512xi32, #tpu.memory_space<hbm>>
      %dma_start3A_71 = arith.constant 0 : i32
      %dma_start3A_72 = tpu.memref_slice %arg3[%mul3A_2, %dma_start3A_71] : memref<640x512xi32, #tpu.memory_space<hbm>> -> memref<20x512xi32, #tpu.memory_space<hbm>>
      tpu.enqueue_dma source(%dma_start3A_72 : memref<20x512xi32, #tpu.memory_space<hbm>>) target(%arg7 : memref<20x512xi32, #tpu.memory_space<vmem>>) target_semaphore(%run_scoped3A : memref<!tpu.dma_semaphore, #tpu.memory_space<semaphore_mem>>)
      %dma_wait3A_73 = arith.constant 0 : i32
      %dma_wait3A_74 = tpu.memref_slice %arg3[%mul3A_2, %dma_wait3A_73] : memref<640x512xi32, #tpu.memory_space<hbm>> -> memref<20x512xi32, #tpu.memory_space<hbm>>
      %dma_wait3A_75 = arith.constant 0 : i32
      %dma_wait3A_76 = tpu.memref_slice %arg3[%mul3A_2, %dma_wait3A_75] : memref<640x512xi32, #tpu.memory_space<hbm>> -> memref<20x512xi32, #tpu.memory_space<hbm>>
      tpu.wait_dma2 semaphore(%run_scoped3A : memref<!tpu.dma_semaphore, #tpu.memory_space<semaphore_mem>>) src(%dma_wait3A_76 : memref<20x512xi32, #tpu.memory_space<hbm>>) dst(%arg7 : memref<20x512xi32, #tpu.memory_space<vmem>>)
      tpu.yield
    }) : () -> ()
    "tpu.region"() ({
      %run_scoped3A = tpu.sem_alloc : memref<!tpu.dma_semaphore, #tpu.memory_space<semaphore_mem>>
      %dma_start3A_69 = arith.constant 0 : i32
      %dma_start3A_70 = tpu.memref_slice %arg4[%mul3A_2, %dma_start3A_69] : memref<640x512xi32, #tpu.memory_space<hbm>> -> memref<20x512xi32, #tpu.memory_space<hbm>>
      %dma_start3A_71 = arith.constant 0 : i32
      %dma_start3A_72 = tpu.memref_slice %arg4[%mul3A_2, %dma_start3A_71] : memref<640x512xi32, #tpu.memory_space<hbm>> -> memref<20x512xi32, #tpu.memory_space<hbm>>
      tpu.enqueue_dma source(%dma_start3A_72 : memref<20x512xi32, #tpu.memory_space<hbm>>) target(%arg8 : memref<20x512xi32, #tpu.memory_space<vmem>>) target_semaphore(%run_scoped3A : memref<!tpu.dma_semaphore, #tpu.memory_space<semaphore_mem>>)
      %dma_wait3A_73 = arith.constant 0 : i32
      %dma_wait3A_74 = tpu.memref_slice %arg4[%mul3A_2, %dma_wait3A_73] : memref<640x512xi32, #tpu.memory_space<hbm>> -> memref<20x512xi32, #tpu.memory_space<hbm>>
      %dma_wait3A_75 = arith.constant 0 : i32
      %dma_wait3A_76 = tpu.memref_slice %arg4[%mul3A_2, %dma_wait3A_75] : memref<640x512xi32, #tpu.memory_space<hbm>> -> memref<20x512xi32, #tpu.memory_space<hbm>>
      tpu.wait_dma2 semaphore(%run_scoped3A : memref<!tpu.dma_semaphore, #tpu.memory_space<semaphore_mem>>) src(%dma_wait3A_76 : memref<20x512xi32, #tpu.memory_space<hbm>>) dst(%arg8 : memref<20x512xi32, #tpu.memory_space<vmem>>)
      tpu.yield
    }) : () -> ()
    %dma_start3A = arith.constant 0 : i32
    %dma_start3A_5 = arith.constant 0 : i32
    %dma_start3A_6 = arith.constant 0 : i32
    %dma_start3A_7 = arith.constant 0 : i32
    %dma_start3A_8 = arith.constant 0 : i32
    %dma_start3A_9 = tpu.memref_slice %arg9[%dma_start3A_5, %dma_start3A_7, %dma_start3A_8] : memref<2x512x64xf32, #tpu.memory_space<vmem>> -> memref<1x512x64xf32, #tpu.memory_space<vmem>>
    %dma_start3A_10 = tpu.memref_squeeze %dma_start3A_9 : memref<1x512x64xf32, #tpu.memory_space<vmem>> -> memref<512x64xf32, #tpu.memory_space<vmem>>
    %dma_start3A_11 = arith.constant 0 : i32
    %dma_start3A_12 = tpu.memref_slice %arg7[%dma_start3A, %dma_start3A_11] : memref<20x512xi32, #tpu.memory_space<vmem>> -> memref<1x512xi32, #tpu.memory_space<vmem>>
    %dma_start3A_13 = tpu.memref_squeeze %dma_start3A_12 : memref<1x512xi32, #tpu.memory_space<vmem>> -> memref<512xi32, #tpu.memory_space<vmem>>
    %dma_start3A_14 = arith.constant 0 : i32
    %dma_start3A_15 = arith.constant 0 : i32
    %dma_start3A_16 = tpu.memref_slice %arg2[%dma_start3A_14, %dma_start3A_15] : memref<10000x64xf32, #tpu.memory_space<hbm>> -> memref<10000x64xf32, #tpu.memory_space<hbm>>
    %dma_start3A_17 = tpu.memref_slice %arg11[%dma_start3A_6] : memref<2x!tpu.dma_semaphore, #tpu.memory_space<semaphore_mem>> -> memref<1x!tpu.dma_semaphore, #tpu.memory_space<semaphore_mem>>
    %dma_start3A_18 = tpu.memref_squeeze %dma_start3A_17 : memref<1x!tpu.dma_semaphore, #tpu.memory_space<semaphore_mem>> -> memref<!tpu.dma_semaphore, #tpu.memory_space<semaphore_mem>>
    tpu.enqueue_indirect_dma source(%dma_start3A_16 : memref<10000x64xf32, #tpu.memory_space<hbm>>) target(%dma_start3A_10 : memref<512x64xf32, #tpu.memory_space<vmem>>) offsets(%dma_start3A_13 : memref<512xi32, #tpu.memory_space<vmem>>) semaphore(%dma_start3A_18 : memref<!tpu.dma_semaphore, #tpu.memory_space<semaphore_mem>>)
    %dma_start3A_19 = arith.constant 1 : i32
    %dma_start3A_20 = arith.constant 1 : i32
    %dma_start3A_21 = arith.constant 1 : i32
    %dma_start3A_22 = arith.constant 0 : i32
    %dma_start3A_23 = arith.constant 0 : i32
    %dma_start3A_24 = tpu.memref_slice %arg9[%dma_start3A_20, %dma_start3A_22, %dma_start3A_23] : memref<2x512x64xf32, #tpu.memory_space<vmem>> -> memref<1x512x64xf32, #tpu.memory_space<vmem>>
    %dma_start3A_25 = tpu.memref_squeeze %dma_start3A_24 : memref<1x512x64xf32, #tpu.memory_space<vmem>> -> memref<512x64xf32, #tpu.memory_space<vmem>>
    %dma_start3A_26 = arith.constant 0 : i32
    %dma_start3A_27 = tpu.memref_slice %arg7[%dma_start3A_19, %dma_start3A_26] : memref<20x512xi32, #tpu.memory_space<vmem>> -> memref<1x512xi32, #tpu.memory_space<vmem>>
    %dma_start3A_28 = tpu.memref_squeeze %dma_start3A_27 : memref<1x512xi32, #tpu.memory_space<vmem>> -> memref<512xi32, #tpu.memory_space<vmem>>
    %dma_start3A_29 = arith.constant 0 : i32
    %dma_start3A_30 = arith.constant 0 : i32
    %dma_start3A_31 = tpu.memref_slice %arg2[%dma_start3A_29, %dma_start3A_30] : memref<10000x64xf32, #tpu.memory_space<hbm>> -> memref<10000x64xf32, #tpu.memory_space<hbm>>
    %dma_start3A_32 = tpu.memref_slice %arg11[%dma_start3A_21] : memref<2x!tpu.dma_semaphore, #tpu.memory_space<semaphore_mem>> -> memref<1x!tpu.dma_semaphore, #tpu.memory_space<semaphore_mem>>
    %dma_start3A_33 = tpu.memref_squeeze %dma_start3A_32 : memref<1x!tpu.dma_semaphore, #tpu.memory_space<semaphore_mem>> -> memref<!tpu.dma_semaphore, #tpu.memory_space<semaphore_mem>>
    tpu.enqueue_indirect_dma source(%dma_start3A_31 : memref<10000x64xf32, #tpu.memory_space<hbm>>) target(%dma_start3A_25 : memref<512x64xf32, #tpu.memory_space<vmem>>) offsets(%dma_start3A_28 : memref<512xi32, #tpu.memory_space<vmem>>) semaphore(%dma_start3A_33 : memref<!tpu.dma_semaphore, #tpu.memory_space<semaphore_mem>>)
    "tpu.region"() ({
      %run_scoped3A = tpu.sem_alloc : memref<!tpu.dma_semaphore, #tpu.memory_space<semaphore_mem>>
      %dma_start3A_69 = arith.constant 0 : i32
      %dma_start3A_70 = tpu.memref_slice %arg10[%multiple_of3A, %dma_start3A_69] : memref<10112x64xf32, #tpu.memory_space<vmem_shared>> -> memref<632x64xf32, #tpu.memory_space<vmem_shared>>
      %dma_start3A_71 = arith.constant 0 : i32
      %dma_start3A_72 = tpu.memref_slice %arg5[%multiple_of3A, %dma_start3A_71] : memref<10112x64xf32, #tpu.memory_space<hbm>> -> memref<632x64xf32, #tpu.memory_space<hbm>>
      tpu.enqueue_dma source(%dma_start3A_72 : memref<632x64xf32, #tpu.memory_space<hbm>>) target(%dma_start3A_70 : memref<632x64xf32, #tpu.memory_space<vmem_shared>>) target_semaphore(%run_scoped3A : memref<!tpu.dma_semaphore, #tpu.memory_space<semaphore_mem>>)
      %dma_wait3A_73 = arith.constant 0 : i32
      %dma_wait3A_74 = tpu.memref_slice %arg10[%multiple_of3A, %dma_wait3A_73] : memref<10112x64xf32, #tpu.memory_space<vmem_shared>> -> memref<632x64xf32, #tpu.memory_space<vmem_shared>>
      %dma_wait3A_75 = arith.constant 0 : i32
      %dma_wait3A_76 = tpu.memref_slice %arg5[%multiple_of3A, %dma_wait3A_75] : memref<10112x64xf32, #tpu.memory_space<hbm>> -> memref<632x64xf32, #tpu.memory_space<hbm>>
      tpu.wait_dma2 semaphore(%run_scoped3A : memref<!tpu.dma_semaphore, #tpu.memory_space<semaphore_mem>>) src(%dma_wait3A_76 : memref<632x64xf32, #tpu.memory_space<hbm>>) dst(%dma_wait3A_74 : memref<632x64xf32, #tpu.memory_space<vmem_shared>>)
      tpu.yield
    }) : () -> ()
    %barrier3A = arith.constant 0 : index
    tpu.barrier barrier_id(%barrier3A)
    %scan3A = arith.constant 0 : i32
    %scan3A_34 = arith.constant 0 : i32
    %scan3A_35 = arith.constant 10 : i32
    %scan3A_36 = arith.addi %scan3A_34, %scan3A_35 : i32
    %scan3A_37 = arith.constant 1 : i32
    scf.for %scan3A_69 = %scan3A_34 to %scan3A_36 step %scan3A_37  : i32 {
      %mul3A_70 = arith.constant 2 : i32
      %mul3A_71 = arith.muli %mul3A_70, %scan3A_69 : i32
      %add3A_72 = arith.constant 2 : i32
      %add3A_73 = arith.addi %mul3A_71, %add3A_72 : i32
      %rem3A = arith.constant 20 : i32
      %rem3A_74 = arith.remsi %add3A_73, %rem3A : i32
      %add3A_75 = arith.constant 3 : i32
      %add3A_76 = arith.addi %mul3A_71, %add3A_75 : i32
      %rem3A_77 = arith.constant 20 : i32
      %rem3A_78 = arith.remsi %add3A_76, %rem3A_77 : i32
      %dma_wait3A_79 = arith.constant 0 : i32
      %dma_wait3A_80 = arith.constant 0 : i32
      %dma_wait3A_81 = arith.constant 0 : i32
      %dma_wait3A_82 = arith.constant 0 : i32
      %dma_wait3A_83 = tpu.memref_slice %arg9[%dma_wait3A_79, %dma_wait3A_81, %dma_wait3A_82] : memref<2x512x64xf32, #tpu.memory_space<vmem>> -> memref<1x512x64xf32, #tpu.memory_space<vmem>>
      %dma_wait3A_84 = tpu.memref_squeeze %dma_wait3A_83 : memref<1x512x64xf32, #tpu.memory_space<vmem>> -> memref<512x64xf32, #tpu.memory_space<vmem>>
      %dma_wait3A_85 = arith.constant 0 : i32
      %dma_wait3A_86 = tpu.memref_slice %arg7[%mul3A_71, %dma_wait3A_85] : memref<20x512xi32, #tpu.memory_space<vmem>> -> memref<1x512xi32, #tpu.memory_space<vmem>>
      %dma_wait3A_87 = tpu.memref_squeeze %dma_wait3A_86 : memref<1x512xi32, #tpu.memory_space<vmem>> -> memref<512xi32, #tpu.memory_space<vmem>>
      %dma_wait3A_88 = arith.constant 0 : i32
      %dma_wait3A_89 = arith.constant 0 : i32
      %dma_wait3A_90 = tpu.memref_slice %arg2[%dma_wait3A_88, %dma_wait3A_89] : memref<10000x64xf32, #tpu.memory_space<hbm>> -> memref<10000x64xf32, #tpu.memory_space<hbm>>
      %dma_wait3A_91 = tpu.memref_slice %arg11[%dma_wait3A_80] : memref<2x!tpu.dma_semaphore, #tpu.memory_space<semaphore_mem>> -> memref<1x!tpu.dma_semaphore, #tpu.memory_space<semaphore_mem>>
      %dma_wait3A_92 = tpu.memref_squeeze %dma_wait3A_91 : memref<1x!tpu.dma_semaphore, #tpu.memory_space<semaphore_mem>> -> memref<!tpu.dma_semaphore, #tpu.memory_space<semaphore_mem>>
      tpu.wait_indirect_dma semaphore(%dma_wait3A_92 : memref<!tpu.dma_semaphore, #tpu.memory_space<semaphore_mem>>) src(%dma_wait3A_90 : memref<10000x64xf32, #tpu.memory_space<hbm>>) dst(%dma_wait3A_84 : memref<512x64xf32, #tpu.memory_space<vmem>>)
      %dma_start3A_93 = arith.constant 0 : i32
      %dma_start3A_94 = arith.constant 0 : i32
      %dma_start3A_95 = arith.constant 0 : i32
      %dma_start3A_96 = arith.constant 0 : i32
      %dma_start3A_97 = tpu.memref_slice %arg9[%dma_start3A_93, %dma_start3A_95, %dma_start3A_96] : memref<2x512x64xf32, #tpu.memory_space<vmem>> -> memref<1x512x64xf32, #tpu.memory_space<vmem>>
      %dma_start3A_98 = tpu.memref_squeeze %dma_start3A_97 : memref<1x512x64xf32, #tpu.memory_space<vmem>> -> memref<512x64xf32, #tpu.memory_space<vmem>>
      %dma_start3A_99 = arith.constant 0 : i32
      %dma_start3A_100 = tpu.memref_slice %arg8[%mul3A_71, %dma_start3A_99] : memref<20x512xi32, #tpu.memory_space<vmem>> -> memref<1x512xi32, #tpu.memory_space<vmem>>
      %dma_start3A_101 = tpu.memref_squeeze %dma_start3A_100 : memref<1x512xi32, #tpu.memory_space<vmem>> -> memref<512xi32, #tpu.memory_space<vmem>>
      %dma_start3A_102 = arith.constant 0 : i32
      %dma_start3A_103 = arith.constant 0 : i32
      %dma_start3A_104 = tpu.memref_slice %arg10[%dma_start3A_102, %dma_start3A_103] : memref<10112x64xf32, #tpu.memory_space<vmem_shared>> -> memref<10112x64xf32, #tpu.memory_space<vmem_shared>>
      %dma_start3A_105 = tpu.memref_slice %arg12[%dma_start3A_94] : memref<2x!tpu.dma_semaphore, #tpu.memory_space<semaphore_mem>> -> memref<1x!tpu.dma_semaphore, #tpu.memory_space<semaphore_mem>>
      %dma_start3A_106 = tpu.memref_squeeze %dma_start3A_105 : memref<1x!tpu.dma_semaphore, #tpu.memory_space<semaphore_mem>> -> memref<!tpu.dma_semaphore, #tpu.memory_space<semaphore_mem>>
      tpu.enqueue_indirect_dma source(%dma_start3A_98 : memref<512x64xf32, #tpu.memory_space<vmem>>) target(%dma_start3A_104 : memref<10112x64xf32, #tpu.memory_space<vmem_shared>>) offsets(%dma_start3A_101 : memref<512xi32, #tpu.memory_space<vmem>>) semaphore(%dma_start3A_106 : memref<!tpu.dma_semaphore, #tpu.memory_space<semaphore_mem>>) {add = true}
      %add3A_107 = arith.constant 1 : i32
      %add3A_108 = arith.addi %mul3A_71, %add3A_107 : i32
      %dma_wait3A_109 = arith.constant 1 : i32
      %dma_wait3A_110 = arith.constant 1 : i32
      %dma_wait3A_111 = arith.constant 0 : i32
      %dma_wait3A_112 = arith.constant 0 : i32
      %dma_wait3A_113 = tpu.memref_slice %arg9[%dma_wait3A_109, %dma_wait3A_111, %dma_wait3A_112] : memref<2x512x64xf32, #tpu.memory_space<vmem>> -> memref<1x512x64xf32, #tpu.memory_space<vmem>>
      %dma_wait3A_114 = tpu.memref_squeeze %dma_wait3A_113 : memref<1x512x64xf32, #tpu.memory_space<vmem>> -> memref<512x64xf32, #tpu.memory_space<vmem>>
      %dma_wait3A_115 = arith.constant 0 : i32
      %dma_wait3A_116 = tpu.memref_slice %arg7[%add3A_108, %dma_wait3A_115] : memref<20x512xi32, #tpu.memory_space<vmem>> -> memref<1x512xi32, #tpu.memory_space<vmem>>
      %dma_wait3A_117 = tpu.memref_squeeze %dma_wait3A_116 : memref<1x512xi32, #tpu.memory_space<vmem>> -> memref<512xi32, #tpu.memory_space<vmem>>
      %dma_wait3A_118 = arith.constant 0 : i32
      %dma_wait3A_119 = arith.constant 0 : i32
      %dma_wait3A_120 = tpu.memref_slice %arg2[%dma_wait3A_118, %dma_wait3A_119] : memref<10000x64xf32, #tpu.memory_space<hbm>> -> memref<10000x64xf32, #tpu.memory_space<hbm>>
      %dma_wait3A_121 = tpu.memref_slice %arg11[%dma_wait3A_110] : memref<2x!tpu.dma_semaphore, #tpu.memory_space<semaphore_mem>> -> memref<1x!tpu.dma_semaphore, #tpu.memory_space<semaphore_mem>>
      %dma_wait3A_122 = tpu.memref_squeeze %dma_wait3A_121 : memref<1x!tpu.dma_semaphore, #tpu.memory_space<semaphore_mem>> -> memref<!tpu.dma_semaphore, #tpu.memory_space<semaphore_mem>>
      tpu.wait_indirect_dma semaphore(%dma_wait3A_122 : memref<!tpu.dma_semaphore, #tpu.memory_space<semaphore_mem>>) src(%dma_wait3A_120 : memref<10000x64xf32, #tpu.memory_space<hbm>>) dst(%dma_wait3A_114 : memref<512x64xf32, #tpu.memory_space<vmem>>)
      %add3A_123 = arith.constant 1 : i32
      %add3A_124 = arith.addi %mul3A_71, %add3A_123 : i32
      %dma_start3A_125 = arith.constant 1 : i32
      %dma_start3A_126 = arith.constant 1 : i32
      %dma_start3A_127 = arith.constant 0 : i32
      %dma_start3A_128 = arith.constant 0 : i32
      %dma_start3A_129 = tpu.memref_slice %arg9[%dma_start3A_125, %dma_start3A_127, %dma_start3A_128] : memref<2x512x64xf32, #tpu.memory_space<vmem>> -> memref<1x512x64xf32, #tpu.memory_space<vmem>>
      %dma_start3A_130 = tpu.memref_squeeze %dma_start3A_129 : memref<1x512x64xf32, #tpu.memory_space<vmem>> -> memref<512x64xf32, #tpu.memory_space<vmem>>
      %dma_start3A_131 = arith.constant 0 : i32
      %dma_start3A_132 = tpu.memref_slice %arg8[%add3A_124, %dma_start3A_131] : memref<20x512xi32, #tpu.memory_space<vmem>> -> memref<1x512xi32, #tpu.memory_space<vmem>>
      %dma_start3A_133 = tpu.memref_squeeze %dma_start3A_132 : memref<1x512xi32, #tpu.memory_space<vmem>> -> memref<512xi32, #tpu.memory_space<vmem>>
      %dma_start3A_134 = arith.constant 0 : i32
      %dma_start3A_135 = arith.constant 0 : i32
      %dma_start3A_136 = tpu.memref_slice %arg10[%dma_start3A_134, %dma_start3A_135] : memref<10112x64xf32, #tpu.memory_space<vmem_shared>> -> memref<10112x64xf32, #tpu.memory_space<vmem_shared>>
      %dma_start3A_137 = tpu.memref_slice %arg12[%dma_start3A_126] : memref<2x!tpu.dma_semaphore, #tpu.memory_space<semaphore_mem>> -> memref<1x!tpu.dma_semaphore, #tpu.memory_space<semaphore_mem>>
      %dma_start3A_138 = tpu.memref_squeeze %dma_start3A_137 : memref<1x!tpu.dma_semaphore, #tpu.memory_space<semaphore_mem>> -> memref<!tpu.dma_semaphore, #tpu.memory_space<semaphore_mem>>
      tpu.enqueue_indirect_dma source(%dma_start3A_130 : memref<512x64xf32, #tpu.memory_space<vmem>>) target(%dma_start3A_136 : memref<10112x64xf32, #tpu.memory_space<vmem_shared>>) offsets(%dma_start3A_133 : memref<512xi32, #tpu.memory_space<vmem>>) semaphore(%dma_start3A_138 : memref<!tpu.dma_semaphore, #tpu.memory_space<semaphore_mem>>) {add = true}
      %dma_wait3A_139 = arith.constant 0 : i32
      %dma_wait3A_140 = arith.constant 0 : i32
      %dma_wait3A_141 = arith.constant 0 : i32
      %dma_wait3A_142 = arith.constant 0 : i32
      %dma_wait3A_143 = tpu.memref_slice %arg9[%dma_wait3A_139, %dma_wait3A_141, %dma_wait3A_142] : memref<2x512x64xf32, #tpu.memory_space<vmem>> -> memref<1x512x64xf32, #tpu.memory_space<vmem>>
      %dma_wait3A_144 = tpu.memref_squeeze %dma_wait3A_143 : memref<1x512x64xf32, #tpu.memory_space<vmem>> -> memref<512x64xf32, #tpu.memory_space<vmem>>
      %dma_wait3A_145 = arith.constant 0 : i32
      %dma_wait3A_146 = tpu.memref_slice %arg8[%mul3A_71, %dma_wait3A_145] : memref<20x512xi32, #tpu.memory_space<vmem>> -> memref<1x512xi32, #tpu.memory_space<vmem>>
      %dma_wait3A_147 = tpu.memref_squeeze %dma_wait3A_146 : memref<1x512xi32, #tpu.memory_space<vmem>> -> memref<512xi32, #tpu.memory_space<vmem>>
      %dma_wait3A_148 = arith.constant 0 : i32
      %dma_wait3A_149 = arith.constant 0 : i32
      %dma_wait3A_150 = tpu.memref_slice %arg10[%dma_wait3A_148, %dma_wait3A_149] : memref<10112x64xf32, #tpu.memory_space<vmem_shared>> -> memref<10112x64xf32, #tpu.memory_space<vmem_shared>>
      %dma_wait3A_151 = tpu.memref_slice %arg12[%dma_wait3A_140] : memref<2x!tpu.dma_semaphore, #tpu.memory_space<semaphore_mem>> -> memref<1x!tpu.dma_semaphore, #tpu.memory_space<semaphore_mem>>
      %dma_wait3A_152 = tpu.memref_squeeze %dma_wait3A_151 : memref<1x!tpu.dma_semaphore, #tpu.memory_space<semaphore_mem>> -> memref<!tpu.dma_semaphore, #tpu.memory_space<semaphore_mem>>
      tpu.wait_indirect_dma semaphore(%dma_wait3A_152 : memref<!tpu.dma_semaphore, #tpu.memory_space<semaphore_mem>>) src(%dma_wait3A_144 : memref<512x64xf32, #tpu.memory_space<vmem>>) dst(%dma_wait3A_150 : memref<10112x64xf32, #tpu.memory_space<vmem_shared>>)
      %dma_start3A_153 = arith.constant 0 : i32
      %dma_start3A_154 = arith.constant 0 : i32
      %dma_start3A_155 = arith.constant 0 : i32
      %dma_start3A_156 = arith.constant 0 : i32
      %dma_start3A_157 = tpu.memref_slice %arg9[%dma_start3A_153, %dma_start3A_155, %dma_start3A_156] : memref<2x512x64xf32, #tpu.memory_space<vmem>> -> memref<1x512x64xf32, #tpu.memory_space<vmem>>
      %dma_start3A_158 = tpu.memref_squeeze %dma_start3A_157 : memref<1x512x64xf32, #tpu.memory_space<vmem>> -> memref<512x64xf32, #tpu.memory_space<vmem>>
      %dma_start3A_159 = arith.constant 0 : i32
      %dma_start3A_160 = tpu.memref_slice %arg7[%rem3A_74, %dma_start3A_159] : memref<20x512xi32, #tpu.memory_space<vmem>> -> memref<1x512xi32, #tpu.memory_space<vmem>>
      %dma_start3A_161 = tpu.memref_squeeze %dma_start3A_160 : memref<1x512xi32, #tpu.memory_space<vmem>> -> memref<512xi32, #tpu.memory_space<vmem>>
      %dma_start3A_162 = arith.constant 0 : i32
      %dma_start3A_163 = arith.constant 0 : i32
      %dma_start3A_164 = tpu.memref_slice %arg2[%dma_start3A_162, %dma_start3A_163] : memref<10000x64xf32, #tpu.memory_space<hbm>> -> memref<10000x64xf32, #tpu.memory_space<hbm>>
      %dma_start3A_165 = tpu.memref_slice %arg11[%dma_start3A_154] : memref<2x!tpu.dma_semaphore, #tpu.memory_space<semaphore_mem>> -> memref<1x!tpu.dma_semaphore, #tpu.memory_space<semaphore_mem>>
      %dma_start3A_166 = tpu.memref_squeeze %dma_start3A_165 : memref<1x!tpu.dma_semaphore, #tpu.memory_space<semaphore_mem>> -> memref<!tpu.dma_semaphore, #tpu.memory_space<semaphore_mem>>
      tpu.enqueue_indirect_dma source(%dma_start3A_164 : memref<10000x64xf32, #tpu.memory_space<hbm>>) target(%dma_start3A_158 : memref<512x64xf32, #tpu.memory_space<vmem>>) offsets(%dma_start3A_161 : memref<512xi32, #tpu.memory_space<vmem>>) semaphore(%dma_start3A_166 : memref<!tpu.dma_semaphore, #tpu.memory_space<semaphore_mem>>)
      %add3A_167 = arith.constant 1 : i32
      %add3A_168 = arith.addi %mul3A_71, %add3A_167 : i32
      %dma_wait3A_169 = arith.constant 1 : i32
      %dma_wait3A_170 = arith.constant 1 : i32
      %dma_wait3A_171 = arith.constant 0 : i32
      %dma_wait3A_172 = arith.constant 0 : i32
      %dma_wait3A_173 = tpu.memref_slice %arg9[%dma_wait3A_169, %dma_wait3A_171, %dma_wait3A_172] : memref<2x512x64xf32, #tpu.memory_space<vmem>> -> memref<1x512x64xf32, #tpu.memory_space<vmem>>
      %dma_wait3A_174 = tpu.memref_squeeze %dma_wait3A_173 : memref<1x512x64xf32, #tpu.memory_space<vmem>> -> memref<512x64xf32, #tpu.memory_space<vmem>>
      %dma_wait3A_175 = arith.constant 0 : i32
      %dma_wait3A_176 = tpu.memref_slice %arg8[%add3A_168, %dma_wait3A_175] : memref<20x512xi32, #tpu.memory_space<vmem>> -> memref<1x512xi32, #tpu.memory_space<vmem>>
      %dma_wait3A_177 = tpu.memref_squeeze %dma_wait3A_176 : memref<1x512xi32, #tpu.memory_space<vmem>> -> memref<512xi32, #tpu.memory_space<vmem>>
      %dma_wait3A_178 = arith.constant 0 : i32
      %dma_wait3A_179 = arith.constant 0 : i32
      %dma_wait3A_180 = tpu.memref_slice %arg10[%dma_wait3A_178, %dma_wait3A_179] : memref<10112x64xf32, #tpu.memory_space<vmem_shared>> -> memref<10112x64xf32, #tpu.memory_space<vmem_shared>>
      %dma_wait3A_181 = tpu.memref_slice %arg12[%dma_wait3A_170] : memref<2x!tpu.dma_semaphore, #tpu.memory_space<semaphore_mem>> -> memref<1x!tpu.dma_semaphore, #tpu.memory_space<semaphore_mem>>
      %dma_wait3A_182 = tpu.memref_squeeze %dma_wait3A_181 : memref<1x!tpu.dma_semaphore, #tpu.memory_space<semaphore_mem>> -> memref<!tpu.dma_semaphore, #tpu.memory_space<semaphore_mem>>
      tpu.wait_indirect_dma semaphore(%dma_wait3A_182 : memref<!tpu.dma_semaphore, #tpu.memory_space<semaphore_mem>>) src(%dma_wait3A_174 : memref<512x64xf32, #tpu.memory_space<vmem>>) dst(%dma_wait3A_180 : memref<10112x64xf32, #tpu.memory_space<vmem_shared>>)
      %dma_start3A_183 = arith.constant 1 : i32
      %dma_start3A_184 = arith.constant 1 : i32
      %dma_start3A_185 = arith.constant 0 : i32
      %dma_start3A_186 = arith.constant 0 : i32
      %dma_start3A_187 = tpu.memref_slice %arg9[%dma_start3A_183, %dma_start3A_185, %dma_start3A_186] : memref<2x512x64xf32, #tpu.memory_space<vmem>> -> memref<1x512x64xf32, #tpu.memory_space<vmem>>
      %dma_start3A_188 = tpu.memref_squeeze %dma_start3A_187 : memref<1x512x64xf32, #tpu.memory_space<vmem>> -> memref<512x64xf32, #tpu.memory_space<vmem>>
      %dma_start3A_189 = arith.constant 0 : i32
      %dma_start3A_190 = tpu.memref_slice %arg7[%rem3A_78, %dma_start3A_189] : memref<20x512xi32, #tpu.memory_space<vmem>> -> memref<1x512xi32, #tpu.memory_space<vmem>>
      %dma_start3A_191 = tpu.memref_squeeze %dma_start3A_190 : memref<1x512xi32, #tpu.memory_space<vmem>> -> memref<512xi32, #tpu.memory_space<vmem>>
      %dma_start3A_192 = arith.constant 0 : i32
      %dma_start3A_193 = arith.constant 0 : i32
      %dma_start3A_194 = tpu.memref_slice %arg2[%dma_start3A_192, %dma_start3A_193] : memref<10000x64xf32, #tpu.memory_space<hbm>> -> memref<10000x64xf32, #tpu.memory_space<hbm>>
      %dma_start3A_195 = tpu.memref_slice %arg11[%dma_start3A_184] : memref<2x!tpu.dma_semaphore, #tpu.memory_space<semaphore_mem>> -> memref<1x!tpu.dma_semaphore, #tpu.memory_space<semaphore_mem>>
      %dma_start3A_196 = tpu.memref_squeeze %dma_start3A_195 : memref<1x!tpu.dma_semaphore, #tpu.memory_space<semaphore_mem>> -> memref<!tpu.dma_semaphore, #tpu.memory_space<semaphore_mem>>
      tpu.enqueue_indirect_dma source(%dma_start3A_194 : memref<10000x64xf32, #tpu.memory_space<hbm>>) target(%dma_start3A_188 : memref<512x64xf32, #tpu.memory_space<vmem>>) offsets(%dma_start3A_191 : memref<512xi32, #tpu.memory_space<vmem>>) semaphore(%dma_start3A_196 : memref<!tpu.dma_semaphore, #tpu.memory_space<semaphore_mem>>)
    }
    %scan3A_38 = arith.constant 10 : i32
    %dma_wait3A = arith.constant 0 : i32
    %dma_wait3A_39 = arith.constant 0 : i32
    %dma_wait3A_40 = arith.constant 0 : i32
    %dma_wait3A_41 = arith.constant 0 : i32
    %dma_wait3A_42 = arith.constant 0 : i32
    %dma_wait3A_43 = tpu.memref_slice %arg9[%dma_wait3A_39, %dma_wait3A_41, %dma_wait3A_42] : memref<2x512x64xf32, #tpu.memory_space<vmem>> -> memref<1x512x64xf32, #tpu.memory_space<vmem>>
    %dma_wait3A_44 = tpu.memref_squeeze %dma_wait3A_43 : memref<1x512x64xf32, #tpu.memory_space<vmem>> -> memref<512x64xf32, #tpu.memory_space<vmem>>
    %dma_wait3A_45 = arith.constant 0 : i32
    %dma_wait3A_46 = tpu.memref_slice %arg7[%dma_wait3A, %dma_wait3A_45] : memref<20x512xi32, #tpu.memory_space<vmem>> -> memref<1x512xi32, #tpu.memory_space<vmem>>
    %dma_wait3A_47 = tpu.memref_squeeze %dma_wait3A_46 : memref<1x512xi32, #tpu.memory_space<vmem>> -> memref<512xi32, #tpu.memory_space<vmem>>
    %dma_wait3A_48 = arith.constant 0 : i32
    %dma_wait3A_49 = arith.constant 0 : i32
    %dma_wait3A_50 = tpu.memref_slice %arg2[%dma_wait3A_48, %dma_wait3A_49] : memref<10000x64xf32, #tpu.memory_space<hbm>> -> memref<10000x64xf32, #tpu.memory_space<hbm>>
    %dma_wait3A_51 = tpu.memref_slice %arg11[%dma_wait3A_40] : memref<2x!tpu.dma_semaphore, #tpu.memory_space<semaphore_mem>> -> memref<1x!tpu.dma_semaphore, #tpu.memory_space<semaphore_mem>>
    %dma_wait3A_52 = tpu.memref_squeeze %dma_wait3A_51 : memref<1x!tpu.dma_semaphore, #tpu.memory_space<semaphore_mem>> -> memref<!tpu.dma_semaphore, #tpu.memory_space<semaphore_mem>>
    tpu.wait_indirect_dma semaphore(%dma_wait3A_52 : memref<!tpu.dma_semaphore, #tpu.memory_space<semaphore_mem>>) src(%dma_wait3A_50 : memref<10000x64xf32, #tpu.memory_space<hbm>>) dst(%dma_wait3A_44 : memref<512x64xf32, #tpu.memory_space<vmem>>)
    %dma_wait3A_53 = arith.constant 1 : i32
    %dma_wait3A_54 = arith.constant 1 : i32
    %dma_wait3A_55 = arith.constant 1 : i32
    %dma_wait3A_56 = arith.constant 0 : i32
    %dma_wait3A_57 = arith.constant 0 : i32
    %dma_wait3A_58 = tpu.memref_slice %arg9[%dma_wait3A_54, %dma_wait3A_56, %dma_wait3A_57] : memref<2x512x64xf32, #tpu.memory_space<vmem>> -> memref<1x512x64xf32, #tpu.memory_space<vmem>>
    %dma_wait3A_59 = tpu.memref_squeeze %dma_wait3A_58 : memref<1x512x64xf32, #tpu.memory_space<vmem>> -> memref<512x64xf32, #tpu.memory_space<vmem>>
    %dma_wait3A_60 = arith.constant 0 : i32
    %dma_wait3A_61 = tpu.memref_slice %arg7[%dma_wait3A_53, %dma_wait3A_60] : memref<20x512xi32, #tpu.memory_space<vmem>> -> memref<1x512xi32, #tpu.memory_space<vmem>>
    %dma_wait3A_62 = tpu.memref_squeeze %dma_wait3A_61 : memref<1x512xi32, #tpu.memory_space<vmem>> -> memref<512xi32, #tpu.memory_space<vmem>>
    %dma_wait3A_63 = arith.constant 0 : i32
    %dma_wait3A_64 = arith.constant 0 : i32
    %dma_wait3A_65 = tpu.memref_slice %arg2[%dma_wait3A_63, %dma_wait3A_64] : memref<10000x64xf32, #tpu.memory_space<hbm>> -> memref<10000x64xf32, #tpu.memory_space<hbm>>
    %dma_wait3A_66 = tpu.memref_slice %arg11[%dma_wait3A_55] : memref<2x!tpu.dma_semaphore, #tpu.memory_space<semaphore_mem>> -> memref<1x!tpu.dma_semaphore, #tpu.memory_space<semaphore_mem>>
    %dma_wait3A_67 = tpu.memref_squeeze %dma_wait3A_66 : memref<1x!tpu.dma_semaphore, #tpu.memory_space<semaphore_mem>> -> memref<!tpu.dma_semaphore, #tpu.memory_space<semaphore_mem>>
    tpu.wait_indirect_dma semaphore(%dma_wait3A_67 : memref<!tpu.dma_semaphore, #tpu.memory_space<semaphore_mem>>) src(%dma_wait3A_65 : memref<10000x64xf32, #tpu.memory_space<hbm>>) dst(%dma_wait3A_59 : memref<512x64xf32, #tpu.memory_space<vmem>>)
    %barrier3A_68 = arith.constant 0 : index
    tpu.barrier barrier_id(%barrier3A_68)
    "tpu.region"() ({
      %run_scoped3A = tpu.sem_alloc : memref<!tpu.dma_semaphore, #tpu.memory_space<semaphore_mem>>
      %dma_start3A_69 = arith.constant 0 : i32
      %dma_start3A_70 = tpu.memref_slice %arg6[%arg0, %multiple_of3A, %dma_start3A_69] : memref<2x10112x64xf32, #tpu.memory_space<hbm>> -> memref<1x632x64xf32, #tpu.memory_space<hbm>>
      %dma_start3A_71 = tpu.memref_squeeze %dma_start3A_70 : memref<1x632x64xf32, #tpu.memory_space<hbm>> -> memref<632x64xf32, #tpu.memory_space<hbm>>
      %dma_start3A_72 = arith.constant 0 : i32
      %dma_start3A_73 = tpu.memref_slice %arg10[%multiple_of3A, %dma_start3A_72] : memref<10112x64xf32, #tpu.memory_space<vmem_shared>> -> memref<632x64xf32, #tpu.memory_space<vmem_shared>>
      tpu.enqueue_dma source(%dma_start3A_73 : memref<632x64xf32, #tpu.memory_space<vmem_shared>>) target(%dma_start3A_71 : memref<632x64xf32, #tpu.memory_space<hbm>>) target_semaphore(%run_scoped3A : memref<!tpu.dma_semaphore, #tpu.memory_space<semaphore_mem>>)
      %dma_wait3A_74 = arith.constant 0 : i32
      %dma_wait3A_75 = tpu.memref_slice %arg6[%arg0, %multiple_of3A, %dma_wait3A_74] : memref<2x10112x64xf32, #tpu.memory_space<hbm>> -> memref<1x632x64xf32, #tpu.memory_space<hbm>>
      %dma_wait3A_76 = tpu.memref_squeeze %dma_wait3A_75 : memref<1x632x64xf32, #tpu.memory_space<hbm>> -> memref<632x64xf32, #tpu.memory_space<hbm>>
      %dma_wait3A_77 = arith.constant 0 : i32
      %dma_wait3A_78 = tpu.memref_slice %arg10[%multiple_of3A, %dma_wait3A_77] : memref<10112x64xf32, #tpu.memory_space<vmem_shared>> -> memref<632x64xf32, #tpu.memory_space<vmem_shared>>
      tpu.wait_dma2 semaphore(%run_scoped3A : memref<!tpu.dma_semaphore, #tpu.memory_space<semaphore_mem>>) src(%dma_wait3A_78 : memref<632x64xf32, #tpu.memory_space<vmem_shared>>) dst(%dma_wait3A_76 : memref<632x64xf32, #tpu.memory_space<hbm>>)
      tpu.yield
    }) : () -> ()
    return
  }
}

#map = affine_map<(d0, d1) -> (0, 0)>
#map1 = affine_map<(d0, d1) -> (0, 0, 0)>
module attributes {stable_mosaic.version = 14 : i64} {
  func.func @_sc_deg_body(%arg0: i32, %arg1: i32, %arg2: memref<2560x128xi32, #tpu.memory_space<hbm>>, %arg3: memref<128x16xf32, #tpu.memory_space<hbm>>, %arg4: memref<10112x16xf32, #tpu.memory_space<hbm>>, %arg5: memref<2x10112x16xf32, #tpu.memory_space<hbm>>, %arg6: memref<80x128xi32, #tpu.memory_space<vmem>>, %arg7: memref<128x16xf32, #tpu.memory_space<vmem>>, %arg8: memref<10112x16xf32, #tpu.memory_space<vmem_shared>>) attributes {dimension_semantics = [#tpu.dimension_semantics<core_parallel>, #tpu.dimension_semantics<subcore_parallel>], iteration_bounds = array<i64: 2, 16>, scalar_prefetch = 0 : i64, scratch_operands = 3 : i64, tpu.core_type = #tpu.core_type<sc_vector_subcore>, window_params = [{transform_indices = #map}, {transform_indices = #map}, {transform_indices = #map}, {transform_indices = #map1}]} {
    %mul3A = arith.constant 2 : i32
    %mul3A_0 = arith.muli %arg1, %mul3A : i32
    %add3A = arith.addi %mul3A_0, %arg0 : i32
    %mul3A_1 = arith.constant 632 : i32
    %mul3A_2 = arith.muli %arg1, %mul3A_1 : i32
    %multiple_of3A = tpu.assume_multiple %mul3A_2, 8 : i32
    %mul3A_3 = arith.constant 80 : i32
    %mul3A_4 = arith.muli %add3A, %mul3A_3 : i32
    %multiple_of3A_5 = tpu.assume_multiple %mul3A_4, 8 : i32
    "tpu.region"() ({
      %run_scoped3A = tpu.sem_alloc : memref<!tpu.dma_semaphore, #tpu.memory_space<semaphore_mem>>
      %dma_start3A = arith.constant 0 : i32
      %dma_start3A_12 = tpu.memref_slice %arg2[%multiple_of3A_5, %dma_start3A] : memref<2560x128xi32, #tpu.memory_space<hbm>> -> memref<80x128xi32, #tpu.memory_space<hbm>>
      %dma_start3A_13 = arith.constant 0 : i32
      %dma_start3A_14 = tpu.memref_slice %arg2[%multiple_of3A_5, %dma_start3A_13] : memref<2560x128xi32, #tpu.memory_space<hbm>> -> memref<80x128xi32, #tpu.memory_space<hbm>>
      tpu.enqueue_dma source(%dma_start3A_14 : memref<80x128xi32, #tpu.memory_space<hbm>>) target(%arg6 : memref<80x128xi32, #tpu.memory_space<vmem>>) target_semaphore(%run_scoped3A : memref<!tpu.dma_semaphore, #tpu.memory_space<semaphore_mem>>)
      %dma_wait3A = arith.constant 0 : i32
      %dma_wait3A_15 = tpu.memref_slice %arg2[%multiple_of3A_5, %dma_wait3A] : memref<2560x128xi32, #tpu.memory_space<hbm>> -> memref<80x128xi32, #tpu.memory_space<hbm>>
      %dma_wait3A_16 = arith.constant 0 : i32
      %dma_wait3A_17 = tpu.memref_slice %arg2[%multiple_of3A_5, %dma_wait3A_16] : memref<2560x128xi32, #tpu.memory_space<hbm>> -> memref<80x128xi32, #tpu.memory_space<hbm>>
      tpu.wait_dma2 semaphore(%run_scoped3A : memref<!tpu.dma_semaphore, #tpu.memory_space<semaphore_mem>>) src(%dma_wait3A_17 : memref<80x128xi32, #tpu.memory_space<hbm>>) dst(%arg6 : memref<80x128xi32, #tpu.memory_space<vmem>>)
      tpu.yield
    }) : () -> ()
    "tpu.region"() ({
      %run_scoped3A = tpu.sem_alloc : memref<!tpu.dma_semaphore, #tpu.memory_space<semaphore_mem>>
      tpu.enqueue_dma source(%arg3 : memref<128x16xf32, #tpu.memory_space<hbm>>) target(%arg7 : memref<128x16xf32, #tpu.memory_space<vmem>>) target_semaphore(%run_scoped3A : memref<!tpu.dma_semaphore, #tpu.memory_space<semaphore_mem>>)
      tpu.wait_dma2 semaphore(%run_scoped3A : memref<!tpu.dma_semaphore, #tpu.memory_space<semaphore_mem>>) src(%arg3 : memref<128x16xf32, #tpu.memory_space<hbm>>) dst(%arg7 : memref<128x16xf32, #tpu.memory_space<vmem>>)
      tpu.yield
    }) : () -> ()
    "tpu.region"() ({
      %run_scoped3A = tpu.sem_alloc : memref<!tpu.dma_semaphore, #tpu.memory_space<semaphore_mem>>
      %dma_start3A = arith.constant 0 : i32
      %dma_start3A_12 = tpu.memref_slice %arg8[%multiple_of3A, %dma_start3A] : memref<10112x16xf32, #tpu.memory_space<vmem_shared>> -> memref<632x16xf32, #tpu.memory_space<vmem_shared>>
      %dma_start3A_13 = arith.constant 0 : i32
      %dma_start3A_14 = tpu.memref_slice %arg4[%multiple_of3A, %dma_start3A_13] : memref<10112x16xf32, #tpu.memory_space<hbm>> -> memref<632x16xf32, #tpu.memory_space<hbm>>
      tpu.enqueue_dma source(%dma_start3A_14 : memref<632x16xf32, #tpu.memory_space<hbm>>) target(%dma_start3A_12 : memref<632x16xf32, #tpu.memory_space<vmem_shared>>) target_semaphore(%run_scoped3A : memref<!tpu.dma_semaphore, #tpu.memory_space<semaphore_mem>>)
      %dma_wait3A = arith.constant 0 : i32
      %dma_wait3A_15 = tpu.memref_slice %arg8[%multiple_of3A, %dma_wait3A] : memref<10112x16xf32, #tpu.memory_space<vmem_shared>> -> memref<632x16xf32, #tpu.memory_space<vmem_shared>>
      %dma_wait3A_16 = arith.constant 0 : i32
      %dma_wait3A_17 = tpu.memref_slice %arg4[%multiple_of3A, %dma_wait3A_16] : memref<10112x16xf32, #tpu.memory_space<hbm>> -> memref<632x16xf32, #tpu.memory_space<hbm>>
      tpu.wait_dma2 semaphore(%run_scoped3A : memref<!tpu.dma_semaphore, #tpu.memory_space<semaphore_mem>>) src(%dma_wait3A_17 : memref<632x16xf32, #tpu.memory_space<hbm>>) dst(%dma_wait3A_15 : memref<632x16xf32, #tpu.memory_space<vmem_shared>>)
      tpu.yield
    }) : () -> ()
    %barrier3A = arith.constant 0 : index
    tpu.barrier barrier_id(%barrier3A)
    %scan3A = arith.constant 0 : i32
    %scan3A_6 = arith.constant 0 : i32
    %scan3A_7 = arith.constant 80 : i32
    %scan3A_8 = arith.addi %scan3A_6, %scan3A_7 : i32
    %scan3A_9 = arith.constant 1 : i32
    scf.for %scan3A_12 = %scan3A_6 to %scan3A_8 step %scan3A_9  : i32 {
      "tpu.region"() ({
        %run_scoped3A = tpu.sem_alloc : memref<!tpu.dma_semaphore, #tpu.memory_space<semaphore_mem>>
        %dma_start3A = arith.constant 0 : i32
        %dma_start3A_13 = tpu.memref_slice %arg6[%scan3A_12, %dma_start3A] : memref<80x128xi32, #tpu.memory_space<vmem>> -> memref<1x128xi32, #tpu.memory_space<vmem>>
        %dma_start3A_14 = tpu.memref_squeeze %dma_start3A_13 : memref<1x128xi32, #tpu.memory_space<vmem>> -> memref<128xi32, #tpu.memory_space<vmem>>
        %dma_start3A_15 = arith.constant 0 : i32
        %dma_start3A_16 = arith.constant 0 : i32
        %dma_start3A_17 = tpu.memref_slice %arg8[%dma_start3A_15, %dma_start3A_16] : memref<10112x16xf32, #tpu.memory_space<vmem_shared>> -> memref<10112x16xf32, #tpu.memory_space<vmem_shared>>
        tpu.enqueue_indirect_dma source(%arg7 : memref<128x16xf32, #tpu.memory_space<vmem>>) target(%dma_start3A_17 : memref<10112x16xf32, #tpu.memory_space<vmem_shared>>) offsets(%dma_start3A_14 : memref<128xi32, #tpu.memory_space<vmem>>) semaphore(%run_scoped3A : memref<!tpu.dma_semaphore, #tpu.memory_space<semaphore_mem>>) {add = true}
        %dma_wait3A = arith.constant 0 : i32
        %dma_wait3A_18 = tpu.memref_slice %arg6[%scan3A_12, %dma_wait3A] : memref<80x128xi32, #tpu.memory_space<vmem>> -> memref<1x128xi32, #tpu.memory_space<vmem>>
        %dma_wait3A_19 = tpu.memref_squeeze %dma_wait3A_18 : memref<1x128xi32, #tpu.memory_space<vmem>> -> memref<128xi32, #tpu.memory_space<vmem>>
        %dma_wait3A_20 = arith.constant 0 : i32
        %dma_wait3A_21 = arith.constant 0 : i32
        %dma_wait3A_22 = tpu.memref_slice %arg8[%dma_wait3A_20, %dma_wait3A_21] : memref<10112x16xf32, #tpu.memory_space<vmem_shared>> -> memref<10112x16xf32, #tpu.memory_space<vmem_shared>>
        tpu.wait_indirect_dma semaphore(%run_scoped3A : memref<!tpu.dma_semaphore, #tpu.memory_space<semaphore_mem>>) src(%arg7 : memref<128x16xf32, #tpu.memory_space<vmem>>) dst(%dma_wait3A_22 : memref<10112x16xf32, #tpu.memory_space<vmem_shared>>)
        tpu.yield
      }) : () -> ()
    }
    %scan3A_10 = arith.constant 80 : i32
    %barrier3A_11 = arith.constant 0 : index
    tpu.barrier barrier_id(%barrier3A_11)
    "tpu.region"() ({
      %run_scoped3A = tpu.sem_alloc : memref<!tpu.dma_semaphore, #tpu.memory_space<semaphore_mem>>
      %dma_start3A = arith.constant 0 : i32
      %dma_start3A_12 = tpu.memref_slice %arg5[%arg0, %multiple_of3A, %dma_start3A] : memref<2x10112x16xf32, #tpu.memory_space<hbm>> -> memref<1x632x16xf32, #tpu.memory_space<hbm>>
      %dma_start3A_13 = tpu.memref_squeeze %dma_start3A_12 : memref<1x632x16xf32, #tpu.memory_space<hbm>> -> memref<632x16xf32, #tpu.memory_space<hbm>>
      %dma_start3A_14 = arith.constant 0 : i32
      %dma_start3A_15 = tpu.memref_slice %arg8[%multiple_of3A, %dma_start3A_14] : memref<10112x16xf32, #tpu.memory_space<vmem_shared>> -> memref<632x16xf32, #tpu.memory_space<vmem_shared>>
      tpu.enqueue_dma source(%dma_start3A_15 : memref<632x16xf32, #tpu.memory_space<vmem_shared>>) target(%dma_start3A_13 : memref<632x16xf32, #tpu.memory_space<hbm>>) target_semaphore(%run_scoped3A : memref<!tpu.dma_semaphore, #tpu.memory_space<semaphore_mem>>)
      %dma_wait3A = arith.constant 0 : i32
      %dma_wait3A_16 = tpu.memref_slice %arg5[%arg0, %multiple_of3A, %dma_wait3A] : memref<2x10112x16xf32, #tpu.memory_space<hbm>> -> memref<1x632x16xf32, #tpu.memory_space<hbm>>
      %dma_wait3A_17 = tpu.memref_squeeze %dma_wait3A_16 : memref<1x632x16xf32, #tpu.memory_space<hbm>> -> memref<632x16xf32, #tpu.memory_space<hbm>>
      %dma_wait3A_18 = arith.constant 0 : i32
      %dma_wait3A_19 = tpu.memref_slice %arg8[%multiple_of3A, %dma_wait3A_18] : memref<10112x16xf32, #tpu.memory_space<vmem_shared>> -> memref<632x16xf32, #tpu.memory_space<vmem_shared>>
      tpu.wait_dma2 semaphore(%run_scoped3A : memref<!tpu.dma_semaphore, #tpu.memory_space<semaphore_mem>>) src(%dma_wait3A_19 : memref<632x16xf32, #tpu.memory_space<vmem_shared>>) dst(%dma_wait3A_17 : memref<632x16xf32, #tpu.memory_space<hbm>>)
      tpu.yield
    }) : () -> ()
    return
  }
}

#map = affine_map<(d0, d1) -> (0, 0)>
#map1 = affine_map<(d0, d1) -> (0, 0, 0)>
module attributes {stable_mosaic.version = 14 : i64} {
  func.func @_sc_prop_body(%arg0: i32, %arg1: i32, %arg2: memref<10000x64xf32, #tpu.memory_space<hbm>>, %arg3: memref<640x512xi32, #tpu.memory_space<hbm>>, %arg4: memref<640x512xi32, #tpu.memory_space<hbm>>, %arg5: memref<10112x64xf32, #tpu.memory_space<hbm>>, %arg6: memref<2x10112x64xf32, #tpu.memory_space<hbm>>, %arg7: memref<20x512xi32, #tpu.memory_space<vmem>>, %arg8: memref<20x512xi32, #tpu.memory_space<vmem>>, %arg9: memref<2x512x64xf32, #tpu.memory_space<vmem>>, %arg10: memref<10112x64xf32, #tpu.memory_space<vmem_shared>>, %arg11: memref<2x!tpu.dma_semaphore, #tpu.memory_space<semaphore_mem>>, %arg12: memref<2x!tpu.dma_semaphore, #tpu.memory_space<semaphore_mem>>) attributes {dimension_semantics = [#tpu.dimension_semantics<core_parallel>, #tpu.dimension_semantics<subcore_parallel>], iteration_bounds = array<i64: 2, 16>, scalar_prefetch = 0 : i64, scratch_operands = 6 : i64, tpu.core_type = #tpu.core_type<sc_vector_subcore>, window_params = [{transform_indices = #map}, {transform_indices = #map}, {transform_indices = #map}, {transform_indices = #map}, {transform_indices = #map1}]} {
    %mul3A = arith.constant 2 : i32
    %mul3A_0 = arith.muli %arg1, %mul3A : i32
    %add3A = arith.addi %mul3A_0, %arg0 : i32
    %mul3A_1 = arith.constant 20 : i32
    %mul3A_2 = arith.muli %add3A, %mul3A_1 : i32
    %mul3A_3 = arith.constant 632 : i32
    %mul3A_4 = arith.muli %arg1, %mul3A_3 : i32
    %multiple_of3A = tpu.assume_multiple %mul3A_4, 8 : i32
    "tpu.region"() ({
      %run_scoped3A = tpu.sem_alloc : memref<!tpu.dma_semaphore, #tpu.memory_space<semaphore_mem>>
      %dma_start3A_69 = arith.constant 0 : i32
      %dma_start3A_70 = tpu.memref_slice %arg3[%mul3A_2, %dma_start3A_69] : memref<640x512xi32, #tpu.memory_space<hbm>> -> memref<20x512xi32, #tpu.memory_space<hbm>>
      %dma_start3A_71 = arith.constant 0 : i32
      %dma_start3A_72 = tpu.memref_slice %arg3[%mul3A_2, %dma_start3A_71] : memref<640x512xi32, #tpu.memory_space<hbm>> -> memref<20x512xi32, #tpu.memory_space<hbm>>
      tpu.enqueue_dma source(%dma_start3A_72 : memref<20x512xi32, #tpu.memory_space<hbm>>) target(%arg7 : memref<20x512xi32, #tpu.memory_space<vmem>>) target_semaphore(%run_scoped3A : memref<!tpu.dma_semaphore, #tpu.memory_space<semaphore_mem>>)
      %dma_wait3A_73 = arith.constant 0 : i32
      %dma_wait3A_74 = tpu.memref_slice %arg3[%mul3A_2, %dma_wait3A_73] : memref<640x512xi32, #tpu.memory_space<hbm>> -> memref<20x512xi32, #tpu.memory_space<hbm>>
      %dma_wait3A_75 = arith.constant 0 : i32
      %dma_wait3A_76 = tpu.memref_slice %arg3[%mul3A_2, %dma_wait3A_75] : memref<640x512xi32, #tpu.memory_space<hbm>> -> memref<20x512xi32, #tpu.memory_space<hbm>>
      tpu.wait_dma2 semaphore(%run_scoped3A : memref<!tpu.dma_semaphore, #tpu.memory_space<semaphore_mem>>) src(%dma_wait3A_76 : memref<20x512xi32, #tpu.memory_space<hbm>>) dst(%arg7 : memref<20x512xi32, #tpu.memory_space<vmem>>)
      tpu.yield
    }) : () -> ()
    "tpu.region"() ({
      %run_scoped3A = tpu.sem_alloc : memref<!tpu.dma_semaphore, #tpu.memory_space<semaphore_mem>>
      %dma_start3A_69 = arith.constant 0 : i32
      %dma_start3A_70 = tpu.memref_slice %arg4[%mul3A_2, %dma_start3A_69] : memref<640x512xi32, #tpu.memory_space<hbm>> -> memref<20x512xi32, #tpu.memory_space<hbm>>
      %dma_start3A_71 = arith.constant 0 : i32
      %dma_start3A_72 = tpu.memref_slice %arg4[%mul3A_2, %dma_start3A_71] : memref<640x512xi32, #tpu.memory_space<hbm>> -> memref<20x512xi32, #tpu.memory_space<hbm>>
      tpu.enqueue_dma source(%dma_start3A_72 : memref<20x512xi32, #tpu.memory_space<hbm>>) target(%arg8 : memref<20x512xi32, #tpu.memory_space<vmem>>) target_semaphore(%run_scoped3A : memref<!tpu.dma_semaphore, #tpu.memory_space<semaphore_mem>>)
      %dma_wait3A_73 = arith.constant 0 : i32
      %dma_wait3A_74 = tpu.memref_slice %arg4[%mul3A_2, %dma_wait3A_73] : memref<640x512xi32, #tpu.memory_space<hbm>> -> memref<20x512xi32, #tpu.memory_space<hbm>>
      %dma_wait3A_75 = arith.constant 0 : i32
      %dma_wait3A_76 = tpu.memref_slice %arg4[%mul3A_2, %dma_wait3A_75] : memref<640x512xi32, #tpu.memory_space<hbm>> -> memref<20x512xi32, #tpu.memory_space<hbm>>
      tpu.wait_dma2 semaphore(%run_scoped3A : memref<!tpu.dma_semaphore, #tpu.memory_space<semaphore_mem>>) src(%dma_wait3A_76 : memref<20x512xi32, #tpu.memory_space<hbm>>) dst(%arg8 : memref<20x512xi32, #tpu.memory_space<vmem>>)
      tpu.yield
    }) : () -> ()
    %dma_start3A = arith.constant 0 : i32
    %dma_start3A_5 = arith.constant 0 : i32
    %dma_start3A_6 = arith.constant 0 : i32
    %dma_start3A_7 = arith.constant 0 : i32
    %dma_start3A_8 = arith.constant 0 : i32
    %dma_start3A_9 = tpu.memref_slice %arg9[%dma_start3A_5, %dma_start3A_7, %dma_start3A_8] : memref<2x512x64xf32, #tpu.memory_space<vmem>> -> memref<1x512x64xf32, #tpu.memory_space<vmem>>
    %dma_start3A_10 = tpu.memref_squeeze %dma_start3A_9 : memref<1x512x64xf32, #tpu.memory_space<vmem>> -> memref<512x64xf32, #tpu.memory_space<vmem>>
    %dma_start3A_11 = arith.constant 0 : i32
    %dma_start3A_12 = tpu.memref_slice %arg7[%dma_start3A, %dma_start3A_11] : memref<20x512xi32, #tpu.memory_space<vmem>> -> memref<1x512xi32, #tpu.memory_space<vmem>>
    %dma_start3A_13 = tpu.memref_squeeze %dma_start3A_12 : memref<1x512xi32, #tpu.memory_space<vmem>> -> memref<512xi32, #tpu.memory_space<vmem>>
    %dma_start3A_14 = arith.constant 0 : i32
    %dma_start3A_15 = arith.constant 0 : i32
    %dma_start3A_16 = tpu.memref_slice %arg2[%dma_start3A_14, %dma_start3A_15] : memref<10000x64xf32, #tpu.memory_space<hbm>> -> memref<10000x64xf32, #tpu.memory_space<hbm>>
    %dma_start3A_17 = tpu.memref_slice %arg11[%dma_start3A_6] : memref<2x!tpu.dma_semaphore, #tpu.memory_space<semaphore_mem>> -> memref<1x!tpu.dma_semaphore, #tpu.memory_space<semaphore_mem>>
    %dma_start3A_18 = tpu.memref_squeeze %dma_start3A_17 : memref<1x!tpu.dma_semaphore, #tpu.memory_space<semaphore_mem>> -> memref<!tpu.dma_semaphore, #tpu.memory_space<semaphore_mem>>
    tpu.enqueue_indirect_dma source(%dma_start3A_16 : memref<10000x64xf32, #tpu.memory_space<hbm>>) target(%dma_start3A_10 : memref<512x64xf32, #tpu.memory_space<vmem>>) offsets(%dma_start3A_13 : memref<512xi32, #tpu.memory_space<vmem>>) semaphore(%dma_start3A_18 : memref<!tpu.dma_semaphore, #tpu.memory_space<semaphore_mem>>)
    %dma_start3A_19 = arith.constant 1 : i32
    %dma_start3A_20 = arith.constant 1 : i32
    %dma_start3A_21 = arith.constant 1 : i32
    %dma_start3A_22 = arith.constant 0 : i32
    %dma_start3A_23 = arith.constant 0 : i32
    %dma_start3A_24 = tpu.memref_slice %arg9[%dma_start3A_20, %dma_start3A_22, %dma_start3A_23] : memref<2x512x64xf32, #tpu.memory_space<vmem>> -> memref<1x512x64xf32, #tpu.memory_space<vmem>>
    %dma_start3A_25 = tpu.memref_squeeze %dma_start3A_24 : memref<1x512x64xf32, #tpu.memory_space<vmem>> -> memref<512x64xf32, #tpu.memory_space<vmem>>
    %dma_start3A_26 = arith.constant 0 : i32
    %dma_start3A_27 = tpu.memref_slice %arg7[%dma_start3A_19, %dma_start3A_26] : memref<20x512xi32, #tpu.memory_space<vmem>> -> memref<1x512xi32, #tpu.memory_space<vmem>>
    %dma_start3A_28 = tpu.memref_squeeze %dma_start3A_27 : memref<1x512xi32, #tpu.memory_space<vmem>> -> memref<512xi32, #tpu.memory_space<vmem>>
    %dma_start3A_29 = arith.constant 0 : i32
    %dma_start3A_30 = arith.constant 0 : i32
    %dma_start3A_31 = tpu.memref_slice %arg2[%dma_start3A_29, %dma_start3A_30] : memref<10000x64xf32, #tpu.memory_space<hbm>> -> memref<10000x64xf32, #tpu.memory_space<hbm>>
    %dma_start3A_32 = tpu.memref_slice %arg11[%dma_start3A_21] : memref<2x!tpu.dma_semaphore, #tpu.memory_space<semaphore_mem>> -> memref<1x!tpu.dma_semaphore, #tpu.memory_space<semaphore_mem>>
    %dma_start3A_33 = tpu.memref_squeeze %dma_start3A_32 : memref<1x!tpu.dma_semaphore, #tpu.memory_space<semaphore_mem>> -> memref<!tpu.dma_semaphore, #tpu.memory_space<semaphore_mem>>
    tpu.enqueue_indirect_dma source(%dma_start3A_31 : memref<10000x64xf32, #tpu.memory_space<hbm>>) target(%dma_start3A_25 : memref<512x64xf32, #tpu.memory_space<vmem>>) offsets(%dma_start3A_28 : memref<512xi32, #tpu.memory_space<vmem>>) semaphore(%dma_start3A_33 : memref<!tpu.dma_semaphore, #tpu.memory_space<semaphore_mem>>)
    "tpu.region"() ({
      %run_scoped3A = tpu.sem_alloc : memref<!tpu.dma_semaphore, #tpu.memory_space<semaphore_mem>>
      %dma_start3A_69 = arith.constant 0 : i32
      %dma_start3A_70 = tpu.memref_slice %arg10[%multiple_of3A, %dma_start3A_69] : memref<10112x64xf32, #tpu.memory_space<vmem_shared>> -> memref<632x64xf32, #tpu.memory_space<vmem_shared>>
      %dma_start3A_71 = arith.constant 0 : i32
      %dma_start3A_72 = tpu.memref_slice %arg5[%multiple_of3A, %dma_start3A_71] : memref<10112x64xf32, #tpu.memory_space<hbm>> -> memref<632x64xf32, #tpu.memory_space<hbm>>
      tpu.enqueue_dma source(%dma_start3A_72 : memref<632x64xf32, #tpu.memory_space<hbm>>) target(%dma_start3A_70 : memref<632x64xf32, #tpu.memory_space<vmem_shared>>) target_semaphore(%run_scoped3A : memref<!tpu.dma_semaphore, #tpu.memory_space<semaphore_mem>>)
      %dma_wait3A_73 = arith.constant 0 : i32
      %dma_wait3A_74 = tpu.memref_slice %arg10[%multiple_of3A, %dma_wait3A_73] : memref<10112x64xf32, #tpu.memory_space<vmem_shared>> -> memref<632x64xf32, #tpu.memory_space<vmem_shared>>
      %dma_wait3A_75 = arith.constant 0 : i32
      %dma_wait3A_76 = tpu.memref_slice %arg5[%multiple_of3A, %dma_wait3A_75] : memref<10112x64xf32, #tpu.memory_space<hbm>> -> memref<632x64xf32, #tpu.memory_space<hbm>>
      tpu.wait_dma2 semaphore(%run_scoped3A : memref<!tpu.dma_semaphore, #tpu.memory_space<semaphore_mem>>) src(%dma_wait3A_76 : memref<632x64xf32, #tpu.memory_space<hbm>>) dst(%dma_wait3A_74 : memref<632x64xf32, #tpu.memory_space<vmem_shared>>)
      tpu.yield
    }) : () -> ()
    %barrier3A = arith.constant 0 : index
    tpu.barrier barrier_id(%barrier3A)
    %scan3A = arith.constant 0 : i32
    %scan3A_34 = arith.constant 0 : i32
    %scan3A_35 = arith.constant 10 : i32
    %scan3A_36 = arith.addi %scan3A_34, %scan3A_35 : i32
    %scan3A_37 = arith.constant 1 : i32
    scf.for %scan3A_69 = %scan3A_34 to %scan3A_36 step %scan3A_37  : i32 {
      %mul3A_70 = arith.constant 2 : i32
      %mul3A_71 = arith.muli %mul3A_70, %scan3A_69 : i32
      %add3A_72 = arith.constant 2 : i32
      %add3A_73 = arith.addi %mul3A_71, %add3A_72 : i32
      %rem3A = arith.constant 20 : i32
      %rem3A_74 = arith.remsi %add3A_73, %rem3A : i32
      %add3A_75 = arith.constant 3 : i32
      %add3A_76 = arith.addi %mul3A_71, %add3A_75 : i32
      %rem3A_77 = arith.constant 20 : i32
      %rem3A_78 = arith.remsi %add3A_76, %rem3A_77 : i32
      %dma_wait3A_79 = arith.constant 0 : i32
      %dma_wait3A_80 = arith.constant 0 : i32
      %dma_wait3A_81 = arith.constant 0 : i32
      %dma_wait3A_82 = arith.constant 0 : i32
      %dma_wait3A_83 = tpu.memref_slice %arg9[%dma_wait3A_79, %dma_wait3A_81, %dma_wait3A_82] : memref<2x512x64xf32, #tpu.memory_space<vmem>> -> memref<1x512x64xf32, #tpu.memory_space<vmem>>
      %dma_wait3A_84 = tpu.memref_squeeze %dma_wait3A_83 : memref<1x512x64xf32, #tpu.memory_space<vmem>> -> memref<512x64xf32, #tpu.memory_space<vmem>>
      %dma_wait3A_85 = arith.constant 0 : i32
      %dma_wait3A_86 = tpu.memref_slice %arg7[%mul3A_71, %dma_wait3A_85] : memref<20x512xi32, #tpu.memory_space<vmem>> -> memref<1x512xi32, #tpu.memory_space<vmem>>
      %dma_wait3A_87 = tpu.memref_squeeze %dma_wait3A_86 : memref<1x512xi32, #tpu.memory_space<vmem>> -> memref<512xi32, #tpu.memory_space<vmem>>
      %dma_wait3A_88 = arith.constant 0 : i32
      %dma_wait3A_89 = arith.constant 0 : i32
      %dma_wait3A_90 = tpu.memref_slice %arg2[%dma_wait3A_88, %dma_wait3A_89] : memref<10000x64xf32, #tpu.memory_space<hbm>> -> memref<10000x64xf32, #tpu.memory_space<hbm>>
      %dma_wait3A_91 = tpu.memref_slice %arg11[%dma_wait3A_80] : memref<2x!tpu.dma_semaphore, #tpu.memory_space<semaphore_mem>> -> memref<1x!tpu.dma_semaphore, #tpu.memory_space<semaphore_mem>>
      %dma_wait3A_92 = tpu.memref_squeeze %dma_wait3A_91 : memref<1x!tpu.dma_semaphore, #tpu.memory_space<semaphore_mem>> -> memref<!tpu.dma_semaphore, #tpu.memory_space<semaphore_mem>>
      tpu.wait_indirect_dma semaphore(%dma_wait3A_92 : memref<!tpu.dma_semaphore, #tpu.memory_space<semaphore_mem>>) src(%dma_wait3A_90 : memref<10000x64xf32, #tpu.memory_space<hbm>>) dst(%dma_wait3A_84 : memref<512x64xf32, #tpu.memory_space<vmem>>)
      %dma_start3A_93 = arith.constant 0 : i32
      %dma_start3A_94 = arith.constant 0 : i32
      %dma_start3A_95 = arith.constant 0 : i32
      %dma_start3A_96 = arith.constant 0 : i32
      %dma_start3A_97 = tpu.memref_slice %arg9[%dma_start3A_93, %dma_start3A_95, %dma_start3A_96] : memref<2x512x64xf32, #tpu.memory_space<vmem>> -> memref<1x512x64xf32, #tpu.memory_space<vmem>>
      %dma_start3A_98 = tpu.memref_squeeze %dma_start3A_97 : memref<1x512x64xf32, #tpu.memory_space<vmem>> -> memref<512x64xf32, #tpu.memory_space<vmem>>
      %dma_start3A_99 = arith.constant 0 : i32
      %dma_start3A_100 = tpu.memref_slice %arg8[%mul3A_71, %dma_start3A_99] : memref<20x512xi32, #tpu.memory_space<vmem>> -> memref<1x512xi32, #tpu.memory_space<vmem>>
      %dma_start3A_101 = tpu.memref_squeeze %dma_start3A_100 : memref<1x512xi32, #tpu.memory_space<vmem>> -> memref<512xi32, #tpu.memory_space<vmem>>
      %dma_start3A_102 = arith.constant 0 : i32
      %dma_start3A_103 = arith.constant 0 : i32
      %dma_start3A_104 = tpu.memref_slice %arg10[%dma_start3A_102, %dma_start3A_103] : memref<10112x64xf32, #tpu.memory_space<vmem_shared>> -> memref<10112x64xf32, #tpu.memory_space<vmem_shared>>
      %dma_start3A_105 = tpu.memref_slice %arg12[%dma_start3A_94] : memref<2x!tpu.dma_semaphore, #tpu.memory_space<semaphore_mem>> -> memref<1x!tpu.dma_semaphore, #tpu.memory_space<semaphore_mem>>
      %dma_start3A_106 = tpu.memref_squeeze %dma_start3A_105 : memref<1x!tpu.dma_semaphore, #tpu.memory_space<semaphore_mem>> -> memref<!tpu.dma_semaphore, #tpu.memory_space<semaphore_mem>>
      tpu.enqueue_indirect_dma source(%dma_start3A_98 : memref<512x64xf32, #tpu.memory_space<vmem>>) target(%dma_start3A_104 : memref<10112x64xf32, #tpu.memory_space<vmem_shared>>) offsets(%dma_start3A_101 : memref<512xi32, #tpu.memory_space<vmem>>) semaphore(%dma_start3A_106 : memref<!tpu.dma_semaphore, #tpu.memory_space<semaphore_mem>>) {add = true}
      %add3A_107 = arith.constant 1 : i32
      %add3A_108 = arith.addi %mul3A_71, %add3A_107 : i32
      %dma_wait3A_109 = arith.constant 1 : i32
      %dma_wait3A_110 = arith.constant 1 : i32
      %dma_wait3A_111 = arith.constant 0 : i32
      %dma_wait3A_112 = arith.constant 0 : i32
      %dma_wait3A_113 = tpu.memref_slice %arg9[%dma_wait3A_109, %dma_wait3A_111, %dma_wait3A_112] : memref<2x512x64xf32, #tpu.memory_space<vmem>> -> memref<1x512x64xf32, #tpu.memory_space<vmem>>
      %dma_wait3A_114 = tpu.memref_squeeze %dma_wait3A_113 : memref<1x512x64xf32, #tpu.memory_space<vmem>> -> memref<512x64xf32, #tpu.memory_space<vmem>>
      %dma_wait3A_115 = arith.constant 0 : i32
      %dma_wait3A_116 = tpu.memref_slice %arg7[%add3A_108, %dma_wait3A_115] : memref<20x512xi32, #tpu.memory_space<vmem>> -> memref<1x512xi32, #tpu.memory_space<vmem>>
      %dma_wait3A_117 = tpu.memref_squeeze %dma_wait3A_116 : memref<1x512xi32, #tpu.memory_space<vmem>> -> memref<512xi32, #tpu.memory_space<vmem>>
      %dma_wait3A_118 = arith.constant 0 : i32
      %dma_wait3A_119 = arith.constant 0 : i32
      %dma_wait3A_120 = tpu.memref_slice %arg2[%dma_wait3A_118, %dma_wait3A_119] : memref<10000x64xf32, #tpu.memory_space<hbm>> -> memref<10000x64xf32, #tpu.memory_space<hbm>>
      %dma_wait3A_121 = tpu.memref_slice %arg11[%dma_wait3A_110] : memref<2x!tpu.dma_semaphore, #tpu.memory_space<semaphore_mem>> -> memref<1x!tpu.dma_semaphore, #tpu.memory_space<semaphore_mem>>
      %dma_wait3A_122 = tpu.memref_squeeze %dma_wait3A_121 : memref<1x!tpu.dma_semaphore, #tpu.memory_space<semaphore_mem>> -> memref<!tpu.dma_semaphore, #tpu.memory_space<semaphore_mem>>
      tpu.wait_indirect_dma semaphore(%dma_wait3A_122 : memref<!tpu.dma_semaphore, #tpu.memory_space<semaphore_mem>>) src(%dma_wait3A_120 : memref<10000x64xf32, #tpu.memory_space<hbm>>) dst(%dma_wait3A_114 : memref<512x64xf32, #tpu.memory_space<vmem>>)
      %add3A_123 = arith.constant 1 : i32
      %add3A_124 = arith.addi %mul3A_71, %add3A_123 : i32
      %dma_start3A_125 = arith.constant 1 : i32
      %dma_start3A_126 = arith.constant 1 : i32
      %dma_start3A_127 = arith.constant 0 : i32
      %dma_start3A_128 = arith.constant 0 : i32
      %dma_start3A_129 = tpu.memref_slice %arg9[%dma_start3A_125, %dma_start3A_127, %dma_start3A_128] : memref<2x512x64xf32, #tpu.memory_space<vmem>> -> memref<1x512x64xf32, #tpu.memory_space<vmem>>
      %dma_start3A_130 = tpu.memref_squeeze %dma_start3A_129 : memref<1x512x64xf32, #tpu.memory_space<vmem>> -> memref<512x64xf32, #tpu.memory_space<vmem>>
      %dma_start3A_131 = arith.constant 0 : i32
      %dma_start3A_132 = tpu.memref_slice %arg8[%add3A_124, %dma_start3A_131] : memref<20x512xi32, #tpu.memory_space<vmem>> -> memref<1x512xi32, #tpu.memory_space<vmem>>
      %dma_start3A_133 = tpu.memref_squeeze %dma_start3A_132 : memref<1x512xi32, #tpu.memory_space<vmem>> -> memref<512xi32, #tpu.memory_space<vmem>>
      %dma_start3A_134 = arith.constant 0 : i32
      %dma_start3A_135 = arith.constant 0 : i32
      %dma_start3A_136 = tpu.memref_slice %arg10[%dma_start3A_134, %dma_start3A_135] : memref<10112x64xf32, #tpu.memory_space<vmem_shared>> -> memref<10112x64xf32, #tpu.memory_space<vmem_shared>>
      %dma_start3A_137 = tpu.memref_slice %arg12[%dma_start3A_126] : memref<2x!tpu.dma_semaphore, #tpu.memory_space<semaphore_mem>> -> memref<1x!tpu.dma_semaphore, #tpu.memory_space<semaphore_mem>>
      %dma_start3A_138 = tpu.memref_squeeze %dma_start3A_137 : memref<1x!tpu.dma_semaphore, #tpu.memory_space<semaphore_mem>> -> memref<!tpu.dma_semaphore, #tpu.memory_space<semaphore_mem>>
      tpu.enqueue_indirect_dma source(%dma_start3A_130 : memref<512x64xf32, #tpu.memory_space<vmem>>) target(%dma_start3A_136 : memref<10112x64xf32, #tpu.memory_space<vmem_shared>>) offsets(%dma_start3A_133 : memref<512xi32, #tpu.memory_space<vmem>>) semaphore(%dma_start3A_138 : memref<!tpu.dma_semaphore, #tpu.memory_space<semaphore_mem>>) {add = true}
      %dma_wait3A_139 = arith.constant 0 : i32
      %dma_wait3A_140 = arith.constant 0 : i32
      %dma_wait3A_141 = arith.constant 0 : i32
      %dma_wait3A_142 = arith.constant 0 : i32
      %dma_wait3A_143 = tpu.memref_slice %arg9[%dma_wait3A_139, %dma_wait3A_141, %dma_wait3A_142] : memref<2x512x64xf32, #tpu.memory_space<vmem>> -> memref<1x512x64xf32, #tpu.memory_space<vmem>>
      %dma_wait3A_144 = tpu.memref_squeeze %dma_wait3A_143 : memref<1x512x64xf32, #tpu.memory_space<vmem>> -> memref<512x64xf32, #tpu.memory_space<vmem>>
      %dma_wait3A_145 = arith.constant 0 : i32
      %dma_wait3A_146 = tpu.memref_slice %arg8[%mul3A_71, %dma_wait3A_145] : memref<20x512xi32, #tpu.memory_space<vmem>> -> memref<1x512xi32, #tpu.memory_space<vmem>>
      %dma_wait3A_147 = tpu.memref_squeeze %dma_wait3A_146 : memref<1x512xi32, #tpu.memory_space<vmem>> -> memref<512xi32, #tpu.memory_space<vmem>>
      %dma_wait3A_148 = arith.constant 0 : i32
      %dma_wait3A_149 = arith.constant 0 : i32
      %dma_wait3A_150 = tpu.memref_slice %arg10[%dma_wait3A_148, %dma_wait3A_149] : memref<10112x64xf32, #tpu.memory_space<vmem_shared>> -> memref<10112x64xf32, #tpu.memory_space<vmem_shared>>
      %dma_wait3A_151 = tpu.memref_slice %arg12[%dma_wait3A_140] : memref<2x!tpu.dma_semaphore, #tpu.memory_space<semaphore_mem>> -> memref<1x!tpu.dma_semaphore, #tpu.memory_space<semaphore_mem>>
      %dma_wait3A_152 = tpu.memref_squeeze %dma_wait3A_151 : memref<1x!tpu.dma_semaphore, #tpu.memory_space<semaphore_mem>> -> memref<!tpu.dma_semaphore, #tpu.memory_space<semaphore_mem>>
      tpu.wait_indirect_dma semaphore(%dma_wait3A_152 : memref<!tpu.dma_semaphore, #tpu.memory_space<semaphore_mem>>) src(%dma_wait3A_144 : memref<512x64xf32, #tpu.memory_space<vmem>>) dst(%dma_wait3A_150 : memref<10112x64xf32, #tpu.memory_space<vmem_shared>>)
      %dma_start3A_153 = arith.constant 0 : i32
      %dma_start3A_154 = arith.constant 0 : i32
      %dma_start3A_155 = arith.constant 0 : i32
      %dma_start3A_156 = arith.constant 0 : i32
      %dma_start3A_157 = tpu.memref_slice %arg9[%dma_start3A_153, %dma_start3A_155, %dma_start3A_156] : memref<2x512x64xf32, #tpu.memory_space<vmem>> -> memref<1x512x64xf32, #tpu.memory_space<vmem>>
      %dma_start3A_158 = tpu.memref_squeeze %dma_start3A_157 : memref<1x512x64xf32, #tpu.memory_space<vmem>> -> memref<512x64xf32, #tpu.memory_space<vmem>>
      %dma_start3A_159 = arith.constant 0 : i32
      %dma_start3A_160 = tpu.memref_slice %arg7[%rem3A_74, %dma_start3A_159] : memref<20x512xi32, #tpu.memory_space<vmem>> -> memref<1x512xi32, #tpu.memory_space<vmem>>
      %dma_start3A_161 = tpu.memref_squeeze %dma_start3A_160 : memref<1x512xi32, #tpu.memory_space<vmem>> -> memref<512xi32, #tpu.memory_space<vmem>>
      %dma_start3A_162 = arith.constant 0 : i32
      %dma_start3A_163 = arith.constant 0 : i32
      %dma_start3A_164 = tpu.memref_slice %arg2[%dma_start3A_162, %dma_start3A_163] : memref<10000x64xf32, #tpu.memory_space<hbm>> -> memref<10000x64xf32, #tpu.memory_space<hbm>>
      %dma_start3A_165 = tpu.memref_slice %arg11[%dma_start3A_154] : memref<2x!tpu.dma_semaphore, #tpu.memory_space<semaphore_mem>> -> memref<1x!tpu.dma_semaphore, #tpu.memory_space<semaphore_mem>>
      %dma_start3A_166 = tpu.memref_squeeze %dma_start3A_165 : memref<1x!tpu.dma_semaphore, #tpu.memory_space<semaphore_mem>> -> memref<!tpu.dma_semaphore, #tpu.memory_space<semaphore_mem>>
      tpu.enqueue_indirect_dma source(%dma_start3A_164 : memref<10000x64xf32, #tpu.memory_space<hbm>>) target(%dma_start3A_158 : memref<512x64xf32, #tpu.memory_space<vmem>>) offsets(%dma_start3A_161 : memref<512xi32, #tpu.memory_space<vmem>>) semaphore(%dma_start3A_166 : memref<!tpu.dma_semaphore, #tpu.memory_space<semaphore_mem>>)
      %add3A_167 = arith.constant 1 : i32
      %add3A_168 = arith.addi %mul3A_71, %add3A_167 : i32
      %dma_wait3A_169 = arith.constant 1 : i32
      %dma_wait3A_170 = arith.constant 1 : i32
      %dma_wait3A_171 = arith.constant 0 : i32
      %dma_wait3A_172 = arith.constant 0 : i32
      %dma_wait3A_173 = tpu.memref_slice %arg9[%dma_wait3A_169, %dma_wait3A_171, %dma_wait3A_172] : memref<2x512x64xf32, #tpu.memory_space<vmem>> -> memref<1x512x64xf32, #tpu.memory_space<vmem>>
      %dma_wait3A_174 = tpu.memref_squeeze %dma_wait3A_173 : memref<1x512x64xf32, #tpu.memory_space<vmem>> -> memref<512x64xf32, #tpu.memory_space<vmem>>
      %dma_wait3A_175 = arith.constant 0 : i32
      %dma_wait3A_176 = tpu.memref_slice %arg8[%add3A_168, %dma_wait3A_175] : memref<20x512xi32, #tpu.memory_space<vmem>> -> memref<1x512xi32, #tpu.memory_space<vmem>>
      %dma_wait3A_177 = tpu.memref_squeeze %dma_wait3A_176 : memref<1x512xi32, #tpu.memory_space<vmem>> -> memref<512xi32, #tpu.memory_space<vmem>>
      %dma_wait3A_178 = arith.constant 0 : i32
      %dma_wait3A_179 = arith.constant 0 : i32
      %dma_wait3A_180 = tpu.memref_slice %arg10[%dma_wait3A_178, %dma_wait3A_179] : memref<10112x64xf32, #tpu.memory_space<vmem_shared>> -> memref<10112x64xf32, #tpu.memory_space<vmem_shared>>
      %dma_wait3A_181 = tpu.memref_slice %arg12[%dma_wait3A_170] : memref<2x!tpu.dma_semaphore, #tpu.memory_space<semaphore_mem>> -> memref<1x!tpu.dma_semaphore, #tpu.memory_space<semaphore_mem>>
      %dma_wait3A_182 = tpu.memref_squeeze %dma_wait3A_181 : memref<1x!tpu.dma_semaphore, #tpu.memory_space<semaphore_mem>> -> memref<!tpu.dma_semaphore, #tpu.memory_space<semaphore_mem>>
      tpu.wait_indirect_dma semaphore(%dma_wait3A_182 : memref<!tpu.dma_semaphore, #tpu.memory_space<semaphore_mem>>) src(%dma_wait3A_174 : memref<512x64xf32, #tpu.memory_space<vmem>>) dst(%dma_wait3A_180 : memref<10112x64xf32, #tpu.memory_space<vmem_shared>>)
      %dma_start3A_183 = arith.constant 1 : i32
      %dma_start3A_184 = arith.constant 1 : i32
      %dma_start3A_185 = arith.constant 0 : i32
      %dma_start3A_186 = arith.constant 0 : i32
      %dma_start3A_187 = tpu.memref_slice %arg9[%dma_start3A_183, %dma_start3A_185, %dma_start3A_186] : memref<2x512x64xf32, #tpu.memory_space<vmem>> -> memref<1x512x64xf32, #tpu.memory_space<vmem>>
      %dma_start3A_188 = tpu.memref_squeeze %dma_start3A_187 : memref<1x512x64xf32, #tpu.memory_space<vmem>> -> memref<512x64xf32, #tpu.memory_space<vmem>>
      %dma_start3A_189 = arith.constant 0 : i32
      %dma_start3A_190 = tpu.memref_slice %arg7[%rem3A_78, %dma_start3A_189] : memref<20x512xi32, #tpu.memory_space<vmem>> -> memref<1x512xi32, #tpu.memory_space<vmem>>
      %dma_start3A_191 = tpu.memref_squeeze %dma_start3A_190 : memref<1x512xi32, #tpu.memory_space<vmem>> -> memref<512xi32, #tpu.memory_space<vmem>>
      %dma_start3A_192 = arith.constant 0 : i32
      %dma_start3A_193 = arith.constant 0 : i32
      %dma_start3A_194 = tpu.memref_slice %arg2[%dma_start3A_192, %dma_start3A_193] : memref<10000x64xf32, #tpu.memory_space<hbm>> -> memref<10000x64xf32, #tpu.memory_space<hbm>>
      %dma_start3A_195 = tpu.memref_slice %arg11[%dma_start3A_184] : memref<2x!tpu.dma_semaphore, #tpu.memory_space<semaphore_mem>> -> memref<1x!tpu.dma_semaphore, #tpu.memory_space<semaphore_mem>>
      %dma_start3A_196 = tpu.memref_squeeze %dma_start3A_195 : memref<1x!tpu.dma_semaphore, #tpu.memory_space<semaphore_mem>> -> memref<!tpu.dma_semaphore, #tpu.memory_space<semaphore_mem>>
      tpu.enqueue_indirect_dma source(%dma_start3A_194 : memref<10000x64xf32, #tpu.memory_space<hbm>>) target(%dma_start3A_188 : memref<512x64xf32, #tpu.memory_space<vmem>>) offsets(%dma_start3A_191 : memref<512xi32, #tpu.memory_space<vmem>>) semaphore(%dma_start3A_196 : memref<!tpu.dma_semaphore, #tpu.memory_space<semaphore_mem>>)
    }
    %scan3A_38 = arith.constant 10 : i32
    %dma_wait3A = arith.constant 0 : i32
    %dma_wait3A_39 = arith.constant 0 : i32
    %dma_wait3A_40 = arith.constant 0 : i32
    %dma_wait3A_41 = arith.constant 0 : i32
    %dma_wait3A_42 = arith.constant 0 : i32
    %dma_wait3A_43 = tpu.memref_slice %arg9[%dma_wait3A_39, %dma_wait3A_41, %dma_wait3A_42] : memref<2x512x64xf32, #tpu.memory_space<vmem>> -> memref<1x512x64xf32, #tpu.memory_space<vmem>>
    %dma_wait3A_44 = tpu.memref_squeeze %dma_wait3A_43 : memref<1x512x64xf32, #tpu.memory_space<vmem>> -> memref<512x64xf32, #tpu.memory_space<vmem>>
    %dma_wait3A_45 = arith.constant 0 : i32
    %dma_wait3A_46 = tpu.memref_slice %arg7[%dma_wait3A, %dma_wait3A_45] : memref<20x512xi32, #tpu.memory_space<vmem>> -> memref<1x512xi32, #tpu.memory_space<vmem>>
    %dma_wait3A_47 = tpu.memref_squeeze %dma_wait3A_46 : memref<1x512xi32, #tpu.memory_space<vmem>> -> memref<512xi32, #tpu.memory_space<vmem>>
    %dma_wait3A_48 = arith.constant 0 : i32
    %dma_wait3A_49 = arith.constant 0 : i32
    %dma_wait3A_50 = tpu.memref_slice %arg2[%dma_wait3A_48, %dma_wait3A_49] : memref<10000x64xf32, #tpu.memory_space<hbm>> -> memref<10000x64xf32, #tpu.memory_space<hbm>>
    %dma_wait3A_51 = tpu.memref_slice %arg11[%dma_wait3A_40] : memref<2x!tpu.dma_semaphore, #tpu.memory_space<semaphore_mem>> -> memref<1x!tpu.dma_semaphore, #tpu.memory_space<semaphore_mem>>
    %dma_wait3A_52 = tpu.memref_squeeze %dma_wait3A_51 : memref<1x!tpu.dma_semaphore, #tpu.memory_space<semaphore_mem>> -> memref<!tpu.dma_semaphore, #tpu.memory_space<semaphore_mem>>
    tpu.wait_indirect_dma semaphore(%dma_wait3A_52 : memref<!tpu.dma_semaphore, #tpu.memory_space<semaphore_mem>>) src(%dma_wait3A_50 : memref<10000x64xf32, #tpu.memory_space<hbm>>) dst(%dma_wait3A_44 : memref<512x64xf32, #tpu.memory_space<vmem>>)
    %dma_wait3A_53 = arith.constant 1 : i32
    %dma_wait3A_54 = arith.constant 1 : i32
    %dma_wait3A_55 = arith.constant 1 : i32
    %dma_wait3A_56 = arith.constant 0 : i32
    %dma_wait3A_57 = arith.constant 0 : i32
    %dma_wait3A_58 = tpu.memref_slice %arg9[%dma_wait3A_54, %dma_wait3A_56, %dma_wait3A_57] : memref<2x512x64xf32, #tpu.memory_space<vmem>> -> memref<1x512x64xf32, #tpu.memory_space<vmem>>
    %dma_wait3A_59 = tpu.memref_squeeze %dma_wait3A_58 : memref<1x512x64xf32, #tpu.memory_space<vmem>> -> memref<512x64xf32, #tpu.memory_space<vmem>>
    %dma_wait3A_60 = arith.constant 0 : i32
    %dma_wait3A_61 = tpu.memref_slice %arg7[%dma_wait3A_53, %dma_wait3A_60] : memref<20x512xi32, #tpu.memory_space<vmem>> -> memref<1x512xi32, #tpu.memory_space<vmem>>
    %dma_wait3A_62 = tpu.memref_squeeze %dma_wait3A_61 : memref<1x512xi32, #tpu.memory_space<vmem>> -> memref<512xi32, #tpu.memory_space<vmem>>
    %dma_wait3A_63 = arith.constant 0 : i32
    %dma_wait3A_64 = arith.constant 0 : i32
    %dma_wait3A_65 = tpu.memref_slice %arg2[%dma_wait3A_63, %dma_wait3A_64] : memref<10000x64xf32, #tpu.memory_space<hbm>> -> memref<10000x64xf32, #tpu.memory_space<hbm>>
    %dma_wait3A_66 = tpu.memref_slice %arg11[%dma_wait3A_55] : memref<2x!tpu.dma_semaphore, #tpu.memory_space<semaphore_mem>> -> memref<1x!tpu.dma_semaphore, #tpu.memory_space<semaphore_mem>>
    %dma_wait3A_67 = tpu.memref_squeeze %dma_wait3A_66 : memref<1x!tpu.dma_semaphore, #tpu.memory_space<semaphore_mem>> -> memref<!tpu.dma_semaphore, #tpu.memory_space<semaphore_mem>>
    tpu.wait_indirect_dma semaphore(%dma_wait3A_67 : memref<!tpu.dma_semaphore, #tpu.memory_space<semaphore_mem>>) src(%dma_wait3A_65 : memref<10000x64xf32, #tpu.memory_space<hbm>>) dst(%dma_wait3A_59 : memref<512x64xf32, #tpu.memory_space<vmem>>)
    %barrier3A_68 = arith.constant 0 : index
    tpu.barrier barrier_id(%barrier3A_68)
    "tpu.region"() ({
      %run_scoped3A = tpu.sem_alloc : memref<!tpu.dma_semaphore, #tpu.memory_space<semaphore_mem>>
      %dma_start3A_69 = arith.constant 0 : i32
      %dma_start3A_70 = tpu.memref_slice %arg6[%arg0, %multiple_of3A, %dma_start3A_69] : memref<2x10112x64xf32, #tpu.memory_space<hbm>> -> memref<1x632x64xf32, #tpu.memory_space<hbm>>
      %dma_start3A_71 = tpu.memref_squeeze %dma_start3A_70 : memref<1x632x64xf32, #tpu.memory_space<hbm>> -> memref<632x64xf32, #tpu.memory_space<hbm>>
      %dma_start3A_72 = arith.constant 0 : i32
      %dma_start3A_73 = tpu.memref_slice %arg10[%multiple_of3A, %dma_start3A_72] : memref<10112x64xf32, #tpu.memory_space<vmem_shared>> -> memref<632x64xf32, #tpu.memory_space<vmem_shared>>
      tpu.enqueue_dma source(%dma_start3A_73 : memref<632x64xf32, #tpu.memory_space<vmem_shared>>) target(%dma_start3A_71 : memref<632x64xf32, #tpu.memory_space<hbm>>) target_semaphore(%run_scoped3A : memref<!tpu.dma_semaphore, #tpu.memory_space<semaphore_mem>>)
      %dma_wait3A_74 = arith.constant 0 : i32
      %dma_wait3A_75 = tpu.memref_slice %arg6[%arg0, %multiple_of3A, %dma_wait3A_74] : memref<2x10112x64xf32, #tpu.memory_space<hbm>> -> memref<1x632x64xf32, #tpu.memory_space<hbm>>
      %dma_wait3A_76 = tpu.memref_squeeze %dma_wait3A_75 : memref<1x632x64xf32, #tpu.memory_space<hbm>> -> memref<632x64xf32, #tpu.memory_space<hbm>>
      %dma_wait3A_77 = arith.constant 0 : i32
      %dma_wait3A_78 = tpu.memref_slice %arg10[%multiple_of3A, %dma_wait3A_77] : memref<10112x64xf32, #tpu.memory_space<vmem_shared>> -> memref<632x64xf32, #tpu.memory_space<vmem_shared>>
      tpu.wait_dma2 semaphore(%run_scoped3A : memref<!tpu.dma_semaphore, #tpu.memory_space<semaphore_mem>>) src(%dma_wait3A_78 : memref<632x64xf32, #tpu.memory_space<vmem_shared>>) dst(%dma_wait3A_76 : memref<632x64xf32, #tpu.memory_space<hbm>>)
      tpu.yield
    }) : () -> ()
    return
  }
}

#map = affine_map<(d0, d1) -> (0, 0)>
#map1 = affine_map<(d0, d1) -> (0, 0, 0)>
module attributes {stable_mosaic.version = 14 : i64} {
  func.func @_sc_prop_body(%arg0: i32, %arg1: i32, %arg2: memref<10000x64xf32, #tpu.memory_space<hbm>>, %arg3: memref<640x512xi32, #tpu.memory_space<hbm>>, %arg4: memref<640x512xi32, #tpu.memory_space<hbm>>, %arg5: memref<10112x64xf32, #tpu.memory_space<hbm>>, %arg6: memref<2x10112x64xf32, #tpu.memory_space<hbm>>, %arg7: memref<20x512xi32, #tpu.memory_space<vmem>>, %arg8: memref<20x512xi32, #tpu.memory_space<vmem>>, %arg9: memref<2x512x64xf32, #tpu.memory_space<vmem>>, %arg10: memref<10112x64xf32, #tpu.memory_space<vmem_shared>>, %arg11: memref<2x!tpu.dma_semaphore, #tpu.memory_space<semaphore_mem>>, %arg12: memref<2x!tpu.dma_semaphore, #tpu.memory_space<semaphore_mem>>) attributes {dimension_semantics = [#tpu.dimension_semantics<core_parallel>, #tpu.dimension_semantics<subcore_parallel>], iteration_bounds = array<i64: 2, 16>, scalar_prefetch = 0 : i64, scratch_operands = 6 : i64, tpu.core_type = #tpu.core_type<sc_vector_subcore>, window_params = [{transform_indices = #map}, {transform_indices = #map}, {transform_indices = #map}, {transform_indices = #map}, {transform_indices = #map1}]} {
    %mul3A = arith.constant 2 : i32
    %mul3A_0 = arith.muli %arg1, %mul3A : i32
    %add3A = arith.addi %mul3A_0, %arg0 : i32
    %mul3A_1 = arith.constant 20 : i32
    %mul3A_2 = arith.muli %add3A, %mul3A_1 : i32
    %mul3A_3 = arith.constant 632 : i32
    %mul3A_4 = arith.muli %arg1, %mul3A_3 : i32
    %multiple_of3A = tpu.assume_multiple %mul3A_4, 8 : i32
    "tpu.region"() ({
      %run_scoped3A = tpu.sem_alloc : memref<!tpu.dma_semaphore, #tpu.memory_space<semaphore_mem>>
      %dma_start3A_69 = arith.constant 0 : i32
      %dma_start3A_70 = tpu.memref_slice %arg3[%mul3A_2, %dma_start3A_69] : memref<640x512xi32, #tpu.memory_space<hbm>> -> memref<20x512xi32, #tpu.memory_space<hbm>>
      %dma_start3A_71 = arith.constant 0 : i32
      %dma_start3A_72 = tpu.memref_slice %arg3[%mul3A_2, %dma_start3A_71] : memref<640x512xi32, #tpu.memory_space<hbm>> -> memref<20x512xi32, #tpu.memory_space<hbm>>
      tpu.enqueue_dma source(%dma_start3A_72 : memref<20x512xi32, #tpu.memory_space<hbm>>) target(%arg7 : memref<20x512xi32, #tpu.memory_space<vmem>>) target_semaphore(%run_scoped3A : memref<!tpu.dma_semaphore, #tpu.memory_space<semaphore_mem>>)
      %dma_wait3A_73 = arith.constant 0 : i32
      %dma_wait3A_74 = tpu.memref_slice %arg3[%mul3A_2, %dma_wait3A_73] : memref<640x512xi32, #tpu.memory_space<hbm>> -> memref<20x512xi32, #tpu.memory_space<hbm>>
      %dma_wait3A_75 = arith.constant 0 : i32
      %dma_wait3A_76 = tpu.memref_slice %arg3[%mul3A_2, %dma_wait3A_75] : memref<640x512xi32, #tpu.memory_space<hbm>> -> memref<20x512xi32, #tpu.memory_space<hbm>>
      tpu.wait_dma2 semaphore(%run_scoped3A : memref<!tpu.dma_semaphore, #tpu.memory_space<semaphore_mem>>) src(%dma_wait3A_76 : memref<20x512xi32, #tpu.memory_space<hbm>>) dst(%arg7 : memref<20x512xi32, #tpu.memory_space<vmem>>)
      tpu.yield
    }) : () -> ()
    "tpu.region"() ({
      %run_scoped3A = tpu.sem_alloc : memref<!tpu.dma_semaphore, #tpu.memory_space<semaphore_mem>>
      %dma_start3A_69 = arith.constant 0 : i32
      %dma_start3A_70 = tpu.memref_slice %arg4[%mul3A_2, %dma_start3A_69] : memref<640x512xi32, #tpu.memory_space<hbm>> -> memref<20x512xi32, #tpu.memory_space<hbm>>
      %dma_start3A_71 = arith.constant 0 : i32
      %dma_start3A_72 = tpu.memref_slice %arg4[%mul3A_2, %dma_start3A_71] : memref<640x512xi32, #tpu.memory_space<hbm>> -> memref<20x512xi32, #tpu.memory_space<hbm>>
      tpu.enqueue_dma source(%dma_start3A_72 : memref<20x512xi32, #tpu.memory_space<hbm>>) target(%arg8 : memref<20x512xi32, #tpu.memory_space<vmem>>) target_semaphore(%run_scoped3A : memref<!tpu.dma_semaphore, #tpu.memory_space<semaphore_mem>>)
      %dma_wait3A_73 = arith.constant 0 : i32
      %dma_wait3A_74 = tpu.memref_slice %arg4[%mul3A_2, %dma_wait3A_73] : memref<640x512xi32, #tpu.memory_space<hbm>> -> memref<20x512xi32, #tpu.memory_space<hbm>>
      %dma_wait3A_75 = arith.constant 0 : i32
      %dma_wait3A_76 = tpu.memref_slice %arg4[%mul3A_2, %dma_wait3A_75] : memref<640x512xi32, #tpu.memory_space<hbm>> -> memref<20x512xi32, #tpu.memory_space<hbm>>
      tpu.wait_dma2 semaphore(%run_scoped3A : memref<!tpu.dma_semaphore, #tpu.memory_space<semaphore_mem>>) src(%dma_wait3A_76 : memref<20x512xi32, #tpu.memory_space<hbm>>) dst(%arg8 : memref<20x512xi32, #tpu.memory_space<vmem>>)
      tpu.yield
    }) : () -> ()
    %dma_start3A = arith.constant 0 : i32
    %dma_start3A_5 = arith.constant 0 : i32
    %dma_start3A_6 = arith.constant 0 : i32
    %dma_start3A_7 = arith.constant 0 : i32
    %dma_start3A_8 = arith.constant 0 : i32
    %dma_start3A_9 = tpu.memref_slice %arg9[%dma_start3A_5, %dma_start3A_7, %dma_start3A_8] : memref<2x512x64xf32, #tpu.memory_space<vmem>> -> memref<1x512x64xf32, #tpu.memory_space<vmem>>
    %dma_start3A_10 = tpu.memref_squeeze %dma_start3A_9 : memref<1x512x64xf32, #tpu.memory_space<vmem>> -> memref<512x64xf32, #tpu.memory_space<vmem>>
    %dma_start3A_11 = arith.constant 0 : i32
    %dma_start3A_12 = tpu.memref_slice %arg7[%dma_start3A, %dma_start3A_11] : memref<20x512xi32, #tpu.memory_space<vmem>> -> memref<1x512xi32, #tpu.memory_space<vmem>>
    %dma_start3A_13 = tpu.memref_squeeze %dma_start3A_12 : memref<1x512xi32, #tpu.memory_space<vmem>> -> memref<512xi32, #tpu.memory_space<vmem>>
    %dma_start3A_14 = arith.constant 0 : i32
    %dma_start3A_15 = arith.constant 0 : i32
    %dma_start3A_16 = tpu.memref_slice %arg2[%dma_start3A_14, %dma_start3A_15] : memref<10000x64xf32, #tpu.memory_space<hbm>> -> memref<10000x64xf32, #tpu.memory_space<hbm>>
    %dma_start3A_17 = tpu.memref_slice %arg11[%dma_start3A_6] : memref<2x!tpu.dma_semaphore, #tpu.memory_space<semaphore_mem>> -> memref<1x!tpu.dma_semaphore, #tpu.memory_space<semaphore_mem>>
    %dma_start3A_18 = tpu.memref_squeeze %dma_start3A_17 : memref<1x!tpu.dma_semaphore, #tpu.memory_space<semaphore_mem>> -> memref<!tpu.dma_semaphore, #tpu.memory_space<semaphore_mem>>
    tpu.enqueue_indirect_dma source(%dma_start3A_16 : memref<10000x64xf32, #tpu.memory_space<hbm>>) target(%dma_start3A_10 : memref<512x64xf32, #tpu.memory_space<vmem>>) offsets(%dma_start3A_13 : memref<512xi32, #tpu.memory_space<vmem>>) semaphore(%dma_start3A_18 : memref<!tpu.dma_semaphore, #tpu.memory_space<semaphore_mem>>)
    %dma_start3A_19 = arith.constant 1 : i32
    %dma_start3A_20 = arith.constant 1 : i32
    %dma_start3A_21 = arith.constant 1 : i32
    %dma_start3A_22 = arith.constant 0 : i32
    %dma_start3A_23 = arith.constant 0 : i32
    %dma_start3A_24 = tpu.memref_slice %arg9[%dma_start3A_20, %dma_start3A_22, %dma_start3A_23] : memref<2x512x64xf32, #tpu.memory_space<vmem>> -> memref<1x512x64xf32, #tpu.memory_space<vmem>>
    %dma_start3A_25 = tpu.memref_squeeze %dma_start3A_24 : memref<1x512x64xf32, #tpu.memory_space<vmem>> -> memref<512x64xf32, #tpu.memory_space<vmem>>
    %dma_start3A_26 = arith.constant 0 : i32
    %dma_start3A_27 = tpu.memref_slice %arg7[%dma_start3A_19, %dma_start3A_26] : memref<20x512xi32, #tpu.memory_space<vmem>> -> memref<1x512xi32, #tpu.memory_space<vmem>>
    %dma_start3A_28 = tpu.memref_squeeze %dma_start3A_27 : memref<1x512xi32, #tpu.memory_space<vmem>> -> memref<512xi32, #tpu.memory_space<vmem>>
    %dma_start3A_29 = arith.constant 0 : i32
    %dma_start3A_30 = arith.constant 0 : i32
    %dma_start3A_31 = tpu.memref_slice %arg2[%dma_start3A_29, %dma_start3A_30] : memref<10000x64xf32, #tpu.memory_space<hbm>> -> memref<10000x64xf32, #tpu.memory_space<hbm>>
    %dma_start3A_32 = tpu.memref_slice %arg11[%dma_start3A_21] : memref<2x!tpu.dma_semaphore, #tpu.memory_space<semaphore_mem>> -> memref<1x!tpu.dma_semaphore, #tpu.memory_space<semaphore_mem>>
    %dma_start3A_33 = tpu.memref_squeeze %dma_start3A_32 : memref<1x!tpu.dma_semaphore, #tpu.memory_space<semaphore_mem>> -> memref<!tpu.dma_semaphore, #tpu.memory_space<semaphore_mem>>
    tpu.enqueue_indirect_dma source(%dma_start3A_31 : memref<10000x64xf32, #tpu.memory_space<hbm>>) target(%dma_start3A_25 : memref<512x64xf32, #tpu.memory_space<vmem>>) offsets(%dma_start3A_28 : memref<512xi32, #tpu.memory_space<vmem>>) semaphore(%dma_start3A_33 : memref<!tpu.dma_semaphore, #tpu.memory_space<semaphore_mem>>)
    "tpu.region"() ({
      %run_scoped3A = tpu.sem_alloc : memref<!tpu.dma_semaphore, #tpu.memory_space<semaphore_mem>>
      %dma_start3A_69 = arith.constant 0 : i32
      %dma_start3A_70 = tpu.memref_slice %arg10[%multiple_of3A, %dma_start3A_69] : memref<10112x64xf32, #tpu.memory_space<vmem_shared>> -> memref<632x64xf32, #tpu.memory_space<vmem_shared>>
      %dma_start3A_71 = arith.constant 0 : i32
      %dma_start3A_72 = tpu.memref_slice %arg5[%multiple_of3A, %dma_start3A_71] : memref<10112x64xf32, #tpu.memory_space<hbm>> -> memref<632x64xf32, #tpu.memory_space<hbm>>
      tpu.enqueue_dma source(%dma_start3A_72 : memref<632x64xf32, #tpu.memory_space<hbm>>) target(%dma_start3A_70 : memref<632x64xf32, #tpu.memory_space<vmem_shared>>) target_semaphore(%run_scoped3A : memref<!tpu.dma_semaphore, #tpu.memory_space<semaphore_mem>>)
      %dma_wait3A_73 = arith.constant 0 : i32
      %dma_wait3A_74 = tpu.memref_slice %arg10[%multiple_of3A, %dma_wait3A_73] : memref<10112x64xf32, #tpu.memory_space<vmem_shared>> -> memref<632x64xf32, #tpu.memory_space<vmem_shared>>
      %dma_wait3A_75 = arith.constant 0 : i32
      %dma_wait3A_76 = tpu.memref_slice %arg5[%multiple_of3A, %dma_wait3A_75] : memref<10112x64xf32, #tpu.memory_space<hbm>> -> memref<632x64xf32, #tpu.memory_space<hbm>>
      tpu.wait_dma2 semaphore(%run_scoped3A : memref<!tpu.dma_semaphore, #tpu.memory_space<semaphore_mem>>) src(%dma_wait3A_76 : memref<632x64xf32, #tpu.memory_space<hbm>>) dst(%dma_wait3A_74 : memref<632x64xf32, #tpu.memory_space<vmem_shared>>)
      tpu.yield
    }) : () -> ()
    %barrier3A = arith.constant 0 : index
    tpu.barrier barrier_id(%barrier3A)
    %scan3A = arith.constant 0 : i32
    %scan3A_34 = arith.constant 0 : i32
    %scan3A_35 = arith.constant 10 : i32
    %scan3A_36 = arith.addi %scan3A_34, %scan3A_35 : i32
    %scan3A_37 = arith.constant 1 : i32
    scf.for %scan3A_69 = %scan3A_34 to %scan3A_36 step %scan3A_37  : i32 {
      %mul3A_70 = arith.constant 2 : i32
      %mul3A_71 = arith.muli %mul3A_70, %scan3A_69 : i32
      %add3A_72 = arith.constant 2 : i32
      %add3A_73 = arith.addi %mul3A_71, %add3A_72 : i32
      %rem3A = arith.constant 20 : i32
      %rem3A_74 = arith.remsi %add3A_73, %rem3A : i32
      %add3A_75 = arith.constant 3 : i32
      %add3A_76 = arith.addi %mul3A_71, %add3A_75 : i32
      %rem3A_77 = arith.constant 20 : i32
      %rem3A_78 = arith.remsi %add3A_76, %rem3A_77 : i32
      %dma_wait3A_79 = arith.constant 0 : i32
      %dma_wait3A_80 = arith.constant 0 : i32
      %dma_wait3A_81 = arith.constant 0 : i32
      %dma_wait3A_82 = arith.constant 0 : i32
      %dma_wait3A_83 = tpu.memref_slice %arg9[%dma_wait3A_79, %dma_wait3A_81, %dma_wait3A_82] : memref<2x512x64xf32, #tpu.memory_space<vmem>> -> memref<1x512x64xf32, #tpu.memory_space<vmem>>
      %dma_wait3A_84 = tpu.memref_squeeze %dma_wait3A_83 : memref<1x512x64xf32, #tpu.memory_space<vmem>> -> memref<512x64xf32, #tpu.memory_space<vmem>>
      %dma_wait3A_85 = arith.constant 0 : i32
      %dma_wait3A_86 = tpu.memref_slice %arg7[%mul3A_71, %dma_wait3A_85] : memref<20x512xi32, #tpu.memory_space<vmem>> -> memref<1x512xi32, #tpu.memory_space<vmem>>
      %dma_wait3A_87 = tpu.memref_squeeze %dma_wait3A_86 : memref<1x512xi32, #tpu.memory_space<vmem>> -> memref<512xi32, #tpu.memory_space<vmem>>
      %dma_wait3A_88 = arith.constant 0 : i32
      %dma_wait3A_89 = arith.constant 0 : i32
      %dma_wait3A_90 = tpu.memref_slice %arg2[%dma_wait3A_88, %dma_wait3A_89] : memref<10000x64xf32, #tpu.memory_space<hbm>> -> memref<10000x64xf32, #tpu.memory_space<hbm>>
      %dma_wait3A_91 = tpu.memref_slice %arg11[%dma_wait3A_80] : memref<2x!tpu.dma_semaphore, #tpu.memory_space<semaphore_mem>> -> memref<1x!tpu.dma_semaphore, #tpu.memory_space<semaphore_mem>>
      %dma_wait3A_92 = tpu.memref_squeeze %dma_wait3A_91 : memref<1x!tpu.dma_semaphore, #tpu.memory_space<semaphore_mem>> -> memref<!tpu.dma_semaphore, #tpu.memory_space<semaphore_mem>>
      tpu.wait_indirect_dma semaphore(%dma_wait3A_92 : memref<!tpu.dma_semaphore, #tpu.memory_space<semaphore_mem>>) src(%dma_wait3A_90 : memref<10000x64xf32, #tpu.memory_space<hbm>>) dst(%dma_wait3A_84 : memref<512x64xf32, #tpu.memory_space<vmem>>)
      %dma_start3A_93 = arith.constant 0 : i32
      %dma_start3A_94 = arith.constant 0 : i32
      %dma_start3A_95 = arith.constant 0 : i32
      %dma_start3A_96 = arith.constant 0 : i32
      %dma_start3A_97 = tpu.memref_slice %arg9[%dma_start3A_93, %dma_start3A_95, %dma_start3A_96] : memref<2x512x64xf32, #tpu.memory_space<vmem>> -> memref<1x512x64xf32, #tpu.memory_space<vmem>>
      %dma_start3A_98 = tpu.memref_squeeze %dma_start3A_97 : memref<1x512x64xf32, #tpu.memory_space<vmem>> -> memref<512x64xf32, #tpu.memory_space<vmem>>
      %dma_start3A_99 = arith.constant 0 : i32
      %dma_start3A_100 = tpu.memref_slice %arg8[%mul3A_71, %dma_start3A_99] : memref<20x512xi32, #tpu.memory_space<vmem>> -> memref<1x512xi32, #tpu.memory_space<vmem>>
      %dma_start3A_101 = tpu.memref_squeeze %dma_start3A_100 : memref<1x512xi32, #tpu.memory_space<vmem>> -> memref<512xi32, #tpu.memory_space<vmem>>
      %dma_start3A_102 = arith.constant 0 : i32
      %dma_start3A_103 = arith.constant 0 : i32
      %dma_start3A_104 = tpu.memref_slice %arg10[%dma_start3A_102, %dma_start3A_103] : memref<10112x64xf32, #tpu.memory_space<vmem_shared>> -> memref<10112x64xf32, #tpu.memory_space<vmem_shared>>
      %dma_start3A_105 = tpu.memref_slice %arg12[%dma_start3A_94] : memref<2x!tpu.dma_semaphore, #tpu.memory_space<semaphore_mem>> -> memref<1x!tpu.dma_semaphore, #tpu.memory_space<semaphore_mem>>
      %dma_start3A_106 = tpu.memref_squeeze %dma_start3A_105 : memref<1x!tpu.dma_semaphore, #tpu.memory_space<semaphore_mem>> -> memref<!tpu.dma_semaphore, #tpu.memory_space<semaphore_mem>>
      tpu.enqueue_indirect_dma source(%dma_start3A_98 : memref<512x64xf32, #tpu.memory_space<vmem>>) target(%dma_start3A_104 : memref<10112x64xf32, #tpu.memory_space<vmem_shared>>) offsets(%dma_start3A_101 : memref<512xi32, #tpu.memory_space<vmem>>) semaphore(%dma_start3A_106 : memref<!tpu.dma_semaphore, #tpu.memory_space<semaphore_mem>>) {add = true}
      %add3A_107 = arith.constant 1 : i32
      %add3A_108 = arith.addi %mul3A_71, %add3A_107 : i32
      %dma_wait3A_109 = arith.constant 1 : i32
      %dma_wait3A_110 = arith.constant 1 : i32
      %dma_wait3A_111 = arith.constant 0 : i32
      %dma_wait3A_112 = arith.constant 0 : i32
      %dma_wait3A_113 = tpu.memref_slice %arg9[%dma_wait3A_109, %dma_wait3A_111, %dma_wait3A_112] : memref<2x512x64xf32, #tpu.memory_space<vmem>> -> memref<1x512x64xf32, #tpu.memory_space<vmem>>
      %dma_wait3A_114 = tpu.memref_squeeze %dma_wait3A_113 : memref<1x512x64xf32, #tpu.memory_space<vmem>> -> memref<512x64xf32, #tpu.memory_space<vmem>>
      %dma_wait3A_115 = arith.constant 0 : i32
      %dma_wait3A_116 = tpu.memref_slice %arg7[%add3A_108, %dma_wait3A_115] : memref<20x512xi32, #tpu.memory_space<vmem>> -> memref<1x512xi32, #tpu.memory_space<vmem>>
      %dma_wait3A_117 = tpu.memref_squeeze %dma_wait3A_116 : memref<1x512xi32, #tpu.memory_space<vmem>> -> memref<512xi32, #tpu.memory_space<vmem>>
      %dma_wait3A_118 = arith.constant 0 : i32
      %dma_wait3A_119 = arith.constant 0 : i32
      %dma_wait3A_120 = tpu.memref_slice %arg2[%dma_wait3A_118, %dma_wait3A_119] : memref<10000x64xf32, #tpu.memory_space<hbm>> -> memref<10000x64xf32, #tpu.memory_space<hbm>>
      %dma_wait3A_121 = tpu.memref_slice %arg11[%dma_wait3A_110] : memref<2x!tpu.dma_semaphore, #tpu.memory_space<semaphore_mem>> -> memref<1x!tpu.dma_semaphore, #tpu.memory_space<semaphore_mem>>
      %dma_wait3A_122 = tpu.memref_squeeze %dma_wait3A_121 : memref<1x!tpu.dma_semaphore, #tpu.memory_space<semaphore_mem>> -> memref<!tpu.dma_semaphore, #tpu.memory_space<semaphore_mem>>
      tpu.wait_indirect_dma semaphore(%dma_wait3A_122 : memref<!tpu.dma_semaphore, #tpu.memory_space<semaphore_mem>>) src(%dma_wait3A_120 : memref<10000x64xf32, #tpu.memory_space<hbm>>) dst(%dma_wait3A_114 : memref<512x64xf32, #tpu.memory_space<vmem>>)
      %add3A_123 = arith.constant 1 : i32
      %add3A_124 = arith.addi %mul3A_71, %add3A_123 : i32
      %dma_start3A_125 = arith.constant 1 : i32
      %dma_start3A_126 = arith.constant 1 : i32
      %dma_start3A_127 = arith.constant 0 : i32
      %dma_start3A_128 = arith.constant 0 : i32
      %dma_start3A_129 = tpu.memref_slice %arg9[%dma_start3A_125, %dma_start3A_127, %dma_start3A_128] : memref<2x512x64xf32, #tpu.memory_space<vmem>> -> memref<1x512x64xf32, #tpu.memory_space<vmem>>
      %dma_start3A_130 = tpu.memref_squeeze %dma_start3A_129 : memref<1x512x64xf32, #tpu.memory_space<vmem>> -> memref<512x64xf32, #tpu.memory_space<vmem>>
      %dma_start3A_131 = arith.constant 0 : i32
      %dma_start3A_132 = tpu.memref_slice %arg8[%add3A_124, %dma_start3A_131] : memref<20x512xi32, #tpu.memory_space<vmem>> -> memref<1x512xi32, #tpu.memory_space<vmem>>
      %dma_start3A_133 = tpu.memref_squeeze %dma_start3A_132 : memref<1x512xi32, #tpu.memory_space<vmem>> -> memref<512xi32, #tpu.memory_space<vmem>>
      %dma_start3A_134 = arith.constant 0 : i32
      %dma_start3A_135 = arith.constant 0 : i32
      %dma_start3A_136 = tpu.memref_slice %arg10[%dma_start3A_134, %dma_start3A_135] : memref<10112x64xf32, #tpu.memory_space<vmem_shared>> -> memref<10112x64xf32, #tpu.memory_space<vmem_shared>>
      %dma_start3A_137 = tpu.memref_slice %arg12[%dma_start3A_126] : memref<2x!tpu.dma_semaphore, #tpu.memory_space<semaphore_mem>> -> memref<1x!tpu.dma_semaphore, #tpu.memory_space<semaphore_mem>>
      %dma_start3A_138 = tpu.memref_squeeze %dma_start3A_137 : memref<1x!tpu.dma_semaphore, #tpu.memory_space<semaphore_mem>> -> memref<!tpu.dma_semaphore, #tpu.memory_space<semaphore_mem>>
      tpu.enqueue_indirect_dma source(%dma_start3A_130 : memref<512x64xf32, #tpu.memory_space<vmem>>) target(%dma_start3A_136 : memref<10112x64xf32, #tpu.memory_space<vmem_shared>>) offsets(%dma_start3A_133 : memref<512xi32, #tpu.memory_space<vmem>>) semaphore(%dma_start3A_138 : memref<!tpu.dma_semaphore, #tpu.memory_space<semaphore_mem>>) {add = true}
      %dma_wait3A_139 = arith.constant 0 : i32
      %dma_wait3A_140 = arith.constant 0 : i32
      %dma_wait3A_141 = arith.constant 0 : i32
      %dma_wait3A_142 = arith.constant 0 : i32
      %dma_wait3A_143 = tpu.memref_slice %arg9[%dma_wait3A_139, %dma_wait3A_141, %dma_wait3A_142] : memref<2x512x64xf32, #tpu.memory_space<vmem>> -> memref<1x512x64xf32, #tpu.memory_space<vmem>>
      %dma_wait3A_144 = tpu.memref_squeeze %dma_wait3A_143 : memref<1x512x64xf32, #tpu.memory_space<vmem>> -> memref<512x64xf32, #tpu.memory_space<vmem>>
      %dma_wait3A_145 = arith.constant 0 : i32
      %dma_wait3A_146 = tpu.memref_slice %arg8[%mul3A_71, %dma_wait3A_145] : memref<20x512xi32, #tpu.memory_space<vmem>> -> memref<1x512xi32, #tpu.memory_space<vmem>>
      %dma_wait3A_147 = tpu.memref_squeeze %dma_wait3A_146 : memref<1x512xi32, #tpu.memory_space<vmem>> -> memref<512xi32, #tpu.memory_space<vmem>>
      %dma_wait3A_148 = arith.constant 0 : i32
      %dma_wait3A_149 = arith.constant 0 : i32
      %dma_wait3A_150 = tpu.memref_slice %arg10[%dma_wait3A_148, %dma_wait3A_149] : memref<10112x64xf32, #tpu.memory_space<vmem_shared>> -> memref<10112x64xf32, #tpu.memory_space<vmem_shared>>
      %dma_wait3A_151 = tpu.memref_slice %arg12[%dma_wait3A_140] : memref<2x!tpu.dma_semaphore, #tpu.memory_space<semaphore_mem>> -> memref<1x!tpu.dma_semaphore, #tpu.memory_space<semaphore_mem>>
      %dma_wait3A_152 = tpu.memref_squeeze %dma_wait3A_151 : memref<1x!tpu.dma_semaphore, #tpu.memory_space<semaphore_mem>> -> memref<!tpu.dma_semaphore, #tpu.memory_space<semaphore_mem>>
      tpu.wait_indirect_dma semaphore(%dma_wait3A_152 : memref<!tpu.dma_semaphore, #tpu.memory_space<semaphore_mem>>) src(%dma_wait3A_144 : memref<512x64xf32, #tpu.memory_space<vmem>>) dst(%dma_wait3A_150 : memref<10112x64xf32, #tpu.memory_space<vmem_shared>>)
      %dma_start3A_153 = arith.constant 0 : i32
      %dma_start3A_154 = arith.constant 0 : i32
      %dma_start3A_155 = arith.constant 0 : i32
      %dma_start3A_156 = arith.constant 0 : i32
      %dma_start3A_157 = tpu.memref_slice %arg9[%dma_start3A_153, %dma_start3A_155, %dma_start3A_156] : memref<2x512x64xf32, #tpu.memory_space<vmem>> -> memref<1x512x64xf32, #tpu.memory_space<vmem>>
      %dma_start3A_158 = tpu.memref_squeeze %dma_start3A_157 : memref<1x512x64xf32, #tpu.memory_space<vmem>> -> memref<512x64xf32, #tpu.memory_space<vmem>>
      %dma_start3A_159 = arith.constant 0 : i32
      %dma_start3A_160 = tpu.memref_slice %arg7[%rem3A_74, %dma_start3A_159] : memref<20x512xi32, #tpu.memory_space<vmem>> -> memref<1x512xi32, #tpu.memory_space<vmem>>
      %dma_start3A_161 = tpu.memref_squeeze %dma_start3A_160 : memref<1x512xi32, #tpu.memory_space<vmem>> -> memref<512xi32, #tpu.memory_space<vmem>>
      %dma_start3A_162 = arith.constant 0 : i32
      %dma_start3A_163 = arith.constant 0 : i32
      %dma_start3A_164 = tpu.memref_slice %arg2[%dma_start3A_162, %dma_start3A_163] : memref<10000x64xf32, #tpu.memory_space<hbm>> -> memref<10000x64xf32, #tpu.memory_space<hbm>>
      %dma_start3A_165 = tpu.memref_slice %arg11[%dma_start3A_154] : memref<2x!tpu.dma_semaphore, #tpu.memory_space<semaphore_mem>> -> memref<1x!tpu.dma_semaphore, #tpu.memory_space<semaphore_mem>>
      %dma_start3A_166 = tpu.memref_squeeze %dma_start3A_165 : memref<1x!tpu.dma_semaphore, #tpu.memory_space<semaphore_mem>> -> memref<!tpu.dma_semaphore, #tpu.memory_space<semaphore_mem>>
      tpu.enqueue_indirect_dma source(%dma_start3A_164 : memref<10000x64xf32, #tpu.memory_space<hbm>>) target(%dma_start3A_158 : memref<512x64xf32, #tpu.memory_space<vmem>>) offsets(%dma_start3A_161 : memref<512xi32, #tpu.memory_space<vmem>>) semaphore(%dma_start3A_166 : memref<!tpu.dma_semaphore, #tpu.memory_space<semaphore_mem>>)
      %add3A_167 = arith.constant 1 : i32
      %add3A_168 = arith.addi %mul3A_71, %add3A_167 : i32
      %dma_wait3A_169 = arith.constant 1 : i32
      %dma_wait3A_170 = arith.constant 1 : i32
      %dma_wait3A_171 = arith.constant 0 : i32
      %dma_wait3A_172 = arith.constant 0 : i32
      %dma_wait3A_173 = tpu.memref_slice %arg9[%dma_wait3A_169, %dma_wait3A_171, %dma_wait3A_172] : memref<2x512x64xf32, #tpu.memory_space<vmem>> -> memref<1x512x64xf32, #tpu.memory_space<vmem>>
      %dma_wait3A_174 = tpu.memref_squeeze %dma_wait3A_173 : memref<1x512x64xf32, #tpu.memory_space<vmem>> -> memref<512x64xf32, #tpu.memory_space<vmem>>
      %dma_wait3A_175 = arith.constant 0 : i32
      %dma_wait3A_176 = tpu.memref_slice %arg8[%add3A_168, %dma_wait3A_175] : memref<20x512xi32, #tpu.memory_space<vmem>> -> memref<1x512xi32, #tpu.memory_space<vmem>>
      %dma_wait3A_177 = tpu.memref_squeeze %dma_wait3A_176 : memref<1x512xi32, #tpu.memory_space<vmem>> -> memref<512xi32, #tpu.memory_space<vmem>>
      %dma_wait3A_178 = arith.constant 0 : i32
      %dma_wait3A_179 = arith.constant 0 : i32
      %dma_wait3A_180 = tpu.memref_slice %arg10[%dma_wait3A_178, %dma_wait3A_179] : memref<10112x64xf32, #tpu.memory_space<vmem_shared>> -> memref<10112x64xf32, #tpu.memory_space<vmem_shared>>
      %dma_wait3A_181 = tpu.memref_slice %arg12[%dma_wait3A_170] : memref<2x!tpu.dma_semaphore, #tpu.memory_space<semaphore_mem>> -> memref<1x!tpu.dma_semaphore, #tpu.memory_space<semaphore_mem>>
      %dma_wait3A_182 = tpu.memref_squeeze %dma_wait3A_181 : memref<1x!tpu.dma_semaphore, #tpu.memory_space<semaphore_mem>> -> memref<!tpu.dma_semaphore, #tpu.memory_space<semaphore_mem>>
      tpu.wait_indirect_dma semaphore(%dma_wait3A_182 : memref<!tpu.dma_semaphore, #tpu.memory_space<semaphore_mem>>) src(%dma_wait3A_174 : memref<512x64xf32, #tpu.memory_space<vmem>>) dst(%dma_wait3A_180 : memref<10112x64xf32, #tpu.memory_space<vmem_shared>>)
      %dma_start3A_183 = arith.constant 1 : i32
      %dma_start3A_184 = arith.constant 1 : i32
      %dma_start3A_185 = arith.constant 0 : i32
      %dma_start3A_186 = arith.constant 0 : i32
      %dma_start3A_187 = tpu.memref_slice %arg9[%dma_start3A_183, %dma_start3A_185, %dma_start3A_186] : memref<2x512x64xf32, #tpu.memory_space<vmem>> -> memref<1x512x64xf32, #tpu.memory_space<vmem>>
      %dma_start3A_188 = tpu.memref_squeeze %dma_start3A_187 : memref<1x512x64xf32, #tpu.memory_space<vmem>> -> memref<512x64xf32, #tpu.memory_space<vmem>>
      %dma_start3A_189 = arith.constant 0 : i32
      %dma_start3A_190 = tpu.memref_slice %arg7[%rem3A_78, %dma_start3A_189] : memref<20x512xi32, #tpu.memory_space<vmem>> -> memref<1x512xi32, #tpu.memory_space<vmem>>
      %dma_start3A_191 = tpu.memref_squeeze %dma_start3A_190 : memref<1x512xi32, #tpu.memory_space<vmem>> -> memref<512xi32, #tpu.memory_space<vmem>>
      %dma_start3A_192 = arith.constant 0 : i32
      %dma_start3A_193 = arith.constant 0 : i32
      %dma_start3A_194 = tpu.memref_slice %arg2[%dma_start3A_192, %dma_start3A_193] : memref<10000x64xf32, #tpu.memory_space<hbm>> -> memref<10000x64xf32, #tpu.memory_space<hbm>>
      %dma_start3A_195 = tpu.memref_slice %arg11[%dma_start3A_184] : memref<2x!tpu.dma_semaphore, #tpu.memory_space<semaphore_mem>> -> memref<1x!tpu.dma_semaphore, #tpu.memory_space<semaphore_mem>>
      %dma_start3A_196 = tpu.memref_squeeze %dma_start3A_195 : memref<1x!tpu.dma_semaphore, #tpu.memory_space<semaphore_mem>> -> memref<!tpu.dma_semaphore, #tpu.memory_space<semaphore_mem>>
      tpu.enqueue_indirect_dma source(%dma_start3A_194 : memref<10000x64xf32, #tpu.memory_space<hbm>>) target(%dma_start3A_188 : memref<512x64xf32, #tpu.memory_space<vmem>>) offsets(%dma_start3A_191 : memref<512xi32, #tpu.memory_space<vmem>>) semaphore(%dma_start3A_196 : memref<!tpu.dma_semaphore, #tpu.memory_space<semaphore_mem>>)
    }
    %scan3A_38 = arith.constant 10 : i32
    %dma_wait3A = arith.constant 0 : i32
    %dma_wait3A_39 = arith.constant 0 : i32
    %dma_wait3A_40 = arith.constant 0 : i32
    %dma_wait3A_41 = arith.constant 0 : i32
    %dma_wait3A_42 = arith.constant 0 : i32
    %dma_wait3A_43 = tpu.memref_slice %arg9[%dma_wait3A_39, %dma_wait3A_41, %dma_wait3A_42] : memref<2x512x64xf32, #tpu.memory_space<vmem>> -> memref<1x512x64xf32, #tpu.memory_space<vmem>>
    %dma_wait3A_44 = tpu.memref_squeeze %dma_wait3A_43 : memref<1x512x64xf32, #tpu.memory_space<vmem>> -> memref<512x64xf32, #tpu.memory_space<vmem>>
    %dma_wait3A_45 = arith.constant 0 : i32
    %dma_wait3A_46 = tpu.memref_slice %arg7[%dma_wait3A, %dma_wait3A_45] : memref<20x512xi32, #tpu.memory_space<vmem>> -> memref<1x512xi32, #tpu.memory_space<vmem>>
    %dma_wait3A_47 = tpu.memref_squeeze %dma_wait3A_46 : memref<1x512xi32, #tpu.memory_space<vmem>> -> memref<512xi32, #tpu.memory_space<vmem>>
    %dma_wait3A_48 = arith.constant 0 : i32
    %dma_wait3A_49 = arith.constant 0 : i32
    %dma_wait3A_50 = tpu.memref_slice %arg2[%dma_wait3A_48, %dma_wait3A_49] : memref<10000x64xf32, #tpu.memory_space<hbm>> -> memref<10000x64xf32, #tpu.memory_space<hbm>>
    %dma_wait3A_51 = tpu.memref_slice %arg11[%dma_wait3A_40] : memref<2x!tpu.dma_semaphore, #tpu.memory_space<semaphore_mem>> -> memref<1x!tpu.dma_semaphore, #tpu.memory_space<semaphore_mem>>
    %dma_wait3A_52 = tpu.memref_squeeze %dma_wait3A_51 : memref<1x!tpu.dma_semaphore, #tpu.memory_space<semaphore_mem>> -> memref<!tpu.dma_semaphore, #tpu.memory_space<semaphore_mem>>
    tpu.wait_indirect_dma semaphore(%dma_wait3A_52 : memref<!tpu.dma_semaphore, #tpu.memory_space<semaphore_mem>>) src(%dma_wait3A_50 : memref<10000x64xf32, #tpu.memory_space<hbm>>) dst(%dma_wait3A_44 : memref<512x64xf32, #tpu.memory_space<vmem>>)
    %dma_wait3A_53 = arith.constant 1 : i32
    %dma_wait3A_54 = arith.constant 1 : i32
    %dma_wait3A_55 = arith.constant 1 : i32
    %dma_wait3A_56 = arith.constant 0 : i32
    %dma_wait3A_57 = arith.constant 0 : i32
    %dma_wait3A_58 = tpu.memref_slice %arg9[%dma_wait3A_54, %dma_wait3A_56, %dma_wait3A_57] : memref<2x512x64xf32, #tpu.memory_space<vmem>> -> memref<1x512x64xf32, #tpu.memory_space<vmem>>
    %dma_wait3A_59 = tpu.memref_squeeze %dma_wait3A_58 : memref<1x512x64xf32, #tpu.memory_space<vmem>> -> memref<512x64xf32, #tpu.memory_space<vmem>>
    %dma_wait3A_60 = arith.constant 0 : i32
    %dma_wait3A_61 = tpu.memref_slice %arg7[%dma_wait3A_53, %dma_wait3A_60] : memref<20x512xi32, #tpu.memory_space<vmem>> -> memref<1x512xi32, #tpu.memory_space<vmem>>
    %dma_wait3A_62 = tpu.memref_squeeze %dma_wait3A_61 : memref<1x512xi32, #tpu.memory_space<vmem>> -> memref<512xi32, #tpu.memory_space<vmem>>
    %dma_wait3A_63 = arith.constant 0 : i32
    %dma_wait3A_64 = arith.constant 0 : i32
    %dma_wait3A_65 = tpu.memref_slice %arg2[%dma_wait3A_63, %dma_wait3A_64] : memref<10000x64xf32, #tpu.memory_space<hbm>> -> memref<10000x64xf32, #tpu.memory_space<hbm>>
    %dma_wait3A_66 = tpu.memref_slice %arg11[%dma_wait3A_55] : memref<2x!tpu.dma_semaphore, #tpu.memory_space<semaphore_mem>> -> memref<1x!tpu.dma_semaphore, #tpu.memory_space<semaphore_mem>>
    %dma_wait3A_67 = tpu.memref_squeeze %dma_wait3A_66 : memref<1x!tpu.dma_semaphore, #tpu.memory_space<semaphore_mem>> -> memref<!tpu.dma_semaphore, #tpu.memory_space<semaphore_mem>>
    tpu.wait_indirect_dma semaphore(%dma_wait3A_67 : memref<!tpu.dma_semaphore, #tpu.memory_space<semaphore_mem>>) src(%dma_wait3A_65 : memref<10000x64xf32, #tpu.memory_space<hbm>>) dst(%dma_wait3A_59 : memref<512x64xf32, #tpu.memory_space<vmem>>)
    %barrier3A_68 = arith.constant 0 : index
    tpu.barrier barrier_id(%barrier3A_68)
    "tpu.region"() ({
      %run_scoped3A = tpu.sem_alloc : memref<!tpu.dma_semaphore, #tpu.memory_space<semaphore_mem>>
      %dma_start3A_69 = arith.constant 0 : i32
      %dma_start3A_70 = tpu.memref_slice %arg6[%arg0, %multiple_of3A, %dma_start3A_69] : memref<2x10112x64xf32, #tpu.memory_space<hbm>> -> memref<1x632x64xf32, #tpu.memory_space<hbm>>
      %dma_start3A_71 = tpu.memref_squeeze %dma_start3A_70 : memref<1x632x64xf32, #tpu.memory_space<hbm>> -> memref<632x64xf32, #tpu.memory_space<hbm>>
      %dma_start3A_72 = arith.constant 0 : i32
      %dma_start3A_73 = tpu.memref_slice %arg10[%multiple_of3A, %dma_start3A_72] : memref<10112x64xf32, #tpu.memory_space<vmem_shared>> -> memref<632x64xf32, #tpu.memory_space<vmem_shared>>
      tpu.enqueue_dma source(%dma_start3A_73 : memref<632x64xf32, #tpu.memory_space<vmem_shared>>) target(%dma_start3A_71 : memref<632x64xf32, #tpu.memory_space<hbm>>) target_semaphore(%run_scoped3A : memref<!tpu.dma_semaphore, #tpu.memory_space<semaphore_mem>>)
      %dma_wait3A_74 = arith.constant 0 : i32
      %dma_wait3A_75 = tpu.memref_slice %arg6[%arg0, %multiple_of3A, %dma_wait3A_74] : memref<2x10112x64xf32, #tpu.memory_space<hbm>> -> memref<1x632x64xf32, #tpu.memory_space<hbm>>
      %dma_wait3A_76 = tpu.memref_squeeze %dma_wait3A_75 : memref<1x632x64xf32, #tpu.memory_space<hbm>> -> memref<632x64xf32, #tpu.memory_space<hbm>>
      %dma_wait3A_77 = arith.constant 0 : i32
      %dma_wait3A_78 = tpu.memref_slice %arg10[%multiple_of3A, %dma_wait3A_77] : memref<10112x64xf32, #tpu.memory_space<vmem_shared>> -> memref<632x64xf32, #tpu.memory_space<vmem_shared>>
      tpu.wait_dma2 semaphore(%run_scoped3A : memref<!tpu.dma_semaphore, #tpu.memory_space<semaphore_mem>>) src(%dma_wait3A_78 : memref<632x64xf32, #tpu.memory_space<vmem_shared>>) dst(%dma_wait3A_76 : memref<632x64xf32, #tpu.memory_space<hbm>>)
      tpu.yield
    }) : () -> ()
    return
  }
}

module attributes {stable_mosaic.version = 14 : i64} {
  func.func @_tc0_body(%arg0: i32, %arg1: memref<1000x128xf32, #tpu.memory_space<vmem>>, %arg2: memref<128x64xf32, #tpu.memory_space<vmem>>, %arg3: memref<1x64xf32, #tpu.memory_space<vmem>>, %arg4: memref<1000x64xf32, #tpu.memory_space<vmem>>) attributes {dimension_semantics = [#tpu.dimension_semantics<arbitrary>], iteration_bounds = array<i64: 10>, scalar_prefetch = 0 : i64, scratch_operands = 0 : i64, tpu.core_type = #tpu.core_type<tc>, window_params = [{transform_indices = @transform_0, window_bounds = array<i64: 1000, 128>}, {pipeline_mode = #tpu.pipeline_mode<synchronous>, transform_indices = @transform_1, window_bounds = array<i64: 128, 64>}, {pipeline_mode = #tpu.pipeline_mode<synchronous>, transform_indices = @transform_2, window_bounds = array<i64: 1, 64>}, {transform_indices = @transform_3, window_bounds = array<i64: 1000, 64>}]} {
    %get3A = arith.constant 0 : index
    %get3A_0 = arith.constant 0 : index
    %get3A_1 = vector.load %arg1[%get3A, %get3A_0] : memref<1000x128xf32, #tpu.memory_space<vmem>>, vector<1000x128xf32>
    %get3A_2 = arith.constant 0 : index
    %get3A_3 = arith.constant 0 : index
    %get3A_4 = vector.load %arg2[%get3A_2, %get3A_3] : memref<128x64xf32, #tpu.memory_space<vmem>>, vector<128x64xf32>
    %dot_general3A = arith.constant dense<0.000000e+00> : vector<1000x64xf32>
    %dot_general3A_5 = tpu.matmul %get3A_1, %get3A_4, %dot_general3A {dimension_numbers = #tpu.dot_dimension_numbers<[1], [0], [0], [1], [0, 0, 1, 1], [], []>, transpose_lhs_hint = false} : vector<1000x128xf32>, vector<128x64xf32>, vector<1000x64xf32> -> vector<1000x64xf32>
    %get3A_6 = arith.constant 0 : index
    %get3A_7 = arith.constant 0 : index
    %get3A_8 = vector.load %arg3[%get3A_6, %get3A_7] : memref<1x64xf32, #tpu.memory_space<vmem>>, vector<1x64xf32>
    %add3A = vector.broadcast %get3A_8 : vector<1x64xf32> to vector<1000x64xf32>
    %add3A_9 = arith.addf %dot_general3A_5, %add3A : vector<1000x64xf32>
    %max3A = arith.constant 0.000000e+00 : f32
    %max3A_10 = vector.broadcast %max3A : f32 to vector<1000x64xf32>
    %max3A_11 = arith.maximumf %add3A_9, %max3A_10 : vector<1000x64xf32>
    %swap3A = arith.constant 0 : index
    %swap3A_12 = arith.constant 0 : index
    %swap3A_13 = vector.load %arg4[%swap3A, %swap3A_12] : memref<1000x64xf32, #tpu.memory_space<vmem>>, vector<1000x64xf32>
    tpu.vector_store %arg4[%swap3A, %swap3A_12], %max3A_11 {strides = array<i32>} : memref<1000x64xf32, #tpu.memory_space<vmem>>, vector<1000x64xf32>,
    return
  }
  func.func @transform_0(%arg0: i32) -> (i32, i32) {
    %c0_i32 = arith.constant 0 : i32
    %c0_i32_0 = arith.constant 0 : i32
    return %arg0, %c0_i32 : i32, i32
  }
  func.func @transform_1(%arg0: i32) -> (i32, i32) {
    %c0_i32 = arith.constant 0 : i32
    %c0_i32_0 = arith.constant 0 : i32
    %c0_i32_1 = arith.constant 0 : i32
    return %c0_i32, %c0_i32_0 : i32, i32
  }
  func.func @transform_2(%arg0: i32) -> (i32, i32) {
    %c0_i32 = arith.constant 0 : i32
    %c0_i32_0 = arith.constant 0 : i32
    %c0_i32_1 = arith.constant 0 : i32
    return %c0_i32, %c0_i32_0 : i32, i32
  }
  func.func @transform_3(%arg0: i32) -> (i32, i32) {
    %c0_i32 = arith.constant 0 : i32
    %c0_i32_0 = arith.constant 0 : i32
    return %arg0, %c0_i32 : i32, i32
  }
}

module attributes {stable_mosaic.version = 14 : i64} {
  func.func @_tc1_body(%arg0: i32, %arg1: memref<1000x64xf32, #tpu.memory_space<vmem>>, %arg2: memref<1000x16xf32, #tpu.memory_space<vmem>>, %arg3: memref<1000x16xf32, #tpu.memory_space<vmem>>, %arg4: memref<64x64xf32, #tpu.memory_space<vmem>>, %arg5: memref<1000x64xf32, #tpu.memory_space<vmem>>, %arg6: memref<1000x1xf32, #tpu.memory_space<vmem>>) attributes {dimension_semantics = [#tpu.dimension_semantics<arbitrary>], iteration_bounds = array<i64: 10>, scalar_prefetch = 0 : i64, scratch_operands = 0 : i64, tpu.core_type = #tpu.core_type<tc>, window_params = [{transform_indices = @transform_0, window_bounds = array<i64: 1000, 64>}, {transform_indices = @transform_1, window_bounds = array<i64: 1000, 16>}, {transform_indices = @transform_2, window_bounds = array<i64: 1000, 16>}, {pipeline_mode = #tpu.pipeline_mode<synchronous>, transform_indices = @transform_3, window_bounds = array<i64: 64, 64>}, {transform_indices = @transform_4, window_bounds = array<i64: 1000, 64>}, {transform_indices = @transform_5, window_bounds = array<i64: 1000, 1>}]} {
    %get3A = arith.constant 0 : index
    %get3A_0 = arith.constant 0 : index
    %get3A_1 = vector.load %arg2[%get3A, %get3A_0] : memref<1000x16xf32, #tpu.memory_space<vmem>>, vector<1000x1xf32>
    %get3A_2 = arith.constant 0 : index
    %get3A_3 = arith.constant 0 : index
    %get3A_4 = vector.load %arg3[%get3A_2, %get3A_3] : memref<1000x16xf32, #tpu.memory_space<vmem>>, vector<1000x1xf32>
    %add3A = arith.addf %get3A_1, %get3A_4 : vector<1000x1xf32>
    %add3A_5 = arith.constant 1.000000e+00 : f32
    %add3A_6 = vector.broadcast %add3A_5 : f32 to vector<1000x1xf32>
    %add3A_7 = arith.addf %add3A, %add3A_6 : vector<1000x1xf32>
    %rsqrt3A = math.rsqrt %add3A_7 : vector<1000x1xf32>
    %swap3A = arith.constant 0 : index
    %swap3A_8 = arith.constant 0 : index
    %swap3A_9 = vector.load %arg6[%swap3A, %swap3A_8] : memref<1000x1xf32, #tpu.memory_space<vmem>>, vector<1000x1xf32>
    tpu.vector_store %arg6[%swap3A, %swap3A_8], %rsqrt3A {strides = array<i32>} : memref<1000x1xf32, #tpu.memory_space<vmem>>, vector<1000x1xf32>,
    %get3A_10 = arith.constant 0 : index
    %get3A_11 = arith.constant 0 : index
    %get3A_12 = vector.load %arg1[%get3A_10, %get3A_11] : memref<1000x64xf32, #tpu.memory_space<vmem>>, vector<1000x64xf32>
    %get3A_13 = arith.constant 0 : index
    %get3A_14 = arith.constant 0 : index
    %get3A_15 = vector.load %arg4[%get3A_13, %get3A_14] : memref<64x64xf32, #tpu.memory_space<vmem>>, vector<64x64xf32>
    %dot_general3A = arith.constant dense<0.000000e+00> : vector<1000x64xf32>
    %dot_general3A_16 = tpu.matmul %get3A_12, %get3A_15, %dot_general3A {dimension_numbers = #tpu.dot_dimension_numbers<[1], [0], [0], [1], [0, 0, 1, 1], [], []>, transpose_lhs_hint = false} : vector<1000x64xf32>, vector<64x64xf32>, vector<1000x64xf32> -> vector<1000x64xf32>
    %mul3A = vector.broadcast %rsqrt3A : vector<1000x1xf32> to vector<1000x64xf32>
    %mul3A_17 = arith.mulf %mul3A, %dot_general3A_16 : vector<1000x64xf32>
    %swap3A_18 = arith.constant 0 : index
    %swap3A_19 = arith.constant 0 : index
    %swap3A_20 = vector.load %arg5[%swap3A_18, %swap3A_19] : memref<1000x64xf32, #tpu.memory_space<vmem>>, vector<1000x64xf32>
    tpu.vector_store %arg5[%swap3A_18, %swap3A_19], %mul3A_17 {strides = array<i32>} : memref<1000x64xf32, #tpu.memory_space<vmem>>, vector<1000x64xf32>,
    return
  }
  func.func @transform_0(%arg0: i32) -> (i32, i32) {
    %c0_i32 = arith.constant 0 : i32
    %c0_i32_0 = arith.constant 0 : i32
    return %arg0, %c0_i32 : i32, i32
  }
  func.func @transform_1(%arg0: i32) -> (i32, i32) {
    %c0_i32 = arith.constant 0 : i32
    %c0_i32_0 = arith.constant 0 : i32
    return %arg0, %c0_i32 : i32, i32
  }
  func.func @transform_2(%arg0: i32) -> (i32, i32) {
    %c0_i32 = arith.constant 0 : i32
    %c0_i32_0 = arith.constant 0 : i32
    return %arg0, %c0_i32 : i32, i32
  }
  func.func @transform_3(%arg0: i32) -> (i32, i32) {
    %c0_i32 = arith.constant 0 : i32
    %c0_i32_0 = arith.constant 0 : i32
    %c0_i32_1 = arith.constant 0 : i32
    return %c0_i32, %c0_i32_0 : i32, i32
  }
  func.func @transform_4(%arg0: i32) -> (i32, i32) {
    %c0_i32 = arith.constant 0 : i32
    %c0_i32_0 = arith.constant 0 : i32
    return %arg0, %c0_i32 : i32, i32
  }
  func.func @transform_5(%arg0: i32) -> (i32, i32) {
    %c0_i32 = arith.constant 0 : i32
    %c0_i32_0 = arith.constant 0 : i32
    return %arg0, %c0_i32 : i32, i32
  }
}

module attributes {stable_mosaic.version = 14 : i64} {
  func.func @_tc2_body(%arg0: i32, %arg1: memref<1000x64xf32, #tpu.memory_space<vmem>>, %arg2: memref<1000x64xf32, #tpu.memory_space<vmem>>, %arg3: memref<1000x64xf32, #tpu.memory_space<vmem>>, %arg4: memref<1000x1xf32, #tpu.memory_space<vmem>>, %arg5: memref<64x64xf32, #tpu.memory_space<vmem>>, %arg6: memref<1x64xf32, #tpu.memory_space<vmem>>, %arg7: memref<1000x64xf32, #tpu.memory_space<vmem>>) attributes {dimension_semantics = [#tpu.dimension_semantics<arbitrary>], iteration_bounds = array<i64: 10>, scalar_prefetch = 0 : i64, scratch_operands = 0 : i64, tpu.core_type = #tpu.core_type<tc>, window_params = [{transform_indices = @transform_0, window_bounds = array<i64: 1000, 64>}, {transform_indices = @transform_1, window_bounds = array<i64: 1000, 64>}, {transform_indices = @transform_2, window_bounds = array<i64: 1000, 64>}, {transform_indices = @transform_3, window_bounds = array<i64: 1000, 1>}, {pipeline_mode = #tpu.pipeline_mode<synchronous>, transform_indices = @transform_4, window_bounds = array<i64: 64, 64>}, {pipeline_mode = #tpu.pipeline_mode<synchronous>, transform_indices = @transform_5, window_bounds = array<i64: 1, 64>}, {transform_indices = @transform_6, window_bounds = array<i64: 1000, 64>}]} {
    %get3A = arith.constant 0 : index
    %get3A_0 = arith.constant 0 : index
    %get3A_1 = vector.load %arg4[%get3A, %get3A_0] : memref<1000x1xf32, #tpu.memory_space<vmem>>, vector<1000x1xf32>
    %get3A_2 = arith.constant 0 : index
    %get3A_3 = arith.constant 0 : index
    %get3A_4 = vector.load %arg1[%get3A_2, %get3A_3] : memref<1000x64xf32, #tpu.memory_space<vmem>>, vector<1000x64xf32>
    %get3A_5 = arith.constant 0 : index
    %get3A_6 = arith.constant 0 : index
    %get3A_7 = vector.load %arg2[%get3A_5, %get3A_6] : memref<1000x64xf32, #tpu.memory_space<vmem>>, vector<1000x64xf32>
    %add3A = arith.addf %get3A_4, %get3A_7 : vector<1000x64xf32>
    %get3A_8 = arith.constant 0 : index
    %get3A_9 = arith.constant 0 : index
    %get3A_10 = vector.load %arg3[%get3A_8, %get3A_9] : memref<1000x64xf32, #tpu.memory_space<vmem>>, vector<1000x64xf32>
    %add3A_11 = arith.addf %add3A, %get3A_10 : vector<1000x64xf32>
    %mul3A = vector.broadcast %get3A_1 : vector<1000x1xf32> to vector<1000x64xf32>
    %mul3A_12 = arith.mulf %mul3A, %add3A_11 : vector<1000x64xf32>
    %get3A_13 = arith.constant 0 : index
    %get3A_14 = arith.constant 0 : index
    %get3A_15 = vector.load %arg6[%get3A_13, %get3A_14] : memref<1x64xf32, #tpu.memory_space<vmem>>, vector<1x64xf32>
    %add3A_16 = vector.broadcast %get3A_15 : vector<1x64xf32> to vector<1000x64xf32>
    %add3A_17 = arith.addf %mul3A_12, %add3A_16 : vector<1000x64xf32>
    %max3A = arith.constant 0.000000e+00 : f32
    %max3A_18 = vector.broadcast %max3A : f32 to vector<1000x64xf32>
    %max3A_19 = arith.maximumf %add3A_17, %max3A_18 : vector<1000x64xf32>
    %get3A_20 = arith.constant 0 : index
    %get3A_21 = arith.constant 0 : index
    %get3A_22 = vector.load %arg5[%get3A_20, %get3A_21] : memref<64x64xf32, #tpu.memory_space<vmem>>, vector<64x64xf32>
    %dot_general3A = arith.constant dense<0.000000e+00> : vector<1000x64xf32>
    %dot_general3A_23 = tpu.matmul %max3A_19, %get3A_22, %dot_general3A {dimension_numbers = #tpu.dot_dimension_numbers<[1], [0], [0], [1], [0, 0, 1, 1], [], []>, transpose_lhs_hint = false} : vector<1000x64xf32>, vector<64x64xf32>, vector<1000x64xf32> -> vector<1000x64xf32>
    %mul3A_24 = vector.broadcast %get3A_1 : vector<1000x1xf32> to vector<1000x64xf32>
    %mul3A_25 = arith.mulf %mul3A_24, %dot_general3A_23 : vector<1000x64xf32>
    %swap3A = arith.constant 0 : index
    %swap3A_26 = arith.constant 0 : index
    %swap3A_27 = vector.load %arg7[%swap3A, %swap3A_26] : memref<1000x64xf32, #tpu.memory_space<vmem>>, vector<1000x64xf32>
    tpu.vector_store %arg7[%swap3A, %swap3A_26], %mul3A_25 {strides = array<i32>} : memref<1000x64xf32, #tpu.memory_space<vmem>>, vector<1000x64xf32>,
    return
  }
  func.func @transform_0(%arg0: i32) -> (i32, i32) {
    %c0_i32 = arith.constant 0 : i32
    %c0_i32_0 = arith.constant 0 : i32
    return %arg0, %c0_i32 : i32, i32
  }
  func.func @transform_1(%arg0: i32) -> (i32, i32) {
    %c0_i32 = arith.constant 0 : i32
    %c0_i32_0 = arith.constant 0 : i32
    return %arg0, %c0_i32 : i32, i32
  }
  func.func @transform_2(%arg0: i32) -> (i32, i32) {
    %c0_i32 = arith.constant 0 : i32
    %c0_i32_0 = arith.constant 0 : i32
    return %arg0, %c0_i32 : i32, i32
  }
  func.func @transform_3(%arg0: i32) -> (i32, i32) {
    %c0_i32 = arith.constant 0 : i32
    %c0_i32_0 = arith.constant 0 : i32
    return %arg0, %c0_i32 : i32, i32
  }
  func.func @transform_4(%arg0: i32) -> (i32, i32) {
    %c0_i32 = arith.constant 0 : i32
    %c0_i32_0 = arith.constant 0 : i32
    %c0_i32_1 = arith.constant 0 : i32
    return %c0_i32, %c0_i32_0 : i32, i32
  }
  func.func @transform_5(%arg0: i32) -> (i32, i32) {
    %c0_i32 = arith.constant 0 : i32
    %c0_i32_0 = arith.constant 0 : i32
    %c0_i32_1 = arith.constant 0 : i32
    return %c0_i32, %c0_i32_0 : i32, i32
  }
  func.func @transform_6(%arg0: i32) -> (i32, i32) {
    %c0_i32 = arith.constant 0 : i32
    %c0_i32_0 = arith.constant 0 : i32
    return %arg0, %c0_i32 : i32, i32
  }
}

module attributes {stable_mosaic.version = 14 : i64} {
  func.func @_tc4_body(%arg0: i32, %arg1: memref<1000x64xf32, #tpu.memory_space<vmem>>, %arg2: memref<1000x64xf32, #tpu.memory_space<vmem>>, %arg3: memref<1000x64xf32, #tpu.memory_space<vmem>>, %arg4: memref<1000x1xf32, #tpu.memory_space<vmem>>, %arg5: memref<1x64xf32, #tpu.memory_space<vmem>>, %arg6: memref<1x1x1000xi32, #tpu.memory_space<vmem>>, %arg7: memref<64x32xf32, #tpu.memory_space<vmem>>, %arg8: memref<1x32xf32, #tpu.memory_space<vmem>>, %arg9: memref<16x32xf32, #tpu.memory_space<vmem>>, %arg10: memref<16x64xf32, #tpu.memory_space<vmem>>, %arg11: memref<16x1xf32, #tpu.memory_space<vmem>>) attributes {dimension_semantics = [#tpu.dimension_semantics<arbitrary>], iteration_bounds = array<i64: 10>, scalar_prefetch = 0 : i64, scratch_operands = 2 : i64, tpu.core_type = #tpu.core_type<tc>, window_params = [{transform_indices = @transform_0, window_bounds = array<i64: 1000, 64>}, {transform_indices = @transform_1, window_bounds = array<i64: 1000, 64>}, {transform_indices = @transform_2, window_bounds = array<i64: 1000, 64>}, {transform_indices = @transform_3, window_bounds = array<i64: 1000, 1>}, {pipeline_mode = #tpu.pipeline_mode<synchronous>, transform_indices = @transform_4, window_bounds = array<i64: 1, 64>}, {transform_indices = @transform_5, window_bounds = array<i64: 1, 1, 1000>}, {pipeline_mode = #tpu.pipeline_mode<synchronous>, transform_indices = @transform_6, window_bounds = array<i64: 64, 32>}, {pipeline_mode = #tpu.pipeline_mode<synchronous>, transform_indices = @transform_7, window_bounds = array<i64: 1, 32>}, {pipeline_mode = #tpu.pipeline_mode<synchronous>, transform_indices = @transform_8, window_bounds = array<i64: 16, 32>}]} {
    %eq3A = arith.constant 0 : i32
    %eq3A_0 = arith.cmpi eq, %arg0, %eq3A : i32
    %convert_element_type3A = arith.extui %eq3A_0 : i1 to i32
    %cond3A = arith.constant 0 : i32
    %cond3A_1 = arith.cmpi ne, %convert_element_type3A, %cond3A : i32
    scf.if %cond3A_1 {
      %broadcast_in_dim3A_51 = arith.constant 0.000000e+00 : f32
      %broadcast_in_dim3A_52 = vector.broadcast %broadcast_in_dim3A_51 : f32 to vector<16x64xf32>
      %swap3A_53 = arith.constant 0 : index
      %swap3A_54 = arith.constant 0 : index
      %swap3A_55 = vector.load %arg10[%swap3A_53, %swap3A_54] : memref<16x64xf32, #tpu.memory_space<vmem>>, vector<16x64xf32>
      tpu.vector_store %arg10[%swap3A_53, %swap3A_54], %broadcast_in_dim3A_52 {strides = array<i32>} : memref<16x64xf32, #tpu.memory_space<vmem>>, vector<16x64xf32>,
      %broadcast_in_dim3A_56 = arith.constant 0.000000e+00 : f32
      %broadcast_in_dim3A_57 = vector.broadcast %broadcast_in_dim3A_56 : f32 to vector<16x1xf32>
      %swap3A_58 = arith.constant 0 : index
      %swap3A_59 = arith.constant 0 : index
      %swap3A_60 = vector.load %arg11[%swap3A_58, %swap3A_59] : memref<16x1xf32, #tpu.memory_space<vmem>>, vector<16x1xf32>
      tpu.vector_store %arg11[%swap3A_58, %swap3A_59], %broadcast_in_dim3A_57 {strides = array<i32>} : memref<16x1xf32, #tpu.memory_space<vmem>>, vector<16x1xf32>,
    } else {
    }
    %get3A = arith.constant 0 : index
    %get3A_2 = arith.constant 0 : index
    %get3A_3 = vector.load %arg4[%get3A, %get3A_2] : memref<1000x1xf32, #tpu.memory_space<vmem>>, vector<1000x1xf32>
    %get3A_4 = arith.constant 0 : index
    %get3A_5 = arith.constant 0 : index
    %get3A_6 = vector.load %arg1[%get3A_4, %get3A_5] : memref<1000x64xf32, #tpu.memory_space<vmem>>, vector<1000x64xf32>
    %get3A_7 = arith.constant 0 : index
    %get3A_8 = arith.constant 0 : index
    %get3A_9 = vector.load %arg2[%get3A_7, %get3A_8] : memref<1000x64xf32, #tpu.memory_space<vmem>>, vector<1000x64xf32>
    %add3A = arith.addf %get3A_6, %get3A_9 : vector<1000x64xf32>
    %get3A_10 = arith.constant 0 : index
    %get3A_11 = arith.constant 0 : index
    %get3A_12 = vector.load %arg3[%get3A_10, %get3A_11] : memref<1000x64xf32, #tpu.memory_space<vmem>>, vector<1000x64xf32>
    %add3A_13 = arith.addf %add3A, %get3A_12 : vector<1000x64xf32>
    %mul3A = vector.broadcast %get3A_3 : vector<1000x1xf32> to vector<1000x64xf32>
    %mul3A_14 = arith.mulf %mul3A, %add3A_13 : vector<1000x64xf32>
    %get3A_15 = arith.constant 0 : index
    %get3A_16 = arith.constant 0 : index
    %get3A_17 = vector.load %arg5[%get3A_15, %get3A_16] : memref<1x64xf32, #tpu.memory_space<vmem>>, vector<1x64xf32>
    %add3A_18 = vector.broadcast %get3A_17 : vector<1x64xf32> to vector<1000x64xf32>
    %add3A_19 = arith.addf %mul3A_14, %add3A_18 : vector<1000x64xf32>
    %max3A = arith.constant 0.000000e+00 : f32
    %max3A_20 = vector.broadcast %max3A : f32 to vector<1000x64xf32>
    %max3A_21 = arith.maximumf %add3A_19, %max3A_20 : vector<1000x64xf32>
    %iota3A = tpu.iota {dimensions = array<i32: 0>} : vector<16x1000xi32>
    %get3A_22 = arith.constant 0 : index
    %get3A_23 = arith.constant 0 : index
    %get3A_24 = arith.constant 0 : index
    %get3A_25 = vector.load %arg6[%get3A_22, %get3A_23, %get3A_24] : memref<1x1x1000xi32, #tpu.memory_space<vmem>>, vector<1x1x1000xi32>
    %get3A_26 = vector.shape_cast %get3A_25 : vector<1x1x1000xi32> to vector<1x1000xi32>
    %eq3A_27 = vector.broadcast %get3A_26 : vector<1x1000xi32> to vector<16x1000xi32>
    %eq3A_28 = arith.cmpi eq, %iota3A, %eq3A_27 : vector<16x1000xi32>
    %convert_element_type3A_29 = arith.extui %eq3A_28 : vector<16x1000xi1> to vector<16x1000xi32>
    %convert_element_type3A_30 = arith.sitofp %convert_element_type3A_29 : vector<16x1000xi32> to vector<16x1000xf32>
    %get3A_31 = arith.constant 0 : index
    %get3A_32 = arith.constant 0 : index
    %get3A_33 = vector.load %arg10[%get3A_31, %get3A_32] : memref<16x64xf32, #tpu.memory_space<vmem>>, vector<16x64xf32>
    %dot_general3A = arith.constant dense<0.000000e+00> : vector<16x64xf32>
    %dot_general3A_34 = tpu.matmul %convert_element_type3A_30, %max3A_21, %dot_general3A {dimension_numbers = #tpu.dot_dimension_numbers<[1], [0], [0], [1], [0, 0, 1, 1], [], []>, transpose_lhs_hint = false} : vector<16x1000xf32>, vector<1000x64xf32>, vector<16x64xf32> -> vector<16x64xf32>
    %add3A_35 = arith.addf %get3A_33, %dot_general3A_34 : vector<16x64xf32>
    %swap3A = arith.constant 0 : index
    %swap3A_36 = arith.constant 0 : index
    %swap3A_37 = vector.load %arg10[%swap3A, %swap3A_36] : memref<16x64xf32, #tpu.memory_space<vmem>>, vector<16x64xf32>
    tpu.vector_store %arg10[%swap3A, %swap3A_36], %add3A_35 {strides = array<i32>} : memref<16x64xf32, #tpu.memory_space<vmem>>, vector<16x64xf32>,
    %get3A_38 = arith.constant 0 : index
    %get3A_39 = arith.constant 0 : index
    %get3A_40 = vector.load %arg11[%get3A_38, %get3A_39] : memref<16x1xf32, #tpu.memory_space<vmem>>, vector<16x1xf32>
    %reduce_sum3A = arith.constant dense<0.000000e+00> : vector<16xf32>
    %reduce_sum3A_41 = vector.multi_reduction <add>, %convert_element_type3A_30, %reduce_sum3A [1] : vector<16x1000xf32> to vector<16xf32>
    %broadcast_in_dim3A = vector.shape_cast %reduce_sum3A_41 : vector<16xf32> to vector<16x1xf32>
    %add3A_42 = arith.addf %get3A_40, %broadcast_in_dim3A : vector<16x1xf32>
    %swap3A_43 = arith.constant 0 : index
    %swap3A_44 = arith.constant 0 : index
    %swap3A_45 = vector.load %arg11[%swap3A_43, %swap3A_44] : memref<16x1xf32, #tpu.memory_space<vmem>>, vector<16x1xf32>
    tpu.vector_store %arg11[%swap3A_43, %swap3A_44], %add3A_42 {strides = array<i32>} : memref<16x1xf32, #tpu.memory_space<vmem>>, vector<16x1xf32>,
    %eq3A_46 = arith.constant 9 : i32
    %eq3A_47 = arith.cmpi eq, %arg0, %eq3A_46 : i32
    %convert_element_type3A_48 = arith.extui %eq3A_47 : i1 to i32
    %cond3A_49 = arith.constant 0 : i32
    %cond3A_50 = arith.cmpi ne, %convert_element_type3A_48, %cond3A_49 : i32
    scf.if %cond3A_50 {
      %get3A_51 = arith.constant 0 : index
      %get3A_52 = arith.constant 0 : index
      %get3A_53 = vector.load %arg10[%get3A_51, %get3A_52] : memref<16x64xf32, #tpu.memory_space<vmem>>, vector<16x64xf32>
      %get3A_54 = arith.constant 0 : index
      %get3A_55 = arith.constant 0 : index
      %get3A_56 = vector.load %arg11[%get3A_54, %get3A_55] : memref<16x1xf32, #tpu.memory_space<vmem>>, vector<16x1xf32>
      %max3A_57 = arith.constant 1.000000e+00 : f32
      %max3A_58 = vector.broadcast %max3A_57 : f32 to vector<16x1xf32>
      %max3A_59 = arith.maximumf %get3A_56, %max3A_58 : vector<16x1xf32>
      %div3A = vector.broadcast %max3A_59 : vector<16x1xf32> to vector<16x64xf32>
      %div3A_60 = arith.divf %get3A_53, %div3A : vector<16x64xf32>
      %get3A_61 = arith.constant 0 : index
      %get3A_62 = arith.constant 0 : index
      %get3A_63 = vector.load %arg7[%get3A_61, %get3A_62] : memref<64x32xf32, #tpu.memory_space<vmem>>, vector<64x32xf32>
      %dot_general3A_64 = arith.constant dense<0.000000e+00> : vector<16x32xf32>
      %dot_general3A_65 = tpu.matmul %div3A_60, %get3A_63, %dot_general3A_64 {dimension_numbers = #tpu.dot_dimension_numbers<[1], [0], [0], [1], [0, 0, 1, 1], [], []>, transpose_lhs_hint = false} : vector<16x64xf32>, vector<64x32xf32>, vector<16x32xf32> -> vector<16x32xf32>
      %get3A_66 = arith.constant 0 : index
      %get3A_67 = arith.constant 0 : index
      %get3A_68 = vector.load %arg8[%get3A_66, %get3A_67] : memref<1x32xf32, #tpu.memory_space<vmem>>, vector<1x32xf32>
      %add3A_69 = vector.broadcast %get3A_68 : vector<1x32xf32> to vector<16x32xf32>
      %add3A_70 = arith.addf %dot_general3A_65, %add3A_69 : vector<16x32xf32>
      %swap3A_71 = arith.constant 0 : index
      %swap3A_72 = arith.constant 0 : index
      %swap3A_73 = vector.load %arg9[%swap3A_71, %swap3A_72] : memref<16x32xf32, #tpu.memory_space<vmem>>, vector<16x32xf32>
      tpu.vector_store %arg9[%swap3A_71, %swap3A_72], %add3A_70 {strides = array<i32>} : memref<16x32xf32, #tpu.memory_space<vmem>>, vector<16x32xf32>,
    } else {
    }
    return
  }
  func.func @transform_0(%arg0: i32) -> (i32, i32) {
    %c0_i32 = arith.constant 0 : i32
    %c0_i32_0 = arith.constant 0 : i32
    return %arg0, %c0_i32 : i32, i32
  }
  func.func @transform_1(%arg0: i32) -> (i32, i32) {
    %c0_i32 = arith.constant 0 : i32
    %c0_i32_0 = arith.constant 0 : i32
    return %arg0, %c0_i32 : i32, i32
  }
  func.func @transform_2(%arg0: i32) -> (i32, i32) {
    %c0_i32 = arith.constant 0 : i32
    %c0_i32_0 = arith.constant 0 : i32
    return %arg0, %c0_i32 : i32, i32
  }
  func.func @transform_3(%arg0: i32) -> (i32, i32) {
    %c0_i32 = arith.constant 0 : i32
    %c0_i32_0 = arith.constant 0 : i32
    return %arg0, %c0_i32 : i32, i32
  }
  func.func @transform_4(%arg0: i32) -> (i32, i32) {
    %c0_i32 = arith.constant 0 : i32
    %c0_i32_0 = arith.constant 0 : i32
    %c0_i32_1 = arith.constant 0 : i32
    return %c0_i32, %c0_i32_0 : i32, i32
  }
  func.func @transform_5(%arg0: i32) -> (i32, i32, i32) {
    %c0_i32 = arith.constant 0 : i32
    %c0_i32_0 = arith.constant 0 : i32
    %c0_i32_1 = arith.constant 0 : i32
    return %arg0, %c0_i32, %c0_i32_0 : i32, i32, i32
  }
  func.func @transform_6(%arg0: i32) -> (i32, i32) {
    %c0_i32 = arith.constant 0 : i32
    %c0_i32_0 = arith.constant 0 : i32
    %c0_i32_1 = arith.constant 0 : i32
    return %c0_i32, %c0_i32_0 : i32, i32
  }
  func.func @transform_7(%arg0: i32) -> (i32, i32) {
    %c0_i32 = arith.constant 0 : i32
    %c0_i32_0 = arith.constant 0 : i32
    %c0_i32_1 = arith.constant 0 : i32
    return %c0_i32, %c0_i32_0 : i32, i32
  }
  func.func @transform_8(%arg0: i32) -> (i32, i32) {
    %c0_i32 = arith.constant 0 : i32
    %c0_i32_0 = arith.constant 0 : i32
    %c0_i32_1 = arith.constant 0 : i32
    return %c0_i32, %c0_i32_0 : i32, i32
  }
}

</mosaic_0001>

<sc_bundles>
// kernel: kernel.11.cloned.1.call-start
scs
__scs_entry_jumppad:
0x0: {  	(pc) =	sbr.rel $0x88, $3  }
0x1: {  	(tag) =	ssettag $0x0;
	lr =	simm.s32 $0x1  }
0x2: {  	[smem:$0x3F94] =	sst lr;
	_ =	strace $0xD0000000  }
0x3: {  	_ = 	snop  }
0x4: {  	_ = 	snop  }
0x5: {  	_ = 	snop  }
0x6: {  	_ = 	snop  }
0x7: {  	_ = 	snop  }
__scs_overlays_trampoline_lowered:
0x8: {  	[smem:$0x3FA3] =	sst s0  }
0x9: {  	[smem:$0x3FA4] =	sst s1  }
0xa: {  	[smem:$0x3FA5] =	sst s2  }
0xb: {  	[smem:$0x3FA6] =	sst s3  }
0xc: {  	[smem:$0x3FA7] =	sst s4  }
0xd: {  	[smem:$0x3FA8] =	sst s5  }
0xe: {  	[smem:$0x3FA9] =	sst s6  }
0xf: {  	[smem:$0x3FAA] =	sst s7  }
0x10: {  	[smem:$0x3FAB] =	sst s8  }
0x11: {  	[smem:$0x3FAC] =	sst s9;
	s0 =	simm.s32 @!p0 $0x0  }
0x12: {  	s1 =	sld [smem:$0x3F92];
	s0 =	simm.s32 @p0 $0x1  }
0x13: {  	[smem:$0x3FAD] =	sst s0;
	s0 =	simm.s32 @!p1 $0x0  }
0x14: {  	s2 =	sld [smem:$0x3F91];
	s0 =	simm.s32 @p1 $0x1  }
0x15: {  	[smem:$0x3FAE] =	sst s0;
	s0 =	simm.s32 @!p2 $0x0  }
0x16: {  	s3 =	sld [smem:$0x3FDB];
	s0 =	simm.s32 @p2 $0x1  }
0x17: {  	s4 =	simm.s32 $0x1BF5;
	[smem:$0x3FB0] =	sst s0  }
0x18: {  	s0 =	sld [smem:$0x3F93];
	_ =	swait.ge [sflag:s4], $0x0  }
0x19: {  	s7 =	sld [smem:$0x3F94]  }
0x1a: {  	s8 =	sadd.s32 $0xFFFFE003, lr  }
0x1b: {  	s9 =	sadd.s32 $0xFFFFFEF7, lr;
	s5 =	simm.s32 $0xFFFFFFFF;
	p2 =	slt.u32 s8, $0xFFFFF086  }
0x1c: {  	p1 =	slt.u32 s9, $0xF7A;
	s5 =	simm.s32 @!p2 $0x0  }
0x1d: {  	s5 =	simm.s32 @p1 $0x1;
	p0 =	seq.s32 s7, s2  }
0x1e: {  	s7 =	smul.u32 @!p0 $0xF7A, s2;
	p2 =	seq.s32 @!p0 s5, $0x0  }
0x1f: {  	s9 =	smul.u32 $0xF7A, s1;
	s8 =	simm.s32 @!p0 $0x1BF5;
	p2 =	por !p2, p0  }
0x20: {  	[sflag:s8] =	ssyncset.s32 @!p0 $0xFFFFF086;
	s6 =	sadd.s32 @!p0 s3, s7;
	s7 =	simm.s32 @!p0 $0x108  }
0x21: {  	s3 =	sadd.s32 s3, s9;
	s6 =	sadd.s32 @!p0 $0x88, s6;
	s7 =	simm.s32 @p2 $0x1082  }
0x22: {  	[simem:s7], [sflag:s8] =	dma.local @!p0 [hbm:s6], $0xF7A  }
0x23: {  	s9 =	sor.u32 $0xD0000000, s2;
	s6 =	simm.s32 $0x108;
	_ =	swait.ge @!p0 [sflag:s8], $0x0  }
0x24: {  	s3 =	sadd.s32 $0x88, s3;
	s6 =	simm.s32 @!p1 $0x1082;
	[sflag:s4] =	ssyncset.s32 $0xFFFFF086  }
0x25: {  	[simem:s6], [sflag:s4] =	dma.local [hbm:s3], $0xF7A  }
0x26: {  	[smem:$0x3F94] =	sst s1;
	(tag) =	ssettag s2;
	_ =	strace s9  }
0x27: {  	s1 =	sld [smem:$0x3FA4]  }
0x28: {  	s2 =	sld [smem:$0x3FA5]  }
0x29: {  	s4 =	sld [smem:$0x3FA7]  }
0x2a: {  	p0 =	seq.s32 s5, $0x0;
	s5 =	sld [smem:$0x3FA8]  }
0x2b: {  	s6 =	sld [smem:$0x3FA9]  }
0x2c: {  	s7 =	sld [smem:$0x3FAA]  }
0x2d: {  	s3 =	simm.s32 $0x108;
	s8 =	sld [smem:$0x3FAB]  }
0x2e: {  	s3 =	simm.s32 @!p0 $0x1082;
	s9 =	sld [smem:$0x3FAC]  }
0x2f: {  	lr =	sadd.s32 s0, s3;
	s0 =	sld [smem:$0x3FA3]  }
0x30: {  	s3 =	sld [smem:$0x3FA6]  }
0x31: {  	[smem:$0x3FAF] =	sst s10  }
0x32: {  	s10 =	sld [smem:$0x3FAD];
	_ =	sdelay $0x3  }
0x33: {  	p0 =	seq.s32 s10, $0x1;
	s10 =	sld [smem:$0x3FAF];
	_ =	sdelay $0x3  }
0x34: {  	[smem:$0x3FAF] =	sst s10  }
0x35: {  	s10 =	sld [smem:$0x3FAE];
	_ =	sdelay $0x3  }
0x36: {  	p1 =	seq.s32 s10, $0x1;
	s10 =	sld [smem:$0x3FAF];
	_ =	sdelay $0x3  }
0x37: {  	[smem:$0x3FAF] =	sst s10  }
0x38: {  	s10 =	sld [smem:$0x3FB0]  }
0x39: {  	_ = 	snop;
	(pc) =	sbr.ind lr, $3  }
0x3a: {  	_ = 	snop  }
0x3b: {  	_ = 	snop  }
0x3c: {  	p2 =	seq.s32 s10, $0x1;
	s10 =	sld [smem:$0x3FAF]  }
0x3d: {  	_ =	shalt  }
0x3e: {  	_ =	shalt  }
0x3f: {  	_ =	shalt  }
0x40: {  	_ =	shalt  }
0x41: {  	_ =	shalt  }
0x42: {  	_ =	shalt  }
0x43: {  	_ =	shalt  }
0x44: {  	_ =	shalt  }
0x45: {  	_ =	shalt  }
0x46: {  	_ =	shalt  }
0x47: {  	_ =	shalt  }
0x48: {  	_ =	shalt  }
0x49: {  	_ =	shalt  }
0x4a: {  	_ =	shalt  }
0x4b: {  	_ =	shalt  }
0x4c: {  	_ =	shalt  }
0x4d: {  	_ =	shalt  }
0x4e: {  	_ =	shalt  }
0x4f: {  	_ =	shalt  }
0x50: {  	_ =	shalt  }
0x51: {  	_ =	shalt  }
0x52: {  	_ =	shalt  }
0x53: {  	_ =	shalt  }
0x54: {  	_ =	shalt  }
0x55: {  	_ =	shalt  }
0x56: {  	_ =	shalt  }
0x57: {  	_ =	shalt  }
0x58: {  	_ =	shalt  }
0x59: {  	_ =	shalt  }
0x5a: {  	_ =	shalt  }
0x5b: {  	_ =	shalt  }
0x5c: {  	_ =	shalt  }
0x5d: {  	_ =	shalt  }
0x5e: {  	_ =	shalt  }
0x5f: {  	_ =	shalt  }
0x60: {  	_ =	shalt  }
0x61: {  	_ =	shalt  }
0x62: {  	_ =	shalt  }
0x63: {  	_ =	shalt  }
0x64: {  	_ =	shalt  }
0x65: {  	_ =	shalt  }
0x66: {  	_ =	shalt  }
0x67: {  	_ =	shalt  }
0x68: {  	_ =	shalt  }
0x69: {  	_ =	shalt  }
0x6a: {  	_ =	shalt  }
0x6b: {  	_ =	shalt  }
0x6c: {  	_ =	shalt  }
0x6d: {  	_ =	shalt  }
0x6e: {  	_ =	shalt  }
0x6f: {  	_ =	shalt  }
0x70: {  	_ =	shalt  }
0x71: {  	_ =	shalt  }
0x72: {  	_ =	shalt  }
0x73: {  	_ =	shalt  }
0x74: {  	_ =	shalt  }
0x75: {  	_ =	shalt  }
0x76: {  	_ =	shalt  }
0x77: {  	_ =	shalt  }
0x78: {  	_ =	shalt  }
0x79: {  	_ =	shalt  }
0x7a: {  	_ =	shalt  }
0x7b: {  	_ =	shalt  }
0x7c: {  	_ =	shalt  }
0x7d: {  	_ =	shalt  }
0x7e: {  	_ =	shalt  }
0x7f: {  	_ =	shalt  }
0x80: {  	_ =	shalt  }
0x81: {  	_ =	shalt  }
0x82: {  	_ =	shalt  }
0x83: {  	_ =	shalt  }
0x84: {  	_ =	shalt  }
0x85: {  	_ =	shalt  }
0x86: {  	_ =	shalt  }
0x87: {  	_ =	shalt  }
.Lfunc_end0:
.L_simem_size_0:
called_computation_lowered:
.L_overlay_start_0:
0x88: {  	s2 =	sld [smem:$0x3FD9]  }
0x89: {  	s3 =	sld [smem:$0x3FFE];
	_ =	sdelay $0x1  }
0x8a: {  	s1 =	srdreg.scid  }
0x8b: {  	s0 =	sand.u32 $0x1, s1  }
0x8c: {  	s17 =	sshll.u32 s0, $0xA;
	s2 =	sadd.s32 s3, s2  }
0x8d: {  	s2 =	sadd.s32 s2, s17  }
0x8e: {  	[smem:$0x3FBB] =	sst s2  }
0x8f: {  	_ = 	snop  }
0x90: {  	s2 =	sld [smem:$0x3FD0];
	(tm) =	ssettm $0x1  }
0x91: {  	s18 =	sld [smem:$0x3FFB];
	_ =	sdelay $0x3  }
0x92: {  	_ =	strace s18  }
0x93: {  	s3 =	sld [smem:$0x3FFC];
	_ =	sdelay $0x3  }
0x94: {  	_ =	strace s3  }
0x95: {  	s3 =	sld [smem:$0x3FFD];
	_ =	sdelay $0x3  }
0x96: {  	_ =	strace s3  }
0x97: {  	_ =	strace $0x8FFFFFFF  }
0x98: {  	s19 =	sld [smem:$0x3FDB];
	_ =	sdelay $0x1  }
0x99: {  	s4 =	simm.s32 $_scs_section_size  }
0x9a: {  	s5 =	simm.s32 $_size__tile_overlayer_lowered;
	s6 =	simm.s32 $_tile_overlayer_lowered  }
0x9b: {  	s22 =	simm.s32 $0x1BFF;
	s21 =	sshll.u32 s6, $0x1;
	s3 =	sadd.s32 s4, s19  }
0x9c: {  	s7 =	simm.s32 $0x0;
	s20 =	sshll.u32 s5, $0x1;
	s5 =	sadd.s32 s21, s3  }
0x9d: {  	[timem:s7], [sflag:s22] =	dma.local [hbm:s5], s20  }
0x9e: {  	_ =	swait.ge [sflag:s22], s20  }
0x9f: {  	s4 =	ssub.s32 $0x0, s20;
	[sflag:s22] =	ssyncset.done $0x0  }
0xa0: {  	[sflag:s22] =	ssyncadd.s32 s4;
	_ =	sdelay $0x1  }
0xa1: {  	s23 =	simm.s32 $0x1B8B  }
0xa2: {  	_ =	swait.ge [sflag:s23], $0x1  }
0xa3: {  	[sflag:s23] =	ssyncset.done $0x0  }
0xa4: {  	s25 =	simm.s32 $0x1B8E;
	s24 =	sld [smem:$0x3FFE];
	[sflag:s23] =	ssyncadd.s32 $0xFFFFFFFF  }
0xa5: {  	s26 =	simm.s32 $execute0_lowered;
	[smem:$0x3FD2] =	sst s25  }
0xa6: {  	s5 =	sshll.u32 s26, $0x1;
	_ =	strace $0x80000046;
	[dreg:$0x1] =	wrdreg $0xFFFFFFFF  }
0xa7: {  	s28 =	simm.s32 $_size_execute0_lowered;
	s3 =	sadd.s32 s3, s5;
	[dreg:$0x0] =	wrdreg $0x0  }
0xa8: {  	s5 =	sshll.u32 s28, $0x1;
	[dreg:$0x2] =	wrdreg s3  }
0xa9: {  	[dreg:$0x3] =	wrdreg s5  }
0xaa: {  	[dreg:$0x4] =	wrdreg $0xC0  }
0xab: {  	_ =	task [dreg:s7], $0x5FFFF  }
0xac: {  	[dreg:$0x1] =	wrdreg $0xFFFFFFFF  }
0xad: {  	[dreg:$0x0] =	wrdreg $0x60  }
0xae: {  	[dreg:$0x2] =	wrdreg s24  }
0xaf: {  	[dreg:$0x3] =	wrdreg s2  }
0xb0: {  	[dreg:$0x4] =	wrdreg $0x30000  }
0xb1: {  	[dreg:$0x5] =	wrdreg $0x9  }
0xb2: {  	_ =	task.clear_ibuf [dreg:s7], $0x6FFFF;
	_ =	strace $0x90000046  }
0xb3: {  	s29 =	simm.s32 $0x9;
	_ =	strace $0x80000048  }
0xb4: {  	_ =	swait.ge [sflag:s29], $0x1  }
0xb5: {  	[sflag:s29] =	ssyncadd.s32 $0xFFFFFFFF  }
0xb6: {  	_ =	strace $0x90000048  }
0xb7: {  	_ =	sfence  }
0xb8: {  	s30 =	sld [smem:$0x0];
	_ =	sdelay $0x2  }
0xb9: {  	s31 =	sshll.u32 s1, $0xD;
	s1 =	sshrl.u32 s1, $0x2  }
0xba: {  	s3 =	sand.u32 $0x4000, s31;
	s1 =	sadd.s32 s1, s30  }
0xbb: {  	s0 =	sor.u32 s3, s0;
	s1 =	sshll.u32 s1, $0x11  }
0xbc: {  	s0 =	sor.u32 s1, s0  }
0xbd: {  	s0 =	sadd.s32 $0x8F2B, s0  }
0xbe: {  	[sflag:s0] =	ssyncadd.remote.s32 $0x1  }
0xbf: {  	_ =	sfence.sel $0xFFFF  }
0xc0: {  	[dreg:$0x0] =	wrdreg $0xFFFFFFFF;
	(pc) =	sbr.abs _section_cstart, $3  }
0xc1: {  	[dreg:$0x1] =	wrdreg $0xFFFFFFFF  }
0xc2: {  	_ =	task.clear_ibuf [dreg:s7], $0x2FFFF;
	_ =	strace $0x9FFFFFFF  }
0xc3: {  	(tm) =	ssettm $0x7FFFFFFF  }
tec
execute0_lowered:
.L_overlay_start_1:
0x0: {  	(tag) =	ssettag $0x1  }
0x1: {  	s5 =	rddreg [dreg:$0x0]  }
0x2: {  	s1 =	srdreg.scid;
	s2 =	rddreg [dreg:$0x1]  }
0x3: {  	s0 =	stileid.u32;
	s3 =	rddreg [dreg:$0x2];
	s4 =	simm.s32 $0x0  }
0x4: {  	s13 =	simm.s32 $0x80;
	s14 =	simm.s32 $0x0;
	s6 =	sand.u32 $0x1, s1  }
0x5: {  	s30 =	sshll.u32 s0, $0x1;
	s8 =	smul.u32 $0x2780, s0;
	[smem:$0x7FF] =	sst s4  }
0x6: {  	s31 =	sshll.u32 s0, $0x6;
	s1 =	sor.u32 s6, s30;
	s9 =	smul.u32 $0x27800, s6  }
0x7: {  	s6 =	ssub.s32 $0x2, s6;
	s7 =	smul.u32 $0x500, s1;
	s1 =	rddreg [dreg:$0x3]  }
0x8: {  	_ =	strace $0x80000047;
	s10 =	sshrl.u32 s8, $0x3;
	s11 =	sshrl.u32 s6, $0x1  }
0x9: {  	s12 =	sadd.s32 s8, s3;
	s9 =	sadd.s32 s8, s9;
	s10 =	sadd.s32 s10, s5  }
0xa: {  	s11 =	ssub.s32 s6, s11;
	s12 =	sshrl.u32 s12, $0x3;
	s7 =	sadd.s32 s7, s5  }
0xb: {  	s9 =	sshrl.u32 s9, $0x3;
	s6 =	sadd.s32 $0xDA00, s10;
	s8 =	smax.u32 s11, $0x1  }
0xc: {  	s10 =	simm.s32 $0x2800;
	s11 =	sor.u32 $0x1C01, s31;
	s9 =	sadd.s32 s9, s5  }
0xd: {  	s5 =	sadd.s32 $0x3A00, s7;
	s7 =	sadd.s32 $0x12A00, s9;
	s9 =	simm.s32 $0x1  }
.LBB2_1:
0xe: {  	[tilespmem:s4], [sflag:$0x1] =	stream.linear.gather [hbm4b:s5+s4], $0x2800, $0x38;
	[tilespmem:$0x5780] =	vst v63  }
0xf: {  	_ =	swait.ge [sflag:s9], $0x2800  }
0x10: {  	[sflag:s9] =	ssyncset.done $0x0  }
0x11: {  	[sflag:s9] =	ssyncadd.s32 $0xFFFFD800  }
0x12: {  	[tilespmem:s10], [sflag:$0x1] =	stream.linear.gather [hbm4b:s2+s4], $0x800, $0x38;
	[tilespmem:$0x5780] =	vst v63  }
0x13: {  	_ =	swait.ge [sflag:s9], $0x800  }
0x14: {  	[sflag:s9] =	ssyncset.done $0x0  }
0x15: {  	[sflag:s9] =	ssyncadd.s32 $0xFFFFF800  }
0x16: {  	[spmem:s12], [sflag:s11] =	dma.local [hbm:s6], $0x4F0  }
0x17: {  	_ =	swait.ge [sflag:s9], $0x4F0  }
0x18: {  	[sflag:s9] =	ssyncset.done $0x0  }
0x19: {  	[sflag:s9] =	ssyncadd.s32 $0xFFFFFB10  }
0x1a: {  	s15 =	simm.s32 $0x0;
	[bflag:$0x0] =	sbarrier.arrive $0xFFFF  }
0x1b: {  	[spmem:s3] =	stream.indirect.scatter.add.f32 [tilespmem:s10], [sflag:$0x1], $0x10, s15, s13, $0xb8;
	[tilespmem:$0x5780] =	vst v63  }
0x1c: {  	_ =	swait.ge [sflag:s9], $0x800  }
0x1d: {  	s15 =	simm.s32 $0x200;
	[sflag:s9] =	ssyncset.done $0x0  }
.LBB2_2:
0x1e: {  	s16 =	sshra.s32 s15, $0x2;
	[sflag:s9] =	ssyncadd.s32 $0xFFFFF800;
	p0 =	sne.s32 s15, $0x9E00  }
0x1f: {  	[spmem:s3] =	stream.indirect.scatter.add.f32 [tilespmem:s10], [sflag:$0x1], $0x10, s16, s13, $0xb8;
	[tilespmem:$0x5780] =	vst v63  }
.Ltmp0:
0x20: {  	_ = 	snop;
	(pc) =	sbr.rel @p0 .LBB2_2-.Ltmp0, $4  }
0x21: {  	_ = 	snop  }
0x22: {  	s15 =	sadd.s32 $0x200, s15  }
0x23: {  	_ =	swait.ge [sflag:s9], $0x800  }
0x24: {  	[sflag:s9] =	ssyncset.done $0x0  }
0x25: {  	s14 =	sadd.s32 $0x1, s14  }
0x26: {  	[sflag:s9] =	ssyncadd.s32 $0xFFFFF800;
	p0 =	sne.s32 s14, s8  }
.Ltmp1:
0x27: {  	[bflag:$0x0] =	sbarrier.arrive $0xFFFF;
	(pc) =	sbr.rel @p0 .LBB2_1-.Ltmp1, $4  }
0x28: {  	[hbm:s7], [sflag:s11] =	dma.local [spmem:s12], $0x4F0  }
0x29: {  	_ =	swait.ge [sflag:s9], $0x4F0  }
0x2a: {  	[sflag:s9] =	ssyncset.done $0x0  }
0x2b: {  	[sflag:s9] =	ssyncadd.s32 $0xFFFFFB10  }
0x2c: {  	_ =	sfence.sel $0x180000  }
0x2d: {  	[bflag:$0x0] =	sbarrier.arrive $0xFFFF  }
0x2e: {  	p0 =	sne.s32 s0, $0x0;
	_ =	strace $0x90000047  }
0x2f: {  	s0 =	sadd.s32 @!p0 $0x100000, s1;
	[bflag:$0x2] =	sbarrier.arrive $0xFFFF  }
0x30: {  	[sflag:s0] =	ssyncadd.tile.s32 @!p0 $0x1;
	_ =	shalt  }
.Lfunc_end2:
_tile_overlayer_lowered:
.L_overlay_start_2:
0x31: {  	(tag) =	ssettag $0x2  }
0x32: {  	s0 =	rddreg [dreg:$0x0];
	s2 =	stileid.u32  }
0x33: {  	s1 =	rddreg [dreg:$0x1];
	p0 =	sne.s32 s2, $0x0  }
0x34: {  	s3 =	rddreg [dreg:$0x2];
	[bflag:$0x3] =	sbarrier.arrive $0xFFFF;
	s2 =	simm.s32 @!p0 $0x1C01  }
0x35: {  	[timem:s3], [sflag:s2] =	dma.local @!p0 [hbm:s0], s1  }
0x36: {  	s0 =	simm.s32 @!p0 $0x1  }
0x37: {  	_ =	swait.ge @!p0 [sflag:s0], s1  }
0x38: {  	s1 =	ssub.s32 @!p0 $0x0, s1;
	[sflag:s0] =	ssyncset.done @!p0 $0x0  }
0x39: {  	[sflag:s0] =	ssyncadd.s32 @!p0 s1  }
0x3a: {  	[bflag:$0x3] =	sbarrier.arrive $0xFFFF  }
0x3b: {  	_ =	shalt  }

// kernel: kernel.14.cloned.1.call-start
scs
__scs_entry_jumppad:
0x0: {  	(pc) =	sbr.rel $0x88, $3  }
0x1: {  	(tag) =	ssettag $0x0;
	lr =	simm.s32 $0x1  }
0x2: {  	[smem:$0x3F94] =	sst lr;
	_ =	strace $0xD0000000  }
0x3: {  	_ = 	snop  }
0x4: {  	_ = 	snop  }
0x5: {  	_ = 	snop  }
0x6: {  	_ = 	snop  }
0x7: {  	_ = 	snop  }
__scs_overlays_trampoline_lowered:
0x8: {  	[smem:$0x3FA3] =	sst s0  }
0x9: {  	[smem:$0x3FA4] =	sst s1  }
0xa: {  	[smem:$0x3FA5] =	sst s2  }
0xb: {  	[smem:$0x3FA6] =	sst s3  }
0xc: {  	[smem:$0x3FA7] =	sst s4  }
0xd: {  	[smem:$0x3FA8] =	sst s5  }
0xe: {  	[smem:$0x3FA9] =	sst s6  }
0xf: {  	[smem:$0x3FAA] =	sst s7  }
0x10: {  	[smem:$0x3FAB] =	sst s8  }
0x11: {  	[smem:$0x3FAC] =	sst s9;
	s0 =	simm.s32 @!p0 $0x0  }
0x12: {  	s1 =	sld [smem:$0x3F92];
	s0 =	simm.s32 @p0 $0x1  }
0x13: {  	[smem:$0x3FAD] =	sst s0;
	s0 =	simm.s32 @!p1 $0x0  }
0x14: {  	s2 =	sld [smem:$0x3F91];
	s0 =	simm.s32 @p1 $0x1  }
0x15: {  	[smem:$0x3FAE] =	sst s0;
	s0 =	simm.s32 @!p2 $0x0  }
0x16: {  	s3 =	sld [smem:$0x3FDB];
	s0 =	simm.s32 @p2 $0x1  }
0x17: {  	s4 =	simm.s32 $0x1BF5;
	[smem:$0x3FB0] =	sst s0  }
0x18: {  	s0 =	sld [smem:$0x3F93];
	_ =	swait.ge [sflag:s4], $0x0  }
0x19: {  	s7 =	sld [smem:$0x3F94]  }
0x1a: {  	s8 =	sadd.s32 $0xFFFFE003, lr  }
0x1b: {  	s9 =	sadd.s32 $0xFFFFFEF7, lr;
	s5 =	simm.s32 $0xFFFFFFFF;
	p2 =	slt.u32 s8, $0xFFFFF086  }
0x1c: {  	p1 =	slt.u32 s9, $0xF7A;
	s5 =	simm.s32 @!p2 $0x0  }
0x1d: {  	s5 =	simm.s32 @p1 $0x1;
	p0 =	seq.s32 s7, s2  }
0x1e: {  	s7 =	smul.u32 @!p0 $0xF7A, s2;
	p2 =	seq.s32 @!p0 s5, $0x0  }
0x1f: {  	s9 =	smul.u32 $0xF7A, s1;
	s8 =	simm.s32 @!p0 $0x1BF5;
	p2 =	por !p2, p0  }
0x20: {  	[sflag:s8] =	ssyncset.s32 @!p0 $0xFFFFF086;
	s6 =	sadd.s32 @!p0 s3, s7;
	s7 =	simm.s32 @!p0 $0x108  }
0x21: {  	s3 =	sadd.s32 s3, s9;
	s6 =	sadd.s32 @!p0 $0x88, s6;
	s7 =	simm.s32 @p2 $0x1082  }
0x22: {  	[simem:s7], [sflag:s8] =	dma.local @!p0 [hbm:s6], $0xF7A  }
0x23: {  	s9 =	sor.u32 $0xD0000000, s2;
	s6 =	simm.s32 $0x108;
	_ =	swait.ge @!p0 [sflag:s8], $0x0  }
0x24: {  	s3 =	sadd.s32 $0x88, s3;
	s6 =	simm.s32 @!p1 $0x1082;
	[sflag:s4] =	ssyncset.s32 $0xFFFFF086  }
0x25: {  	[simem:s6], [sflag:s4] =	dma.local [hbm:s3], $0xF7A  }
0x26: {  	[smem:$0x3F94] =	sst s1;
	(tag) =	ssettag s2;
	_ =	strace s9  }
0x27: {  	s1 =	sld [smem:$0x3FA4]  }
0x28: {  	s2 =	sld [smem:$0x3FA5]  }
0x29: {  	s4 =	sld [smem:$0x3FA7]  }
0x2a: {  	p0 =	seq.s32 s5, $0x0;
	s5 =	sld [smem:$0x3FA8]  }
0x2b: {  	s6 =	sld [smem:$0x3FA9]  }
0x2c: {  	s7 =	sld [smem:$0x3FAA]  }
0x2d: {  	s3 =	simm.s32 $0x108;
	s8 =	sld [smem:$0x3FAB]  }
0x2e: {  	s3 =	simm.s32 @!p0 $0x1082;
	s9 =	sld [smem:$0x3FAC]  }
0x2f: {  	lr =	sadd.s32 s0, s3;
	s0 =	sld [smem:$0x3FA3]  }
0x30: {  	s3 =	sld [smem:$0x3FA6]  }
0x31: {  	[smem:$0x3FAF] =	sst s10  }
0x32: {  	s10 =	sld [smem:$0x3FAD];
	_ =	sdelay $0x3  }
0x33: {  	p0 =	seq.s32 s10, $0x1;
	s10 =	sld [smem:$0x3FAF];
	_ =	sdelay $0x3  }
0x34: {  	[smem:$0x3FAF] =	sst s10  }
0x35: {  	s10 =	sld [smem:$0x3FAE];
	_ =	sdelay $0x3  }
0x36: {  	p1 =	seq.s32 s10, $0x1;
	s10 =	sld [smem:$0x3FAF];
	_ =	sdelay $0x3  }
0x37: {  	[smem:$0x3FAF] =	sst s10  }
0x38: {  	s10 =	sld [smem:$0x3FB0]  }
0x39: {  	_ = 	snop;
	(pc) =	sbr.ind lr, $3  }
0x3a: {  	_ = 	snop  }
0x3b: {  	_ = 	snop  }
0x3c: {  	p2 =	seq.s32 s10, $0x1;
	s10 =	sld [smem:$0x3FAF]  }
0x3d: {  	_ =	shalt  }
0x3e: {  	_ =	shalt  }
0x3f: {  	_ =	shalt  }
0x40: {  	_ =	shalt  }
0x41: {  	_ =	shalt  }
0x42: {  	_ =	shalt  }
0x43: {  	_ =	shalt  }
0x44: {  	_ =	shalt  }
0x45: {  	_ =	shalt  }
0x46: {  	_ =	shalt  }
0x47: {  	_ =	shalt  }
0x48: {  	_ =	shalt  }
0x49: {  	_ =	shalt  }
0x4a: {  	_ =	shalt  }
0x4b: {  	_ =	shalt  }
0x4c: {  	_ =	shalt  }
0x4d: {  	_ =	shalt  }
0x4e: {  	_ =	shalt  }
0x4f: {  	_ =	shalt  }
0x50: {  	_ =	shalt  }
0x51: {  	_ =	shalt  }
0x52: {  	_ =	shalt  }
0x53: {  	_ =	shalt  }
0x54: {  	_ =	shalt  }
0x55: {  	_ =	shalt  }
0x56: {  	_ =	shalt  }
0x57: {  	_ =	shalt  }
0x58: {  	_ =	shalt  }
0x59: {  	_ =	shalt  }
0x5a: {  	_ =	shalt  }
0x5b: {  	_ =	shalt  }
0x5c: {  	_ =	shalt  }
0x5d: {  	_ =	shalt  }
0x5e: {  	_ =	shalt  }
0x5f: {  	_ =	shalt  }
0x60: {  	_ =	shalt  }
0x61: {  	_ =	shalt  }
0x62: {  	_ =	shalt  }
0x63: {  	_ =	shalt  }
0x64: {  	_ =	shalt  }
0x65: {  	_ =	shalt  }
0x66: {  	_ =	shalt  }
0x67: {  	_ =	shalt  }
0x68: {  	_ =	shalt  }
0x69: {  	_ =	shalt  }
0x6a: {  	_ =	shalt  }
0x6b: {  	_ =	shalt  }
0x6c: {  	_ =	shalt  }
0x6d: {  	_ =	shalt  }
0x6e: {  	_ =	shalt  }
0x6f: {  	_ =	shalt  }
0x70: {  	_ =	shalt  }
0x71: {  	_ =	shalt  }
0x72: {  	_ =	shalt  }
0x73: {  	_ =	shalt  }
0x74: {  	_ =	shalt  }
0x75: {  	_ =	shalt  }
0x76: {  	_ =	shalt  }
0x77: {  	_ =	shalt  }
0x78: {  	_ =	shalt  }
0x79: {  	_ =	shalt  }
0x7a: {  	_ =	shalt  }
0x7b: {  	_ =	shalt  }
0x7c: {  	_ =	shalt  }
0x7d: {  	_ =	shalt  }
0x7e: {  	_ =	shalt  }
0x7f: {  	_ =	shalt  }
0x80: {  	_ =	shalt  }
0x81: {  	_ =	shalt  }
0x82: {  	_ =	shalt  }
0x83: {  	_ =	shalt  }
0x84: {  	_ =	shalt  }
0x85: {  	_ =	shalt  }
0x86: {  	_ =	shalt  }
0x87: {  	_ =	shalt  }
.Lfunc_end0:
.L_simem_size_0:
called_computation.1_lowered:
.L_overlay_start_0:
0x88: {  	s2 =	sld [smem:$0x3FD9]  }
0x89: {  	s3 =	sld [smem:$0x3FFE];
	_ =	sdelay $0x1  }
0x8a: {  	s1 =	srdreg.scid  }
0x8b: {  	s0 =	sand.u32 $0x1, s1  }
0x8c: {  	s16 =	sshll.u32 s0, $0xA;
	s2 =	sadd.s32 s3, s2  }
0x8d: {  	s2 =	sadd.s32 s2, s16  }
0x8e: {  	[smem:$0x3FBB] =	sst s2  }
0x8f: {  	_ = 	snop  }
0x90: {  	(tm) =	ssettm $0x1  }
0x91: {  	s17 =	sld [smem:$0x3FFB];
	_ =	sdelay $0x3  }
0x92: {  	_ =	strace s17  }
0x93: {  	s2 =	sld [smem:$0x3FFC];
	_ =	sdelay $0x3  }
0x94: {  	_ =	strace s2  }
0x95: {  	s2 =	sld [smem:$0x3FFD];
	_ =	sdelay $0x3  }
0x96: {  	_ =	strace s2  }
0x97: {  	_ =	strace $0x8FFFFFFF  }
0x98: {  	s18 =	sld [smem:$0x3FDB];
	_ =	sdelay $0x1  }
0x99: {  	s19 =	simm.s32 $_scs_section_size  }
0x9a: {  	s4 =	simm.s32 $_size__tile_overlayer_lowered;
	s5 =	simm.s32 $_tile_overlayer_lowered  }
0x9b: {  	s22 =	simm.s32 $0x1BFF;
	s21 =	sshll.u32 s5, $0x1;
	s2 =	sadd.s32 s19, s18  }
0x9c: {  	s6 =	simm.s32 $0x0;
	s20 =	sshll.u32 s4, $0x1;
	s4 =	sadd.s32 s21, s2  }
0x9d: {  	[timem:s6], [sflag:s22] =	dma.local [hbm:s4], s20  }
0x9e: {  	_ =	swait.ge [sflag:s22], s20  }
0x9f: {  	s3 =	ssub.s32 $0x0, s20;
	[sflag:s22] =	ssyncset.done $0x0  }
0xa0: {  	[sflag:s22] =	ssyncadd.s32 s3;
	_ =	sdelay $0x1  }
0xa1: {  	s23 =	simm.s32 $0x1B8B  }
0xa2: {  	_ =	swait.ge [sflag:s23], $0x1  }
0xa3: {  	[sflag:s23] =	ssyncset.done $0x0  }
0xa4: {  	s25 =	simm.s32 $0x1B8E;
	s24 =	sld [smem:$0x3FFE];
	[sflag:s23] =	ssyncadd.s32 $0xFFFFFFFF  }
0xa5: {  	s26 =	simm.s32 $execute0_lowered;
	[smem:$0x3FD2] =	sst s25  }
0xa6: {  	s4 =	sshll.u32 s26, $0x1;
	_ =	strace $0x80000049;
	[dreg:$0x1] =	wrdreg $0xFFFFFFFF  }
0xa7: {  	s28 =	simm.s32 $_size_execute0_lowered;
	s2 =	sadd.s32 s2, s4;
	[dreg:$0x0] =	wrdreg $0x0  }
0xa8: {  	s4 =	sshll.u32 s28, $0x1;
	[dreg:$0x2] =	wrdreg s2  }
0xa9: {  	[dreg:$0x3] =	wrdreg s4  }
0xaa: {  	[dreg:$0x4] =	wrdreg $0xC0  }
0xab: {  	_ =	task [dreg:s6], $0x5FFFF  }
0xac: {  	[dreg:$0x1] =	wrdreg $0xFFFFFFFF  }
0xad: {  	[dreg:$0x0] =	wrdreg $0x60  }
0xae: {  	[dreg:$0x2] =	wrdreg s24  }
0xaf: {  	[dreg:$0x3] =	wrdreg $0x150000  }
0xb0: {  	[dreg:$0x4] =	wrdreg $0x9  }
0xb1: {  	_ =	task.clear_ibuf [dreg:s6], $0x5FFFF;
	_ =	strace $0x90000049  }
0xb2: {  	s29 =	simm.s32 $0x9;
	_ =	strace $0x8000004B  }
0xb3: {  	_ =	swait.ge [sflag:s29], $0x1  }
0xb4: {  	[sflag:s29] =	ssyncadd.s32 $0xFFFFFFFF  }
0xb5: {  	_ =	strace $0x9000004B  }
0xb6: {  	_ =	sfence  }
0xb7: {  	s30 =	sld [smem:$0x0];
	_ =	sdelay $0x2  }
0xb8: {  	s31 =	sshll.u32 s1, $0xD;
	s1 =	sshrl.u32 s1, $0x2  }
0xb9: {  	s3 =	sand.u32 $0x4000, s31;
	s1 =	sadd.s32 s1, s30  }
0xba: {  	s0 =	sor.u32 s3, s0;
	s1 =	sshll.u32 s1, $0x11  }
0xbb: {  	s0 =	sor.u32 s1, s0  }
0xbc: {  	s0 =	sadd.s32 $0x8F2B, s0  }
0xbd: {  	[sflag:s0] =	ssyncadd.remote.s32 $0x1  }
0xbe: {  	_ =	sfence.sel $0xFFFF  }
0xbf: {  	[dreg:$0x0] =	wrdreg $0xFFFFFFFF;
	(pc) =	sbr.abs _section_cstart, $3  }
0xc0: {  	[dreg:$0x1] =	wrdreg $0xFFFFFFFF  }
0xc1: {  	_ =	task.clear_ibuf [dreg:s6], $0x2FFFF;
	_ =	strace $0x9FFFFFFF  }
0xc2: {  	(tm) =	ssettm $0x7FFFFFFF  }
0xc3: {  	_ =	shalt  }
tec
execute0_lowered:
.L_overlay_start_1:
0x0: {  	(tag) =	ssettag $0x1  }
0x1: {  	s0 =	srdreg.scid;
	s4 =	rddreg [dreg:$0x0]  }
0x2: {  	s11 =	stileid.u32;
	s3 =	rddreg [dreg:$0x1]  }
0x3: {  	s2 =	simm.s32 $0x0;
	s23 =	simm.s32 $0x2A00;
	s24 =	simm.s32 $0x400  }
0x4: {  	s25 =	simm.s32 $0x600;
	s26 =	simm.s32 $0x2C00;
	[smem:$0x7FF] =	sst s2  }
0x5: {  	s10 =	simm.s32 $0x3000;
	_ =	strace $0x8000004A;
	[dreg:$0x7] =	wrdreg s23  }
0x6: {  	s12 =	simm.s32 $0x3200;
	s13 =	simm.s32 $0xC00;
	[dreg:$0x8] =	wrdreg s24  }
0x7: {  	s14 =	simm.s32 $0xE00;
	s15 =	simm.s32 $0x3400;
	[dreg:$0x9] =	wrdreg s25  }
0x8: {  	s31 =	simm.s32 $0x2800;
	s16 =	simm.s32 $0x3600;
	[dreg:$0xa] =	wrdreg s26  }
0x9: {  	s17 =	simm.s32 $0x1000;
	s18 =	simm.s32 $0x1200;
	[dreg:$0xe] =	wrdreg s10  }
0xa: {  	s19 =	simm.s32 $0x3800;
	s30 =	simm.s32 $0x1A00;
	[dreg:$0xf] =	wrdreg s12  }
0xb: {  	s29 =	simm.s32 $0x4000;
	s28 =	simm.s32 $0x4200;
	[dreg:$0x10] =	wrdreg s13  }
0xc: {  	p0 =	por $0x0, $0x0;
	s0 =	sand.u32 $0x1, s0;
	[dreg:$0x11] =	wrdreg s14  }
0xd: {  	s1 =	sshll.u32 s11, $0x1;
	s5 =	smul.u32 $0x9E00, s11;
	[dreg:$0x12] =	wrdreg s15  }
0xe: {  	s20 =	sshll.u32 s11, $0x6;
	s11 =	simm.s32 $0x1;
	[dreg:$0x13] =	wrdreg s16  }
0xf: {  	s1 =	sor.u32 s0, s1;
	s6 =	smul.u32 $0x9E000, s0;
	[dreg:$0x14] =	wrdreg s17  }
0x10: {  	s0 =	ssub.s32 $0x2, s0;
	s10 =	simm.s32 $0x5000;
	[dreg:$0x15] =	wrdreg s18  }
0x11: {  	[dreg:$0x16] =	wrdreg s19;
	s23 =	simm.s32 $0x1600;
	s24 =	simm.s32 $0x3C00  }
0x12: {  	s12 =	simm.s32 $0x2;
	s25 =	simm.s32 $0x3E00;
	s14 =	simm.s32 $0x3  }
0x13: {  	s26 =	simm.s32 $0x1800;
	s13 =	simm.s32 $0x4;
	s19 =	simm.s32 $0x4A00  }
0x14: {  	s18 =	simm.s32 $0x2400;
	s17 =	simm.s32 $0x2600;
	[dreg:$0x19] =	wrdreg s23  }
0x15: {  	s16 =	simm.s32 $0x4C00;
	s15 =	simm.s32 $0x4E00;
	[dreg:$0x1a] =	wrdreg s24  }
0x16: {  	s1 =	smul.u32 $0x500, s1;
	s7 =	sshrl.u32 s5, $0x3;
	[dreg:$0x1b] =	wrdreg s25  }
0x17: {  	s9 =	sshrl.u32 s0, $0x1;
	[dreg:$0x1c] =	wrdreg s26;
	s26 =	simm.s32 $0x1C00  }
0x18: {  	s25 =	simm.s32 $0x1E00;
	s24 =	simm.s32 $0x4400;
	s23 =	simm.s32 $0x4600  }
0x19: {  	s7 =	sadd.s32 s7, s4;
	s6 =	sadd.s32 s5, s6;
	s0 =	ssub.s32 s0, s9  }
0x1a: {  	s9 =	sadd.s32 s5, s3;
	s5 =	simm.s32 $0x5;
	s1 =	sadd.s32 s1, s4  }
0x1b: {  	s6 =	sshrl.u32 s6, $0x3;
	s21 =	sadd.s32 $0x61400, s7;
	s7 =	simm.s32 $0x800  }
0x1c: {  	s0 =	smax.u32 s0, $0x1;
	s9 =	sshrl.u32 s9, $0x3;
	[dreg:$0x5] =	wrdreg s21  }
0x1d: {  	s8 =	sadd.s32 $0x1C800, s1;
	s1 =	sadd.s32 $0x3A00, s1;
	[dreg:$0xc] =	wrdreg s7  }
0x1e: {  	s6 =	sadd.s32 s6, s4;
	s4 =	sadd.s32 $0x4DA00, s4;
	[dreg:$0x3] =	wrdreg s8  }
0x1f: {  	s21 =	simm.s32 $0x3A00;
	s7 =	sor.u32 $0x1C05, s20;
	[dreg:$0x4] =	wrdreg s1  }
0x20: {  	p1 =	sne.s32 s0, $0x1;
	s22 =	sadd.s32 $0x75000, s6;
	[dreg:$0x17] =	wrdreg s21  }
.Ltmp0:
0x21: {  	s6 =	simm.s32 $0x2E00;
	[dreg:$0x6] =	wrdreg s22;
	(pc) =	sbr.rel @!p1 .LBB2_3-.Ltmp0, $4  }
0x22: {  	s20 =	simm.s32 $0x2200;
	s8 =	simm.s32 $0xA00;
	[dreg:$0xb] =	wrdreg s6  }
0x23: {  	s1 =	sadd.s32 $0xFFFFFFFF, s0;
	s21 =	simm.s32 $0x4800;
	[dreg:$0xd] =	wrdreg s8  }
0x24: {  	s6 =	simm.s32 $0x200;
	s22 =	simm.s32 $0x1400;
	s0 =	rddreg [dreg:$0x3]  }
0x25: {  	s8 =	simm.s32 $0xD000;
	[dreg:$0x18] =	wrdreg s22;
	s22 =	simm.s32 $0x2000  }
0x26: {  	[tilespmem:s2], [sflag:$0x5] =	stream.linear.gather [hbm4b:s0+s2], $0x2800, $0x38;
	[tilespmem:$0x1EE00] =	vst v63  }
0x27: {  	_ =	swait.ge [sflag:s5], $0x2800  }
0x28: {  	[sflag:s5] =	ssyncset.done $0x0  }
0x29: {  	s0 =	rddreg [dreg:$0x4];
	[sflag:s5] =	ssyncadd.s32 $0xFFFFD800  }
0x2a: {  	[tilespmem:s31], [sflag:$0x5] =	stream.linear.gather [hbm4b:s0+s2], $0x2800, $0x38;
	[tilespmem:$0x1EE00] =	vst v63  }
0x2b: {  	_ =	swait.ge [sflag:s5], $0x2800  }
0x2c: {  	[sflag:s5] =	ssyncset.done $0x0  }
0x2d: {  	[sflag:s5] =	ssyncadd.s32 $0xFFFFD800  }
0x2e: {  	[tilespmem:s10], [sflag:$0x1] =	stream.indirect.gather [hbm4b:s4+s6], $0x40, s2, s6, $0xb8;
	[tilespmem:$0x1EE00] =	vst v63  }
0x2f: {  	s0 =	rddreg [dreg:$0x5]  }
0x30: {  	[tilespmem:s8], [sflag:$0x2] =	stream.indirect.gather [hbm4b:s4+s6], $0x40, s6, s6, $0xb8;
	[tilespmem:$0x1EE00] =	vst v63  }
0x31: {  	[spmem:s9], [sflag:s7] =	dma.local [hbm:s0], $0x13C0  }
0x32: {  	_ =	swait.ge [sflag:s5], $0x13C0  }
0x33: {  	[sflag:s5] =	ssyncset.done $0x0  }
0x34: {  	[sflag:s5] =	ssyncadd.s32 $0xFFFFEC40  }
0x35: {  	[bflag:$0x0] =	sbarrier.arrive $0xFFFF  }
0x36: {  	_ =	swait.ge [sflag:s11], $0x8000  }
0x37: {  	[sflag:s11] =	ssyncset.done $0x0  }
0x38: {  	[sflag:s11] =	ssyncadd.s32 $0xFFFF8000  }
0x39: {  	[spmem:s3] =	stream.indirect.scatter.add.f32 [tilespmem:s10], [sflag:$0x3], $0x40, s31, s6, $0xb8;
	[tilespmem:$0x1EE00] =	vst v63  }
0x3a: {  	_ =	swait.ge [sflag:s12], $0x8000  }
0x3b: {  	[sflag:s12] =	ssyncset.done $0x0  }
0x3c: {  	s0 =	rddreg [dreg:$0x7];
	[sflag:s12] =	ssyncadd.s32 $0xFFFF8000  }
0x3d: {  	[spmem:s3] =	stream.indirect.scatter.add.f32 [tilespmem:s8], [sflag:$0x4], $0x40, s0, s6, $0xb8;
	[tilespmem:$0x1EE00] =	vst v63  }
0x3e: {  	_ =	swait.ge [sflag:s14], $0x8000  }
0x3f: {  	[sflag:s14] =	ssyncset.done $0x0  }
0x40: {  	s0 =	rddreg [dreg:$0x8];
	[sflag:s14] =	ssyncadd.s32 $0xFFFF8000  }
0x41: {  	[tilespmem:s10], [sflag:$0x1] =	stream.indirect.gather [hbm4b:s4+s6], $0x40, s0, s6, $0xb8;
	[tilespmem:$0x1EE00] =	vst v63  }
0x42: {  	_ =	swait.ge [sflag:s13], $0x8000  }
0x43: {  	[sflag:s13] =	ssyncset.done $0x0  }
0x44: {  	s0 =	rddreg [dreg:$0x9];
	[sflag:s13] =	ssyncadd.s32 $0xFFFF8000  }
0x45: {  	[tilespmem:s8], [sflag:$0x2] =	stream.indirect.gather [hbm4b:s4+s6], $0x40, s0, s6, $0xb8;
	[tilespmem:$0x1EE00] =	vst v63  }
0x46: {  	_ =	swait.ge [sflag:s11], $0x8000  }
0x47: {  	[sflag:s11] =	ssyncset.done $0x0  }
0x48: {  	s0 =	rddreg [dreg:$0xa];
	[sflag:s11] =	ssyncadd.s32 $0xFFFF8000  }
0x49: {  	[spmem:s3] =	stream.indirect.scatter.add.f32 [tilespmem:s10], [sflag:$0x3], $0x40, s0, s6, $0xb8;
	[tilespmem:$0x1EE00] =	vst v63  }
0x4a: {  	_ =	swait.ge [sflag:s12], $0x8000  }
0x4b: {  	[sflag:s12] =	ssyncset.done $0x0  }
0x4c: {  	s0 =	rddreg [dreg:$0xb];
	[sflag:s12] =	ssyncadd.s32 $0xFFFF8000  }
0x4d: {  	[spmem:s3] =	stream.indirect.scatter.add.f32 [tilespmem:s8], [sflag:$0x4], $0x40, s0, s6, $0xb8;
	[tilespmem:$0x1EE00] =	vst v63  }
0x4e: {  	_ =	swait.ge [sflag:s14], $0x8000  }
0x4f: {  	[sflag:s14] =	ssyncset.done $0x0  }
0x50: {  	s0 =	rddreg [dreg:$0xc];
	[sflag:s14] =	ssyncadd.s32 $0xFFFF8000  }
0x51: {  	[tilespmem:s10], [sflag:$0x1] =	stream.indirect.gather [hbm4b:s4+s6], $0x40, s0, s6, $0xb8;
	[tilespmem:$0x1EE00] =	vst v63  }
0x52: {  	_ =	swait.ge [sflag:s13], $0x8000  }
0x53: {  	[sflag:s13] =	ssyncset.done $0x0  }
0x54: {  	s0 =	rddreg [dreg:$0xd];
	[sflag:s13] =	ssyncadd.s32 $0xFFFF8000  }
0x55: {  	[tilespmem:s8], [sflag:$0x2] =	stream.indirect.gather [hbm4b:s4+s6], $0x40, s0, s6, $0xb8;
	[tilespmem:$0x1EE00] =	vst v63  }
0x56: {  	_ =	swait.ge [sflag:s11], $0x8000  }
0x57: {  	[sflag:s11] =	ssyncset.done $0x0  }
0x58: {  	s0 =	rddreg [dreg:$0xe];
	[sflag:s11] =	ssyncadd.s32 $0xFFFF8000  }
0x59: {  	[spmem:s3] =	stream.indirect.scatter.add.f32 [tilespmem:s10], [sflag:$0x3], $0x40, s0, s6, $0xb8;
	[tilespmem:$0x1EE00] =	vst v63  }
0x5a: {  	_ =	swait.ge [sflag:s12], $0x8000  }
0x5b: {  	[sflag:s12] =	ssyncset.done $0x0  }
0x5c: {  	s0 =	rddreg [dreg:$0xf];
	[sflag:s12] =	ssyncadd.s32 $0xFFFF8000  }
0x5d: {  	[spmem:s3] =	stream.indirect.scatter.add.f32 [tilespmem:s8], [sflag:$0x4], $0x40, s0, s6, $0xb8;
	[tilespmem:$0x1EE00] =	vst v63  }
0x5e: {  	_ =	swait.ge [sflag:s14], $0x8000  }
0x5f: {  	[sflag:s14] =	ssyncset.done $0x0  }
0x60: {  	s0 =	rddreg [dreg:$0x10];
	[sflag:s14] =	ssyncadd.s32 $0xFFFF8000  }
0x61: {  	[tilespmem:s10], [sflag:$0x1] =	stream.indirect.gather [hbm4b:s4+s6], $0x40, s0, s6, $0xb8;
	[tilespmem:$0x1EE00] =	vst v63  }
0x62: {  	_ =	swait.ge [sflag:s13], $0x8000  }
0x63: {  	[sflag:s13] =	ssyncset.done $0x0  }
0x64: {  	s0 =	rddreg [dreg:$0x11];
	[sflag:s13] =	ssyncadd.s32 $0xFFFF8000  }
0x65: {  	[tilespmem:s8], [sflag:$0x2] =	stream.indirect.gather [hbm4b:s4+s6], $0x40, s0, s6, $0xb8;
	[tilespmem:$0x1EE00] =	vst v63  }
0x66: {  	_ =	swait.ge [sflag:s11], $0x8000  }
0x67: {  	[sflag:s11] =	ssyncset.done $0x0  }
0x68: {  	s0 =	rddreg [dreg:$0x12];
	[sflag:s11] =	ssyncadd.s32 $0xFFFF8000  }
0x69: {  	[spmem:s3] =	stream.indirect.scatter.add.f32 [tilespmem:s10], [sflag:$0x3], $0x40, s0, s6, $0xb8;
	[tilespmem:$0x1EE00] =	vst v63  }
0x6a: {  	_ =	swait.ge [sflag:s12], $0x8000  }
0x6b: {  	[sflag:s12] =	ssyncset.done $0x0  }
0x6c: {  	s0 =	rddreg [dreg:$0x13];
	[sflag:s12] =	ssyncadd.s32 $0xFFFF8000  }
0x6d: {  	[spmem:s3] =	stream.indirect.scatter.add.f32 [tilespmem:s8], [sflag:$0x4], $0x40, s0, s6, $0xb8;
	[tilespmem:$0x1EE00] =	vst v63  }
0x6e: {  	_ =	swait.ge [sflag:s14], $0x8000  }
0x6f: {  	[sflag:s14] =	ssyncset.done $0x0  }
0x70: {  	s0 =	rddreg [dreg:$0x14];
	[sflag:s14] =	ssyncadd.s32 $0xFFFF8000  }
0x71: {  	[tilespmem:s10], [sflag:$0x1] =	stream.indirect.gather [hbm4b:s4+s6], $0x40, s0, s6, $0xb8;
	[tilespmem:$0x1EE00] =	vst v63  }
0x72: {  	_ =	swait.ge [sflag:s13], $0x8000  }
0x73: {  	[sflag:s13] =	ssyncset.done $0x0  }
0x74: {  	s0 =	rddreg [dreg:$0x15];
	[sflag:s13] =	ssyncadd.s32 $0xFFFF8000  }
0x75: {  	[tilespmem:s8], [sflag:$0x2] =	stream.indirect.gather [hbm4b:s4+s6], $0x40, s0, s6, $0xb8;
	[tilespmem:$0x1EE00] =	vst v63  }
0x76: {  	_ =	swait.ge [sflag:s11], $0x8000  }
0x77: {  	[sflag:s11] =	ssyncset.done $0x0  }
0x78: {  	s0 =	rddreg [dreg:$0x16];
	[sflag:s11] =	ssyncadd.s32 $0xFFFF8000  }
0x79: {  	[spmem:s3] =	stream.indirect.scatter.add.f32 [tilespmem:s10], [sflag:$0x3], $0x40, s0, s6, $0xb8;
	[tilespmem:$0x1EE00] =	vst v63  }
0x7a: {  	_ =	swait.ge [sflag:s12], $0x8000  }
0x7b: {  	[sflag:s12] =	ssyncset.done $0x0  }
0x7c: {  	s0 =	rddreg [dreg:$0x17];
	[sflag:s12] =	ssyncadd.s32 $0xFFFF8000  }
0x7d: {  	[spmem:s3] =	stream.indirect.scatter.add.f32 [tilespmem:s8], [sflag:$0x4], $0x40, s0, s6, $0xb8;
	[tilespmem:$0x1EE00] =	vst v63  }
0x7e: {  	_ =	swait.ge [sflag:s14], $0x8000  }
0x7f: {  	[sflag:s14] =	ssyncset.done $0x0  }
0x80: {  	s0 =	rddreg [dreg:$0x18];
	[sflag:s14] =	ssyncadd.s32 $0xFFFF8000  }
0x81: {  	[tilespmem:s10], [sflag:$0x1] =	stream.indirect.gather [hbm4b:s4+s6], $0x40, s0, s6, $0xb8;
	[tilespmem:$0x1EE00] =	vst v63  }
0x82: {  	_ =	swait.ge [sflag:s13], $0x8000  }
0x83: {  	[sflag:s13] =	ssyncset.done $0x0  }
0x84: {  	s0 =	rddreg [dreg:$0x19];
	[sflag:s13] =	ssyncadd.s32 $0xFFFF8000  }
0x85: {  	[tilespmem:s8], [sflag:$0x2] =	stream.indirect.gather [hbm4b:s4+s6], $0x40, s0, s6, $0xb8;
	[tilespmem:$0x1EE00] =	vst v63  }
0x86: {  	_ =	swait.ge [sflag:s11], $0x8000  }
0x87: {  	[sflag:s11] =	ssyncset.done $0x0  }
0x88: {  	s0 =	rddreg [dreg:$0x1a];
	[sflag:s11] =	ssyncadd.s32 $0xFFFF8000  }
0x89: {  	[spmem:s3] =	stream.indirect.scatter.add.f32 [tilespmem:s10], [sflag:$0x3], $0x40, s0, s6, $0xb8;
	[tilespmem:$0x1EE00] =	vst v63  }
0x8a: {  	_ =	swait.ge [sflag:s12], $0x8000  }
0x8b: {  	[sflag:s12] =	ssyncset.done $0x0  }
0x8c: {  	s0 =	rddreg [dreg:$0x1b];
	[sflag:s12] =	ssyncadd.s32 $0xFFFF8000  }
0x8d: {  	[spmem:s3] =	stream.indirect.scatter.add.f32 [tilespmem:s8], [sflag:$0x4], $0x40, s0, s6, $0xb8;
	[tilespmem:$0x1EE00] =	vst v63  }
0x8e: {  	_ =	swait.ge [sflag:s14], $0x8000  }
0x8f: {  	[sflag:s14] =	ssyncset.done $0x0  }
0x90: {  	s0 =	rddreg [dreg:$0x1c];
	[sflag:s14] =	ssyncadd.s32 $0xFFFF8000  }
0x91: {  	[tilespmem:s10], [sflag:$0x1] =	stream.indirect.gather [hbm4b:s4+s6], $0x40, s0, s6, $0xb8;
	[tilespmem:$0x1EE00] =	vst v63  }
0x92: {  	_ =	swait.ge [sflag:s13], $0x8000  }
0x93: {  	[sflag:s13] =	ssyncset.done $0x0  }
0x94: {  	[sflag:s13] =	ssyncadd.s32 $0xFFFF8000  }
0x95: {  	[tilespmem:s8], [sflag:$0x2] =	stream.indirect.gather [hbm4b:s4+s6], $0x40, s30, s6, $0xb8;
	[tilespmem:$0x1EE00] =	vst v63  }
0x96: {  	_ =	swait.ge [sflag:s11], $0x8000  }
0x97: {  	[sflag:s11] =	ssyncset.done $0x0  }
0x98: {  	[sflag:s11] =	ssyncadd.s32 $0xFFFF8000  }
0x99: {  	[spmem:s3] =	stream.indirect.scatter.add.f32 [tilespmem:s10], [sflag:$0x3], $0x40, s29, s6, $0xb8;
	[tilespmem:$0x1EE00] =	vst v63  }
0x9a: {  	_ =	swait.ge [sflag:s12], $0x8000  }
0x9b: {  	[sflag:s12] =	ssyncset.done $0x0  }
0x9c: {  	[sflag:s12] =	ssyncadd.s32 $0xFFFF8000  }
0x9d: {  	[spmem:s3] =	stream.indirect.scatter.add.f32 [tilespmem:s8], [sflag:$0x4], $0x40, s28, s6, $0xb8;
	[tilespmem:$0x1EE00] =	vst v63  }
0x9e: {  	_ =	swait.ge [sflag:s14], $0x8000  }
0x9f: {  	[sflag:s14] =	ssyncset.done $0x0  }
0xa0: {  	[sflag:s14] =	ssyncadd.s32 $0xFFFF8000  }
0xa1: {  	[tilespmem:s10], [sflag:$0x1] =	stream.indirect.gather [hbm4b:s4+s6], $0x40, s26, s6, $0xb8;
	[tilespmem:$0x1EE00] =	vst v63  }
0xa2: {  	_ =	swait.ge [sflag:s13], $0x8000  }
0xa3: {  	[sflag:s13] =	ssyncset.done $0x0  }
0xa4: {  	[sflag:s13] =	ssyncadd.s32 $0xFFFF8000  }
0xa5: {  	[tilespmem:s8], [sflag:$0x2] =	stream.indirect.gather [hbm4b:s4+s6], $0x40, s25, s6, $0xb8;
	[tilespmem:$0x1EE00] =	vst v63  }
0xa6: {  	_ =	swait.ge [sflag:s11], $0x8000  }
0xa7: {  	[sflag:s11] =	ssyncset.done $0x0  }
0xa8: {  	[sflag:s11] =	ssyncadd.s32 $0xFFFF8000  }
0xa9: {  	[spmem:s3] =	stream.indirect.scatter.add.f32 [tilespmem:s10], [sflag:$0x3], $0x40, s24, s6, $0xb8;
	[tilespmem:$0x1EE00] =	vst v63  }
0xaa: {  	_ =	swait.ge [sflag:s12], $0x8000  }
0xab: {  	[sflag:s12] =	ssyncset.done $0x0  }
0xac: {  	[sflag:s12] =	ssyncadd.s32 $0xFFFF8000  }
0xad: {  	[spmem:s3] =	stream.indirect.scatter.add.f32 [tilespmem:s8], [sflag:$0x4], $0x40, s23, s6, $0xb8;
	[tilespmem:$0x1EE00] =	vst v63  }
0xae: {  	_ =	swait.ge [sflag:s14], $0x8000  }
0xaf: {  	[sflag:s14] =	ssyncset.done $0x0  }
0xb0: {  	[sflag:s14] =	ssyncadd.s32 $0xFFFF8000  }
0xb1: {  	[tilespmem:s10], [sflag:$0x1] =	stream.indirect.gather [hbm4b:s4+s6], $0x40, s22, s6, $0xb8;
	[tilespmem:$0x1EE00] =	vst v63  }
0xb2: {  	_ =	swait.ge [sflag:s13], $0x8000  }
0xb3: {  	[sflag:s13] =	ssyncset.done $0x0  }
0xb4: {  	[sflag:s13] =	ssyncadd.s32 $0xFFFF8000  }
0xb5: {  	[tilespmem:s8], [sflag:$0x2] =	stream.indirect.gather [hbm4b:s4+s6], $0x40, s20, s6, $0xb8;
	[tilespmem:$0x1EE00] =	vst v63  }
0xb6: {  	_ =	swait.ge [sflag:s11], $0x8000  }
0xb7: {  	[sflag:s11] =	ssyncset.done $0x0  }
0xb8: {  	[sflag:s11] =	ssyncadd.s32 $0xFFFF8000  }
0xb9: {  	[spmem:s3] =	stream.indirect.scatter.add.f32 [tilespmem:s10], [sflag:$0x3], $0x40, s21, s6, $0xb8;
	[tilespmem:$0x1EE00] =	vst v63  }
0xba: {  	_ =	swait.ge [sflag:s12], $0x8000  }
0xbb: {  	[sflag:s12] =	ssyncset.done $0x0  }
0xbc: {  	[sflag:s12] =	ssyncadd.s32 $0xFFFF8000  }
0xbd: {  	[spmem:s3] =	stream.indirect.scatter.add.f32 [tilespmem:s8], [sflag:$0x4], $0x40, s19, s6, $0xb8;
	[tilespmem:$0x1EE00] =	vst v63  }
0xbe: {  	_ =	swait.ge [sflag:s14], $0x8000  }
0xbf: {  	[sflag:s14] =	ssyncset.done $0x0  }
0xc0: {  	[sflag:s14] =	ssyncadd.s32 $0xFFFF8000  }
0xc1: {  	[tilespmem:s10], [sflag:$0x1] =	stream.indirect.gather [hbm4b:s4+s6], $0x40, s18, s6, $0xb8;
	[tilespmem:$0x1EE00] =	vst v63  }
0xc2: {  	_ =	swait.ge [sflag:s13], $0x8000  }
0xc3: {  	[sflag:s13] =	ssyncset.done $0x0  }
0xc4: {  	[sflag:s13] =	ssyncadd.s32 $0xFFFF8000  }
0xc5: {  	[tilespmem:s8], [sflag:$0x2] =	stream.indirect.gather [hbm4b:s4+s6], $0x40, s17, s6, $0xb8;
	[tilespmem:$0x1EE00] =	vst v63  }
0xc6: {  	_ =	swait.ge [sflag:s11], $0x8000  }
0xc7: {  	[sflag:s11] =	ssyncset.done $0x0  }
0xc8: {  	[sflag:s11] =	ssyncadd.s32 $0xFFFF8000  }
0xc9: {  	[spmem:s3] =	stream.indirect.scatter.add.f32 [tilespmem:s10], [sflag:$0x3], $0x40, s16, s6, $0xb8;
	[tilespmem:$0x1EE00] =	vst v63  }
0xca: {  	_ =	swait.ge [sflag:s12], $0x8000  }
0xcb: {  	[sflag:s12] =	ssyncset.done $0x0  }
0xcc: {  	[sflag:s12] =	ssyncadd.s32 $0xFFFF8000  }
0xcd: {  	[spmem:s3] =	stream.indirect.scatter.add.f32 [tilespmem:s8], [sflag:$0x4], $0x40, s15, s6, $0xb8;
	[tilespmem:$0x1EE00] =	vst v63  }
0xce: {  	_ =	swait.ge [sflag:s14], $0x8000  }
0xcf: {  	[sflag:s14] =	ssyncset.done $0x0  }
0xd0: {  	[sflag:s14] =	ssyncadd.s32 $0xFFFF8000  }
0xd1: {  	[tilespmem:s10], [sflag:$0x1] =	stream.indirect.gather [hbm4b:s4+s6], $0x40, s2, s6, $0xb8;
	[tilespmem:$0x1EE00] =	vst v63  }
0xd2: {  	_ =	swait.ge [sflag:s13], $0x8000  }
0xd3: {  	[sflag:s13] =	ssyncset.done $0x0  }
0xd4: {  	[sflag:s13] =	ssyncadd.s32 $0xFFFF8000  }
0xd5: {  	[tilespmem:s8], [sflag:$0x2] =	stream.indirect.gather [hbm4b:s4+s6], $0x40, s6, s6, $0xb8;
	[tilespmem:$0x1EE00] =	vst v63  }
0xd6: {  	_ =	swait.ge [sflag:s11], $0x8000  }
0xd7: {  	[sflag:s11] =	ssyncset.done $0x0  }
0xd8: {  	[sflag:s11] =	ssyncadd.s32 $0xFFFF8000  }
0xd9: {  	_ =	swait.ge [sflag:s12], $0x8000  }
0xda: {  	[sflag:s12] =	ssyncset.done $0x0  }
0xdb: {  	p1 =	sne.s32 s1, $0x1;
	[sflag:s12] =	ssyncadd.s32 $0xFFFF8000  }
.Ltmp1:
0xdc: {  	[bflag:$0x0] =	sbarrier.arrive $0xFFFF;
	(pc) =	sbr.rel @!p1 .LBB2_3-.Ltmp1, $4  }
0xdd: {  	s0 =	rddreg [dreg:$0x6]  }
0xde: {  	[hbm:s0], [sflag:s7] =	dma.local [spmem:s9], $0x13C0  }
0xdf: {  	s1 =	sadd.s32 $0xFFFFFFFF, s1;
	_ =	swait.ge [sflag:s5], $0x13C0  }
0xe0: {  	p0 =	por $0x1, $0x1;
	s0 =	rddreg [dreg:$0x3];
	[sflag:s5] =	ssyncset.done $0x0  }
.LBB2_2:
0xe1: {  	[sflag:s5] =	ssyncadd.s32 $0xFFFFEC40  }
0xe2: {  	[tilespmem:s2], [sflag:$0x5] =	stream.linear.gather [hbm4b:s0+s2], $0x2800, $0x38;
	[tilespmem:$0x1EE00] =	vst v63  }
0xe3: {  	_ =	swait.ge [sflag:s5], $0x2800  }
0xe4: {  	[sflag:s5] =	ssyncset.done $0x0  }
0xe5: {  	s0 =	rddreg [dreg:$0x4];
	[sflag:s5] =	ssyncadd.s32 $0xFFFFD800  }
0xe6: {  	[tilespmem:s31], [sflag:$0x5] =	stream.linear.gather [hbm4b:s0+s2], $0x2800, $0x38;
	[tilespmem:$0x1EE00] =	vst v63  }
0xe7: {  	_ =	swait.ge [sflag:s5], $0x2800  }
0xe8: {  	[sflag:s5] =	ssyncset.done $0x0  }
0xe9: {  	[sflag:s5] =	ssyncadd.s32 $0xFFFFD800  }
0xea: {  	[tilespmem:s10], [sflag:$0x1] =	stream.indirect.gather [hbm4b:s4+s6], $0x40, s2, s6, $0xb8;
	[tilespmem:$0x1EE00] =	vst v63  }
0xeb: {  	s0 =	rddreg [dreg:$0x5]  }
0xec: {  	[tilespmem:s8], [sflag:$0x2] =	stream.indirect.gather [hbm4b:s4+s6], $0x40, s6, s6, $0xb8;
	[tilespmem:$0x1EE00] =	vst v63  }
0xed: {  	[spmem:s9], [sflag:s7] =	dma.local [hbm:s0], $0x13C0  }
0xee: {  	_ =	swait.ge [sflag:s5], $0x13C0  }
0xef: {  	[sflag:s5] =	ssyncset.done $0x0  }
0xf0: {  	[sflag:s5] =	ssyncadd.s32 $0xFFFFEC40  }
0xf1: {  	[bflag:$0x0] =	sbarrier.arrive $0xFFFF  }
0xf2: {  	_ =	swait.ge [sflag:s11], $0x8000  }
0xf3: {  	[sflag:s11] =	ssyncset.done $0x0  }
0xf4: {  	[sflag:s11] =	ssyncadd.s32 $0xFFFF8000  }
0xf5: {  	[spmem:s3] =	stream.indirect.scatter.add.f32 [tilespmem:s10], [sflag:$0x3], $0x40, s31, s6, $0xb8;
	[tilespmem:$0x1EE00] =	vst v63  }
0xf6: {  	_ =	swait.ge [sflag:s12], $0x8000  }
0xf7: {  	[sflag:s12] =	ssyncset.done $0x0  }
0xf8: {  	s0 =	rddreg [dreg:$0x7];
	[sflag:s12] =	ssyncadd.s32 $0xFFFF8000  }
0xf9: {  	[spmem:s3] =	stream.indirect.scatter.add.f32 [tilespmem:s8], [sflag:$0x4], $0x40, s0, s6, $0xb8;
	[tilespmem:$0x1EE00] =	vst v63  }
0xfa: {  	_ =	swait.ge [sflag:s14], $0x8000  }
0xfb: {  	[sflag:s14] =	ssyncset.done $0x0  }
0xfc: {  	s0 =	rddreg [dreg:$0x8];
	[sflag:s14] =	ssyncadd.s32 $0xFFFF8000  }
0xfd: {  	[tilespmem:s10], [sflag:$0x1] =	stream.indirect.gather [hbm4b:s4+s6], $0x40, s0, s6, $0xb8;
	[tilespmem:$0x1EE00] =	vst v63  }
0xfe: {  	_ =	swait.ge [sflag:s13], $0x8000  }
0xff: {  	[sflag:s13] =	ssyncset.done $0x0  }
0x100: {  	s0 =	rddreg [dreg:$0x9];
	[sflag:s13] =	ssyncadd.s32 $0xFFFF8000  }
0x101: {  	[tilespmem:s8], [sflag:$0x2] =	stream.indirect.gather [hbm4b:s4+s6], $0x40, s0, s6, $0xb8;
	[tilespmem:$0x1EE00] =	vst v63  }
0x102: {  	_ =	swait.ge [sflag:s11], $0x8000  }
0x103: {  	[sflag:s11] =	ssyncset.done $0x0  }
0x104: {  	s0 =	rddreg [dreg:$0xa];
	[sflag:s11] =	ssyncadd.s32 $0xFFFF8000  }
0x105: {  	[spmem:s3] =	stream.indirect.scatter.add.f32 [tilespmem:s10], [sflag:$0x3], $0x40, s0, s6, $0xb8;
	[tilespmem:$0x1EE00] =	vst v63  }
0x106: {  	_ =	swait.ge [sflag:s12], $0x8000  }
0x107: {  	[sflag:s12] =	ssyncset.done $0x0  }
0x108: {  	s0 =	rddreg [dreg:$0xb];
	[sflag:s12] =	ssyncadd.s32 $0xFFFF8000  }
0x109: {  	[spmem:s3] =	stream.indirect.scatter.add.f32 [tilespmem:s8], [sflag:$0x4], $0x40, s0, s6, $0xb8;
	[tilespmem:$0x1EE00] =	vst v63  }
0x10a: {  	_ =	swait.ge [sflag:s14], $0x8000  }
0x10b: {  	[sflag:s14] =	ssyncset.done $0x0  }
0x10c: {  	s0 =	rddreg [dreg:$0xc];
	[sflag:s14] =	ssyncadd.s32 $0xFFFF8000  }
0x10d: {  	[tilespmem:s10], [sflag:$0x1] =	stream.indirect.gather [hbm4b:s4+s6], $0x40, s0, s6, $0xb8;
	[tilespmem:$0x1EE00] =	vst v63  }
0x10e: {  	_ =	swait.ge [sflag:s13], $0x8000  }
0x10f: {  	[sflag:s13] =	ssyncset.done $0x0  }
0x110: {  	s0 =	rddreg [dreg:$0xd];
	[sflag:s13] =	ssyncadd.s32 $0xFFFF8000  }
0x111: {  	[tilespmem:s8], [sflag:$0x2] =	stream.indirect.gather [hbm4b:s4+s6], $0x40, s0, s6, $0xb8;
	[tilespmem:$0x1EE00] =	vst v63  }
0x112: {  	_ =	swait.ge [sflag:s11], $0x8000  }
0x113: {  	[sflag:s11] =	ssyncset.done $0x0  }
0x114: {  	s0 =	rddreg [dreg:$0xe];
	[sflag:s11] =	ssyncadd.s32 $0xFFFF8000  }
0x115: {  	[spmem:s3] =	stream.indirect.scatter.add.f32 [tilespmem:s10], [sflag:$0x3], $0x40, s0, s6, $0xb8;
	[tilespmem:$0x1EE00] =	vst v63  }
0x116: {  	_ =	swait.ge [sflag:s12], $0x8000  }
0x117: {  	[sflag:s12] =	ssyncset.done $0x0  }
0x118: {  	s0 =	rddreg [dreg:$0xf];
	[sflag:s12] =	ssyncadd.s32 $0xFFFF8000  }
0x119: {  	[spmem:s3] =	stream.indirect.scatter.add.f32 [tilespmem:s8], [sflag:$0x4], $0x40, s0, s6, $0xb8;
	[tilespmem:$0x1EE00] =	vst v63  }
0x11a: {  	_ =	swait.ge [sflag:s14], $0x8000  }
0x11b: {  	[sflag:s14] =	ssyncset.done $0x0  }
0x11c: {  	s0 =	rddreg [dreg:$0x10];
	[sflag:s14] =	ssyncadd.s32 $0xFFFF8000  }
0x11d: {  	[tilespmem:s10], [sflag:$0x1] =	stream.indirect.gather [hbm4b:s4+s6], $0x40, s0, s6, $0xb8;
	[tilespmem:$0x1EE00] =	vst v63  }
0x11e: {  	_ =	swait.ge [sflag:s13], $0x8000  }
0x11f: {  	[sflag:s13] =	ssyncset.done $0x0  }
0x120: {  	s0 =	rddreg [dreg:$0x11];
	[sflag:s13] =	ssyncadd.s32 $0xFFFF8000  }
0x121: {  	[tilespmem:s8], [sflag:$0x2] =	stream.indirect.gather [hbm4b:s4+s6], $0x40, s0, s6, $0xb8;
	[tilespmem:$0x1EE00] =	vst v63  }
0x122: {  	_ =	swait.ge [sflag:s11], $0x8000  }
0x123: {  	[sflag:s11] =	ssyncset.done $0x0  }
0x124: {  	s0 =	rddreg [dreg:$0x12];
	[sflag:s11] =	ssyncadd.s32 $0xFFFF8000  }
0x125: {  	[spmem:s3] =	stream.indirect.scatter.add.f32 [tilespmem:s10], [sflag:$0x3], $0x40, s0, s6, $0xb8;
	[tilespmem:$0x1EE00] =	vst v63  }
0x126: {  	_ =	swait.ge [sflag:s12], $0x8000  }
0x127: {  	[sflag:s12] =	ssyncset.done $0x0  }
0x128: {  	s0 =	rddreg [dreg:$0x13];
	[sflag:s12] =	ssyncadd.s32 $0xFFFF8000  }
0x129: {  	[spmem:s3] =	stream.indirect.scatter.add.f32 [tilespmem:s8], [sflag:$0x4], $0x40, s0, s6, $0xb8;
	[tilespmem:$0x1EE00] =	vst v63  }
0x12a: {  	_ =	swait.ge [sflag:s14], $0x8000  }
0x12b: {  	[sflag:s14] =	ssyncset.done $0x0  }
0x12c: {  	s0 =	rddreg [dreg:$0x14];
	[sflag:s14] =	ssyncadd.s32 $0xFFFF8000  }
0x12d: {  	[tilespmem:s10], [sflag:$0x1] =	stream.indirect.gather [hbm4b:s4+s6], $0x40, s0, s6, $0xb8;
	[tilespmem:$0x1EE00] =	vst v63  }
0x12e: {  	_ =	swait.ge [sflag:s13], $0x8000  }
0x12f: {  	[sflag:s13] =	ssyncset.done $0x0  }
0x130: {  	s0 =	rddreg [dreg:$0x15];
	[sflag:s13] =	ssyncadd.s32 $0xFFFF8000  }
0x131: {  	[tilespmem:s8], [sflag:$0x2] =	stream.indirect.gather [hbm4b:s4+s6], $0x40, s0, s6, $0xb8;
	[tilespmem:$0x1EE00] =	vst v63  }
0x132: {  	_ =	swait.ge [sflag:s11], $0x8000  }
0x133: {  	[sflag:s11] =	ssyncset.done $0x0  }
0x134: {  	s0 =	rddreg [dreg:$0x16];
	[sflag:s11] =	ssyncadd.s32 $0xFFFF8000  }
0x135: {  	[spmem:s3] =	stream.indirect.scatter.add.f32 [tilespmem:s10], [sflag:$0x3], $0x40, s0, s6, $0xb8;
	[tilespmem:$0x1EE00] =	vst v63  }
0x136: {  	_ =	swait.ge [sflag:s12], $0x8000  }
0x137: {  	[sflag:s12] =	ssyncset.done $0x0  }
0x138: {  	s0 =	rddreg [dreg:$0x17];
	[sflag:s12] =	ssyncadd.s32 $0xFFFF8000  }
0x139: {  	[spmem:s3] =	stream.indirect.scatter.add.f32 [tilespmem:s8], [sflag:$0x4], $0x40, s0, s6, $0xb8;
	[tilespmem:$0x1EE00] =	vst v63  }
0x13a: {  	_ =	swait.ge [sflag:s14], $0x8000  }
0x13b: {  	[sflag:s14] =	ssyncset.done $0x0  }
0x13c: {  	s0 =	rddreg [dreg:$0x18];
	[sflag:s14] =	ssyncadd.s32 $0xFFFF8000  }
0x13d: {  	[tilespmem:s10], [sflag:$0x1] =	stream.indirect.gather [hbm4b:s4+s6], $0x40, s0, s6, $0xb8;
	[tilespmem:$0x1EE00] =	vst v63  }
0x13e: {  	_ =	swait.ge [sflag:s13], $0x8000  }
0x13f: {  	[sflag:s13] =	ssyncset.done $0x0  }
0x140: {  	s0 =	rddreg [dreg:$0x19];
	[sflag:s13] =	ssyncadd.s32 $0xFFFF8000  }
0x141: {  	[tilespmem:s8], [sflag:$0x2] =	stream.indirect.gather [hbm4b:s4+s6], $0x40, s0, s6, $0xb8;
	[tilespmem:$0x1EE00] =	vst v63  }
0x142: {  	_ =	swait.ge [sflag:s11], $0x8000  }
0x143: {  	[sflag:s11] =	ssyncset.done $0x0  }
0x144: {  	s0 =	rddreg [dreg:$0x1a];
	[sflag:s11] =	ssyncadd.s32 $0xFFFF8000  }
0x145: {  	[spmem:s3] =	stream.indirect.scatter.add.f32 [tilespmem:s10], [sflag:$0x3], $0x40, s0, s6, $0xb8;
	[tilespmem:$0x1EE00] =	vst v63  }
0x146: {  	_ =	swait.ge [sflag:s12], $0x8000  }
0x147: {  	[sflag:s12] =	ssyncset.done $0x0  }
0x148: {  	s0 =	rddreg [dreg:$0x1b];
	[sflag:s12] =	ssyncadd.s32 $0xFFFF8000  }
0x149: {  	[spmem:s3] =	stream.indirect.scatter.add.f32 [tilespmem:s8], [sflag:$0x4], $0x40, s0, s6, $0xb8;
	[tilespmem:$0x1EE00] =	vst v63  }
0x14a: {  	_ =	swait.ge [sflag:s14], $0x8000  }
0x14b: {  	[sflag:s14] =	ssyncset.done $0x0  }
0x14c: {  	s0 =	rddreg [dreg:$0x1c];
	[sflag:s14] =	ssyncadd.s32 $0xFFFF8000  }
0x14d: {  	[tilespmem:s10], [sflag:$0x1] =	stream.indirect.gather [hbm4b:s4+s6], $0x40, s0, s6, $0xb8;
	[tilespmem:$0x1EE00] =	vst v63  }
0x14e: {  	_ =	swait.ge [sflag:s13], $0x8000  }
0x14f: {  	[sflag:s13] =	ssyncset.done $0x0  }
0x150: {  	[sflag:s13] =	ssyncadd.s32 $0xFFFF8000  }
0x151: {  	[tilespmem:s8], [sflag:$0x2] =	stream.indirect.gather [hbm4b:s4+s6], $0x40, s30, s6, $0xb8;
	[tilespmem:$0x1EE00] =	vst v63  }
0x152: {  	_ =	swait.ge [sflag:s11], $0x8000  }
0x153: {  	[sflag:s11] =	ssyncset.done $0x0  }
0x154: {  	[sflag:s11] =	ssyncadd.s32 $0xFFFF8000  }
0x155: {  	[spmem:s3] =	stream.indirect.scatter.add.f32 [tilespmem:s10], [sflag:$0x3], $0x40, s29, s6, $0xb8;
	[tilespmem:$0x1EE00] =	vst v63  }
0x156: {  	_ =	swait.ge [sflag:s12], $0x8000  }
0x157: {  	[sflag:s12] =	ssyncset.done $0x0  }
0x158: {  	[sflag:s12] =	ssyncadd.s32 $0xFFFF8000  }
0x159: {  	[spmem:s3] =	stream.indirect.scatter.add.f32 [tilespmem:s8], [sflag:$0x4], $0x40, s28, s6, $0xb8;
	[tilespmem:$0x1EE00] =	vst v63  }
0x15a: {  	_ =	swait.ge [sflag:s14], $0x8000  }
0x15b: {  	[sflag:s14] =	ssyncset.done $0x0  }
0x15c: {  	[sflag:s14] =	ssyncadd.s32 $0xFFFF8000  }
0x15d: {  	[tilespmem:s10], [sflag:$0x1] =	stream.indirect.gather [hbm4b:s4+s6], $0x40, s26, s6, $0xb8;
	[tilespmem:$0x1EE00] =	vst v63  }
0x15e: {  	_ =	swait.ge [sflag:s13], $0x8000  }
0x15f: {  	[sflag:s13] =	ssyncset.done $0x0  }
0x160: {  	[sflag:s13] =	ssyncadd.s32 $0xFFFF8000  }
0x161: {  	[tilespmem:s8], [sflag:$0x2] =	stream.indirect.gather [hbm4b:s4+s6], $0x40, s25, s6, $0xb8;
	[tilespmem:$0x1EE00] =	vst v63  }
0x162: {  	_ =	swait.ge [sflag:s11], $0x8000  }
0x163: {  	[sflag:s11] =	ssyncset.done $0x0  }
0x164: {  	[sflag:s11] =	ssyncadd.s32 $0xFFFF8000  }
0x165: {  	[spmem:s3] =	stream.indirect.scatter.add.f32 [tilespmem:s10], [sflag:$0x3], $0x40, s24, s6, $0xb8;
	[tilespmem:$0x1EE00] =	vst v63  }
0x166: {  	_ =	swait.ge [sflag:s12], $0x8000  }
0x167: {  	[sflag:s12] =	ssyncset.done $0x0  }
0x168: {  	[sflag:s12] =	ssyncadd.s32 $0xFFFF8000  }
0x169: {  	[spmem:s3] =	stream.indirect.scatter.add.f32 [tilespmem:s8], [sflag:$0x4], $0x40, s23, s6, $0xb8;
	[tilespmem:$0x1EE00] =	vst v63  }
0x16a: {  	_ =	swait.ge [sflag:s14], $0x8000  }
0x16b: {  	[sflag:s14] =	ssyncset.done $0x0  }
0x16c: {  	[sflag:s14] =	ssyncadd.s32 $0xFFFF8000  }
0x16d: {  	[tilespmem:s10], [sflag:$0x1] =	stream.indirect.gather [hbm4b:s4+s6], $0x40, s22, s6, $0xb8;
	[tilespmem:$0x1EE00] =	vst v63  }
0x16e: {  	_ =	swait.ge [sflag:s13], $0x8000  }
0x16f: {  	[sflag:s13] =	ssyncset.done $0x0  }
0x170: {  	[sflag:s13] =	ssyncadd.s32 $0xFFFF8000  }
0x171: {  	[tilespmem:s8], [sflag:$0x2] =	stream.indirect.gather [hbm4b:s4+s6], $0x40, s20, s6, $0xb8;
	[tilespmem:$0x1EE00] =	vst v63  }
0x172: {  	_ =	swait.ge [sflag:s11], $0x8000  }
0x173: {  	[sflag:s11] =	ssyncset.done $0x0  }
0x174: {  	[sflag:s11] =	ssyncadd.s32 $0xFFFF8000  }
0x175: {  	[spmem:s3] =	stream.indirect.scatter.add.f32 [tilespmem:s10], [sflag:$0x3], $0x40, s21, s6, $0xb8;
	[tilespmem:$0x1EE00] =	vst v63  }
0x176: {  	_ =	swait.ge [sflag:s12], $0x8000  }
0x177: {  	[sflag:s12] =	ssyncset.done $0x0  }
0x178: {  	[sflag:s12] =	ssyncadd.s32 $0xFFFF8000  }
0x179: {  	[spmem:s3] =	stream.indirect.scatter.add.f32 [tilespmem:s8], [sflag:$0x4], $0x40, s19, s6, $0xb8;
	[tilespmem:$0x1EE00] =	vst v63  }
0x17a: {  	_ =	swait.ge [sflag:s14], $0x8000  }
0x17b: {  	[sflag:s14] =	ssyncset.done $0x0  }
0x17c: {  	[sflag:s14] =	ssyncadd.s32 $0xFFFF8000  }
0x17d: {  	[tilespmem:s10], [sflag:$0x1] =	stream.indirect.gather [hbm4b:s4+s6], $0x40, s18, s6, $0xb8;
	[tilespmem:$0x1EE00] =	vst v63  }
0x17e: {  	_ =	swait.ge [sflag:s13], $0x8000  }
0x17f: {  	[sflag:s13] =	ssyncset.done $0x0  }
0x180: {  	[sflag:s13] =	ssyncadd.s32 $0xFFFF8000  }
0x181: {  	[tilespmem:s8], [sflag:$0x2] =	stream.indirect.gather [hbm4b:s4+s6], $0x40, s17, s6, $0xb8;
	[tilespmem:$0x1EE00] =	vst v63  }
0x182: {  	_ =	swait.ge [sflag:s11], $0x8000  }
0x183: {  	[sflag:s11] =	ssyncset.done $0x0  }
0x184: {  	[sflag:s11] =	ssyncadd.s32 $0xFFFF8000  }
0x185: {  	[spmem:s3] =	stream.indirect.scatter.add.f32 [tilespmem:s10], [sflag:$0x3], $0x40, s16, s6, $0xb8;
	[tilespmem:$0x1EE00] =	vst v63  }
0x186: {  	_ =	swait.ge [sflag:s12], $0x8000  }
0x187: {  	[sflag:s12] =	ssyncset.done $0x0  }
0x188: {  	[sflag:s12] =	ssyncadd.s32 $0xFFFF8000  }
0x189: {  	[spmem:s3] =	stream.indirect.scatter.add.f32 [tilespmem:s8], [sflag:$0x4], $0x40, s15, s6, $0xb8;
	[tilespmem:$0x1EE00] =	vst v63  }
0x18a: {  	_ =	swait.ge [sflag:s14], $0x8000  }
0x18b: {  	[sflag:s14] =	ssyncset.done $0x0  }
0x18c: {  	[sflag:s14] =	ssyncadd.s32 $0xFFFF8000  }
0x18d: {  	[tilespmem:s10], [sflag:$0x1] =	stream.indirect.gather [hbm4b:s4+s6], $0x40, s2, s6, $0xb8;
	[tilespmem:$0x1EE00] =	vst v63  }
0x18e: {  	_ =	swait.ge [sflag:s13], $0x8000  }
0x18f: {  	[sflag:s13] =	ssyncset.done $0x0  }
0x190: {  	[sflag:s13] =	ssyncadd.s32 $0xFFFF8000  }
0x191: {  	[tilespmem:s8], [sflag:$0x2] =	stream.indirect.gather [hbm4b:s4+s6], $0x40, s6, s6, $0xb8;
	[tilespmem:$0x1EE00] =	vst v63  }
0x192: {  	_ =	swait.ge [sflag:s11], $0x8000  }
0x193: {  	[sflag:s11] =	ssyncset.done $0x0  }
0x194: {  	[sflag:s11] =	ssyncadd.s32 $0xFFFF8000  }
0x195: {  	_ =	swait.ge [sflag:s12], $0x8000  }
0x196: {  	[sflag:s12] =	ssyncset.done $0x0  }
0x197: {  	p1 =	sne.s32 s1, $0x1;
	[sflag:s12] =	ssyncadd.s32 $0xFFFF8000  }
.Ltmp2:
0x198: {  	[bflag:$0x0] =	sbarrier.arrive $0xFFFF;
	(pc) =	sbr.rel @p1 .LBB2_2-.Ltmp2, $4  }
0x199: {  	s0 =	rddreg [dreg:$0x6]  }
0x19a: {  	[hbm:s0], [sflag:s7] =	dma.local [spmem:s9], $0x13C0  }
0x19b: {  	_ =	swait.ge [sflag:s5], $0x13C0  }
0x19c: {  	s1 =	sadd.s32 $0xFFFFFFFF, s1;
	s0 =	rddreg [dreg:$0x3];
	[sflag:s5] =	ssyncset.done $0x0  }
.LBB2_3:
0x19d: {  	[sflag:s5] =	ssyncadd.s32 @p0 $0xFFFFEC40  }
0x19e: {  	[tilespmem:s2], [sflag:$0x5] =	stream.linear.gather [hbm4b:s0+s2], $0x2800, $0x38;
	[tilespmem:$0x1EE00] =	vst v63  }
0x19f: {  	_ =	swait.ge [sflag:s5], $0x2800  }
0x1a0: {  	[sflag:s5] =	ssyncset.done $0x0  }
0x1a1: {  	s1 =	rddreg [dreg:$0x4];
	[sflag:s5] =	ssyncadd.s32 $0xFFFFD800  }
0x1a2: {  	[tilespmem:s31], [sflag:$0x5] =	stream.linear.gather [hbm4b:s1+s2], $0x2800, $0x38;
	[tilespmem:$0x1EE00] =	vst v63  }
0x1a3: {  	_ =	swait.ge [sflag:s5], $0x2800  }
0x1a4: {  	[sflag:s5] =	ssyncset.done $0x0  }
0x1a5: {  	[sflag:s5] =	ssyncadd.s32 $0xFFFFD800  }
0x1a6: {  	[tilespmem:s10], [sflag:$0x1] =	stream.indirect.gather [hbm4b:s4+s6], $0x40, s2, s6, $0xb8;
	[tilespmem:$0x1EE00] =	vst v63  }
0x1a7: {  	s1 =	rddreg [dreg:$0x5]  }
0x1a8: {  	[tilespmem:s8], [sflag:$0x2] =	stream.indirect.gather [hbm4b:s4+s6], $0x40, s6, s6, $0xb8;
	[tilespmem:$0x1EE00] =	vst v63  }
0x1a9: {  	[spmem:s9], [sflag:s7] =	dma.local [hbm:s1], $0x13C0  }
0x1aa: {  	_ =	swait.ge [sflag:s5], $0x13C0  }
0x1ab: {  	[sflag:s5] =	ssyncset.done $0x0  }
0x1ac: {  	[sflag:s5] =	ssyncadd.s32 $0xFFFFEC40  }
0x1ad: {  	[bflag:$0x0] =	sbarrier.arrive $0xFFFF  }
0x1ae: {  	_ =	swait.ge [sflag:s11], $0x8000  }
0x1af: {  	[sflag:s11] =	ssyncset.done $0x0  }
0x1b0: {  	[sflag:s11] =	ssyncadd.s32 $0xFFFF8000  }
0x1b1: {  	[spmem:s3] =	stream.indirect.scatter.add.f32 [tilespmem:s10], [sflag:$0x3], $0x40, s31, s6, $0xb8;
	[tilespmem:$0x1EE00] =	vst v63  }
0x1b2: {  	_ =	swait.ge [sflag:s12], $0x8000  }
0x1b3: {  	[sflag:s12] =	ssyncset.done $0x0  }
0x1b4: {  	s31 =	rddreg [dreg:$0x7];
	[sflag:s12] =	ssyncadd.s32 $0xFFFF8000  }
0x1b5: {  	[spmem:s3] =	stream.indirect.scatter.add.f32 [tilespmem:s8], [sflag:$0x4], $0x40, s31, s6, $0xb8;
	[tilespmem:$0x1EE00] =	vst v63  }
0x1b6: {  	_ =	swait.ge [sflag:s14], $0x8000  }
0x1b7: {  	[sflag:s14] =	ssyncset.done $0x0  }
0x1b8: {  	s1 =	rddreg [dreg:$0x8];
	[sflag:s14] =	ssyncadd.s32 $0xFFFF8000  }
0x1b9: {  	[tilespmem:s10], [sflag:$0x1] =	stream.indirect.gather [hbm4b:s4+s6], $0x40, s1, s6, $0xb8;
	[tilespmem:$0x1EE00] =	vst v63  }
0x1ba: {  	_ =	swait.ge [sflag:s13], $0x8000  }
0x1bb: {  	[sflag:s13] =	ssyncset.done $0x0  }
0x1bc: {  	s31 =	rddreg [dreg:$0x9];
	[sflag:s13] =	ssyncadd.s32 $0xFFFF8000  }
0x1bd: {  	[tilespmem:s8], [sflag:$0x2] =	stream.indirect.gather [hbm4b:s4+s6], $0x40, s31, s6, $0xb8;
	[tilespmem:$0x1EE00] =	vst v63  }
0x1be: {  	_ =	swait.ge [sflag:s11], $0x8000  }
0x1bf: {  	[sflag:s11] =	ssyncset.done $0x0  }
0x1c0: {  	s1 =	rddreg [dreg:$0xa];
	[sflag:s11] =	ssyncadd.s32 $0xFFFF8000  }
0x1c1: {  	[spmem:s3] =	stream.indirect.scatter.add.f32 [tilespmem:s10], [sflag:$0x3], $0x40, s1, s6, $0xb8;
	[tilespmem:$0x1EE00] =	vst v63  }
0x1c2: {  	_ =	swait.ge [sflag:s12], $0x8000  }
0x1c3: {  	[sflag:s12] =	ssyncset.done $0x0  }
0x1c4: {  	s31 =	rddreg [dreg:$0xb];
	[sflag:s12] =	ssyncadd.s32 $0xFFFF8000  }
0x1c5: {  	[spmem:s3] =	stream.indirect.scatter.add.f32 [tilespmem:s8], [sflag:$0x4], $0x40, s31, s6, $0xb8;
	[tilespmem:$0x1EE00] =	vst v63  }
0x1c6: {  	_ =	swait.ge [sflag:s14], $0x8000  }
0x1c7: {  	[sflag:s14] =	ssyncset.done $0x0  }
0x1c8: {  	s1 =	rddreg [dreg:$0xc];
	[sflag:s14] =	ssyncadd.s32 $0xFFFF8000  }
0x1c9: {  	[tilespmem:s10], [sflag:$0x1] =	stream.indirect.gather [hbm4b:s4+s6], $0x40, s1, s6, $0xb8;
	[tilespmem:$0x1EE00] =	vst v63  }
0x1ca: {  	_ =	swait.ge [sflag:s13], $0x8000  }
0x1cb: {  	[sflag:s13] =	ssyncset.done $0x0  }
0x1cc: {  	s31 =	rddreg [dreg:$0xd];
	[sflag:s13] =	ssyncadd.s32 $0xFFFF8000  }
0x1cd: {  	[tilespmem:s8], [sflag:$0x2] =	stream.indirect.gather [hbm4b:s4+s6], $0x40, s31, s6, $0xb8;
	[tilespmem:$0x1EE00] =	vst v63  }
0x1ce: {  	_ =	swait.ge [sflag:s11], $0x8000  }
0x1cf: {  	[sflag:s11] =	ssyncset.done $0x0  }
0x1d0: {  	s1 =	rddreg [dreg:$0xe];
	[sflag:s11] =	ssyncadd.s32 $0xFFFF8000  }
0x1d1: {  	[spmem:s3] =	stream.indirect.scatter.add.f32 [tilespmem:s10], [sflag:$0x3], $0x40, s1, s6, $0xb8;
	[tilespmem:$0x1EE00] =	vst v63  }
0x1d2: {  	_ =	swait.ge [sflag:s12], $0x8000  }
0x1d3: {  	[sflag:s12] =	ssyncset.done $0x0  }
0x1d4: {  	s31 =	rddreg [dreg:$0xf];
	[sflag:s12] =	ssyncadd.s32 $0xFFFF8000  }
0x1d5: {  	[spmem:s3] =	stream.indirect.scatter.add.f32 [tilespmem:s8], [sflag:$0x4], $0x40, s31, s6, $0xb8;
	[tilespmem:$0x1EE00] =	vst v63  }
0x1d6: {  	_ =	swait.ge [sflag:s14], $0x8000  }
0x1d7: {  	[sflag:s14] =	ssyncset.done $0x0  }
0x1d8: {  	s1 =	rddreg [dreg:$0x10];
	[sflag:s14] =	ssyncadd.s32 $0xFFFF8000  }
0x1d9: {  	[tilespmem:s10], [sflag:$0x1] =	stream.indirect.gather [hbm4b:s4+s6], $0x40, s1, s6, $0xb8;
	[tilespmem:$0x1EE00] =	vst v63  }
0x1da: {  	_ =	swait.ge [sflag:s13], $0x8000  }
0x1db: {  	[sflag:s13] =	ssyncset.done $0x0  }
0x1dc: {  	s31 =	rddreg [dreg:$0x11];
	[sflag:s13] =	ssyncadd.s32 $0xFFFF8000  }
0x1dd: {  	[tilespmem:s8], [sflag:$0x2] =	stream.indirect.gather [hbm4b:s4+s6], $0x40, s31, s6, $0xb8;
	[tilespmem:$0x1EE00] =	vst v63  }
0x1de: {  	_ =	swait.ge [sflag:s11], $0x8000  }
0x1df: {  	[sflag:s11] =	ssyncset.done $0x0  }
0x1e0: {  	s1 =	rddreg [dreg:$0x12];
	[sflag:s11] =	ssyncadd.s32 $0xFFFF8000  }
0x1e1: {  	[spmem:s3] =	stream.indirect.scatter.add.f32 [tilespmem:s10], [sflag:$0x3], $0x40, s1, s6, $0xb8;
	[tilespmem:$0x1EE00] =	vst v63  }
0x1e2: {  	_ =	swait.ge [sflag:s12], $0x8000  }
0x1e3: {  	[sflag:s12] =	ssyncset.done $0x0  }
0x1e4: {  	s31 =	rddreg [dreg:$0x13];
	[sflag:s12] =	ssyncadd.s32 $0xFFFF8000  }
0x1e5: {  	[spmem:s3] =	stream.indirect.scatter.add.f32 [tilespmem:s8], [sflag:$0x4], $0x40, s31, s6, $0xb8;
	[tilespmem:$0x1EE00] =	vst v63  }
0x1e6: {  	_ =	swait.ge [sflag:s14], $0x8000  }
0x1e7: {  	[sflag:s14] =	ssyncset.done $0x0  }
0x1e8: {  	s1 =	rddreg [dreg:$0x14];
	[sflag:s14] =	ssyncadd.s32 $0xFFFF8000  }
0x1e9: {  	[tilespmem:s10], [sflag:$0x1] =	stream.indirect.gather [hbm4b:s4+s6], $0x40, s1, s6, $0xb8;
	[tilespmem:$0x1EE00] =	vst v63  }
0x1ea: {  	_ =	swait.ge [sflag:s13], $0x8000  }
0x1eb: {  	[sflag:s13] =	ssyncset.done $0x0  }
0x1ec: {  	s31 =	rddreg [dreg:$0x15];
	[sflag:s13] =	ssyncadd.s32 $0xFFFF8000  }
0x1ed: {  	[tilespmem:s8], [sflag:$0x2] =	stream.indirect.gather [hbm4b:s4+s6], $0x40, s31, s6, $0xb8;
	[tilespmem:$0x1EE00] =	vst v63  }
0x1ee: {  	_ =	swait.ge [sflag:s11], $0x8000  }
0x1ef: {  	[sflag:s11] =	ssyncset.done $0x0  }
0x1f0: {  	s1 =	rddreg [dreg:$0x16];
	[sflag:s11] =	ssyncadd.s32 $0xFFFF8000  }
0x1f1: {  	[spmem:s3] =	stream.indirect.scatter.add.f32 [tilespmem:s10], [sflag:$0x3], $0x40, s1, s6, $0xb8;
	[tilespmem:$0x1EE00] =	vst v63  }
0x1f2: {  	_ =	swait.ge [sflag:s12], $0x8000  }
0x1f3: {  	[sflag:s12] =	ssyncset.done $0x0  }
0x1f4: {  	s31 =	rddreg [dreg:$0x17];
	[sflag:s12] =	ssyncadd.s32 $0xFFFF8000  }
0x1f5: {  	[spmem:s3] =	stream.indirect.scatter.add.f32 [tilespmem:s8], [sflag:$0x4], $0x40, s31, s6, $0xb8;
	[tilespmem:$0x1EE00] =	vst v63  }
0x1f6: {  	_ =	swait.ge [sflag:s14], $0x8000  }
0x1f7: {  	[sflag:s14] =	ssyncset.done $0x0  }
0x1f8: {  	s1 =	rddreg [dreg:$0x18];
	[sflag:s14] =	ssyncadd.s32 $0xFFFF8000  }
0x1f9: {  	[tilespmem:s10], [sflag:$0x1] =	stream.indirect.gather [hbm4b:s4+s6], $0x40, s1, s6, $0xb8;
	[tilespmem:$0x1EE00] =	vst v63  }
0x1fa: {  	_ =	swait.ge [sflag:s13], $0x8000  }
0x1fb: {  	[sflag:s13] =	ssyncset.done $0x0  }
0x1fc: {  	s31 =	rddreg [dreg:$0x19];
	[sflag:s13] =	ssyncadd.s32 $0xFFFF8000  }
0x1fd: {  	[tilespmem:s8], [sflag:$0x2] =	stream.indirect.gather [hbm4b:s4+s6], $0x40, s31, s6, $0xb8;
	[tilespmem:$0x1EE00] =	vst v63  }
0x1fe: {  	_ =	swait.ge [sflag:s11], $0x8000  }
0x1ff: {  	[sflag:s11] =	ssyncset.done $0x0  }
0x200: {  	s1 =	rddreg [dreg:$0x1a];
	[sflag:s11] =	ssyncadd.s32 $0xFFFF8000  }
0x201: {  	[spmem:s3] =	stream.indirect.scatter.add.f32 [tilespmem:s10], [sflag:$0x3], $0x40, s1, s6, $0xb8;
	[tilespmem:$0x1EE00] =	vst v63  }
0x202: {  	_ =	swait.ge [sflag:s12], $0x8000  }
0x203: {  	[sflag:s12] =	ssyncset.done $0x0  }
0x204: {  	s31 =	rddreg [dreg:$0x1b];
	[sflag:s12] =	ssyncadd.s32 $0xFFFF8000  }
0x205: {  	[spmem:s3] =	stream.indirect.scatter.add.f32 [tilespmem:s8], [sflag:$0x4], $0x40, s31, s6, $0xb8;
	[tilespmem:$0x1EE00] =	vst v63  }
0x206: {  	_ =	swait.ge [sflag:s14], $0x8000  }
0x207: {  	[sflag:s14] =	ssyncset.done $0x0  }
0x208: {  	s1 =	rddreg [dreg:$0x1c];
	[sflag:s14] =	ssyncadd.s32 $0xFFFF8000  }
0x209: {  	[tilespmem:s10], [sflag:$0x1] =	stream.indirect.gather [hbm4b:s4+s6], $0x40, s1, s6, $0xb8;
	[tilespmem:$0x1EE00] =	vst v63  }
0x20a: {  	_ =	swait.ge [sflag:s13], $0x8000  }
0x20b: {  	[sflag:s13] =	ssyncset.done $0x0  }
0x20c: {  	[sflag:s13] =	ssyncadd.s32 $0xFFFF8000  }
0x20d: {  	[tilespmem:s8], [sflag:$0x2] =	stream.indirect.gather [hbm4b:s4+s6], $0x40, s30, s6, $0xb8;
	[tilespmem:$0x1EE00] =	vst v63  }
0x20e: {  	_ =	swait.ge [sflag:s11], $0x8000  }
0x20f: {  	[sflag:s11] =	ssyncset.done $0x0  }
0x210: {  	[sflag:s11] =	ssyncadd.s32 $0xFFFF8000  }
0x211: {  	[spmem:s3] =	stream.indirect.scatter.add.f32 [tilespmem:s10], [sflag:$0x3], $0x40, s29, s6, $0xb8;
	[tilespmem:$0x1EE00] =	vst v63  }
0x212: {  	_ =	swait.ge [sflag:s12], $0x8000  }
0x213: {  	[sflag:s12] =	ssyncset.done $0x0  }
0x214: {  	[sflag:s12] =	ssyncadd.s32 $0xFFFF8000  }
0x215: {  	[spmem:s3] =	stream.indirect.scatter.add.f32 [tilespmem:s8], [sflag:$0x4], $0x40, s28, s6, $0xb8;
	[tilespmem:$0x1EE00] =	vst v63  }
0x216: {  	_ =	swait.ge [sflag:s14], $0x8000  }
0x217: {  	[sflag:s14] =	ssyncset.done $0x0  }
0x218: {  	[sflag:s14] =	ssyncadd.s32 $0xFFFF8000  }
0x219: {  	[tilespmem:s10], [sflag:$0x1] =	stream.indirect.gather [hbm4b:s4+s6], $0x40, s26, s6, $0xb8;
	[tilespmem:$0x1EE00] =	vst v63  }
0x21a: {  	_ =	swait.ge [sflag:s13], $0x8000  }
0x21b: {  	[sflag:s13] =	ssyncset.done $0x0  }
0x21c: {  	[sflag:s13] =	ssyncadd.s32 $0xFFFF8000  }
0x21d: {  	[tilespmem:s8], [sflag:$0x2] =	stream.indirect.gather [hbm4b:s4+s6], $0x40, s25, s6, $0xb8;
	[tilespmem:$0x1EE00] =	vst v63  }
0x21e: {  	_ =	swait.ge [sflag:s11], $0x8000  }
0x21f: {  	[sflag:s11] =	ssyncset.done $0x0  }
0x220: {  	[sflag:s11] =	ssyncadd.s32 $0xFFFF8000  }
0x221: {  	[spmem:s3] =	stream.indirect.scatter.add.f32 [tilespmem:s10], [sflag:$0x3], $0x40, s24, s6, $0xb8;
	[tilespmem:$0x1EE00] =	vst v63  }
0x222: {  	_ =	swait.ge [sflag:s12], $0x8000  }
0x223: {  	[sflag:s12] =	ssyncset.done $0x0  }
0x224: {  	[sflag:s12] =	ssyncadd.s32 $0xFFFF8000  }
0x225: {  	[spmem:s3] =	stream.indirect.scatter.add.f32 [tilespmem:s8], [sflag:$0x4], $0x40, s23, s6, $0xb8;
	[tilespmem:$0x1EE00] =	vst v63  }
0x226: {  	_ =	swait.ge [sflag:s14], $0x8000  }
0x227: {  	[sflag:s14] =	ssyncset.done $0x0  }
0x228: {  	[sflag:s14] =	ssyncadd.s32 $0xFFFF8000  }
0x229: {  	[tilespmem:s10], [sflag:$0x1] =	stream.indirect.gather [hbm4b:s4+s6], $0x40, s22, s6, $0xb8;
	[tilespmem:$0x1EE00] =	vst v63  }
0x22a: {  	_ =	swait.ge [sflag:s13], $0x8000  }
0x22b: {  	[sflag:s13] =	ssyncset.done $0x0  }
0x22c: {  	[sflag:s13] =	ssyncadd.s32 $0xFFFF8000  }
0x22d: {  	[tilespmem:s8], [sflag:$0x2] =	stream.indirect.gather [hbm4b:s4+s6], $0x40, s20, s6, $0xb8;
	[tilespmem:$0x1EE00] =	vst v63  }
0x22e: {  	_ =	swait.ge [sflag:s11], $0x8000  }
0x22f: {  	[sflag:s11] =	ssyncset.done $0x0  }
0x230: {  	[sflag:s11] =	ssyncadd.s32 $0xFFFF8000  }
0x231: {  	[spmem:s3] =	stream.indirect.scatter.add.f32 [tilespmem:s10], [sflag:$0x3], $0x40, s21, s6, $0xb8;
	[tilespmem:$0x1EE00] =	vst v63  }
0x232: {  	_ =	swait.ge [sflag:s12], $0x8000  }
0x233: {  	[sflag:s12] =	ssyncset.done $0x0  }
0x234: {  	[sflag:s12] =	ssyncadd.s32 $0xFFFF8000  }
0x235: {  	[spmem:s3] =	stream.indirect.scatter.add.f32 [tilespmem:s8], [sflag:$0x4], $0x40, s19, s6, $0xb8;
	[tilespmem:$0x1EE00] =	vst v63  }
0x236: {  	_ =	swait.ge [sflag:s14], $0x8000  }
0x237: {  	[sflag:s14] =	ssyncset.done $0x0  }
0x238: {  	[sflag:s14] =	ssyncadd.s32 $0xFFFF8000  }
0x239: {  	[tilespmem:s10], [sflag:$0x1] =	stream.indirect.gather [hbm4b:s4+s6], $0x40, s18, s6, $0xb8;
	[tilespmem:$0x1EE00] =	vst v63  }
0x23a: {  	_ =	swait.ge [sflag:s13], $0x8000  }
0x23b: {  	[sflag:s13] =	ssyncset.done $0x0  }
0x23c: {  	[sflag:s13] =	ssyncadd.s32 $0xFFFF8000  }
0x23d: {  	[tilespmem:s8], [sflag:$0x2] =	stream.indirect.gather [hbm4b:s4+s6], $0x40, s17, s6, $0xb8;
	[tilespmem:$0x1EE00] =	vst v63  }
0x23e: {  	_ =	swait.ge [sflag:s11], $0x8000  }
0x23f: {  	[sflag:s11] =	ssyncset.done $0x0  }
0x240: {  	[sflag:s11] =	ssyncadd.s32 $0xFFFF8000  }
0x241: {  	[spmem:s3] =	stream.indirect.scatter.add.f32 [tilespmem:s10], [sflag:$0x3], $0x40, s16, s6, $0xb8;
	[tilespmem:$0x1EE00] =	vst v63  }
0x242: {  	_ =	swait.ge [sflag:s12], $0x8000  }
0x243: {  	[sflag:s12] =	ssyncset.done $0x0  }
0x244: {  	[sflag:s12] =	ssyncadd.s32 $0xFFFF8000  }
0x245: {  	[spmem:s3] =	stream.indirect.scatter.add.f32 [tilespmem:s8], [sflag:$0x4], $0x40, s15, s6, $0xb8;
	[tilespmem:$0x1EE00] =	vst v63  }
0x246: {  	_ =	swait.ge [sflag:s14], $0x8000  }
0x247: {  	[sflag:s14] =	ssyncset.done $0x0  }
0x248: {  	[sflag:s14] =	ssyncadd.s32 $0xFFFF8000  }
0x249: {  	[tilespmem:s10], [sflag:$0x1] =	stream.indirect.gather [hbm4b:s4+s6], $0x40, s2, s6, $0xb8;
	[tilespmem:$0x1EE00] =	vst v63  }
0x24a: {  	_ =	swait.ge [sflag:s13], $0x8000  }
0x24b: {  	[sflag:s13] =	ssyncset.done $0x0  }
0x24c: {  	[sflag:s13] =	ssyncadd.s32 $0xFFFF8000  }
0x24d: {  	[tilespmem:s8], [sflag:$0x2] =	stream.indirect.gather [hbm4b:s4+s6], $0x40, s6, s6, $0xb8;
	[tilespmem:$0x1EE00] =	vst v63  }
0x24e: {  	_ =	swait.ge [sflag:s11], $0x8000  }
0x24f: {  	[sflag:s11] =	ssyncset.done $0x0  }
0x250: {  	[sflag:s11] =	ssyncadd.s32 $0xFFFF8000  }
0x251: {  	_ =	swait.ge [sflag:s12], $0x8000  }
0x252: {  	[sflag:s12] =	ssyncset.done $0x0  }
0x253: {  	[sflag:s12] =	ssyncadd.s32 $0xFFFF8000  }
0x254: {  	[bflag:$0x0] =	sbarrier.arrive $0xFFFF  }
0x255: {  	s30 =	rddreg [dreg:$0x6]  }
0x256: {  	[hbm:s30], [sflag:s7] =	dma.local [spmem:s9], $0x13C0  }
0x257: {  	_ =	swait.ge [sflag:s5], $0x13C0  }
0x258: {  	[sflag:s5] =	ssyncset.done $0x0  }
0x259: {  	[sflag:s5] =	ssyncadd.s32 $0xFFFFEC40  }
0x25a: {  	_ =	sfence.sel $0x180000  }
0x25b: {  	[bflag:$0x0] =	sbarrier.arrive $0xFFFF  }
0x25c: {  	_ =	strace $0x9000004A  }
0x25d: {  	s31 =	stileid.u32;
	[bflag:$0x2] =	sbarrier.arrive $0xFFFF  }
0x25e: {  	p0 =	sne.s32 s31, $0x0;
	s0 =	rddreg [dreg:$0x2]  }
0x25f: {  	s0 =	sadd.s32 @!p0 $0x100000, s0  }
0x260: {  	[sflag:s0] =	ssyncadd.tile.s32 @!p0 $0x1;
	_ =	shalt  }
.Lfunc_end2:
_tile_overlayer_lowered:
.L_overlay_start_2:
0x261: {  	(tag) =	ssettag $0x2  }
0x262: {  	s0 =	rddreg [dreg:$0x0];
	s2 =	stileid.u32  }
0x263: {  	s1 =	rddreg [dreg:$0x1];
	p0 =	sne.s32 s2, $0x0  }
0x264: {  	s3 =	rddreg [dreg:$0x2];
	[bflag:$0x3] =	sbarrier.arrive $0xFFFF;
	s2 =	simm.s32 @!p0 $0x1C05  }
0x265: {  	[timem:s3], [sflag:s2] =	dma.local @!p0 [hbm:s0], s1  }
0x266: {  	s0 =	simm.s32 @!p0 $0x5  }
0x267: {  	_ =	swait.ge @!p0 [sflag:s0], s1  }
0x268: {  	s1 =	ssub.s32 @!p0 $0x0, s1;
	[sflag:s0] =	ssyncset.done @!p0 $0x0  }
0x269: {  	[sflag:s0] =	ssyncadd.s32 @!p0 s1  }
0x26a: {  	[bflag:$0x3] =	sbarrier.arrive $0xFFFF  }
0x26b: {  	_ =	shalt  }

// kernel: kernel.17.cloned.1.call-start
scs
__scs_entry_jumppad:
0x0: {  	(pc) =	sbr.rel $0x88, $3  }
0x1: {  	(tag) =	ssettag $0x0;
	lr =	simm.s32 $0x1  }
0x2: {  	[smem:$0x3F94] =	sst lr;
	_ =	strace $0xD0000000  }
0x3: {  	_ = 	snop  }
0x4: {  	_ = 	snop  }
0x5: {  	_ = 	snop  }
0x6: {  	_ = 	snop  }
0x7: {  	_ = 	snop  }
__scs_overlays_trampoline_lowered:
0x8: {  	[smem:$0x3FA3] =	sst s0  }
0x9: {  	[smem:$0x3FA4] =	sst s1  }
0xa: {  	[smem:$0x3FA5] =	sst s2  }
0xb: {  	[smem:$0x3FA6] =	sst s3  }
0xc: {  	[smem:$0x3FA7] =	sst s4  }
0xd: {  	[smem:$0x3FA8] =	sst s5  }
0xe: {  	[smem:$0x3FA9] =	sst s6  }
0xf: {  	[smem:$0x3FAA] =	sst s7  }
0x10: {  	[smem:$0x3FAB] =	sst s8  }
0x11: {  	[smem:$0x3FAC] =	sst s9;
	s0 =	simm.s32 @!p0 $0x0  }
0x12: {  	s1 =	sld [smem:$0x3F92];
	s0 =	simm.s32 @p0 $0x1  }
0x13: {  	[smem:$0x3FAD] =	sst s0;
	s0 =	simm.s32 @!p1 $0x0  }
0x14: {  	s2 =	sld [smem:$0x3F91];
	s0 =	simm.s32 @p1 $0x1  }
0x15: {  	[smem:$0x3FAE] =	sst s0;
	s0 =	simm.s32 @!p2 $0x0  }
0x16: {  	s3 =	sld [smem:$0x3FDB];
	s0 =	simm.s32 @p2 $0x1  }
0x17: {  	s4 =	simm.s32 $0x1BF5;
	[smem:$0x3FB0] =	sst s0  }
0x18: {  	s0 =	sld [smem:$0x3F93];
	_ =	swait.ge [sflag:s4], $0x0  }
0x19: {  	s7 =	sld [smem:$0x3F94]  }
0x1a: {  	s8 =	sadd.s32 $0xFFFFE003, lr  }
0x1b: {  	s9 =	sadd.s32 $0xFFFFFEF7, lr;
	s5 =	simm.s32 $0xFFFFFFFF;
	p2 =	slt.u32 s8, $0xFFFFF086  }
0x1c: {  	p1 =	slt.u32 s9, $0xF7A;
	s5 =	simm.s32 @!p2 $0x0  }
0x1d: {  	s5 =	simm.s32 @p1 $0x1;
	p0 =	seq.s32 s7, s2  }
0x1e: {  	s7 =	smul.u32 @!p0 $0xF7A, s2;
	p2 =	seq.s32 @!p0 s5, $0x0  }
0x1f: {  	s9 =	smul.u32 $0xF7A, s1;
	s8 =	simm.s32 @!p0 $0x1BF5;
	p2 =	por !p2, p0  }
0x20: {  	[sflag:s8] =	ssyncset.s32 @!p0 $0xFFFFF086;
	s6 =	sadd.s32 @!p0 s3, s7;
	s7 =	simm.s32 @!p0 $0x108  }
0x21: {  	s3 =	sadd.s32 s3, s9;
	s6 =	sadd.s32 @!p0 $0x88, s6;
	s7 =	simm.s32 @p2 $0x1082  }
0x22: {  	[simem:s7], [sflag:s8] =	dma.local @!p0 [hbm:s6], $0xF7A  }
0x23: {  	s9 =	sor.u32 $0xD0000000, s2;
	s6 =	simm.s32 $0x108;
	_ =	swait.ge @!p0 [sflag:s8], $0x0  }
0x24: {  	s3 =	sadd.s32 $0x88, s3;
	s6 =	simm.s32 @!p1 $0x1082;
	[sflag:s4] =	ssyncset.s32 $0xFFFFF086  }
0x25: {  	[simem:s6], [sflag:s4] =	dma.local [hbm:s3], $0xF7A  }
0x26: {  	[smem:$0x3F94] =	sst s1;
	(tag) =	ssettag s2;
	_ =	strace s9  }
0x27: {  	s1 =	sld [smem:$0x3FA4]  }
0x28: {  	s2 =	sld [smem:$0x3FA5]  }
0x29: {  	s4 =	sld [smem:$0x3FA7]  }
0x2a: {  	p0 =	seq.s32 s5, $0x0;
	s5 =	sld [smem:$0x3FA8]  }
0x2b: {  	s6 =	sld [smem:$0x3FA9]  }
0x2c: {  	s7 =	sld [smem:$0x3FAA]  }
0x2d: {  	s3 =	simm.s32 $0x108;
	s8 =	sld [smem:$0x3FAB]  }
0x2e: {  	s3 =	simm.s32 @!p0 $0x1082;
	s9 =	sld [smem:$0x3FAC]  }
0x2f: {  	lr =	sadd.s32 s0, s3;
	s0 =	sld [smem:$0x3FA3]  }
0x30: {  	s3 =	sld [smem:$0x3FA6]  }
0x31: {  	[smem:$0x3FAF] =	sst s10  }
0x32: {  	s10 =	sld [smem:$0x3FAD];
	_ =	sdelay $0x3  }
0x33: {  	p0 =	seq.s32 s10, $0x1;
	s10 =	sld [smem:$0x3FAF];
	_ =	sdelay $0x3  }
0x34: {  	[smem:$0x3FAF] =	sst s10  }
0x35: {  	s10 =	sld [smem:$0x3FAE];
	_ =	sdelay $0x3  }
0x36: {  	p1 =	seq.s32 s10, $0x1;
	s10 =	sld [smem:$0x3FAF];
	_ =	sdelay $0x3  }
0x37: {  	[smem:$0x3FAF] =	sst s10  }
0x38: {  	s10 =	sld [smem:$0x3FB0]  }
0x39: {  	_ = 	snop;
	(pc) =	sbr.ind lr, $3  }
0x3a: {  	_ = 	snop  }
0x3b: {  	_ = 	snop  }
0x3c: {  	p2 =	seq.s32 s10, $0x1;
	s10 =	sld [smem:$0x3FAF]  }
0x3d: {  	_ =	shalt  }
0x3e: {  	_ =	shalt  }
0x3f: {  	_ =	shalt  }
0x40: {  	_ =	shalt  }
0x41: {  	_ =	shalt  }
0x42: {  	_ =	shalt  }
0x43: {  	_ =	shalt  }
0x44: {  	_ =	shalt  }
0x45: {  	_ =	shalt  }
0x46: {  	_ =	shalt  }
0x47: {  	_ =	shalt  }
0x48: {  	_ =	shalt  }
0x49: {  	_ =	shalt  }
0x4a: {  	_ =	shalt  }
0x4b: {  	_ =	shalt  }
0x4c: {  	_ =	shalt  }
0x4d: {  	_ =	shalt  }
0x4e: {  	_ =	shalt  }
0x4f: {  	_ =	shalt  }
0x50: {  	_ =	shalt  }
0x51: {  	_ =	shalt  }
0x52: {  	_ =	shalt  }
0x53: {  	_ =	shalt  }
0x54: {  	_ =	shalt  }
0x55: {  	_ =	shalt  }
0x56: {  	_ =	shalt  }
0x57: {  	_ =	shalt  }
0x58: {  	_ =	shalt  }
0x59: {  	_ =	shalt  }
0x5a: {  	_ =	shalt  }
0x5b: {  	_ =	shalt  }
0x5c: {  	_ =	shalt  }
0x5d: {  	_ =	shalt  }
0x5e: {  	_ =	shalt  }
0x5f: {  	_ =	shalt  }
0x60: {  	_ =	shalt  }
0x61: {  	_ =	shalt  }
0x62: {  	_ =	shalt  }
0x63: {  	_ =	shalt  }
0x64: {  	_ =	shalt  }
0x65: {  	_ =	shalt  }
0x66: {  	_ =	shalt  }
0x67: {  	_ =	shalt  }
0x68: {  	_ =	shalt  }
0x69: {  	_ =	shalt  }
0x6a: {  	_ =	shalt  }
0x6b: {  	_ =	shalt  }
0x6c: {  	_ =	shalt  }
0x6d: {  	_ =	shalt  }
0x6e: {  	_ =	shalt  }
0x6f: {  	_ =	shalt  }
0x70: {  	_ =	shalt  }
0x71: {  	_ =	shalt  }
0x72: {  	_ =	shalt  }
0x73: {  	_ =	shalt  }
0x74: {  	_ =	shalt  }
0x75: {  	_ =	shalt  }
0x76: {  	_ =	shalt  }
0x77: {  	_ =	shalt  }
0x78: {  	_ =	shalt  }
0x79: {  	_ =	shalt  }
0x7a: {  	_ =	shalt  }
0x7b: {  	_ =	shalt  }
0x7c: {  	_ =	shalt  }
0x7d: {  	_ =	shalt  }
0x7e: {  	_ =	shalt  }
0x7f: {  	_ =	shalt  }
0x80: {  	_ =	shalt  }
0x81: {  	_ =	shalt  }
0x82: {  	_ =	shalt  }
0x83: {  	_ =	shalt  }
0x84: {  	_ =	shalt  }
0x85: {  	_ =	shalt  }
0x86: {  	_ =	shalt  }
0x87: {  	_ =	shalt  }
.Lfunc_end0:
.L_simem_size_0:
called_computation.2_lowered:
.L_overlay_start_0:
0x88: {  	s2 =	sld [smem:$0x3FD9]  }
0x89: {  	s3 =	sld [smem:$0x3FFE];
	_ =	sdelay $0x1  }
0x8a: {  	s1 =	srdreg.scid  }
0x8b: {  	s0 =	sand.u32 $0x1, s1  }
0x8c: {  	s16 =	sshll.u32 s0, $0xA;
	s2 =	sadd.s32 s3, s2  }
0x8d: {  	s2 =	sadd.s32 s2, s16  }
0x8e: {  	[smem:$0x3FBB] =	sst s2  }
0x8f: {  	_ = 	snop  }
0x90: {  	(tm) =	ssettm $0x1  }
0x91: {  	s17 =	sld [smem:$0x3FFB];
	_ =	sdelay $0x3  }
0x92: {  	_ =	strace s17  }
0x93: {  	s2 =	sld [smem:$0x3FFC];
	_ =	sdelay $0x3  }
0x94: {  	_ =	strace s2  }
0x95: {  	s2 =	sld [smem:$0x3FFD];
	_ =	sdelay $0x3  }
0x96: {  	_ =	strace s2  }
0x97: {  	_ =	strace $0x8FFFFFFF  }
0x98: {  	s18 =	sld [smem:$0x3FDB];
	_ =	sdelay $0x1  }
0x99: {  	s19 =	simm.s32 $_scs_section_size  }
0x9a: {  	s4 =	simm.s32 $_size__tile_overlayer_lowered;
	s5 =	simm.s32 $_tile_overlayer_lowered  }
0x9b: {  	s22 =	simm.s32 $0x1BFF;
	s21 =	sshll.u32 s5, $0x1;
	s2 =	sadd.s32 s19, s18  }
0x9c: {  	s6 =	simm.s32 $0x0;
	s20 =	sshll.u32 s4, $0x1;
	s4 =	sadd.s32 s21, s2  }
0x9d: {  	[timem:s6], [sflag:s22] =	dma.local [hbm:s4], s20  }
0x9e: {  	_ =	swait.ge [sflag:s22], s20  }
0x9f: {  	s3 =	ssub.s32 $0x0, s20;
	[sflag:s22] =	ssyncset.done $0x0  }
0xa0: {  	[sflag:s22] =	ssyncadd.s32 s3;
	_ =	sdelay $0x1  }
0xa1: {  	s23 =	simm.s32 $0x1B8B  }
0xa2: {  	_ =	swait.ge [sflag:s23], $0x1  }
0xa3: {  	[sflag:s23] =	ssyncset.done $0x0  }
0xa4: {  	s25 =	simm.s32 $0x1B8E;
	s24 =	sld [smem:$0x3FFE];
	[sflag:s23] =	ssyncadd.s32 $0xFFFFFFFF  }
0xa5: {  	s26 =	simm.s32 $execute0_lowered;
	[smem:$0x3FD2] =	sst s25  }
0xa6: {  	s4 =	sshll.u32 s26, $0x1;
	_ =	strace $0x8000004C;
	[dreg:$0x1] =	wrdreg $0xFFFFFFFF  }
0xa7: {  	s28 =	simm.s32 $_size_execute0_lowered;
	s2 =	sadd.s32 s2, s4;
	[dreg:$0x0] =	wrdreg $0x0  }
0xa8: {  	s4 =	sshll.u32 s28, $0x1;
	[dreg:$0x2] =	wrdreg s2  }
0xa9: {  	[dreg:$0x3] =	wrdreg s4  }
0xaa: {  	[dreg:$0x4] =	wrdreg $0xC0  }
0xab: {  	_ =	task [dreg:s6], $0x5FFFF  }
0xac: {  	[dreg:$0x1] =	wrdreg $0xFFFFFFFF  }
0xad: {  	[dreg:$0x0] =	wrdreg $0x60  }
0xae: {  	[dreg:$0x2] =	wrdreg s24  }
0xaf: {  	[dreg:$0x3] =	wrdreg $0x150000  }
0xb0: {  	[dreg:$0x4] =	wrdreg $0x9  }
0xb1: {  	_ =	task.clear_ibuf [dreg:s6], $0x5FFFF;
	_ =	strace $0x9000004C  }
0xb2: {  	s29 =	simm.s32 $0x9;
	_ =	strace $0x8000004E  }
0xb3: {  	_ =	swait.ge [sflag:s29], $0x1  }
0xb4: {  	[sflag:s29] =	ssyncadd.s32 $0xFFFFFFFF  }
0xb5: {  	_ =	strace $0x9000004E  }
0xb6: {  	_ =	sfence  }
0xb7: {  	s30 =	sld [smem:$0x0];
	_ =	sdelay $0x2  }
0xb8: {  	s31 =	sshll.u32 s1, $0xD;
	s1 =	sshrl.u32 s1, $0x2  }
0xb9: {  	s3 =	sand.u32 $0x4000, s31;
	s1 =	sadd.s32 s1, s30  }
0xba: {  	s0 =	sor.u32 s3, s0;
	s1 =	sshll.u32 s1, $0x11  }
0xbb: {  	s0 =	sor.u32 s1, s0  }
0xbc: {  	s0 =	sadd.s32 $0x8F2B, s0  }
0xbd: {  	[sflag:s0] =	ssyncadd.remote.s32 $0x1  }
0xbe: {  	_ =	sfence.sel $0xFFFF  }
0xbf: {  	[dreg:$0x0] =	wrdreg $0xFFFFFFFF;
	(pc) =	sbr.abs _section_cstart, $3  }
0xc0: {  	[dreg:$0x1] =	wrdreg $0xFFFFFFFF  }
0xc1: {  	_ =	task.clear_ibuf [dreg:s6], $0x2FFFF;
	_ =	strace $0x9FFFFFFF  }
0xc2: {  	(tm) =	ssettm $0x7FFFFFFF  }
0xc3: {  	_ =	shalt  }
tec
execute0_lowered:
.L_overlay_start_1:
0x0: {  	(tag) =	ssettag $0x1  }
0x1: {  	s0 =	srdreg.scid;
	s4 =	rddreg [dreg:$0x0]  }
0x2: {  	s11 =	stileid.u32;
	s3 =	rddreg [dreg:$0x1]  }
0x3: {  	s2 =	simm.s32 $0x0;
	s23 =	simm.s32 $0x2A00;
	s24 =	simm.s32 $0x400  }
0x4: {  	s25 =	simm.s32 $0x600;
	s26 =	simm.s32 $0x2C00;
	[smem:$0x7FF] =	sst s2  }
0x5: {  	s10 =	simm.s32 $0x3000;
	_ =	strace $0x8000004D;
	[dreg:$0x7] =	wrdreg s23  }
0x6: {  	s12 =	simm.s32 $0x3200;
	s13 =	simm.s32 $0xC00;
	[dreg:$0x8] =	wrdreg s24  }
0x7: {  	s14 =	simm.s32 $0xE00;
	s15 =	simm.s32 $0x3400;
	[dreg:$0x9] =	wrdreg s25  }
0x8: {  	s31 =	simm.s32 $0x2800;
	s16 =	simm.s32 $0x3600;
	[dreg:$0xa] =	wrdreg s26  }
0x9: {  	s17 =	simm.s32 $0x1000;
	s18 =	simm.s32 $0x1200;
	[dreg:$0xe] =	wrdreg s10  }
0xa: {  	s19 =	simm.s32 $0x3800;
	s30 =	simm.s32 $0x1A00;
	[dreg:$0xf] =	wrdreg s12  }
0xb: {  	s29 =	simm.s32 $0x4000;
	s28 =	simm.s32 $0x4200;
	[dreg:$0x10] =	wrdreg s13  }
0xc: {  	p0 =	por $0x0, $0x0;
	s0 =	sand.u32 $0x1, s0;
	[dreg:$0x11] =	wrdreg s14  }
0xd: {  	s1 =	sshll.u32 s11, $0x1;
	s5 =	smul.u32 $0x9E00, s11;
	[dreg:$0x12] =	wrdreg s15  }
0xe: {  	s20 =	sshll.u32 s11, $0x6;
	s11 =	simm.s32 $0x1;
	[dreg:$0x13] =	wrdreg s16  }
0xf: {  	s1 =	sor.u32 s0, s1;
	s6 =	smul.u32 $0x9E000, s0;
	[dreg:$0x14] =	wrdreg s17  }
0x10: {  	s0 =	ssub.s32 $0x2, s0;
	s10 =	simm.s32 $0x5000;
	[dreg:$0x15] =	wrdreg s18  }
0x11: {  	[dreg:$0x16] =	wrdreg s19;
	s23 =	simm.s32 $0x1600;
	s24 =	simm.s32 $0x3C00  }
0x12: {  	s12 =	simm.s32 $0x2;
	s25 =	simm.s32 $0x3E00;
	s14 =	simm.s32 $0x3  }
0x13: {  	s26 =	simm.s32 $0x1800;
	s13 =	simm.s32 $0x4;
	s19 =	simm.s32 $0x4A00  }
0x14: {  	s18 =	simm.s32 $0x2400;
	s17 =	simm.s32 $0x2600;
	[dreg:$0x19] =	wrdreg s23  }
0x15: {  	s16 =	simm.s32 $0x4C00;
	s15 =	simm.s32 $0x4E00;
	[dreg:$0x1a] =	wrdreg s24  }
0x16: {  	s1 =	smul.u32 $0x500, s1;
	s7 =	sshrl.u32 s5, $0x3;
	[dreg:$0x1b] =	wrdreg s25  }
0x17: {  	s9 =	sshrl.u32 s0, $0x1;
	[dreg:$0x1c] =	wrdreg s26;
	s26 =	simm.s32 $0x1C00  }
0x18: {  	s25 =	simm.s32 $0x1E00;
	s24 =	simm.s32 $0x4400;
	s23 =	simm.s32 $0x4600  }
0x19: {  	s7 =	sadd.s32 s7, s4;
	s6 =	sadd.s32 s5, s6;
	s0 =	ssub.s32 s0, s9  }
0x1a: {  	s9 =	sadd.s32 s5, s3;
	s5 =	simm.s32 $0x5;
	s1 =	sadd.s32 s1, s4  }
0x1b: {  	s6 =	sshrl.u32 s6, $0x3;
	s21 =	sadd.s32 $0x61400, s7;
	s7 =	simm.s32 $0x800  }
0x1c: {  	s0 =	smax.u32 s0, $0x1;
	s9 =	sshrl.u32 s9, $0x3;
	[dreg:$0x5] =	wrdreg s21  }
0x1d: {  	s8 =	sadd.s32 $0x1C800, s1;
	s1 =	sadd.s32 $0x3A00, s1;
	[dreg:$0xc] =	wrdreg s7  }
0x1e: {  	s6 =	sadd.s32 s6, s4;
	s4 =	sadd.s32 $0x4DA00, s4;
	[dreg:$0x3] =	wrdreg s8  }
0x1f: {  	s21 =	simm.s32 $0x3A00;
	s7 =	sor.u32 $0x1C05, s20;
	[dreg:$0x4] =	wrdreg s1  }
0x20: {  	p1 =	sne.s32 s0, $0x1;
	s22 =	sadd.s32 $0x75000, s6;
	[dreg:$0x17] =	wrdreg s21  }
.Ltmp0:
0x21: {  	s6 =	simm.s32 $0x2E00;
	[dreg:$0x6] =	wrdreg s22;
	(pc) =	sbr.rel @!p1 .LBB2_3-.Ltmp0, $4  }
0x22: {  	s20 =	simm.s32 $0x2200;
	s8 =	simm.s32 $0xA00;
	[dreg:$0xb] =	wrdreg s6  }
0x23: {  	s1 =	sadd.s32 $0xFFFFFFFF, s0;
	s21 =	simm.s32 $0x4800;
	[dreg:$0xd] =	wrdreg s8  }
0x24: {  	s6 =	simm.s32 $0x200;
	s22 =	simm.s32 $0x1400;
	s0 =	rddreg [dreg:$0x3]  }
0x25: {  	s8 =	simm.s32 $0xD000;
	[dreg:$0x18] =	wrdreg s22;
	s22 =	simm.s32 $0x2000  }
0x26: {  	[tilespmem:s2], [sflag:$0x5] =	stream.linear.gather [hbm4b:s0+s2], $0x2800, $0x38;
	[tilespmem:$0x1EE00] =	vst v63  }
0x27: {  	_ =	swait.ge [sflag:s5], $0x2800  }
0x28: {  	[sflag:s5] =	ssyncset.done $0x0  }
0x29: {  	s0 =	rddreg [dreg:$0x4];
	[sflag:s5] =	ssyncadd.s32 $0xFFFFD800  }
0x2a: {  	[tilespmem:s31], [sflag:$0x5] =	stream.linear.gather [hbm4b:s0+s2], $0x2800, $0x38;
	[tilespmem:$0x1EE00] =	vst v63  }
0x2b: {  	_ =	swait.ge [sflag:s5], $0x2800  }
0x2c: {  	[sflag:s5] =	ssyncset.done $0x0  }
0x2d: {  	[sflag:s5] =	ssyncadd.s32 $0xFFFFD800  }
0x2e: {  	[tilespmem:s10], [sflag:$0x1] =	stream.indirect.gather [hbm4b:s4+s6], $0x40, s2, s6, $0xb8;
	[tilespmem:$0x1EE00] =	vst v63  }
0x2f: {  	s0 =	rddreg [dreg:$0x5]  }
0x30: {  	[tilespmem:s8], [sflag:$0x2] =	stream.indirect.gather [hbm4b:s4+s6], $0x40, s6, s6, $0xb8;
	[tilespmem:$0x1EE00] =	vst v63  }
0x31: {  	[spmem:s9], [sflag:s7] =	dma.local [hbm:s0], $0x13C0  }
0x32: {  	_ =	swait.ge [sflag:s5], $0x13C0  }
0x33: {  	[sflag:s5] =	ssyncset.done $0x0  }
0x34: {  	[sflag:s5] =	ssyncadd.s32 $0xFFFFEC40  }
0x35: {  	[bflag:$0x0] =	sbarrier.arrive $0xFFFF  }
0x36: {  	_ =	swait.ge [sflag:s11], $0x8000  }
0x37: {  	[sflag:s11] =	ssyncset.done $0x0  }
0x38: {  	[sflag:s11] =	ssyncadd.s32 $0xFFFF8000  }
0x39: {  	[spmem:s3] =	stream.indirect.scatter.add.f32 [tilespmem:s10], [sflag:$0x3], $0x40, s31, s6, $0xb8;
	[tilespmem:$0x1EE00] =	vst v63  }
0x3a: {  	_ =	swait.ge [sflag:s12], $0x8000  }
0x3b: {  	[sflag:s12] =	ssyncset.done $0x0  }
0x3c: {  	s0 =	rddreg [dreg:$0x7];
	[sflag:s12] =	ssyncadd.s32 $0xFFFF8000  }
0x3d: {  	[spmem:s3] =	stream.indirect.scatter.add.f32 [tilespmem:s8], [sflag:$0x4], $0x40, s0, s6, $0xb8;
	[tilespmem:$0x1EE00] =	vst v63  }
0x3e: {  	_ =	swait.ge [sflag:s14], $0x8000  }
0x3f: {  	[sflag:s14] =	ssyncset.done $0x0  }
0x40: {  	s0 =	rddreg [dreg:$0x8];
	[sflag:s14] =	ssyncadd.s32 $0xFFFF8000  }
0x41: {  	[tilespmem:s10], [sflag:$0x1] =	stream.indirect.gather [hbm4b:s4+s6], $0x40, s0, s6, $0xb8;
	[tilespmem:$0x1EE00] =	vst v63  }
0x42: {  	_ =	swait.ge [sflag:s13], $0x8000  }
0x43: {  	[sflag:s13] =	ssyncset.done $0x0  }
0x44: {  	s0 =	rddreg [dreg:$0x9];
	[sflag:s13] =	ssyncadd.s32 $0xFFFF8000  }
0x45: {  	[tilespmem:s8], [sflag:$0x2] =	stream.indirect.gather [hbm4b:s4+s6], $0x40, s0, s6, $0xb8;
	[tilespmem:$0x1EE00] =	vst v63  }
0x46: {  	_ =	swait.ge [sflag:s11], $0x8000  }
0x47: {  	[sflag:s11] =	ssyncset.done $0x0  }
0x48: {  	s0 =	rddreg [dreg:$0xa];
	[sflag:s11] =	ssyncadd.s32 $0xFFFF8000  }
0x49: {  	[spmem:s3] =	stream.indirect.scatter.add.f32 [tilespmem:s10], [sflag:$0x3], $0x40, s0, s6, $0xb8;
	[tilespmem:$0x1EE00] =	vst v63  }
0x4a: {  	_ =	swait.ge [sflag:s12], $0x8000  }
0x4b: {  	[sflag:s12] =	ssyncset.done $0x0  }
0x4c: {  	s0 =	rddreg [dreg:$0xb];
	[sflag:s12] =	ssyncadd.s32 $0xFFFF8000  }
0x4d: {  	[spmem:s3] =	stream.indirect.scatter.add.f32 [tilespmem:s8], [sflag:$0x4], $0x40, s0, s6, $0xb8;
	[tilespmem:$0x1EE00] =	vst v63  }
0x4e: {  	_ =	swait.ge [sflag:s14], $0x8000  }
0x4f: {  	[sflag:s14] =	ssyncset.done $0x0  }
0x50: {  	s0 =	rddreg [dreg:$0xc];
	[sflag:s14] =	ssyncadd.s32 $0xFFFF8000  }
0x51: {  	[tilespmem:s10], [sflag:$0x1] =	stream.indirect.gather [hbm4b:s4+s6], $0x40, s0, s6, $0xb8;
	[tilespmem:$0x1EE00] =	vst v63  }
0x52: {  	_ =	swait.ge [sflag:s13], $0x8000  }
0x53: {  	[sflag:s13] =	ssyncset.done $0x0  }
0x54: {  	s0 =	rddreg [dreg:$0xd];
	[sflag:s13] =	ssyncadd.s32 $0xFFFF8000  }
0x55: {  	[tilespmem:s8], [sflag:$0x2] =	stream.indirect.gather [hbm4b:s4+s6], $0x40, s0, s6, $0xb8;
	[tilespmem:$0x1EE00] =	vst v63  }
0x56: {  	_ =	swait.ge [sflag:s11], $0x8000  }
0x57: {  	[sflag:s11] =	ssyncset.done $0x0  }
0x58: {  	s0 =	rddreg [dreg:$0xe];
	[sflag:s11] =	ssyncadd.s32 $0xFFFF8000  }
0x59: {  	[spmem:s3] =	stream.indirect.scatter.add.f32 [tilespmem:s10], [sflag:$0x3], $0x40, s0, s6, $0xb8;
	[tilespmem:$0x1EE00] =	vst v63  }
0x5a: {  	_ =	swait.ge [sflag:s12], $0x8000  }
0x5b: {  	[sflag:s12] =	ssyncset.done $0x0  }
0x5c: {  	s0 =	rddreg [dreg:$0xf];
	[sflag:s12] =	ssyncadd.s32 $0xFFFF8000  }
0x5d: {  	[spmem:s3] =	stream.indirect.scatter.add.f32 [tilespmem:s8], [sflag:$0x4], $0x40, s0, s6, $0xb8;
	[tilespmem:$0x1EE00] =	vst v63  }
0x5e: {  	_ =	swait.ge [sflag:s14], $0x8000  }
0x5f: {  	[sflag:s14] =	ssyncset.done $0x0  }
0x60: {  	s0 =	rddreg [dreg:$0x10];
	[sflag:s14] =	ssyncadd.s32 $0xFFFF8000  }
0x61: {  	[tilespmem:s10], [sflag:$0x1] =	stream.indirect.gather [hbm4b:s4+s6], $0x40, s0, s6, $0xb8;
	[tilespmem:$0x1EE00] =	vst v63  }
0x62: {  	_ =	swait.ge [sflag:s13], $0x8000  }
0x63: {  	[sflag:s13] =	ssyncset.done $0x0  }
0x64: {  	s0 =	rddreg [dreg:$0x11];
	[sflag:s13] =	ssyncadd.s32 $0xFFFF8000  }
0x65: {  	[tilespmem:s8], [sflag:$0x2] =	stream.indirect.gather [hbm4b:s4+s6], $0x40, s0, s6, $0xb8;
	[tilespmem:$0x1EE00] =	vst v63  }
0x66: {  	_ =	swait.ge [sflag:s11], $0x8000  }
0x67: {  	[sflag:s11] =	ssyncset.done $0x0  }
0x68: {  	s0 =	rddreg [dreg:$0x12];
	[sflag:s11] =	ssyncadd.s32 $0xFFFF8000  }
0x69: {  	[spmem:s3] =	stream.indirect.scatter.add.f32 [tilespmem:s10], [sflag:$0x3], $0x40, s0, s6, $0xb8;
	[tilespmem:$0x1EE00] =	vst v63  }
0x6a: {  	_ =	swait.ge [sflag:s12], $0x8000  }
0x6b: {  	[sflag:s12] =	ssyncset.done $0x0  }
0x6c: {  	s0 =	rddreg [dreg:$0x13];
	[sflag:s12] =	ssyncadd.s32 $0xFFFF8000  }
0x6d: {  	[spmem:s3] =	stream.indirect.scatter.add.f32 [tilespmem:s8], [sflag:$0x4], $0x40, s0, s6, $0xb8;
	[tilespmem:$0x1EE00] =	vst v63  }
0x6e: {  	_ =	swait.ge [sflag:s14], $0x8000  }
0x6f: {  	[sflag:s14] =	ssyncset.done $0x0  }
0x70: {  	s0 =	rddreg [dreg:$0x14];
	[sflag:s14] =	ssyncadd.s32 $0xFFFF8000  }
0x71: {  	[tilespmem:s10], [sflag:$0x1] =	stream.indirect.gather [hbm4b:s4+s6], $0x40, s0, s6, $0xb8;
	[tilespmem:$0x1EE00] =	vst v63  }
0x72: {  	_ =	swait.ge [sflag:s13], $0x8000  }
0x73: {  	[sflag:s13] =	ssyncset.done $0x0  }
0x74: {  	s0 =	rddreg [dreg:$0x15];
	[sflag:s13] =	ssyncadd.s32 $0xFFFF8000  }
0x75: {  	[tilespmem:s8], [sflag:$0x2] =	stream.indirect.gather [hbm4b:s4+s6], $0x40, s0, s6, $0xb8;
	[tilespmem:$0x1EE00] =	vst v63  }
0x76: {  	_ =	swait.ge [sflag:s11], $0x8000  }
0x77: {  	[sflag:s11] =	ssyncset.done $0x0  }
0x78: {  	s0 =	rddreg [dreg:$0x16];
	[sflag:s11] =	ssyncadd.s32 $0xFFFF8000  }
0x79: {  	[spmem:s3] =	stream.indirect.scatter.add.f32 [tilespmem:s10], [sflag:$0x3], $0x40, s0, s6, $0xb8;
	[tilespmem:$0x1EE00] =	vst v63  }
0x7a: {  	_ =	swait.ge [sflag:s12], $0x8000  }
0x7b: {  	[sflag:s12] =	ssyncset.done $0x0  }
0x7c: {  	s0 =	rddreg [dreg:$0x17];
	[sflag:s12] =	ssyncadd.s32 $0xFFFF8000  }
0x7d: {  	[spmem:s3] =	stream.indirect.scatter.add.f32 [tilespmem:s8], [sflag:$0x4], $0x40, s0, s6, $0xb8;
	[tilespmem:$0x1EE00] =	vst v63  }
0x7e: {  	_ =	swait.ge [sflag:s14], $0x8000  }
0x7f: {  	[sflag:s14] =	ssyncset.done $0x0  }
0x80: {  	s0 =	rddreg [dreg:$0x18];
	[sflag:s14] =	ssyncadd.s32 $0xFFFF8000  }
0x81: {  	[tilespmem:s10], [sflag:$0x1] =	stream.indirect.gather [hbm4b:s4+s6], $0x40, s0, s6, $0xb8;
	[tilespmem:$0x1EE00] =	vst v63  }
0x82: {  	_ =	swait.ge [sflag:s13], $0x8000  }
0x83: {  	[sflag:s13] =	ssyncset.done $0x0  }
0x84: {  	s0 =	rddreg [dreg:$0x19];
	[sflag:s13] =	ssyncadd.s32 $0xFFFF8000  }
0x85: {  	[tilespmem:s8], [sflag:$0x2] =	stream.indirect.gather [hbm4b:s4+s6], $0x40, s0, s6, $0xb8;
	[tilespmem:$0x1EE00] =	vst v63  }
0x86: {  	_ =	swait.ge [sflag:s11], $0x8000  }
0x87: {  	[sflag:s11] =	ssyncset.done $0x0  }
0x88: {  	s0 =	rddreg [dreg:$0x1a];
	[sflag:s11] =	ssyncadd.s32 $0xFFFF8000  }
0x89: {  	[spmem:s3] =	stream.indirect.scatter.add.f32 [tilespmem:s10], [sflag:$0x3], $0x40, s0, s6, $0xb8;
	[tilespmem:$0x1EE00] =	vst v63  }
0x8a: {  	_ =	swait.ge [sflag:s12], $0x8000  }
0x8b: {  	[sflag:s12] =	ssyncset.done $0x0  }
0x8c: {  	s0 =	rddreg [dreg:$0x1b];
	[sflag:s12] =	ssyncadd.s32 $0xFFFF8000  }
0x8d: {  	[spmem:s3] =	stream.indirect.scatter.add.f32 [tilespmem:s8], [sflag:$0x4], $0x40, s0, s6, $0xb8;
	[tilespmem:$0x1EE00] =	vst v63  }
0x8e: {  	_ =	swait.ge [sflag:s14], $0x8000  }
0x8f: {  	[sflag:s14] =	ssyncset.done $0x0  }
0x90: {  	s0 =	rddreg [dreg:$0x1c];
	[sflag:s14] =	ssyncadd.s32 $0xFFFF8000  }
0x91: {  	[tilespmem:s10], [sflag:$0x1] =	stream.indirect.gather [hbm4b:s4+s6], $0x40, s0, s6, $0xb8;
	[tilespmem:$0x1EE00] =	vst v63  }
0x92: {  	_ =	swait.ge [sflag:s13], $0x8000  }
0x93: {  	[sflag:s13] =	ssyncset.done $0x0  }
0x94: {  	[sflag:s13] =	ssyncadd.s32 $0xFFFF8000  }
0x95: {  	[tilespmem:s8], [sflag:$0x2] =	stream.indirect.gather [hbm4b:s4+s6], $0x40, s30, s6, $0xb8;
	[tilespmem:$0x1EE00] =	vst v63  }
0x96: {  	_ =	swait.ge [sflag:s11], $0x8000  }
0x97: {  	[sflag:s11] =	ssyncset.done $0x0  }
0x98: {  	[sflag:s11] =	ssyncadd.s32 $0xFFFF8000  }
0x99: {  	[spmem:s3] =	stream.indirect.scatter.add.f32 [tilespmem:s10], [sflag:$0x3], $0x40, s29, s6, $0xb8;
	[tilespmem:$0x1EE00] =	vst v63  }
0x9a: {  	_ =	swait.ge [sflag:s12], $0x8000  }
0x9b: {  	[sflag:s12] =	ssyncset.done $0x0  }
0x9c: {  	[sflag:s12] =	ssyncadd.s32 $0xFFFF8000  }
0x9d: {  	[spmem:s3] =	stream.indirect.scatter.add.f32 [tilespmem:s8], [sflag:$0x4], $0x40, s28, s6, $0xb8;
	[tilespmem:$0x1EE00] =	vst v63  }
0x9e: {  	_ =	swait.ge [sflag:s14], $0x8000  }
0x9f: {  	[sflag:s14] =	ssyncset.done $0x0  }
0xa0: {  	[sflag:s14] =	ssyncadd.s32 $0xFFFF8000  }
0xa1: {  	[tilespmem:s10], [sflag:$0x1] =	stream.indirect.gather [hbm4b:s4+s6], $0x40, s26, s6, $0xb8;
	[tilespmem:$0x1EE00] =	vst v63  }
0xa2: {  	_ =	swait.ge [sflag:s13], $0x8000  }
0xa3: {  	[sflag:s13] =	ssyncset.done $0x0  }
0xa4: {  	[sflag:s13] =	ssyncadd.s32 $0xFFFF8000  }
0xa5: {  	[tilespmem:s8], [sflag:$0x2] =	stream.indirect.gather [hbm4b:s4+s6], $0x40, s25, s6, $0xb8;
	[tilespmem:$0x1EE00] =	vst v63  }
0xa6: {  	_ =	swait.ge [sflag:s11], $0x8000  }
0xa7: {  	[sflag:s11] =	ssyncset.done $0x0  }
0xa8: {  	[sflag:s11] =	ssyncadd.s32 $0xFFFF8000  }
0xa9: {  	[spmem:s3] =	stream.indirect.scatter.add.f32 [tilespmem:s10], [sflag:$0x3], $0x40, s24, s6, $0xb8;
	[tilespmem:$0x1EE00] =	vst v63  }
0xaa: {  	_ =	swait.ge [sflag:s12], $0x8000  }
0xab: {  	[sflag:s12] =	ssyncset.done $0x0  }
0xac: {  	[sflag:s12] =	ssyncadd.s32 $0xFFFF8000  }
0xad: {  	[spmem:s3] =	stream.indirect.scatter.add.f32 [tilespmem:s8], [sflag:$0x4], $0x40, s23, s6, $0xb8;
	[tilespmem:$0x1EE00] =	vst v63  }
0xae: {  	_ =	swait.ge [sflag:s14], $0x8000  }
0xaf: {  	[sflag:s14] =	ssyncset.done $0x0  }
0xb0: {  	[sflag:s14] =	ssyncadd.s32 $0xFFFF8000  }
0xb1: {  	[tilespmem:s10], [sflag:$0x1] =	stream.indirect.gather [hbm4b:s4+s6], $0x40, s22, s6, $0xb8;
	[tilespmem:$0x1EE00] =	vst v63  }
0xb2: {  	_ =	swait.ge [sflag:s13], $0x8000  }
0xb3: {  	[sflag:s13] =	ssyncset.done $0x0  }
0xb4: {  	[sflag:s13] =	ssyncadd.s32 $0xFFFF8000  }
0xb5: {  	[tilespmem:s8], [sflag:$0x2] =	stream.indirect.gather [hbm4b:s4+s6], $0x40, s20, s6, $0xb8;
	[tilespmem:$0x1EE00] =	vst v63  }
0xb6: {  	_ =	swait.ge [sflag:s11], $0x8000  }
0xb7: {  	[sflag:s11] =	ssyncset.done $0x0  }
0xb8: {  	[sflag:s11] =	ssyncadd.s32 $0xFFFF8000  }
0xb9: {  	[spmem:s3] =	stream.indirect.scatter.add.f32 [tilespmem:s10], [sflag:$0x3], $0x40, s21, s6, $0xb8;
	[tilespmem:$0x1EE00] =	vst v63  }
0xba: {  	_ =	swait.ge [sflag:s12], $0x8000  }
0xbb: {  	[sflag:s12] =	ssyncset.done $0x0  }
0xbc: {  	[sflag:s12] =	ssyncadd.s32 $0xFFFF8000  }
0xbd: {  	[spmem:s3] =	stream.indirect.scatter.add.f32 [tilespmem:s8], [sflag:$0x4], $0x40, s19, s6, $0xb8;
	[tilespmem:$0x1EE00] =	vst v63  }
0xbe: {  	_ =	swait.ge [sflag:s14], $0x8000  }
0xbf: {  	[sflag:s14] =	ssyncset.done $0x0  }
0xc0: {  	[sflag:s14] =	ssyncadd.s32 $0xFFFF8000  }
0xc1: {  	[tilespmem:s10], [sflag:$0x1] =	stream.indirect.gather [hbm4b:s4+s6], $0x40, s18, s6, $0xb8;
	[tilespmem:$0x1EE00] =	vst v63  }
0xc2: {  	_ =	swait.ge [sflag:s13], $0x8000  }
0xc3: {  	[sflag:s13] =	ssyncset.done $0x0  }
0xc4: {  	[sflag:s13] =	ssyncadd.s32 $0xFFFF8000  }
0xc5: {  	[tilespmem:s8], [sflag:$0x2] =	stream.indirect.gather [hbm4b:s4+s6], $0x40, s17, s6, $0xb8;
	[tilespmem:$0x1EE00] =	vst v63  }
0xc6: {  	_ =	swait.ge [sflag:s11], $0x8000  }
0xc7: {  	[sflag:s11] =	ssyncset.done $0x0  }
0xc8: {  	[sflag:s11] =	ssyncadd.s32 $0xFFFF8000  }
0xc9: {  	[spmem:s3] =	stream.indirect.scatter.add.f32 [tilespmem:s10], [sflag:$0x3], $0x40, s16, s6, $0xb8;
	[tilespmem:$0x1EE00] =	vst v63  }
0xca: {  	_ =	swait.ge [sflag:s12], $0x8000  }
0xcb: {  	[sflag:s12] =	ssyncset.done $0x0  }
0xcc: {  	[sflag:s12] =	ssyncadd.s32 $0xFFFF8000  }
0xcd: {  	[spmem:s3] =	stream.indirect.scatter.add.f32 [tilespmem:s8], [sflag:$0x4], $0x40, s15, s6, $0xb8;
	[tilespmem:$0x1EE00] =	vst v63  }
0xce: {  	_ =	swait.ge [sflag:s14], $0x8000  }
0xcf: {  	[sflag:s14] =	ssyncset.done $0x0  }
0xd0: {  	[sflag:s14] =	ssyncadd.s32 $0xFFFF8000  }
0xd1: {  	[tilespmem:s10], [sflag:$0x1] =	stream.indirect.gather [hbm4b:s4+s6], $0x40, s2, s6, $0xb8;
	[tilespmem:$0x1EE00] =	vst v63  }
0xd2: {  	_ =	swait.ge [sflag:s13], $0x8000  }
0xd3: {  	[sflag:s13] =	ssyncset.done $0x0  }
0xd4: {  	[sflag:s13] =	ssyncadd.s32 $0xFFFF8000  }
0xd5: {  	[tilespmem:s8], [sflag:$0x2] =	stream.indirect.gather [hbm4b:s4+s6], $0x40, s6, s6, $0xb8;
	[tilespmem:$0x1EE00] =	vst v63  }
0xd6: {  	_ =	swait.ge [sflag:s11], $0x8000  }
0xd7: {  	[sflag:s11] =	ssyncset.done $0x0  }
0xd8: {  	[sflag:s11] =	ssyncadd.s32 $0xFFFF8000  }
0xd9: {  	_ =	swait.ge [sflag:s12], $0x8000  }
0xda: {  	[sflag:s12] =	ssyncset.done $0x0  }
0xdb: {  	p1 =	sne.s32 s1, $0x1;
	[sflag:s12] =	ssyncadd.s32 $0xFFFF8000  }
.Ltmp1:
0xdc: {  	[bflag:$0x0] =	sbarrier.arrive $0xFFFF;
	(pc) =	sbr.rel @!p1 .LBB2_3-.Ltmp1, $4  }
0xdd: {  	s0 =	rddreg [dreg:$0x6]  }
0xde: {  	[hbm:s0], [sflag:s7] =	dma.local [spmem:s9], $0x13C0  }
0xdf: {  	s1 =	sadd.s32 $0xFFFFFFFF, s1;
	_ =	swait.ge [sflag:s5], $0x13C0  }
0xe0: {  	p0 =	por $0x1, $0x1;
	s0 =	rddreg [dreg:$0x3];
	[sflag:s5] =	ssyncset.done $0x0  }
.LBB2_2:
0xe1: {  	[sflag:s5] =	ssyncadd.s32 $0xFFFFEC40  }
0xe2: {  	[tilespmem:s2], [sflag:$0x5] =	stream.linear.gather [hbm4b:s0+s2], $0x2800, $0x38;
	[tilespmem:$0x1EE00] =	vst v63  }
0xe3: {  	_ =	swait.ge [sflag:s5], $0x2800  }
0xe4: {  	[sflag:s5] =	ssyncset.done $0x0  }
0xe5: {  	s0 =	rddreg [dreg:$0x4];
	[sflag:s5] =	ssyncadd.s32 $0xFFFFD800  }
0xe6: {  	[tilespmem:s31], [sflag:$0x5] =	stream.linear.gather [hbm4b:s0+s2], $0x2800, $0x38;
	[tilespmem:$0x1EE00] =	vst v63  }
0xe7: {  	_ =	swait.ge [sflag:s5], $0x2800  }
0xe8: {  	[sflag:s5] =	ssyncset.done $0x0  }
0xe9: {  	[sflag:s5] =	ssyncadd.s32 $0xFFFFD800  }
0xea: {  	[tilespmem:s10], [sflag:$0x1] =	stream.indirect.gather [hbm4b:s4+s6], $0x40, s2, s6, $0xb8;
	[tilespmem:$0x1EE00] =	vst v63  }
0xeb: {  	s0 =	rddreg [dreg:$0x5]  }
0xec: {  	[tilespmem:s8], [sflag:$0x2] =	stream.indirect.gather [hbm4b:s4+s6], $0x40, s6, s6, $0xb8;
	[tilespmem:$0x1EE00] =	vst v63  }
0xed: {  	[spmem:s9], [sflag:s7] =	dma.local [hbm:s0], $0x13C0  }
0xee: {  	_ =	swait.ge [sflag:s5], $0x13C0  }
0xef: {  	[sflag:s5] =	ssyncset.done $0x0  }
0xf0: {  	[sflag:s5] =	ssyncadd.s32 $0xFFFFEC40  }
0xf1: {  	[bflag:$0x0] =	sbarrier.arrive $0xFFFF  }
0xf2: {  	_ =	swait.ge [sflag:s11], $0x8000  }
0xf3: {  	[sflag:s11] =	ssyncset.done $0x0  }
0xf4: {  	[sflag:s11] =	ssyncadd.s32 $0xFFFF8000  }
0xf5: {  	[spmem:s3] =	stream.indirect.scatter.add.f32 [tilespmem:s10], [sflag:$0x3], $0x40, s31, s6, $0xb8;
	[tilespmem:$0x1EE00] =	vst v63  }
0xf6: {  	_ =	swait.ge [sflag:s12], $0x8000  }
0xf7: {  	[sflag:s12] =	ssyncset.done $0x0  }
0xf8: {  	s0 =	rddreg [dreg:$0x7];
	[sflag:s12] =	ssyncadd.s32 $0xFFFF8000  }
0xf9: {  	[spmem:s3] =	stream.indirect.scatter.add.f32 [tilespmem:s8], [sflag:$0x4], $0x40, s0, s6, $0xb8;
	[tilespmem:$0x1EE00] =	vst v63  }
0xfa: {  	_ =	swait.ge [sflag:s14], $0x8000  }
0xfb: {  	[sflag:s14] =	ssyncset.done $0x0  }
0xfc: {  	s0 =	rddreg [dreg:$0x8];
	[sflag:s14] =	ssyncadd.s32 $0xFFFF8000  }
0xfd: {  	[tilespmem:s10], [sflag:$0x1] =	stream.indirect.gather [hbm4b:s4+s6], $0x40, s0, s6, $0xb8;
	[tilespmem:$0x1EE00] =	vst v63  }
0xfe: {  	_ =	swait.ge [sflag:s13], $0x8000  }
0xff: {  	[sflag:s13] =	ssyncset.done $0x0  }
0x100: {  	s0 =	rddreg [dreg:$0x9];
	[sflag:s13] =	ssyncadd.s32 $0xFFFF8000  }
0x101: {  	[tilespmem:s8], [sflag:$0x2] =	stream.indirect.gather [hbm4b:s4+s6], $0x40, s0, s6, $0xb8;
	[tilespmem:$0x1EE00] =	vst v63  }
0x102: {  	_ =	swait.ge [sflag:s11], $0x8000  }
0x103: {  	[sflag:s11] =	ssyncset.done $0x0  }
0x104: {  	s0 =	rddreg [dreg:$0xa];
	[sflag:s11] =	ssyncadd.s32 $0xFFFF8000  }
0x105: {  	[spmem:s3] =	stream.indirect.scatter.add.f32 [tilespmem:s10], [sflag:$0x3], $0x40, s0, s6, $0xb8;
	[tilespmem:$0x1EE00] =	vst v63  }
0x106: {  	_ =	swait.ge [sflag:s12], $0x8000  }
0x107: {  	[sflag:s12] =	ssyncset.done $0x0  }
0x108: {  	s0 =	rddreg [dreg:$0xb];
	[sflag:s12] =	ssyncadd.s32 $0xFFFF8000  }
0x109: {  	[spmem:s3] =	stream.indirect.scatter.add.f32 [tilespmem:s8], [sflag:$0x4], $0x40, s0, s6, $0xb8;
	[tilespmem:$0x1EE00] =	vst v63  }
0x10a: {  	_ =	swait.ge [sflag:s14], $0x8000  }
0x10b: {  	[sflag:s14] =	ssyncset.done $0x0  }
0x10c: {  	s0 =	rddreg [dreg:$0xc];
	[sflag:s14] =	ssyncadd.s32 $0xFFFF8000  }
0x10d: {  	[tilespmem:s10], [sflag:$0x1] =	stream.indirect.gather [hbm4b:s4+s6], $0x40, s0, s6, $0xb8;
	[tilespmem:$0x1EE00] =	vst v63  }
0x10e: {  	_ =	swait.ge [sflag:s13], $0x8000  }
0x10f: {  	[sflag:s13] =	ssyncset.done $0x0  }
0x110: {  	s0 =	rddreg [dreg:$0xd];
	[sflag:s13] =	ssyncadd.s32 $0xFFFF8000  }
0x111: {  	[tilespmem:s8], [sflag:$0x2] =	stream.indirect.gather [hbm4b:s4+s6], $0x40, s0, s6, $0xb8;
	[tilespmem:$0x1EE00] =	vst v63  }
0x112: {  	_ =	swait.ge [sflag:s11], $0x8000  }
0x113: {  	[sflag:s11] =	ssyncset.done $0x0  }
0x114: {  	s0 =	rddreg [dreg:$0xe];
	[sflag:s11] =	ssyncadd.s32 $0xFFFF8000  }
0x115: {  	[spmem:s3] =	stream.indirect.scatter.add.f32 [tilespmem:s10], [sflag:$0x3], $0x40, s0, s6, $0xb8;
	[tilespmem:$0x1EE00] =	vst v63  }
0x116: {  	_ =	swait.ge [sflag:s12], $0x8000  }
0x117: {  	[sflag:s12] =	ssyncset.done $0x0  }
0x118: {  	s0 =	rddreg [dreg:$0xf];
	[sflag:s12] =	ssyncadd.s32 $0xFFFF8000  }
0x119: {  	[spmem:s3] =	stream.indirect.scatter.add.f32 [tilespmem:s8], [sflag:$0x4], $0x40, s0, s6, $0xb8;
	[tilespmem:$0x1EE00] =	vst v63  }
0x11a: {  	_ =	swait.ge [sflag:s14], $0x8000  }
0x11b: {  	[sflag:s14] =	ssyncset.done $0x0  }
0x11c: {  	s0 =	rddreg [dreg:$0x10];
	[sflag:s14] =	ssyncadd.s32 $0xFFFF8000  }
0x11d: {  	[tilespmem:s10], [sflag:$0x1] =	stream.indirect.gather [hbm4b:s4+s6], $0x40, s0, s6, $0xb8;
	[tilespmem:$0x1EE00] =	vst v63  }
0x11e: {  	_ =	swait.ge [sflag:s13], $0x8000  }
0x11f: {  	[sflag:s13] =	ssyncset.done $0x0  }
0x120: {  	s0 =	rddreg [dreg:$0x11];
	[sflag:s13] =	ssyncadd.s32 $0xFFFF8000  }
0x121: {  	[tilespmem:s8], [sflag:$0x2] =	stream.indirect.gather [hbm4b:s4+s6], $0x40, s0, s6, $0xb8;
	[tilespmem:$0x1EE00] =	vst v63  }
0x122: {  	_ =	swait.ge [sflag:s11], $0x8000  }
0x123: {  	[sflag:s11] =	ssyncset.done $0x0  }
0x124: {  	s0 =	rddreg [dreg:$0x12];
	[sflag:s11] =	ssyncadd.s32 $0xFFFF8000  }
0x125: {  	[spmem:s3] =	stream.indirect.scatter.add.f32 [tilespmem:s10], [sflag:$0x3], $0x40, s0, s6, $0xb8;
	[tilespmem:$0x1EE00] =	vst v63  }
0x126: {  	_ =	swait.ge [sflag:s12], $0x8000  }
0x127: {  	[sflag:s12] =	ssyncset.done $0x0  }
0x128: {  	s0 =	rddreg [dreg:$0x13];
	[sflag:s12] =	ssyncadd.s32 $0xFFFF8000  }
0x129: {  	[spmem:s3] =	stream.indirect.scatter.add.f32 [tilespmem:s8], [sflag:$0x4], $0x40, s0, s6, $0xb8;
	[tilespmem:$0x1EE00] =	vst v63  }
0x12a: {  	_ =	swait.ge [sflag:s14], $0x8000  }
0x12b: {  	[sflag:s14] =	ssyncset.done $0x0  }
0x12c: {  	s0 =	rddreg [dreg:$0x14];
	[sflag:s14] =	ssyncadd.s32 $0xFFFF8000  }
0x12d: {  	[tilespmem:s10], [sflag:$0x1] =	stream.indirect.gather [hbm4b:s4+s6], $0x40, s0, s6, $0xb8;
	[tilespmem:$0x1EE00] =	vst v63  }
0x12e: {  	_ =	swait.ge [sflag:s13], $0x8000  }
0x12f: {  	[sflag:s13] =	ssyncset.done $0x0  }
0x130: {  	s0 =	rddreg [dreg:$0x15];
	[sflag:s13] =	ssyncadd.s32 $0xFFFF8000  }
0x131: {  	[tilespmem:s8], [sflag:$0x2] =	stream.indirect.gather [hbm4b:s4+s6], $0x40, s0, s6, $0xb8;
	[tilespmem:$0x1EE00] =	vst v63  }
0x132: {  	_ =	swait.ge [sflag:s11], $0x8000  }
0x133: {  	[sflag:s11] =	ssyncset.done $0x0  }
0x134: {  	s0 =	rddreg [dreg:$0x16];
	[sflag:s11] =	ssyncadd.s32 $0xFFFF8000  }
0x135: {  	[spmem:s3] =	stream.indirect.scatter.add.f32 [tilespmem:s10], [sflag:$0x3], $0x40, s0, s6, $0xb8;
	[tilespmem:$0x1EE00] =	vst v63  }
0x136: {  	_ =	swait.ge [sflag:s12], $0x8000  }
0x137: {  	[sflag:s12] =	ssyncset.done $0x0  }
0x138: {  	s0 =	rddreg [dreg:$0x17];
	[sflag:s12] =	ssyncadd.s32 $0xFFFF8000  }
0x139: {  	[spmem:s3] =	stream.indirect.scatter.add.f32 [tilespmem:s8], [sflag:$0x4], $0x40, s0, s6, $0xb8;
	[tilespmem:$0x1EE00] =	vst v63  }
0x13a: {  	_ =	swait.ge [sflag:s14], $0x8000  }
0x13b: {  	[sflag:s14] =	ssyncset.done $0x0  }
0x13c: {  	s0 =	rddreg [dreg:$0x18];
	[sflag:s14] =	ssyncadd.s32 $0xFFFF8000  }
0x13d: {  	[tilespmem:s10], [sflag:$0x1] =	stream.indirect.gather [hbm4b:s4+s6], $0x40, s0, s6, $0xb8;
	[tilespmem:$0x1EE00] =	vst v63  }
0x13e: {  	_ =	swait.ge [sflag:s13], $0x8000  }
0x13f: {  	[sflag:s13] =	ssyncset.done $0x0  }
0x140: {  	s0 =	rddreg [dreg:$0x19];
	[sflag:s13] =	ssyncadd.s32 $0xFFFF8000  }
0x141: {  	[tilespmem:s8], [sflag:$0x2] =	stream.indirect.gather [hbm4b:s4+s6], $0x40, s0, s6, $0xb8;
	[tilespmem:$0x1EE00] =	vst v63  }
0x142: {  	_ =	swait.ge [sflag:s11], $0x8000  }
0x143: {  	[sflag:s11] =	ssyncset.done $0x0  }
0x144: {  	s0 =	rddreg [dreg:$0x1a];
	[sflag:s11] =	ssyncadd.s32 $0xFFFF8000  }
0x145: {  	[spmem:s3] =	stream.indirect.scatter.add.f32 [tilespmem:s10], [sflag:$0x3], $0x40, s0, s6, $0xb8;
	[tilespmem:$0x1EE00] =	vst v63  }
0x146: {  	_ =	swait.ge [sflag:s12], $0x8000  }
0x147: {  	[sflag:s12] =	ssyncset.done $0x0  }
0x148: {  	s0 =	rddreg [dreg:$0x1b];
	[sflag:s12] =	ssyncadd.s32 $0xFFFF8000  }
0x149: {  	[spmem:s3] =	stream.indirect.scatter.add.f32 [tilespmem:s8], [sflag:$0x4], $0x40, s0, s6, $0xb8;
	[tilespmem:$0x1EE00] =	vst v63  }
0x14a: {  	_ =	swait.ge [sflag:s14], $0x8000  }
0x14b: {  	[sflag:s14] =	ssyncset.done $0x0  }
0x14c: {  	s0 =	rddreg [dreg:$0x1c];
	[sflag:s14] =	ssyncadd.s32 $0xFFFF8000  }
0x14d: {  	[tilespmem:s10], [sflag:$0x1] =	stream.indirect.gather [hbm4b:s4+s6], $0x40, s0, s6, $0xb8;
	[tilespmem:$0x1EE00] =	vst v63  }
0x14e: {  	_ =	swait.ge [sflag:s13], $0x8000  }
0x14f: {  	[sflag:s13] =	ssyncset.done $0x0  }
0x150: {  	[sflag:s13] =	ssyncadd.s32 $0xFFFF8000  }
0x151: {  	[tilespmem:s8], [sflag:$0x2] =	stream.indirect.gather [hbm4b:s4+s6], $0x40, s30, s6, $0xb8;
	[tilespmem:$0x1EE00] =	vst v63  }
0x152: {  	_ =	swait.ge [sflag:s11], $0x8000  }
0x153: {  	[sflag:s11] =	ssyncset.done $0x0  }
0x154: {  	[sflag:s11] =	ssyncadd.s32 $0xFFFF8000  }
0x155: {  	[spmem:s3] =	stream.indirect.scatter.add.f32 [tilespmem:s10], [sflag:$0x3], $0x40, s29, s6, $0xb8;
	[tilespmem:$0x1EE00] =	vst v63  }
0x156: {  	_ =	swait.ge [sflag:s12], $0x8000  }
0x157: {  	[sflag:s12] =	ssyncset.done $0x0  }
0x158: {  	[sflag:s12] =	ssyncadd.s32 $0xFFFF8000  }
0x159: {  	[spmem:s3] =	stream.indirect.scatter.add.f32 [tilespmem:s8], [sflag:$0x4], $0x40, s28, s6, $0xb8;
	[tilespmem:$0x1EE00] =	vst v63  }
0x15a: {  	_ =	swait.ge [sflag:s14], $0x8000  }
0x15b: {  	[sflag:s14] =	ssyncset.done $0x0  }
0x15c: {  	[sflag:s14] =	ssyncadd.s32 $0xFFFF8000  }
0x15d: {  	[tilespmem:s10], [sflag:$0x1] =	stream.indirect.gather [hbm4b:s4+s6], $0x40, s26, s6, $0xb8;
	[tilespmem:$0x1EE00] =	vst v63  }
0x15e: {  	_ =	swait.ge [sflag:s13], $0x8000  }
0x15f: {  	[sflag:s13] =	ssyncset.done $0x0  }
0x160: {  	[sflag:s13] =	ssyncadd.s32 $0xFFFF8000  }
0x161: {  	[tilespmem:s8], [sflag:$0x2] =	stream.indirect.gather [hbm4b:s4+s6], $0x40, s25, s6, $0xb8;
	[tilespmem:$0x1EE00] =	vst v63  }
0x162: {  	_ =	swait.ge [sflag:s11], $0x8000  }
0x163: {  	[sflag:s11] =	ssyncset.done $0x0  }
0x164: {  	[sflag:s11] =	ssyncadd.s32 $0xFFFF8000  }
0x165: {  	[spmem:s3] =	stream.indirect.scatter.add.f32 [tilespmem:s10], [sflag:$0x3], $0x40, s24, s6, $0xb8;
	[tilespmem:$0x1EE00] =	vst v63  }
0x166: {  	_ =	swait.ge [sflag:s12], $0x8000  }
0x167: {  	[sflag:s12] =	ssyncset.done $0x0  }
0x168: {  	[sflag:s12] =	ssyncadd.s32 $0xFFFF8000  }
0x169: {  	[spmem:s3] =	stream.indirect.scatter.add.f32 [tilespmem:s8], [sflag:$0x4], $0x40, s23, s6, $0xb8;
	[tilespmem:$0x1EE00] =	vst v63  }
0x16a: {  	_ =	swait.ge [sflag:s14], $0x8000  }
0x16b: {  	[sflag:s14] =	ssyncset.done $0x0  }
0x16c: {  	[sflag:s14] =	ssyncadd.s32 $0xFFFF8000  }
0x16d: {  	[tilespmem:s10], [sflag:$0x1] =	stream.indirect.gather [hbm4b:s4+s6], $0x40, s22, s6, $0xb8;
	[tilespmem:$0x1EE00] =	vst v63  }
0x16e: {  	_ =	swait.ge [sflag:s13], $0x8000  }
0x16f: {  	[sflag:s13] =	ssyncset.done $0x0  }
0x170: {  	[sflag:s13] =	ssyncadd.s32 $0xFFFF8000  }
0x171: {  	[tilespmem:s8], [sflag:$0x2] =	stream.indirect.gather [hbm4b:s4+s6], $0x40, s20, s6, $0xb8;
	[tilespmem:$0x1EE00] =	vst v63  }
0x172: {  	_ =	swait.ge [sflag:s11], $0x8000  }
0x173: {  	[sflag:s11] =	ssyncset.done $0x0  }
0x174: {  	[sflag:s11] =	ssyncadd.s32 $0xFFFF8000  }
0x175: {  	[spmem:s3] =	stream.indirect.scatter.add.f32 [tilespmem:s10], [sflag:$0x3], $0x40, s21, s6, $0xb8;
	[tilespmem:$0x1EE00] =	vst v63  }
0x176: {  	_ =	swait.ge [sflag:s12], $0x8000  }
0x177: {  	[sflag:s12] =	ssyncset.done $0x0  }
0x178: {  	[sflag:s12] =	ssyncadd.s32 $0xFFFF8000  }
0x179: {  	[spmem:s3] =	stream.indirect.scatter.add.f32 [tilespmem:s8], [sflag:$0x4], $0x40, s19, s6, $0xb8;
	[tilespmem:$0x1EE00] =	vst v63  }
0x17a: {  	_ =	swait.ge [sflag:s14], $0x8000  }
0x17b: {  	[sflag:s14] =	ssyncset.done $0x0  }
0x17c: {  	[sflag:s14] =	ssyncadd.s32 $0xFFFF8000  }
0x17d: {  	[tilespmem:s10], [sflag:$0x1] =	stream.indirect.gather [hbm4b:s4+s6], $0x40, s18, s6, $0xb8;
	[tilespmem:$0x1EE00] =	vst v63  }
0x17e: {  	_ =	swait.ge [sflag:s13], $0x8000  }
0x17f: {  	[sflag:s13] =	ssyncset.done $0x0  }
0x180: {  	[sflag:s13] =	ssyncadd.s32 $0xFFFF8000  }
0x181: {  	[tilespmem:s8], [sflag:$0x2] =	stream.indirect.gather [hbm4b:s4+s6], $0x40, s17, s6, $0xb8;
	[tilespmem:$0x1EE00] =	vst v63  }
0x182: {  	_ =	swait.ge [sflag:s11], $0x8000  }
0x183: {  	[sflag:s11] =	ssyncset.done $0x0  }
0x184: {  	[sflag:s11] =	ssyncadd.s32 $0xFFFF8000  }
0x185: {  	[spmem:s3] =	stream.indirect.scatter.add.f32 [tilespmem:s10], [sflag:$0x3], $0x40, s16, s6, $0xb8;
	[tilespmem:$0x1EE00] =	vst v63  }
0x186: {  	_ =	swait.ge [sflag:s12], $0x8000  }
0x187: {  	[sflag:s12] =	ssyncset.done $0x0  }
0x188: {  	[sflag:s12] =	ssyncadd.s32 $0xFFFF8000  }
0x189: {  	[spmem:s3] =	stream.indirect.scatter.add.f32 [tilespmem:s8], [sflag:$0x4], $0x40, s15, s6, $0xb8;
	[tilespmem:$0x1EE00] =	vst v63  }
0x18a: {  	_ =	swait.ge [sflag:s14], $0x8000  }
0x18b: {  	[sflag:s14] =	ssyncset.done $0x0  }
0x18c: {  	[sflag:s14] =	ssyncadd.s32 $0xFFFF8000  }
0x18d: {  	[tilespmem:s10], [sflag:$0x1] =	stream.indirect.gather [hbm4b:s4+s6], $0x40, s2, s6, $0xb8;
	[tilespmem:$0x1EE00] =	vst v63  }
0x18e: {  	_ =	swait.ge [sflag:s13], $0x8000  }
0x18f: {  	[sflag:s13] =	ssyncset.done $0x0  }
0x190: {  	[sflag:s13] =	ssyncadd.s32 $0xFFFF8000  }
0x191: {  	[tilespmem:s8], [sflag:$0x2] =	stream.indirect.gather [hbm4b:s4+s6], $0x40, s6, s6, $0xb8;
	[tilespmem:$0x1EE00] =	vst v63  }
0x192: {  	_ =	swait.ge [sflag:s11], $0x8000  }
0x193: {  	[sflag:s11] =	ssyncset.done $0x0  }
0x194: {  	[sflag:s11] =	ssyncadd.s32 $0xFFFF8000  }
0x195: {  	_ =	swait.ge [sflag:s12], $0x8000  }
0x196: {  	[sflag:s12] =	ssyncset.done $0x0  }
0x197: {  	p1 =	sne.s32 s1, $0x1;
	[sflag:s12] =	ssyncadd.s32 $0xFFFF8000  }
.Ltmp2:
0x198: {  	[bflag:$0x0] =	sbarrier.arrive $0xFFFF;
	(pc) =	sbr.rel @p1 .LBB2_2-.Ltmp2, $4  }
0x199: {  	s0 =	rddreg [dreg:$0x6]  }
0x19a: {  	[hbm:s0], [sflag:s7] =	dma.local [spmem:s9], $0x13C0  }
0x19b: {  	_ =	swait.ge [sflag:s5], $0x13C0  }
0x19c: {  	s1 =	sadd.s32 $0xFFFFFFFF, s1;
	s0 =	rddreg [dreg:$0x3];
	[sflag:s5] =	ssyncset.done $0x0  }
.LBB2_3:
0x19d: {  	[sflag:s5] =	ssyncadd.s32 @p0 $0xFFFFEC40  }
0x19e: {  	[tilespmem:s2], [sflag:$0x5] =	stream.linear.gather [hbm4b:s0+s2], $0x2800, $0x38;
	[tilespmem:$0x1EE00] =	vst v63  }
0x19f: {  	_ =	swait.ge [sflag:s5], $0x2800  }
0x1a0: {  	[sflag:s5] =	ssyncset.done $0x0  }
0x1a1: {  	s1 =	rddreg [dreg:$0x4];
	[sflag:s5] =	ssyncadd.s32 $0xFFFFD800  }
0x1a2: {  	[tilespmem:s31], [sflag:$0x5] =	stream.linear.gather [hbm4b:s1+s2], $0x2800, $0x38;
	[tilespmem:$0x1EE00] =	vst v63  }
0x1a3: {  	_ =	swait.ge [sflag:s5], $0x2800  }
0x1a4: {  	[sflag:s5] =	ssyncset.done $0x0  }
0x1a5: {  	[sflag:s5] =	ssyncadd.s32 $0xFFFFD800  }
0x1a6: {  	[tilespmem:s10], [sflag:$0x1] =	stream.indirect.gather [hbm4b:s4+s6], $0x40, s2, s6, $0xb8;
	[tilespmem:$0x1EE00] =	vst v63  }
0x1a7: {  	s1 =	rddreg [dreg:$0x5]  }
0x1a8: {  	[tilespmem:s8], [sflag:$0x2] =	stream.indirect.gather [hbm4b:s4+s6], $0x40, s6, s6, $0xb8;
	[tilespmem:$0x1EE00] =	vst v63  }
0x1a9: {  	[spmem:s9], [sflag:s7] =	dma.local [hbm:s1], $0x13C0  }
0x1aa: {  	_ =	swait.ge [sflag:s5], $0x13C0  }
0x1ab: {  	[sflag:s5] =	ssyncset.done $0x0  }
0x1ac: {  	[sflag:s5] =	ssyncadd.s32 $0xFFFFEC40  }
0x1ad: {  	[bflag:$0x0] =	sbarrier.arrive $0xFFFF  }
0x1ae: {  	_ =	swait.ge [sflag:s11], $0x8000  }
0x1af: {  	[sflag:s11] =	ssyncset.done $0x0  }
0x1b0: {  	[sflag:s11] =	ssyncadd.s32 $0xFFFF8000  }
0x1b1: {  	[spmem:s3] =	stream.indirect.scatter.add.f32 [tilespmem:s10], [sflag:$0x3], $0x40, s31, s6, $0xb8;
	[tilespmem:$0x1EE00] =	vst v63  }
0x1b2: {  	_ =	swait.ge [sflag:s12], $0x8000  }
0x1b3: {  	[sflag:s12] =	ssyncset.done $0x0  }
0x1b4: {  	s31 =	rddreg [dreg:$0x7];
	[sflag:s12] =	ssyncadd.s32 $0xFFFF8000  }
0x1b5: {  	[spmem:s3] =	stream.indirect.scatter.add.f32 [tilespmem:s8], [sflag:$0x4], $0x40, s31, s6, $0xb8;
	[tilespmem:$0x1EE00] =	vst v63  }
0x1b6: {  	_ =	swait.ge [sflag:s14], $0x8000  }
0x1b7: {  	[sflag:s14] =	ssyncset.done $0x0  }
0x1b8: {  	s1 =	rddreg [dreg:$0x8];
	[sflag:s14] =	ssyncadd.s32 $0xFFFF8000  }
0x1b9: {  	[tilespmem:s10], [sflag:$0x1] =	stream.indirect.gather [hbm4b:s4+s6], $0x40, s1, s6, $0xb8;
	[tilespmem:$0x1EE00] =	vst v63  }
0x1ba: {  	_ =	swait.ge [sflag:s13], $0x8000  }
0x1bb: {  	[sflag:s13] =	ssyncset.done $0x0  }
0x1bc: {  	s31 =	rddreg [dreg:$0x9];
	[sflag:s13] =	ssyncadd.s32 $0xFFFF8000  }
0x1bd: {  	[tilespmem:s8], [sflag:$0x2] =	stream.indirect.gather [hbm4b:s4+s6], $0x40, s31, s6, $0xb8;
	[tilespmem:$0x1EE00] =	vst v63  }
0x1be: {  	_ =	swait.ge [sflag:s11], $0x8000  }
0x1bf: {  	[sflag:s11] =	ssyncset.done $0x0  }
0x1c0: {  	s1 =	rddreg [dreg:$0xa];
	[sflag:s11] =	ssyncadd.s32 $0xFFFF8000  }
0x1c1: {  	[spmem:s3] =	stream.indirect.scatter.add.f32 [tilespmem:s10], [sflag:$0x3], $0x40, s1, s6, $0xb8;
	[tilespmem:$0x1EE00] =	vst v63  }
0x1c2: {  	_ =	swait.ge [sflag:s12], $0x8000  }
0x1c3: {  	[sflag:s12] =	ssyncset.done $0x0  }
0x1c4: {  	s31 =	rddreg [dreg:$0xb];
	[sflag:s12] =	ssyncadd.s32 $0xFFFF8000  }
0x1c5: {  	[spmem:s3] =	stream.indirect.scatter.add.f32 [tilespmem:s8], [sflag:$0x4], $0x40, s31, s6, $0xb8;
	[tilespmem:$0x1EE00] =	vst v63  }
0x1c6: {  	_ =	swait.ge [sflag:s14], $0x8000  }
0x1c7: {  	[sflag:s14] =	ssyncset.done $0x0  }
0x1c8: {  	s1 =	rddreg [dreg:$0xc];
	[sflag:s14] =	ssyncadd.s32 $0xFFFF8000  }
0x1c9: {  	[tilespmem:s10], [sflag:$0x1] =	stream.indirect.gather [hbm4b:s4+s6], $0x40, s1, s6, $0xb8;
	[tilespmem:$0x1EE00] =	vst v63  }
0x1ca: {  	_ =	swait.ge [sflag:s13], $0x8000  }
0x1cb: {  	[sflag:s13] =	ssyncset.done $0x0  }
0x1cc: {  	s31 =	rddreg [dreg:$0xd];
	[sflag:s13] =	ssyncadd.s32 $0xFFFF8000  }
0x1cd: {  	[tilespmem:s8], [sflag:$0x2] =	stream.indirect.gather [hbm4b:s4+s6], $0x40, s31, s6, $0xb8;
	[tilespmem:$0x1EE00] =	vst v63  }
0x1ce: {  	_ =	swait.ge [sflag:s11], $0x8000  }
0x1cf: {  	[sflag:s11] =	ssyncset.done $0x0  }
0x1d0: {  	s1 =	rddreg [dreg:$0xe];
	[sflag:s11] =	ssyncadd.s32 $0xFFFF8000  }
0x1d1: {  	[spmem:s3] =	stream.indirect.scatter.add.f32 [tilespmem:s10], [sflag:$0x3], $0x40, s1, s6, $0xb8;
	[tilespmem:$0x1EE00] =	vst v63  }
0x1d2: {  	_ =	swait.ge [sflag:s12], $0x8000  }
0x1d3: {  	[sflag:s12] =	ssyncset.done $0x0  }
0x1d4: {  	s31 =	rddreg [dreg:$0xf];
	[sflag:s12] =	ssyncadd.s32 $0xFFFF8000  }
0x1d5: {  	[spmem:s3] =	stream.indirect.scatter.add.f32 [tilespmem:s8], [sflag:$0x4], $0x40, s31, s6, $0xb8;
	[tilespmem:$0x1EE00] =	vst v63  }
0x1d6: {  	_ =	swait.ge [sflag:s14], $0x8000  }
0x1d7: {  	[sflag:s14] =	ssyncset.done $0x0  }
0x1d8: {  	s1 =	rddreg [dreg:$0x10];
	[sflag:s14] =	ssyncadd.s32 $0xFFFF8000  }
0x1d9: {  	[tilespmem:s10], [sflag:$0x1] =	stream.indirect.gather [hbm4b:s4+s6], $0x40, s1, s6, $0xb8;
	[tilespmem:$0x1EE00] =	vst v63  }
0x1da: {  	_ =	swait.ge [sflag:s13], $0x8000  }
0x1db: {  	[sflag:s13] =	ssyncset.done $0x0  }
0x1dc: {  	s31 =	rddreg [dreg:$0x11];
	[sflag:s13] =	ssyncadd.s32 $0xFFFF8000  }
0x1dd: {  	[tilespmem:s8], [sflag:$0x2] =	stream.indirect.gather [hbm4b:s4+s6], $0x40, s31, s6, $0xb8;
	[tilespmem:$0x1EE00] =	vst v63  }
0x1de: {  	_ =	swait.ge [sflag:s11], $0x8000  }
0x1df: {  	[sflag:s11] =	ssyncset.done $0x0  }
0x1e0: {  	s1 =	rddreg [dreg:$0x12];
	[sflag:s11] =	ssyncadd.s32 $0xFFFF8000  }
0x1e1: {  	[spmem:s3] =	stream.indirect.scatter.add.f32 [tilespmem:s10], [sflag:$0x3], $0x40, s1, s6, $0xb8;
	[tilespmem:$0x1EE00] =	vst v63  }
0x1e2: {  	_ =	swait.ge [sflag:s12], $0x8000  }
0x1e3: {  	[sflag:s12] =	ssyncset.done $0x0  }
0x1e4: {  	s31 =	rddreg [dreg:$0x13];
	[sflag:s12] =	ssyncadd.s32 $0xFFFF8000  }
0x1e5: {  	[spmem:s3] =	stream.indirect.scatter.add.f32 [tilespmem:s8], [sflag:$0x4], $0x40, s31, s6, $0xb8;
	[tilespmem:$0x1EE00] =	vst v63  }
0x1e6: {  	_ =	swait.ge [sflag:s14], $0x8000  }
0x1e7: {  	[sflag:s14] =	ssyncset.done $0x0  }
0x1e8: {  	s1 =	rddreg [dreg:$0x14];
	[sflag:s14] =	ssyncadd.s32 $0xFFFF8000  }
0x1e9: {  	[tilespmem:s10], [sflag:$0x1] =	stream.indirect.gather [hbm4b:s4+s6], $0x40, s1, s6, $0xb8;
	[tilespmem:$0x1EE00] =	vst v63  }
0x1ea: {  	_ =	swait.ge [sflag:s13], $0x8000  }
0x1eb: {  	[sflag:s13] =	ssyncset.done $0x0  }
0x1ec: {  	s31 =	rddreg [dreg:$0x15];
	[sflag:s13] =	ssyncadd.s32 $0xFFFF8000  }
0x1ed: {  	[tilespmem:s8], [sflag:$0x2] =	stream.indirect.gather [hbm4b:s4+s6], $0x40, s31, s6, $0xb8;
	[tilespmem:$0x1EE00] =	vst v63  }
0x1ee: {  	_ =	swait.ge [sflag:s11], $0x8000  }
0x1ef: {  	[sflag:s11] =	ssyncset.done $0x0  }
0x1f0: {  	s1 =	rddreg [dreg:$0x16];
	[sflag:s11] =	ssyncadd.s32 $0xFFFF8000  }
0x1f1: {  	[spmem:s3] =	stream.indirect.scatter.add.f32 [tilespmem:s10], [sflag:$0x3], $0x40, s1, s6, $0xb8;
	[tilespmem:$0x1EE00] =	vst v63  }
0x1f2: {  	_ =	swait.ge [sflag:s12], $0x8000  }
0x1f3: {  	[sflag:s12] =	ssyncset.done $0x0  }
0x1f4: {  	s31 =	rddreg [dreg:$0x17];
	[sflag:s12] =	ssyncadd.s32 $0xFFFF8000  }
0x1f5: {  	[spmem:s3] =	stream.indirect.scatter.add.f32 [tilespmem:s8], [sflag:$0x4], $0x40, s31, s6, $0xb8;
	[tilespmem:$0x1EE00] =	vst v63  }
0x1f6: {  	_ =	swait.ge [sflag:s14], $0x8000  }
0x1f7: {  	[sflag:s14] =	ssyncset.done $0x0  }
0x1f8: {  	s1 =	rddreg [dreg:$0x18];
	[sflag:s14] =	ssyncadd.s32 $0xFFFF8000  }
0x1f9: {  	[tilespmem:s10], [sflag:$0x1] =	stream.indirect.gather [hbm4b:s4+s6], $0x40, s1, s6, $0xb8;
	[tilespmem:$0x1EE00] =	vst v63  }
0x1fa: {  	_ =	swait.ge [sflag:s13], $0x8000  }
0x1fb: {  	[sflag:s13] =	ssyncset.done $0x0  }
0x1fc: {  	s31 =	rddreg [dreg:$0x19];
	[sflag:s13] =	ssyncadd.s32 $0xFFFF8000  }
0x1fd: {  	[tilespmem:s8], [sflag:$0x2] =	stream.indirect.gather [hbm4b:s4+s6], $0x40, s31, s6, $0xb8;
	[tilespmem:$0x1EE00] =	vst v63  }
0x1fe: {  	_ =	swait.ge [sflag:s11], $0x8000  }
0x1ff: {  	[sflag:s11] =	ssyncset.done $0x0  }
0x200: {  	s1 =	rddreg [dreg:$0x1a];
	[sflag:s11] =	ssyncadd.s32 $0xFFFF8000  }
0x201: {  	[spmem:s3] =	stream.indirect.scatter.add.f32 [tilespmem:s10], [sflag:$0x3], $0x40, s1, s6, $0xb8;
	[tilespmem:$0x1EE00] =	vst v63  }
0x202: {  	_ =	swait.ge [sflag:s12], $0x8000  }
0x203: {  	[sflag:s12] =	ssyncset.done $0x0  }
0x204: {  	s31 =	rddreg [dreg:$0x1b];
	[sflag:s12] =	ssyncadd.s32 $0xFFFF8000  }
0x205: {  	[spmem:s3] =	stream.indirect.scatter.add.f32 [tilespmem:s8], [sflag:$0x4], $0x40, s31, s6, $0xb8;
	[tilespmem:$0x1EE00] =	vst v63  }
0x206: {  	_ =	swait.ge [sflag:s14], $0x8000  }
0x207: {  	[sflag:s14] =	ssyncset.done $0x0  }
0x208: {  	s1 =	rddreg [dreg:$0x1c];
	[sflag:s14] =	ssyncadd.s32 $0xFFFF8000  }
0x209: {  	[tilespmem:s10], [sflag:$0x1] =	stream.indirect.gather [hbm4b:s4+s6], $0x40, s1, s6, $0xb8;
	[tilespmem:$0x1EE00] =	vst v63  }
0x20a: {  	_ =	swait.ge [sflag:s13], $0x8000  }
0x20b: {  	[sflag:s13] =	ssyncset.done $0x0  }
0x20c: {  	[sflag:s13] =	ssyncadd.s32 $0xFFFF8000  }
0x20d: {  	[tilespmem:s8], [sflag:$0x2] =	stream.indirect.gather [hbm4b:s4+s6], $0x40, s30, s6, $0xb8;
	[tilespmem:$0x1EE00] =	vst v63  }
0x20e: {  	_ =	swait.ge [sflag:s11], $0x8000  }
0x20f: {  	[sflag:s11] =	ssyncset.done $0x0  }
0x210: {  	[sflag:s11] =	ssyncadd.s32 $0xFFFF8000  }
0x211: {  	[spmem:s3] =	stream.indirect.scatter.add.f32 [tilespmem:s10], [sflag:$0x3], $0x40, s29, s6, $0xb8;
	[tilespmem:$0x1EE00] =	vst v63  }
0x212: {  	_ =	swait.ge [sflag:s12], $0x8000  }
0x213: {  	[sflag:s12] =	ssyncset.done $0x0  }
0x214: {  	[sflag:s12] =	ssyncadd.s32 $0xFFFF8000  }
0x215: {  	[spmem:s3] =	stream.indirect.scatter.add.f32 [tilespmem:s8], [sflag:$0x4], $0x40, s28, s6, $0xb8;
	[tilespmem:$0x1EE00] =	vst v63  }
0x216: {  	_ =	swait.ge [sflag:s14], $0x8000  }
0x217: {  	[sflag:s14] =	ssyncset.done $0x0  }
0x218: {  	[sflag:s14] =	ssyncadd.s32 $0xFFFF8000  }
0x219: {  	[tilespmem:s10], [sflag:$0x1] =	stream.indirect.gather [hbm4b:s4+s6], $0x40, s26, s6, $0xb8;
	[tilespmem:$0x1EE00] =	vst v63  }
0x21a: {  	_ =	swait.ge [sflag:s13], $0x8000  }
0x21b: {  	[sflag:s13] =	ssyncset.done $0x0  }
0x21c: {  	[sflag:s13] =	ssyncadd.s32 $0xFFFF8000  }
0x21d: {  	[tilespmem:s8], [sflag:$0x2] =	stream.indirect.gather [hbm4b:s4+s6], $0x40, s25, s6, $0xb8;
	[tilespmem:$0x1EE00] =	vst v63  }
0x21e: {  	_ =	swait.ge [sflag:s11], $0x8000  }
0x21f: {  	[sflag:s11] =	ssyncset.done $0x0  }
0x220: {  	[sflag:s11] =	ssyncadd.s32 $0xFFFF8000  }
0x221: {  	[spmem:s3] =	stream.indirect.scatter.add.f32 [tilespmem:s10], [sflag:$0x3], $0x40, s24, s6, $0xb8;
	[tilespmem:$0x1EE00] =	vst v63  }
0x222: {  	_ =	swait.ge [sflag:s12], $0x8000  }
0x223: {  	[sflag:s12] =	ssyncset.done $0x0  }
0x224: {  	[sflag:s12] =	ssyncadd.s32 $0xFFFF8000  }
0x225: {  	[spmem:s3] =	stream.indirect.scatter.add.f32 [tilespmem:s8], [sflag:$0x4], $0x40, s23, s6, $0xb8;
	[tilespmem:$0x1EE00] =	vst v63  }
0x226: {  	_ =	swait.ge [sflag:s14], $0x8000  }
0x227: {  	[sflag:s14] =	ssyncset.done $0x0  }
0x228: {  	[sflag:s14] =	ssyncadd.s32 $0xFFFF8000  }
0x229: {  	[tilespmem:s10], [sflag:$0x1] =	stream.indirect.gather [hbm4b:s4+s6], $0x40, s22, s6, $0xb8;
	[tilespmem:$0x1EE00] =	vst v63  }
0x22a: {  	_ =	swait.ge [sflag:s13], $0x8000  }
0x22b: {  	[sflag:s13] =	ssyncset.done $0x0  }
0x22c: {  	[sflag:s13] =	ssyncadd.s32 $0xFFFF8000  }
0x22d: {  	[tilespmem:s8], [sflag:$0x2] =	stream.indirect.gather [hbm4b:s4+s6], $0x40, s20, s6, $0xb8;
	[tilespmem:$0x1EE00] =	vst v63  }
0x22e: {  	_ =	swait.ge [sflag:s11], $0x8000  }
0x22f: {  	[sflag:s11] =	ssyncset.done $0x0  }
0x230: {  	[sflag:s11] =	ssyncadd.s32 $0xFFFF8000  }
0x231: {  	[spmem:s3] =	stream.indirect.scatter.add.f32 [tilespmem:s10], [sflag:$0x3], $0x40, s21, s6, $0xb8;
	[tilespmem:$0x1EE00] =	vst v63  }
0x232: {  	_ =	swait.ge [sflag:s12], $0x8000  }
0x233: {  	[sflag:s12] =	ssyncset.done $0x0  }
0x234: {  	[sflag:s12] =	ssyncadd.s32 $0xFFFF8000  }
0x235: {  	[spmem:s3] =	stream.indirect.scatter.add.f32 [tilespmem:s8], [sflag:$0x4], $0x40, s19, s6, $0xb8;
	[tilespmem:$0x1EE00] =	vst v63  }
0x236: {  	_ =	swait.ge [sflag:s14], $0x8000  }
0x237: {  	[sflag:s14] =	ssyncset.done $0x0  }
0x238: {  	[sflag:s14] =	ssyncadd.s32 $0xFFFF8000  }
0x239: {  	[tilespmem:s10], [sflag:$0x1] =	stream.indirect.gather [hbm4b:s4+s6], $0x40, s18, s6, $0xb8;
	[tilespmem:$0x1EE00] =	vst v63  }
0x23a: {  	_ =	swait.ge [sflag:s13], $0x8000  }
0x23b: {  	[sflag:s13] =	ssyncset.done $0x0  }
0x23c: {  	[sflag:s13] =	ssyncadd.s32 $0xFFFF8000  }
0x23d: {  	[tilespmem:s8], [sflag:$0x2] =	stream.indirect.gather [hbm4b:s4+s6], $0x40, s17, s6, $0xb8;
	[tilespmem:$0x1EE00] =	vst v63  }
0x23e: {  	_ =	swait.ge [sflag:s11], $0x8000  }
0x23f: {  	[sflag:s11] =	ssyncset.done $0x0  }
0x240: {  	[sflag:s11] =	ssyncadd.s32 $0xFFFF8000  }
0x241: {  	[spmem:s3] =	stream.indirect.scatter.add.f32 [tilespmem:s10], [sflag:$0x3], $0x40, s16, s6, $0xb8;
	[tilespmem:$0x1EE00] =	vst v63  }
0x242: {  	_ =	swait.ge [sflag:s12], $0x8000  }
0x243: {  	[sflag:s12] =	ssyncset.done $0x0  }
0x244: {  	[sflag:s12] =	ssyncadd.s32 $0xFFFF8000  }
0x245: {  	[spmem:s3] =	stream.indirect.scatter.add.f32 [tilespmem:s8], [sflag:$0x4], $0x40, s15, s6, $0xb8;
	[tilespmem:$0x1EE00] =	vst v63  }
0x246: {  	_ =	swait.ge [sflag:s14], $0x8000  }
0x247: {  	[sflag:s14] =	ssyncset.done $0x0  }
0x248: {  	[sflag:s14] =	ssyncadd.s32 $0xFFFF8000  }
0x249: {  	[tilespmem:s10], [sflag:$0x1] =	stream.indirect.gather [hbm4b:s4+s6], $0x40, s2, s6, $0xb8;
	[tilespmem:$0x1EE00] =	vst v63  }
0x24a: {  	_ =	swait.ge [sflag:s13], $0x8000  }
0x24b: {  	[sflag:s13] =	ssyncset.done $0x0  }
0x24c: {  	[sflag:s13] =	ssyncadd.s32 $0xFFFF8000  }
0x24d: {  	[tilespmem:s8], [sflag:$0x2] =	stream.indirect.gather [hbm4b:s4+s6], $0x40, s6, s6, $0xb8;
	[tilespmem:$0x1EE00] =	vst v63  }
0x24e: {  	_ =	swait.ge [sflag:s11], $0x8000  }
0x24f: {  	[sflag:s11] =	ssyncset.done $0x0  }
0x250: {  	[sflag:s11] =	ssyncadd.s32 $0xFFFF8000  }
0x251: {  	_ =	swait.ge [sflag:s12], $0x8000  }
0x252: {  	[sflag:s12] =	ssyncset.done $0x0  }
0x253: {  	[sflag:s12] =	ssyncadd.s32 $0xFFFF8000  }
0x254: {  	[bflag:$0x0] =	sbarrier.arrive $0xFFFF  }
0x255: {  	s30 =	rddreg [dreg:$0x6]  }
0x256: {  	[hbm:s30], [sflag:s7] =	dma.local [spmem:s9], $0x13C0  }
0x257: {  	_ =	swait.ge [sflag:s5], $0x13C0  }
0x258: {  	[sflag:s5] =	ssyncset.done $0x0  }
0x259: {  	[sflag:s5] =	ssyncadd.s32 $0xFFFFEC40  }
0x25a: {  	_ =	sfence.sel $0x180000  }
0x25b: {  	[bflag:$0x0] =	sbarrier.arrive $0xFFFF  }
0x25c: {  	_ =	strace $0x9000004D  }
0x25d: {  	s31 =	stileid.u32;
	[bflag:$0x2] =	sbarrier.arrive $0xFFFF  }
0x25e: {  	p0 =	sne.s32 s31, $0x0;
	s0 =	rddreg [dreg:$0x2]  }
0x25f: {  	s0 =	sadd.s32 @!p0 $0x100000, s0  }
0x260: {  	[sflag:s0] =	ssyncadd.tile.s32 @!p0 $0x1;
	_ =	shalt  }
.Lfunc_end2:
_tile_overlayer_lowered:
.L_overlay_start_2:
0x261: {  	(tag) =	ssettag $0x2  }
0x262: {  	s0 =	rddreg [dreg:$0x0];
	s2 =	stileid.u32  }
0x263: {  	s1 =	rddreg [dreg:$0x1];
	p0 =	sne.s32 s2, $0x0  }
0x264: {  	s3 =	rddreg [dreg:$0x2];
	[bflag:$0x3] =	sbarrier.arrive $0xFFFF;
	s2 =	simm.s32 @!p0 $0x1C05  }
0x265: {  	[timem:s3], [sflag:s2] =	dma.local @!p0 [hbm:s0], s1  }
0x266: {  	s0 =	simm.s32 @!p0 $0x5  }
0x267: {  	_ =	swait.ge @!p0 [sflag:s0], s1  }
0x268: {  	s1 =	ssub.s32 @!p0 $0x0, s1;
	[sflag:s0] =	ssyncset.done @!p0 $0x0  }
0x269: {  	[sflag:s0] =	ssyncadd.s32 @!p0 s1  }
0x26a: {  	[bflag:$0x3] =	sbarrier.arrive $0xFFFF  }
0x26b: {  	_ =	shalt  }

// kernel: kernel.20.cloned.1.call-start
scs
__scs_entry_jumppad:
0x0: {  	(pc) =	sbr.rel $0x88, $3  }
0x1: {  	(tag) =	ssettag $0x0;
	lr =	simm.s32 $0x1  }
0x2: {  	[smem:$0x3F94] =	sst lr;
	_ =	strace $0xD0000000  }
0x3: {  	_ = 	snop  }
0x4: {  	_ = 	snop  }
0x5: {  	_ = 	snop  }
0x6: {  	_ = 	snop  }
0x7: {  	_ = 	snop  }
__scs_overlays_trampoline_lowered:
0x8: {  	[smem:$0x3FA3] =	sst s0  }
0x9: {  	[smem:$0x3FA4] =	sst s1  }
0xa: {  	[smem:$0x3FA5] =	sst s2  }
0xb: {  	[smem:$0x3FA6] =	sst s3  }
0xc: {  	[smem:$0x3FA7] =	sst s4  }
0xd: {  	[smem:$0x3FA8] =	sst s5  }
0xe: {  	[smem:$0x3FA9] =	sst s6  }
0xf: {  	[smem:$0x3FAA] =	sst s7  }
0x10: {  	[smem:$0x3FAB] =	sst s8  }
0x11: {  	[smem:$0x3FAC] =	sst s9;
	s0 =	simm.s32 @!p0 $0x0  }
0x12: {  	s1 =	sld [smem:$0x3F92];
	s0 =	simm.s32 @p0 $0x1  }
0x13: {  	[smem:$0x3FAD] =	sst s0;
	s0 =	simm.s32 @!p1 $0x0  }
0x14: {  	s2 =	sld [smem:$0x3F91];
	s0 =	simm.s32 @p1 $0x1  }
0x15: {  	[smem:$0x3FAE] =	sst s0;
	s0 =	simm.s32 @!p2 $0x0  }
0x16: {  	s3 =	sld [smem:$0x3FDB];
	s0 =	simm.s32 @p2 $0x1  }
0x17: {  	s4 =	simm.s32 $0x1BF5;
	[smem:$0x3FB0] =	sst s0  }
0x18: {  	s0 =	sld [smem:$0x3F93];
	_ =	swait.ge [sflag:s4], $0x0  }
0x19: {  	s7 =	sld [smem:$0x3F94]  }
0x1a: {  	s8 =	sadd.s32 $0xFFFFE003, lr  }
0x1b: {  	s9 =	sadd.s32 $0xFFFFFEF7, lr;
	s5 =	simm.s32 $0xFFFFFFFF;
	p2 =	slt.u32 s8, $0xFFFFF086  }
0x1c: {  	p1 =	slt.u32 s9, $0xF7A;
	s5 =	simm.s32 @!p2 $0x0  }
0x1d: {  	s5 =	simm.s32 @p1 $0x1;
	p0 =	seq.s32 s7, s2  }
0x1e: {  	s7 =	smul.u32 @!p0 $0xF7A, s2;
	p2 =	seq.s32 @!p0 s5, $0x0  }
0x1f: {  	s9 =	smul.u32 $0xF7A, s1;
	s8 =	simm.s32 @!p0 $0x1BF5;
	p2 =	por !p2, p0  }
0x20: {  	[sflag:s8] =	ssyncset.s32 @!p0 $0xFFFFF086;
	s6 =	sadd.s32 @!p0 s3, s7;
	s7 =	simm.s32 @!p0 $0x108  }
0x21: {  	s3 =	sadd.s32 s3, s9;
	s6 =	sadd.s32 @!p0 $0x88, s6;
	s7 =	simm.s32 @p2 $0x1082  }
0x22: {  	[simem:s7], [sflag:s8] =	dma.local @!p0 [hbm:s6], $0xF7A  }
0x23: {  	s9 =	sor.u32 $0xD0000000, s2;
	s6 =	simm.s32 $0x108;
	_ =	swait.ge @!p0 [sflag:s8], $0x0  }
0x24: {  	s3 =	sadd.s32 $0x88, s3;
	s6 =	simm.s32 @!p1 $0x1082;
	[sflag:s4] =	ssyncset.s32 $0xFFFFF086  }
0x25: {  	[simem:s6], [sflag:s4] =	dma.local [hbm:s3], $0xF7A  }
0x26: {  	[smem:$0x3F94] =	sst s1;
	(tag) =	ssettag s2;
	_ =	strace s9  }
0x27: {  	s1 =	sld [smem:$0x3FA4]  }
0x28: {  	s2 =	sld [smem:$0x3FA5]  }
0x29: {  	s4 =	sld [smem:$0x3FA7]  }
0x2a: {  	p0 =	seq.s32 s5, $0x0;
	s5 =	sld [smem:$0x3FA8]  }
0x2b: {  	s6 =	sld [smem:$0x3FA9]  }
0x2c: {  	s7 =	sld [smem:$0x3FAA]  }
0x2d: {  	s3 =	simm.s32 $0x108;
	s8 =	sld [smem:$0x3FAB]  }
0x2e: {  	s3 =	simm.s32 @!p0 $0x1082;
	s9 =	sld [smem:$0x3FAC]  }
0x2f: {  	lr =	sadd.s32 s0, s3;
	s0 =	sld [smem:$0x3FA3]  }
0x30: {  	s3 =	sld [smem:$0x3FA6]  }
0x31: {  	[smem:$0x3FAF] =	sst s10  }
0x32: {  	s10 =	sld [smem:$0x3FAD];
	_ =	sdelay $0x3  }
0x33: {  	p0 =	seq.s32 s10, $0x1;
	s10 =	sld [smem:$0x3FAF];
	_ =	sdelay $0x3  }
0x34: {  	[smem:$0x3FAF] =	sst s10  }
0x35: {  	s10 =	sld [smem:$0x3FAE];
	_ =	sdelay $0x3  }
0x36: {  	p1 =	seq.s32 s10, $0x1;
	s10 =	sld [smem:$0x3FAF];
	_ =	sdelay $0x3  }
0x37: {  	[smem:$0x3FAF] =	sst s10  }
0x38: {  	s10 =	sld [smem:$0x3FB0]  }
0x39: {  	_ = 	snop;
	(pc) =	sbr.ind lr, $3  }
0x3a: {  	_ = 	snop  }
0x3b: {  	_ = 	snop  }
0x3c: {  	p2 =	seq.s32 s10, $0x1;
	s10 =	sld [smem:$0x3FAF]  }
0x3d: {  	_ =	shalt  }
0x3e: {  	_ =	shalt  }
0x3f: {  	_ =	shalt  }
0x40: {  	_ =	shalt  }
0x41: {  	_ =	shalt  }
0x42: {  	_ =	shalt  }
0x43: {  	_ =	shalt  }
0x44: {  	_ =	shalt  }
0x45: {  	_ =	shalt  }
0x46: {  	_ =	shalt  }
0x47: {  	_ =	shalt  }
0x48: {  	_ =	shalt  }
0x49: {  	_ =	shalt  }
0x4a: {  	_ =	shalt  }
0x4b: {  	_ =	shalt  }
0x4c: {  	_ =	shalt  }
0x4d: {  	_ =	shalt  }
0x4e: {  	_ =	shalt  }
0x4f: {  	_ =	shalt  }
0x50: {  	_ =	shalt  }
0x51: {  	_ =	shalt  }
0x52: {  	_ =	shalt  }
0x53: {  	_ =	shalt  }
0x54: {  	_ =	shalt  }
0x55: {  	_ =	shalt  }
0x56: {  	_ =	shalt  }
0x57: {  	_ =	shalt  }
0x58: {  	_ =	shalt  }
0x59: {  	_ =	shalt  }
0x5a: {  	_ =	shalt  }
0x5b: {  	_ =	shalt  }
0x5c: {  	_ =	shalt  }
0x5d: {  	_ =	shalt  }
0x5e: {  	_ =	shalt  }
0x5f: {  	_ =	shalt  }
0x60: {  	_ =	shalt  }
0x61: {  	_ =	shalt  }
0x62: {  	_ =	shalt  }
0x63: {  	_ =	shalt  }
0x64: {  	_ =	shalt  }
0x65: {  	_ =	shalt  }
0x66: {  	_ =	shalt  }
0x67: {  	_ =	shalt  }
0x68: {  	_ =	shalt  }
0x69: {  	_ =	shalt  }
0x6a: {  	_ =	shalt  }
0x6b: {  	_ =	shalt  }
0x6c: {  	_ =	shalt  }
0x6d: {  	_ =	shalt  }
0x6e: {  	_ =	shalt  }
0x6f: {  	_ =	shalt  }
0x70: {  	_ =	shalt  }
0x71: {  	_ =	shalt  }
0x72: {  	_ =	shalt  }
0x73: {  	_ =	shalt  }
0x74: {  	_ =	shalt  }
0x75: {  	_ =	shalt  }
0x76: {  	_ =	shalt  }
0x77: {  	_ =	shalt  }
0x78: {  	_ =	shalt  }
0x79: {  	_ =	shalt  }
0x7a: {  	_ =	shalt  }
0x7b: {  	_ =	shalt  }
0x7c: {  	_ =	shalt  }
0x7d: {  	_ =	shalt  }
0x7e: {  	_ =	shalt  }
0x7f: {  	_ =	shalt  }
0x80: {  	_ =	shalt  }
0x81: {  	_ =	shalt  }
0x82: {  	_ =	shalt  }
0x83: {  	_ =	shalt  }
0x84: {  	_ =	shalt  }
0x85: {  	_ =	shalt  }
0x86: {  	_ =	shalt  }
0x87: {  	_ =	shalt  }
.Lfunc_end0:
.L_simem_size_0:
called_computation.3_lowered:
.L_overlay_start_0:
0x88: {  	s2 =	sld [smem:$0x3FD9]  }
0x89: {  	s3 =	sld [smem:$0x3FFE];
	_ =	sdelay $0x1  }
0x8a: {  	s1 =	srdreg.scid  }
0x8b: {  	s0 =	sand.u32 $0x1, s1  }
0x8c: {  	s16 =	sshll.u32 s0, $0xA;
	s2 =	sadd.s32 s3, s2  }
0x8d: {  	s2 =	sadd.s32 s2, s16  }
0x8e: {  	[smem:$0x3FBB] =	sst s2  }
0x8f: {  	_ = 	snop  }
0x90: {  	(tm) =	ssettm $0x1  }
0x91: {  	s17 =	sld [smem:$0x3FFB];
	_ =	sdelay $0x3  }
0x92: {  	_ =	strace s17  }
0x93: {  	s2 =	sld [smem:$0x3FFC];
	_ =	sdelay $0x3  }
0x94: {  	_ =	strace s2  }
0x95: {  	s2 =	sld [smem:$0x3FFD];
	_ =	sdelay $0x3  }
0x96: {  	_ =	strace s2  }
0x97: {  	_ =	strace $0x8FFFFFFF  }
0x98: {  	s18 =	sld [smem:$0x3FDB];
	_ =	sdelay $0x1  }
0x99: {  	s19 =	simm.s32 $_scs_section_size  }
0x9a: {  	s4 =	simm.s32 $_size__tile_overlayer_lowered;
	s5 =	simm.s32 $_tile_overlayer_lowered  }
0x9b: {  	s22 =	simm.s32 $0x1BFF;
	s21 =	sshll.u32 s5, $0x1;
	s2 =	sadd.s32 s19, s18  }
0x9c: {  	s6 =	simm.s32 $0x0;
	s20 =	sshll.u32 s4, $0x1;
	s4 =	sadd.s32 s21, s2  }
0x9d: {  	[timem:s6], [sflag:s22] =	dma.local [hbm:s4], s20  }
0x9e: {  	_ =	swait.ge [sflag:s22], s20  }
0x9f: {  	s3 =	ssub.s32 $0x0, s20;
	[sflag:s22] =	ssyncset.done $0x0  }
0xa0: {  	[sflag:s22] =	ssyncadd.s32 s3;
	_ =	sdelay $0x1  }
0xa1: {  	s23 =	simm.s32 $0x1B8B  }
0xa2: {  	_ =	swait.ge [sflag:s23], $0x1  }
0xa3: {  	[sflag:s23] =	ssyncset.done $0x0  }
0xa4: {  	s25 =	simm.s32 $0x1B8E;
	s24 =	sld [smem:$0x3FFE];
	[sflag:s23] =	ssyncadd.s32 $0xFFFFFFFF  }
0xa5: {  	s26 =	simm.s32 $execute0_lowered;
	[smem:$0x3FD2] =	sst s25  }
0xa6: {  	s4 =	sshll.u32 s26, $0x1;
	_ =	strace $0x8000004F;
	[dreg:$0x1] =	wrdreg $0xFFFFFFFF  }
0xa7: {  	s28 =	simm.s32 $_size_execute0_lowered;
	s2 =	sadd.s32 s2, s4;
	[dreg:$0x0] =	wrdreg $0x0  }
0xa8: {  	s4 =	sshll.u32 s28, $0x1;
	[dreg:$0x2] =	wrdreg s2  }
0xa9: {  	[dreg:$0x3] =	wrdreg s4  }
0xaa: {  	[dreg:$0x4] =	wrdreg $0xC0  }
0xab: {  	_ =	task [dreg:s6], $0x5FFFF  }
0xac: {  	[dreg:$0x1] =	wrdreg $0xFFFFFFFF  }
0xad: {  	[dreg:$0x0] =	wrdreg $0x60  }
0xae: {  	[dreg:$0x2] =	wrdreg s24  }
0xaf: {  	[dreg:$0x3] =	wrdreg $0x150000  }
0xb0: {  	[dreg:$0x4] =	wrdreg $0x9  }
0xb1: {  	_ =	task.clear_ibuf [dreg:s6], $0x5FFFF;
	_ =	strace $0x9000004F  }
0xb2: {  	s29 =	simm.s32 $0x9;
	_ =	strace $0x80000051  }
0xb3: {  	_ =	swait.ge [sflag:s29], $0x1  }
0xb4: {  	[sflag:s29] =	ssyncadd.s32 $0xFFFFFFFF  }
0xb5: {  	_ =	strace $0x90000051  }
0xb6: {  	_ =	sfence  }
0xb7: {  	s30 =	sld [smem:$0x0];
	_ =	sdelay $0x2  }
0xb8: {  	s31 =	sshll.u32 s1, $0xD;
	s1 =	sshrl.u32 s1, $0x2  }
0xb9: {  	s3 =	sand.u32 $0x4000, s31;
	s1 =	sadd.s32 s1, s30  }
0xba: {  	s0 =	sor.u32 s3, s0;
	s1 =	sshll.u32 s1, $0x11  }
0xbb: {  	s0 =	sor.u32 s1, s0  }
0xbc: {  	s0 =	sadd.s32 $0x8F2B, s0  }
0xbd: {  	[sflag:s0] =	ssyncadd.remote.s32 $0x1  }
0xbe: {  	_ =	sfence.sel $0xFFFF  }
0xbf: {  	[dreg:$0x0] =	wrdreg $0xFFFFFFFF;
	(pc) =	sbr.abs _section_cstart, $3  }
0xc0: {  	[dreg:$0x1] =	wrdreg $0xFFFFFFFF  }
0xc1: {  	_ =	task.clear_ibuf [dreg:s6], $0x2FFFF;
	_ =	strace $0x9FFFFFFF  }
0xc2: {  	(tm) =	ssettm $0x7FFFFFFF  }
0xc3: {  	_ =	shalt  }
tec
execute0_lowered:
.L_overlay_start_1:
0x0: {  	(tag) =	ssettag $0x1  }
0x1: {  	s0 =	srdreg.scid;
	s4 =	rddreg [dreg:$0x0]  }
0x2: {  	s11 =	stileid.u32;
	s3 =	rddreg [dreg:$0x1]  }
0x3: {  	s2 =	simm.s32 $0x0;
	s23 =	simm.s32 $0x2A00;
	s24 =	simm.s32 $0x400  }
0x4: {  	s25 =	simm.s32 $0x600;
	s26 =	simm.s32 $0x2C00;
	[smem:$0x7FF] =	sst s2  }
0x5: {  	s10 =	simm.s32 $0x3000;
	_ =	strace $0x80000050;
	[dreg:$0x7] =	wrdreg s23  }
0x6: {  	s12 =	simm.s32 $0x3200;
	s13 =	simm.s32 $0xC00;
	[dreg:$0x8] =	wrdreg s24  }
0x7: {  	s14 =	simm.s32 $0xE00;
	s15 =	simm.s32 $0x3400;
	[dreg:$0x9] =	wrdreg s25  }
0x8: {  	s31 =	simm.s32 $0x2800;
	s16 =	simm.s32 $0x3600;
	[dreg:$0xa] =	wrdreg s26  }
0x9: {  	s17 =	simm.s32 $0x1000;
	s18 =	simm.s32 $0x1200;
	[dreg:$0xe] =	wrdreg s10  }
0xa: {  	s19 =	simm.s32 $0x3800;
	s30 =	simm.s32 $0x1A00;
	[dreg:$0xf] =	wrdreg s12  }
0xb: {  	s29 =	simm.s32 $0x4000;
	s28 =	simm.s32 $0x4200;
	[dreg:$0x10] =	wrdreg s13  }
0xc: {  	p0 =	por $0x0, $0x0;
	s0 =	sand.u32 $0x1, s0;
	[dreg:$0x11] =	wrdreg s14  }
0xd: {  	s1 =	sshll.u32 s11, $0x1;
	s5 =	smul.u32 $0x9E00, s11;
	[dreg:$0x12] =	wrdreg s15  }
0xe: {  	s20 =	sshll.u32 s11, $0x6;
	s11 =	simm.s32 $0x1;
	[dreg:$0x13] =	wrdreg s16  }
0xf: {  	s1 =	sor.u32 s0, s1;
	s6 =	smul.u32 $0x9E000, s0;
	[dreg:$0x14] =	wrdreg s17  }
0x10: {  	s0 =	ssub.s32 $0x2, s0;
	s10 =	simm.s32 $0x5000;
	[dreg:$0x15] =	wrdreg s18  }
0x11: {  	[dreg:$0x16] =	wrdreg s19;
	s23 =	simm.s32 $0x1600;
	s24 =	simm.s32 $0x3C00  }
0x12: {  	s12 =	simm.s32 $0x2;
	s25 =	simm.s32 $0x3E00;
	s14 =	simm.s32 $0x3  }
0x13: {  	s26 =	simm.s32 $0x1800;
	s13 =	simm.s32 $0x4;
	s19 =	simm.s32 $0x4A00  }
0x14: {  	s18 =	simm.s32 $0x2400;
	s17 =	simm.s32 $0x2600;
	[dreg:$0x19] =	wrdreg s23  }
0x15: {  	s16 =	simm.s32 $0x4C00;
	s15 =	simm.s32 $0x4E00;
	[dreg:$0x1a] =	wrdreg s24  }
0x16: {  	s1 =	smul.u32 $0x500, s1;
	s7 =	sshrl.u32 s5, $0x3;
	[dreg:$0x1b] =	wrdreg s25  }
0x17: {  	s9 =	sshrl.u32 s0, $0x1;
	[dreg:$0x1c] =	wrdreg s26;
	s26 =	simm.s32 $0x1C00  }
0x18: {  	s25 =	simm.s32 $0x1E00;
	s24 =	simm.s32 $0x4400;
	s23 =	simm.s32 $0x4600  }
0x19: {  	s7 =	sadd.s32 s7, s4;
	s6 =	sadd.s32 s5, s6;
	s0 =	ssub.s32 s0, s9  }
0x1a: {  	s9 =	sadd.s32 s5, s3;
	s5 =	simm.s32 $0x5;
	s1 =	sadd.s32 s1, s4  }
0x1b: {  	s6 =	sshrl.u32 s6, $0x3;
	s21 =	sadd.s32 $0x61400, s7;
	s7 =	simm.s32 $0x800  }
0x1c: {  	s0 =	smax.u32 s0, $0x1;
	s9 =	sshrl.u32 s9, $0x3;
	[dreg:$0x5] =	wrdreg s21  }
0x1d: {  	s8 =	sadd.s32 $0x1C800, s1;
	s1 =	sadd.s32 $0x3A00, s1;
	[dreg:$0xc] =	wrdreg s7  }
0x1e: {  	s6 =	sadd.s32 s6, s4;
	s4 =	sadd.s32 $0x4DA00, s4;
	[dreg:$0x3] =	wrdreg s8  }
0x1f: {  	s21 =	simm.s32 $0x3A00;
	s7 =	sor.u32 $0x1C05, s20;
	[dreg:$0x4] =	wrdreg s1  }
0x20: {  	p1 =	sne.s32 s0, $0x1;
	s22 =	sadd.s32 $0x75000, s6;
	[dreg:$0x17] =	wrdreg s21  }
.Ltmp0:
0x21: {  	s6 =	simm.s32 $0x2E00;
	[dreg:$0x6] =	wrdreg s22;
	(pc) =	sbr.rel @!p1 .LBB2_3-.Ltmp0, $4  }
0x22: {  	s20 =	simm.s32 $0x2200;
	s8 =	simm.s32 $0xA00;
	[dreg:$0xb] =	wrdreg s6  }
0x23: {  	s1 =	sadd.s32 $0xFFFFFFFF, s0;
	s21 =	simm.s32 $0x4800;
	[dreg:$0xd] =	wrdreg s8  }
0x24: {  	s6 =	simm.s32 $0x200;
	s22 =	simm.s32 $0x1400;
	s0 =	rddreg [dreg:$0x3]  }
0x25: {  	s8 =	simm.s32 $0xD000;
	[dreg:$0x18] =	wrdreg s22;
	s22 =	simm.s32 $0x2000  }
0x26: {  	[tilespmem:s2], [sflag:$0x5] =	stream.linear.gather [hbm4b:s0+s2], $0x2800, $0x38;
	[tilespmem:$0x1EE00] =	vst v63  }
0x27: {  	_ =	swait.ge [sflag:s5], $0x2800  }
0x28: {  	[sflag:s5] =	ssyncset.done $0x0  }
0x29: {  	s0 =	rddreg [dreg:$0x4];
	[sflag:s5] =	ssyncadd.s32 $0xFFFFD800  }
0x2a: {  	[tilespmem:s31], [sflag:$0x5] =	stream.linear.gather [hbm4b:s0+s2], $0x2800, $0x38;
	[tilespmem:$0x1EE00] =	vst v63  }
0x2b: {  	_ =	swait.ge [sflag:s5], $0x2800  }
0x2c: {  	[sflag:s5] =	ssyncset.done $0x0  }
0x2d: {  	[sflag:s5] =	ssyncadd.s32 $0xFFFFD800  }
0x2e: {  	[tilespmem:s10], [sflag:$0x1] =	stream.indirect.gather [hbm4b:s4+s6], $0x40, s2, s6, $0xb8;
	[tilespmem:$0x1EE00] =	vst v63  }
0x2f: {  	s0 =	rddreg [dreg:$0x5]  }
0x30: {  	[tilespmem:s8], [sflag:$0x2] =	stream.indirect.gather [hbm4b:s4+s6], $0x40, s6, s6, $0xb8;
	[tilespmem:$0x1EE00] =	vst v63  }
0x31: {  	[spmem:s9], [sflag:s7] =	dma.local [hbm:s0], $0x13C0  }
0x32: {  	_ =	swait.ge [sflag:s5], $0x13C0  }
0x33: {  	[sflag:s5] =	ssyncset.done $0x0  }
0x34: {  	[sflag:s5] =	ssyncadd.s32 $0xFFFFEC40  }
0x35: {  	[bflag:$0x0] =	sbarrier.arrive $0xFFFF  }
0x36: {  	_ =	swait.ge [sflag:s11], $0x8000  }
0x37: {  	[sflag:s11] =	ssyncset.done $0x0  }
0x38: {  	[sflag:s11] =	ssyncadd.s32 $0xFFFF8000  }
0x39: {  	[spmem:s3] =	stream.indirect.scatter.add.f32 [tilespmem:s10], [sflag:$0x3], $0x40, s31, s6, $0xb8;
	[tilespmem:$0x1EE00] =	vst v63  }
0x3a: {  	_ =	swait.ge [sflag:s12], $0x8000  }
0x3b: {  	[sflag:s12] =	ssyncset.done $0x0  }
0x3c: {  	s0 =	rddreg [dreg:$0x7];
	[sflag:s12] =	ssyncadd.s32 $0xFFFF8000  }
0x3d: {  	[spmem:s3] =	stream.indirect.scatter.add.f32 [tilespmem:s8], [sflag:$0x4], $0x40, s0, s6, $0xb8;
	[tilespmem:$0x1EE00] =	vst v63  }
0x3e: {  	_ =	swait.ge [sflag:s14], $0x8000  }
0x3f: {  	[sflag:s14] =	ssyncset.done $0x0  }
0x40: {  	s0 =	rddreg [dreg:$0x8];
	[sflag:s14] =	ssyncadd.s32 $0xFFFF8000  }
0x41: {  	[tilespmem:s10], [sflag:$0x1] =	stream.indirect.gather [hbm4b:s4+s6], $0x40, s0, s6, $0xb8;
	[tilespmem:$0x1EE00] =	vst v63  }
0x42: {  	_ =	swait.ge [sflag:s13], $0x8000  }
0x43: {  	[sflag:s13] =	ssyncset.done $0x0  }
0x44: {  	s0 =	rddreg [dreg:$0x9];
	[sflag:s13] =	ssyncadd.s32 $0xFFFF8000  }
0x45: {  	[tilespmem:s8], [sflag:$0x2] =	stream.indirect.gather [hbm4b:s4+s6], $0x40, s0, s6, $0xb8;
	[tilespmem:$0x1EE00] =	vst v63  }
0x46: {  	_ =	swait.ge [sflag:s11], $0x8000  }
0x47: {  	[sflag:s11] =	ssyncset.done $0x0  }
0x48: {  	s0 =	rddreg [dreg:$0xa];
	[sflag:s11] =	ssyncadd.s32 $0xFFFF8000  }
0x49: {  	[spmem:s3] =	stream.indirect.scatter.add.f32 [tilespmem:s10], [sflag:$0x3], $0x40, s0, s6, $0xb8;
	[tilespmem:$0x1EE00] =	vst v63  }
0x4a: {  	_ =	swait.ge [sflag:s12], $0x8000  }
0x4b: {  	[sflag:s12] =	ssyncset.done $0x0  }
0x4c: {  	s0 =	rddreg [dreg:$0xb];
	[sflag:s12] =	ssyncadd.s32 $0xFFFF8000  }
0x4d: {  	[spmem:s3] =	stream.indirect.scatter.add.f32 [tilespmem:s8], [sflag:$0x4], $0x40, s0, s6, $0xb8;
	[tilespmem:$0x1EE00] =	vst v63  }
0x4e: {  	_ =	swait.ge [sflag:s14], $0x8000  }
0x4f: {  	[sflag:s14] =	ssyncset.done $0x0  }
0x50: {  	s0 =	rddreg [dreg:$0xc];
	[sflag:s14] =	ssyncadd.s32 $0xFFFF8000  }
0x51: {  	[tilespmem:s10], [sflag:$0x1] =	stream.indirect.gather [hbm4b:s4+s6], $0x40, s0, s6, $0xb8;
	[tilespmem:$0x1EE00] =	vst v63  }
0x52: {  	_ =	swait.ge [sflag:s13], $0x8000  }
0x53: {  	[sflag:s13] =	ssyncset.done $0x0  }
0x54: {  	s0 =	rddreg [dreg:$0xd];
	[sflag:s13] =	ssyncadd.s32 $0xFFFF8000  }
0x55: {  	[tilespmem:s8], [sflag:$0x2] =	stream.indirect.gather [hbm4b:s4+s6], $0x40, s0, s6, $0xb8;
	[tilespmem:$0x1EE00] =	vst v63  }
0x56: {  	_ =	swait.ge [sflag:s11], $0x8000  }
0x57: {  	[sflag:s11] =	ssyncset.done $0x0  }
0x58: {  	s0 =	rddreg [dreg:$0xe];
	[sflag:s11] =	ssyncadd.s32 $0xFFFF8000  }
0x59: {  	[spmem:s3] =	stream.indirect.scatter.add.f32 [tilespmem:s10], [sflag:$0x3], $0x40, s0, s6, $0xb8;
	[tilespmem:$0x1EE00] =	vst v63  }
0x5a: {  	_ =	swait.ge [sflag:s12], $0x8000  }
0x5b: {  	[sflag:s12] =	ssyncset.done $0x0  }
0x5c: {  	s0 =	rddreg [dreg:$0xf];
	[sflag:s12] =	ssyncadd.s32 $0xFFFF8000  }
0x5d: {  	[spmem:s3] =	stream.indirect.scatter.add.f32 [tilespmem:s8], [sflag:$0x4], $0x40, s0, s6, $0xb8;
	[tilespmem:$0x1EE00] =	vst v63  }
0x5e: {  	_ =	swait.ge [sflag:s14], $0x8000  }
0x5f: {  	[sflag:s14] =	ssyncset.done $0x0  }
0x60: {  	s0 =	rddreg [dreg:$0x10];
	[sflag:s14] =	ssyncadd.s32 $0xFFFF8000  }
0x61: {  	[tilespmem:s10], [sflag:$0x1] =	stream.indirect.gather [hbm4b:s4+s6], $0x40, s0, s6, $0xb8;
	[tilespmem:$0x1EE00] =	vst v63  }
0x62: {  	_ =	swait.ge [sflag:s13], $0x8000  }
0x63: {  	[sflag:s13] =	ssyncset.done $0x0  }
0x64: {  	s0 =	rddreg [dreg:$0x11];
	[sflag:s13] =	ssyncadd.s32 $0xFFFF8000  }
0x65: {  	[tilespmem:s8], [sflag:$0x2] =	stream.indirect.gather [hbm4b:s4+s6], $0x40, s0, s6, $0xb8;
	[tilespmem:$0x1EE00] =	vst v63  }
0x66: {  	_ =	swait.ge [sflag:s11], $0x8000  }
0x67: {  	[sflag:s11] =	ssyncset.done $0x0  }
0x68: {  	s0 =	rddreg [dreg:$0x12];
	[sflag:s11] =	ssyncadd.s32 $0xFFFF8000  }
0x69: {  	[spmem:s3] =	stream.indirect.scatter.add.f32 [tilespmem:s10], [sflag:$0x3], $0x40, s0, s6, $0xb8;
	[tilespmem:$0x1EE00] =	vst v63  }
0x6a: {  	_ =	swait.ge [sflag:s12], $0x8000  }
0x6b: {  	[sflag:s12] =	ssyncset.done $0x0  }
0x6c: {  	s0 =	rddreg [dreg:$0x13];
	[sflag:s12] =	ssyncadd.s32 $0xFFFF8000  }
0x6d: {  	[spmem:s3] =	stream.indirect.scatter.add.f32 [tilespmem:s8], [sflag:$0x4], $0x40, s0, s6, $0xb8;
	[tilespmem:$0x1EE00] =	vst v63  }
0x6e: {  	_ =	swait.ge [sflag:s14], $0x8000  }
0x6f: {  	[sflag:s14] =	ssyncset.done $0x0  }
0x70: {  	s0 =	rddreg [dreg:$0x14];
	[sflag:s14] =	ssyncadd.s32 $0xFFFF8000  }
0x71: {  	[tilespmem:s10], [sflag:$0x1] =	stream.indirect.gather [hbm4b:s4+s6], $0x40, s0, s6, $0xb8;
	[tilespmem:$0x1EE00] =	vst v63  }
0x72: {  	_ =	swait.ge [sflag:s13], $0x8000  }
0x73: {  	[sflag:s13] =	ssyncset.done $0x0  }
0x74: {  	s0 =	rddreg [dreg:$0x15];
	[sflag:s13] =	ssyncadd.s32 $0xFFFF8000  }
0x75: {  	[tilespmem:s8], [sflag:$0x2] =	stream.indirect.gather [hbm4b:s4+s6], $0x40, s0, s6, $0xb8;
	[tilespmem:$0x1EE00] =	vst v63  }
0x76: {  	_ =	swait.ge [sflag:s11], $0x8000  }
0x77: {  	[sflag:s11] =	ssyncset.done $0x0  }
0x78: {  	s0 =	rddreg [dreg:$0x16];
	[sflag:s11] =	ssyncadd.s32 $0xFFFF8000  }
0x79: {  	[spmem:s3] =	stream.indirect.scatter.add.f32 [tilespmem:s10], [sflag:$0x3], $0x40, s0, s6, $0xb8;
	[tilespmem:$0x1EE00] =	vst v63  }
0x7a: {  	_ =	swait.ge [sflag:s12], $0x8000  }
0x7b: {  	[sflag:s12] =	ssyncset.done $0x0  }
0x7c: {  	s0 =	rddreg [dreg:$0x17];
	[sflag:s12] =	ssyncadd.s32 $0xFFFF8000  }
0x7d: {  	[spmem:s3] =	stream.indirect.scatter.add.f32 [tilespmem:s8], [sflag:$0x4], $0x40, s0, s6, $0xb8;
	[tilespmem:$0x1EE00] =	vst v63  }
0x7e: {  	_ =	swait.ge [sflag:s14], $0x8000  }
0x7f: {  	[sflag:s14] =	ssyncset.done $0x0  }
0x80: {  	s0 =	rddreg [dreg:$0x18];
	[sflag:s14] =	ssyncadd.s32 $0xFFFF8000  }
0x81: {  	[tilespmem:s10], [sflag:$0x1] =	stream.indirect.gather [hbm4b:s4+s6], $0x40, s0, s6, $0xb8;
	[tilespmem:$0x1EE00] =	vst v63  }
0x82: {  	_ =	swait.ge [sflag:s13], $0x8000  }
0x83: {  	[sflag:s13] =	ssyncset.done $0x0  }
0x84: {  	s0 =	rddreg [dreg:$0x19];
	[sflag:s13] =	ssyncadd.s32 $0xFFFF8000  }
0x85: {  	[tilespmem:s8], [sflag:$0x2] =	stream.indirect.gather [hbm4b:s4+s6], $0x40, s0, s6, $0xb8;
	[tilespmem:$0x1EE00] =	vst v63  }
0x86: {  	_ =	swait.ge [sflag:s11], $0x8000  }
0x87: {  	[sflag:s11] =	ssyncset.done $0x0  }
0x88: {  	s0 =	rddreg [dreg:$0x1a];
	[sflag:s11] =	ssyncadd.s32 $0xFFFF8000  }
0x89: {  	[spmem:s3] =	stream.indirect.scatter.add.f32 [tilespmem:s10], [sflag:$0x3], $0x40, s0, s6, $0xb8;
	[tilespmem:$0x1EE00] =	vst v63  }
0x8a: {  	_ =	swait.ge [sflag:s12], $0x8000  }
0x8b: {  	[sflag:s12] =	ssyncset.done $0x0  }
0x8c: {  	s0 =	rddreg [dreg:$0x1b];
	[sflag:s12] =	ssyncadd.s32 $0xFFFF8000  }
0x8d: {  	[spmem:s3] =	stream.indirect.scatter.add.f32 [tilespmem:s8], [sflag:$0x4], $0x40, s0, s6, $0xb8;
	[tilespmem:$0x1EE00] =	vst v63  }
0x8e: {  	_ =	swait.ge [sflag:s14], $0x8000  }
0x8f: {  	[sflag:s14] =	ssyncset.done $0x0  }
0x90: {  	s0 =	rddreg [dreg:$0x1c];
	[sflag:s14] =	ssyncadd.s32 $0xFFFF8000  }
0x91: {  	[tilespmem:s10], [sflag:$0x1] =	stream.indirect.gather [hbm4b:s4+s6], $0x40, s0, s6, $0xb8;
	[tilespmem:$0x1EE00] =	vst v63  }
0x92: {  	_ =	swait.ge [sflag:s13], $0x8000  }
0x93: {  	[sflag:s13] =	ssyncset.done $0x0  }
0x94: {  	[sflag:s13] =	ssyncadd.s32 $0xFFFF8000  }
0x95: {  	[tilespmem:s8], [sflag:$0x2] =	stream.indirect.gather [hbm4b:s4+s6], $0x40, s30, s6, $0xb8;
	[tilespmem:$0x1EE00] =	vst v63  }
0x96: {  	_ =	swait.ge [sflag:s11], $0x8000  }
0x97: {  	[sflag:s11] =	ssyncset.done $0x0  }
0x98: {  	[sflag:s11] =	ssyncadd.s32 $0xFFFF8000  }
0x99: {  	[spmem:s3] =	stream.indirect.scatter.add.f32 [tilespmem:s10], [sflag:$0x3], $0x40, s29, s6, $0xb8;
	[tilespmem:$0x1EE00] =	vst v63  }
0x9a: {  	_ =	swait.ge [sflag:s12], $0x8000  }
0x9b: {  	[sflag:s12] =	ssyncset.done $0x0  }
0x9c: {  	[sflag:s12] =	ssyncadd.s32 $0xFFFF8000  }
0x9d: {  	[spmem:s3] =	stream.indirect.scatter.add.f32 [tilespmem:s8], [sflag:$0x4], $0x40, s28, s6, $0xb8;
	[tilespmem:$0x1EE00] =	vst v63  }
0x9e: {  	_ =	swait.ge [sflag:s14], $0x8000  }
0x9f: {  	[sflag:s14] =	ssyncset.done $0x0  }
0xa0: {  	[sflag:s14] =	ssyncadd.s32 $0xFFFF8000  }
0xa1: {  	[tilespmem:s10], [sflag:$0x1] =	stream.indirect.gather [hbm4b:s4+s6], $0x40, s26, s6, $0xb8;
	[tilespmem:$0x1EE00] =	vst v63  }
0xa2: {  	_ =	swait.ge [sflag:s13], $0x8000  }
0xa3: {  	[sflag:s13] =	ssyncset.done $0x0  }
0xa4: {  	[sflag:s13] =	ssyncadd.s32 $0xFFFF8000  }
0xa5: {  	[tilespmem:s8], [sflag:$0x2] =	stream.indirect.gather [hbm4b:s4+s6], $0x40, s25, s6, $0xb8;
	[tilespmem:$0x1EE00] =	vst v63  }
0xa6: {  	_ =	swait.ge [sflag:s11], $0x8000  }
0xa7: {  	[sflag:s11] =	ssyncset.done $0x0  }
0xa8: {  	[sflag:s11] =	ssyncadd.s32 $0xFFFF8000  }
0xa9: {  	[spmem:s3] =	stream.indirect.scatter.add.f32 [tilespmem:s10], [sflag:$0x3], $0x40, s24, s6, $0xb8;
	[tilespmem:$0x1EE00] =	vst v63  }
0xaa: {  	_ =	swait.ge [sflag:s12], $0x8000  }
0xab: {  	[sflag:s12] =	ssyncset.done $0x0  }
0xac: {  	[sflag:s12] =	ssyncadd.s32 $0xFFFF8000  }
0xad: {  	[spmem:s3] =	stream.indirect.scatter.add.f32 [tilespmem:s8], [sflag:$0x4], $0x40, s23, s6, $0xb8;
	[tilespmem:$0x1EE00] =	vst v63  }
0xae: {  	_ =	swait.ge [sflag:s14], $0x8000  }
0xaf: {  	[sflag:s14] =	ssyncset.done $0x0  }
0xb0: {  	[sflag:s14] =	ssyncadd.s32 $0xFFFF8000  }
0xb1: {  	[tilespmem:s10], [sflag:$0x1] =	stream.indirect.gather [hbm4b:s4+s6], $0x40, s22, s6, $0xb8;
	[tilespmem:$0x1EE00] =	vst v63  }
0xb2: {  	_ =	swait.ge [sflag:s13], $0x8000  }
0xb3: {  	[sflag:s13] =	ssyncset.done $0x0  }
0xb4: {  	[sflag:s13] =	ssyncadd.s32 $0xFFFF8000  }
0xb5: {  	[tilespmem:s8], [sflag:$0x2] =	stream.indirect.gather [hbm4b:s4+s6], $0x40, s20, s6, $0xb8;
	[tilespmem:$0x1EE00] =	vst v63  }
0xb6: {  	_ =	swait.ge [sflag:s11], $0x8000  }
0xb7: {  	[sflag:s11] =	ssyncset.done $0x0  }
0xb8: {  	[sflag:s11] =	ssyncadd.s32 $0xFFFF8000  }
0xb9: {  	[spmem:s3] =	stream.indirect.scatter.add.f32 [tilespmem:s10], [sflag:$0x3], $0x40, s21, s6, $0xb8;
	[tilespmem:$0x1EE00] =	vst v63  }
0xba: {  	_ =	swait.ge [sflag:s12], $0x8000  }
0xbb: {  	[sflag:s12] =	ssyncset.done $0x0  }
0xbc: {  	[sflag:s12] =	ssyncadd.s32 $0xFFFF8000  }
0xbd: {  	[spmem:s3] =	stream.indirect.scatter.add.f32 [tilespmem:s8], [sflag:$0x4], $0x40, s19, s6, $0xb8;
	[tilespmem:$0x1EE00] =	vst v63  }
0xbe: {  	_ =	swait.ge [sflag:s14], $0x8000  }
0xbf: {  	[sflag:s14] =	ssyncset.done $0x0  }
0xc0: {  	[sflag:s14] =	ssyncadd.s32 $0xFFFF8000  }
0xc1: {  	[tilespmem:s10], [sflag:$0x1] =	stream.indirect.gather [hbm4b:s4+s6], $0x40, s18, s6, $0xb8;
	[tilespmem:$0x1EE00] =	vst v63  }
0xc2: {  	_ =	swait.ge [sflag:s13], $0x8000  }
0xc3: {  	[sflag:s13] =	ssyncset.done $0x0  }
0xc4: {  	[sflag:s13] =	ssyncadd.s32 $0xFFFF8000  }
0xc5: {  	[tilespmem:s8], [sflag:$0x2] =	stream.indirect.gather [hbm4b:s4+s6], $0x40, s17, s6, $0xb8;
	[tilespmem:$0x1EE00] =	vst v63  }
0xc6: {  	_ =	swait.ge [sflag:s11], $0x8000  }
0xc7: {  	[sflag:s11] =	ssyncset.done $0x0  }
0xc8: {  	[sflag:s11] =	ssyncadd.s32 $0xFFFF8000  }
0xc9: {  	[spmem:s3] =	stream.indirect.scatter.add.f32 [tilespmem:s10], [sflag:$0x3], $0x40, s16, s6, $0xb8;
	[tilespmem:$0x1EE00] =	vst v63  }
0xca: {  	_ =	swait.ge [sflag:s12], $0x8000  }
0xcb: {  	[sflag:s12] =	ssyncset.done $0x0  }
0xcc: {  	[sflag:s12] =	ssyncadd.s32 $0xFFFF8000  }
0xcd: {  	[spmem:s3] =	stream.indirect.scatter.add.f32 [tilespmem:s8], [sflag:$0x4], $0x40, s15, s6, $0xb8;
	[tilespmem:$0x1EE00] =	vst v63  }
0xce: {  	_ =	swait.ge [sflag:s14], $0x8000  }
0xcf: {  	[sflag:s14] =	ssyncset.done $0x0  }
0xd0: {  	[sflag:s14] =	ssyncadd.s32 $0xFFFF8000  }
0xd1: {  	[tilespmem:s10], [sflag:$0x1] =	stream.indirect.gather [hbm4b:s4+s6], $0x40, s2, s6, $0xb8;
	[tilespmem:$0x1EE00] =	vst v63  }
0xd2: {  	_ =	swait.ge [sflag:s13], $0x8000  }
0xd3: {  	[sflag:s13] =	ssyncset.done $0x0  }
0xd4: {  	[sflag:s13] =	ssyncadd.s32 $0xFFFF8000  }
0xd5: {  	[tilespmem:s8], [sflag:$0x2] =	stream.indirect.gather [hbm4b:s4+s6], $0x40, s6, s6, $0xb8;
	[tilespmem:$0x1EE00] =	vst v63  }
0xd6: {  	_ =	swait.ge [sflag:s11], $0x8000  }
0xd7: {  	[sflag:s11] =	ssyncset.done $0x0  }
0xd8: {  	[sflag:s11] =	ssyncadd.s32 $0xFFFF8000  }
0xd9: {  	_ =	swait.ge [sflag:s12], $0x8000  }
0xda: {  	[sflag:s12] =	ssyncset.done $0x0  }
0xdb: {  	p1 =	sne.s32 s1, $0x1;
	[sflag:s12] =	ssyncadd.s32 $0xFFFF8000  }
.Ltmp1:
0xdc: {  	[bflag:$0x0] =	sbarrier.arrive $0xFFFF;
	(pc) =	sbr.rel @!p1 .LBB2_3-.Ltmp1, $4  }
0xdd: {  	s0 =	rddreg [dreg:$0x6]  }
0xde: {  	[hbm:s0], [sflag:s7] =	dma.local [spmem:s9], $0x13C0  }
0xdf: {  	s1 =	sadd.s32 $0xFFFFFFFF, s1;
	_ =	swait.ge [sflag:s5], $0x13C0  }
0xe0: {  	p0 =	por $0x1, $0x1;
	s0 =	rddreg [dreg:$0x3];
	[sflag:s5] =	ssyncset.done $0x0  }
.LBB2_2:
0xe1: {  	[sflag:s5] =	ssyncadd.s32 $0xFFFFEC40  }
0xe2: {  	[tilespmem:s2], [sflag:$0x5] =	stream.linear.gather [hbm4b:s0+s2], $0x2800, $0x38;
	[tilespmem:$0x1EE00] =	vst v63  }
0xe3: {  	_ =	swait.ge [sflag:s5], $0x2800  }
0xe4: {  	[sflag:s5] =	ssyncset.done $0x0  }
0xe5: {  	s0 =	rddreg [dreg:$0x4];
	[sflag:s5] =	ssyncadd.s32 $0xFFFFD800  }
0xe6: {  	[tilespmem:s31], [sflag:$0x5] =	stream.linear.gather [hbm4b:s0+s2], $0x2800, $0x38;
	[tilespmem:$0x1EE00] =	vst v63  }
0xe7: {  	_ =	swait.ge [sflag:s5], $0x2800  }
0xe8: {  	[sflag:s5] =	ssyncset.done $0x0  }
0xe9: {  	[sflag:s5] =	ssyncadd.s32 $0xFFFFD800  }
0xea: {  	[tilespmem:s10], [sflag:$0x1] =	stream.indirect.gather [hbm4b:s4+s6], $0x40, s2, s6, $0xb8;
	[tilespmem:$0x1EE00] =	vst v63  }
0xeb: {  	s0 =	rddreg [dreg:$0x5]  }
0xec: {  	[tilespmem:s8], [sflag:$0x2] =	stream.indirect.gather [hbm4b:s4+s6], $0x40, s6, s6, $0xb8;
	[tilespmem:$0x1EE00] =	vst v63  }
0xed: {  	[spmem:s9], [sflag:s7] =	dma.local [hbm:s0], $0x13C0  }
0xee: {  	_ =	swait.ge [sflag:s5], $0x13C0  }
0xef: {  	[sflag:s5] =	ssyncset.done $0x0  }
0xf0: {  	[sflag:s5] =	ssyncadd.s32 $0xFFFFEC40  }
0xf1: {  	[bflag:$0x0] =	sbarrier.arrive $0xFFFF  }
0xf2: {  	_ =	swait.ge [sflag:s11], $0x8000  }
0xf3: {  	[sflag:s11] =	ssyncset.done $0x0  }
0xf4: {  	[sflag:s11] =	ssyncadd.s32 $0xFFFF8000  }
0xf5: {  	[spmem:s3] =	stream.indirect.scatter.add.f32 [tilespmem:s10], [sflag:$0x3], $0x40, s31, s6, $0xb8;
	[tilespmem:$0x1EE00] =	vst v63  }
0xf6: {  	_ =	swait.ge [sflag:s12], $0x8000  }
0xf7: {  	[sflag:s12] =	ssyncset.done $0x0  }
0xf8: {  	s0 =	rddreg [dreg:$0x7];
	[sflag:s12] =	ssyncadd.s32 $0xFFFF8000  }
0xf9: {  	[spmem:s3] =	stream.indirect.scatter.add.f32 [tilespmem:s8], [sflag:$0x4], $0x40, s0, s6, $0xb8;
	[tilespmem:$0x1EE00] =	vst v63  }
0xfa: {  	_ =	swait.ge [sflag:s14], $0x8000  }
0xfb: {  	[sflag:s14] =	ssyncset.done $0x0  }
0xfc: {  	s0 =	rddreg [dreg:$0x8];
	[sflag:s14] =	ssyncadd.s32 $0xFFFF8000  }
0xfd: {  	[tilespmem:s10], [sflag:$0x1] =	stream.indirect.gather [hbm4b:s4+s6], $0x40, s0, s6, $0xb8;
	[tilespmem:$0x1EE00] =	vst v63  }
0xfe: {  	_ =	swait.ge [sflag:s13], $0x8000  }
0xff: {  	[sflag:s13] =	ssyncset.done $0x0  }
0x100: {  	s0 =	rddreg [dreg:$0x9];
	[sflag:s13] =	ssyncadd.s32 $0xFFFF8000  }
0x101: {  	[tilespmem:s8], [sflag:$0x2] =	stream.indirect.gather [hbm4b:s4+s6], $0x40, s0, s6, $0xb8;
	[tilespmem:$0x1EE00] =	vst v63  }
0x102: {  	_ =	swait.ge [sflag:s11], $0x8000  }
0x103: {  	[sflag:s11] =	ssyncset.done $0x0  }
0x104: {  	s0 =	rddreg [dreg:$0xa];
	[sflag:s11] =	ssyncadd.s32 $0xFFFF8000  }
0x105: {  	[spmem:s3] =	stream.indirect.scatter.add.f32 [tilespmem:s10], [sflag:$0x3], $0x40, s0, s6, $0xb8;
	[tilespmem:$0x1EE00] =	vst v63  }
0x106: {  	_ =	swait.ge [sflag:s12], $0x8000  }
0x107: {  	[sflag:s12] =	ssyncset.done $0x0  }
0x108: {  	s0 =	rddreg [dreg:$0xb];
	[sflag:s12] =	ssyncadd.s32 $0xFFFF8000  }
0x109: {  	[spmem:s3] =	stream.indirect.scatter.add.f32 [tilespmem:s8], [sflag:$0x4], $0x40, s0, s6, $0xb8;
	[tilespmem:$0x1EE00] =	vst v63  }
0x10a: {  	_ =	swait.ge [sflag:s14], $0x8000  }
0x10b: {  	[sflag:s14] =	ssyncset.done $0x0  }
0x10c: {  	s0 =	rddreg [dreg:$0xc];
	[sflag:s14] =	ssyncadd.s32 $0xFFFF8000  }
0x10d: {  	[tilespmem:s10], [sflag:$0x1] =	stream.indirect.gather [hbm4b:s4+s6], $0x40, s0, s6, $0xb8;
	[tilespmem:$0x1EE00] =	vst v63  }
0x10e: {  	_ =	swait.ge [sflag:s13], $0x8000  }
0x10f: {  	[sflag:s13] =	ssyncset.done $0x0  }
0x110: {  	s0 =	rddreg [dreg:$0xd];
	[sflag:s13] =	ssyncadd.s32 $0xFFFF8000  }
0x111: {  	[tilespmem:s8], [sflag:$0x2] =	stream.indirect.gather [hbm4b:s4+s6], $0x40, s0, s6, $0xb8;
	[tilespmem:$0x1EE00] =	vst v63  }
0x112: {  	_ =	swait.ge [sflag:s11], $0x8000  }
0x113: {  	[sflag:s11] =	ssyncset.done $0x0  }
0x114: {  	s0 =	rddreg [dreg:$0xe];
	[sflag:s11] =	ssyncadd.s32 $0xFFFF8000  }
0x115: {  	[spmem:s3] =	stream.indirect.scatter.add.f32 [tilespmem:s10], [sflag:$0x3], $0x40, s0, s6, $0xb8;
	[tilespmem:$0x1EE00] =	vst v63  }
0x116: {  	_ =	swait.ge [sflag:s12], $0x8000  }
0x117: {  	[sflag:s12] =	ssyncset.done $0x0  }
0x118: {  	s0 =	rddreg [dreg:$0xf];
	[sflag:s12] =	ssyncadd.s32 $0xFFFF8000  }
0x119: {  	[spmem:s3] =	stream.indirect.scatter.add.f32 [tilespmem:s8], [sflag:$0x4], $0x40, s0, s6, $0xb8;
	[tilespmem:$0x1EE00] =	vst v63  }
0x11a: {  	_ =	swait.ge [sflag:s14], $0x8000  }
0x11b: {  	[sflag:s14] =	ssyncset.done $0x0  }
0x11c: {  	s0 =	rddreg [dreg:$0x10];
	[sflag:s14] =	ssyncadd.s32 $0xFFFF8000  }
0x11d: {  	[tilespmem:s10], [sflag:$0x1] =	stream.indirect.gather [hbm4b:s4+s6], $0x40, s0, s6, $0xb8;
	[tilespmem:$0x1EE00] =	vst v63  }
0x11e: {  	_ =	swait.ge [sflag:s13], $0x8000  }
0x11f: {  	[sflag:s13] =	ssyncset.done $0x0  }
0x120: {  	s0 =	rddreg [dreg:$0x11];
	[sflag:s13] =	ssyncadd.s32 $0xFFFF8000  }
0x121: {  	[tilespmem:s8], [sflag:$0x2] =	stream.indirect.gather [hbm4b:s4+s6], $0x40, s0, s6, $0xb8;
	[tilespmem:$0x1EE00] =	vst v63  }
0x122: {  	_ =	swait.ge [sflag:s11], $0x8000  }
0x123: {  	[sflag:s11] =	ssyncset.done $0x0  }
0x124: {  	s0 =	rddreg [dreg:$0x12];
	[sflag:s11] =	ssyncadd.s32 $0xFFFF8000  }
0x125: {  	[spmem:s3] =	stream.indirect.scatter.add.f32 [tilespmem:s10], [sflag:$0x3], $0x40, s0, s6, $0xb8;
	[tilespmem:$0x1EE00] =	vst v63  }
0x126: {  	_ =	swait.ge [sflag:s12], $0x8000  }
0x127: {  	[sflag:s12] =	ssyncset.done $0x0  }
0x128: {  	s0 =	rddreg [dreg:$0x13];
	[sflag:s12] =	ssyncadd.s32 $0xFFFF8000  }
0x129: {  	[spmem:s3] =	stream.indirect.scatter.add.f32 [tilespmem:s8], [sflag:$0x4], $0x40, s0, s6, $0xb8;
	[tilespmem:$0x1EE00] =	vst v63  }
0x12a: {  	_ =	swait.ge [sflag:s14], $0x8000  }
0x12b: {  	[sflag:s14] =	ssyncset.done $0x0  }
0x12c: {  	s0 =	rddreg [dreg:$0x14];
	[sflag:s14] =	ssyncadd.s32 $0xFFFF8000  }
0x12d: {  	[tilespmem:s10], [sflag:$0x1] =	stream.indirect.gather [hbm4b:s4+s6], $0x40, s0, s6, $0xb8;
	[tilespmem:$0x1EE00] =	vst v63  }
0x12e: {  	_ =	swait.ge [sflag:s13], $0x8000  }
0x12f: {  	[sflag:s13] =	ssyncset.done $0x0  }
0x130: {  	s0 =	rddreg [dreg:$0x15];
	[sflag:s13] =	ssyncadd.s32 $0xFFFF8000  }
0x131: {  	[tilespmem:s8], [sflag:$0x2] =	stream.indirect.gather [hbm4b:s4+s6], $0x40, s0, s6, $0xb8;
	[tilespmem:$0x1EE00] =	vst v63  }
0x132: {  	_ =	swait.ge [sflag:s11], $0x8000  }
0x133: {  	[sflag:s11] =	ssyncset.done $0x0  }
0x134: {  	s0 =	rddreg [dreg:$0x16];
	[sflag:s11] =	ssyncadd.s32 $0xFFFF8000  }
0x135: {  	[spmem:s3] =	stream.indirect.scatter.add.f32 [tilespmem:s10], [sflag:$0x3], $0x40, s0, s6, $0xb8;
	[tilespmem:$0x1EE00] =	vst v63  }
0x136: {  	_ =	swait.ge [sflag:s12], $0x8000  }
0x137: {  	[sflag:s12] =	ssyncset.done $0x0  }
0x138: {  	s0 =	rddreg [dreg:$0x17];
	[sflag:s12] =	ssyncadd.s32 $0xFFFF8000  }
0x139: {  	[spmem:s3] =	stream.indirect.scatter.add.f32 [tilespmem:s8], [sflag:$0x4], $0x40, s0, s6, $0xb8;
	[tilespmem:$0x1EE00] =	vst v63  }
0x13a: {  	_ =	swait.ge [sflag:s14], $0x8000  }
0x13b: {  	[sflag:s14] =	ssyncset.done $0x0  }
0x13c: {  	s0 =	rddreg [dreg:$0x18];
	[sflag:s14] =	ssyncadd.s32 $0xFFFF8000  }
0x13d: {  	[tilespmem:s10], [sflag:$0x1] =	stream.indirect.gather [hbm4b:s4+s6], $0x40, s0, s6, $0xb8;
	[tilespmem:$0x1EE00] =	vst v63  }
0x13e: {  	_ =	swait.ge [sflag:s13], $0x8000  }
0x13f: {  	[sflag:s13] =	ssyncset.done $0x0  }
0x140: {  	s0 =	rddreg [dreg:$0x19];
	[sflag:s13] =	ssyncadd.s32 $0xFFFF8000  }
0x141: {  	[tilespmem:s8], [sflag:$0x2] =	stream.indirect.gather [hbm4b:s4+s6], $0x40, s0, s6, $0xb8;
	[tilespmem:$0x1EE00] =	vst v63  }
0x142: {  	_ =	swait.ge [sflag:s11], $0x8000  }
0x143: {  	[sflag:s11] =	ssyncset.done $0x0  }
0x144: {  	s0 =	rddreg [dreg:$0x1a];
	[sflag:s11] =	ssyncadd.s32 $0xFFFF8000  }
0x145: {  	[spmem:s3] =	stream.indirect.scatter.add.f32 [tilespmem:s10], [sflag:$0x3], $0x40, s0, s6, $0xb8;
	[tilespmem:$0x1EE00] =	vst v63  }
0x146: {  	_ =	swait.ge [sflag:s12], $0x8000  }
0x147: {  	[sflag:s12] =	ssyncset.done $0x0  }
0x148: {  	s0 =	rddreg [dreg:$0x1b];
	[sflag:s12] =	ssyncadd.s32 $0xFFFF8000  }
0x149: {  	[spmem:s3] =	stream.indirect.scatter.add.f32 [tilespmem:s8], [sflag:$0x4], $0x40, s0, s6, $0xb8;
	[tilespmem:$0x1EE00] =	vst v63  }
0x14a: {  	_ =	swait.ge [sflag:s14], $0x8000  }
0x14b: {  	[sflag:s14] =	ssyncset.done $0x0  }
0x14c: {  	s0 =	rddreg [dreg:$0x1c];
	[sflag:s14] =	ssyncadd.s32 $0xFFFF8000  }
0x14d: {  	[tilespmem:s10], [sflag:$0x1] =	stream.indirect.gather [hbm4b:s4+s6], $0x40, s0, s6, $0xb8;
	[tilespmem:$0x1EE00] =	vst v63  }
0x14e: {  	_ =	swait.ge [sflag:s13], $0x8000  }
0x14f: {  	[sflag:s13] =	ssyncset.done $0x0  }
0x150: {  	[sflag:s13] =	ssyncadd.s32 $0xFFFF8000  }
0x151: {  	[tilespmem:s8], [sflag:$0x2] =	stream.indirect.gather [hbm4b:s4+s6], $0x40, s30, s6, $0xb8;
	[tilespmem:$0x1EE00] =	vst v63  }
0x152: {  	_ =	swait.ge [sflag:s11], $0x8000  }
0x153: {  	[sflag:s11] =	ssyncset.done $0x0  }
0x154: {  	[sflag:s11] =	ssyncadd.s32 $0xFFFF8000  }
0x155: {  	[spmem:s3] =	stream.indirect.scatter.add.f32 [tilespmem:s10], [sflag:$0x3], $0x40, s29, s6, $0xb8;
	[tilespmem:$0x1EE00] =	vst v63  }
0x156: {  	_ =	swait.ge [sflag:s12], $0x8000  }
0x157: {  	[sflag:s12] =	ssyncset.done $0x0  }
0x158: {  	[sflag:s12] =	ssyncadd.s32 $0xFFFF8000  }
0x159: {  	[spmem:s3] =	stream.indirect.scatter.add.f32 [tilespmem:s8], [sflag:$0x4], $0x40, s28, s6, $0xb8;
	[tilespmem:$0x1EE00] =	vst v63  }
0x15a: {  	_ =	swait.ge [sflag:s14], $0x8000  }
0x15b: {  	[sflag:s14] =	ssyncset.done $0x0  }
0x15c: {  	[sflag:s14] =	ssyncadd.s32 $0xFFFF8000  }
0x15d: {  	[tilespmem:s10], [sflag:$0x1] =	stream.indirect.gather [hbm4b:s4+s6], $0x40, s26, s6, $0xb8;
	[tilespmem:$0x1EE00] =	vst v63  }
0x15e: {  	_ =	swait.ge [sflag:s13], $0x8000  }
0x15f: {  	[sflag:s13] =	ssyncset.done $0x0  }
0x160: {  	[sflag:s13] =	ssyncadd.s32 $0xFFFF8000  }
0x161: {  	[tilespmem:s8], [sflag:$0x2] =	stream.indirect.gather [hbm4b:s4+s6], $0x40, s25, s6, $0xb8;
	[tilespmem:$0x1EE00] =	vst v63  }
0x162: {  	_ =	swait.ge [sflag:s11], $0x8000  }
0x163: {  	[sflag:s11] =	ssyncset.done $0x0  }
0x164: {  	[sflag:s11] =	ssyncadd.s32 $0xFFFF8000  }
0x165: {  	[spmem:s3] =	stream.indirect.scatter.add.f32 [tilespmem:s10], [sflag:$0x3], $0x40, s24, s6, $0xb8;
	[tilespmem:$0x1EE00] =	vst v63  }
0x166: {  	_ =	swait.ge [sflag:s12], $0x8000  }
0x167: {  	[sflag:s12] =	ssyncset.done $0x0  }
0x168: {  	[sflag:s12] =	ssyncadd.s32 $0xFFFF8000  }
0x169: {  	[spmem:s3] =	stream.indirect.scatter.add.f32 [tilespmem:s8], [sflag:$0x4], $0x40, s23, s6, $0xb8;
	[tilespmem:$0x1EE00] =	vst v63  }
0x16a: {  	_ =	swait.ge [sflag:s14], $0x8000  }
0x16b: {  	[sflag:s14] =	ssyncset.done $0x0  }
0x16c: {  	[sflag:s14] =	ssyncadd.s32 $0xFFFF8000  }
0x16d: {  	[tilespmem:s10], [sflag:$0x1] =	stream.indirect.gather [hbm4b:s4+s6], $0x40, s22, s6, $0xb8;
	[tilespmem:$0x1EE00] =	vst v63  }
0x16e: {  	_ =	swait.ge [sflag:s13], $0x8000  }
0x16f: {  	[sflag:s13] =	ssyncset.done $0x0  }
0x170: {  	[sflag:s13] =	ssyncadd.s32 $0xFFFF8000  }
0x171: {  	[tilespmem:s8], [sflag:$0x2] =	stream.indirect.gather [hbm4b:s4+s6], $0x40, s20, s6, $0xb8;
	[tilespmem:$0x1EE00] =	vst v63  }
0x172: {  	_ =	swait.ge [sflag:s11], $0x8000  }
0x173: {  	[sflag:s11] =	ssyncset.done $0x0  }
0x174: {  	[sflag:s11] =	ssyncadd.s32 $0xFFFF8000  }
0x175: {  	[spmem:s3] =	stream.indirect.scatter.add.f32 [tilespmem:s10], [sflag:$0x3], $0x40, s21, s6, $0xb8;
	[tilespmem:$0x1EE00] =	vst v63  }
0x176: {  	_ =	swait.ge [sflag:s12], $0x8000  }
0x177: {  	[sflag:s12] =	ssyncset.done $0x0  }
0x178: {  	[sflag:s12] =	ssyncadd.s32 $0xFFFF8000  }
0x179: {  	[spmem:s3] =	stream.indirect.scatter.add.f32 [tilespmem:s8], [sflag:$0x4], $0x40, s19, s6, $0xb8;
	[tilespmem:$0x1EE00] =	vst v63  }
0x17a: {  	_ =	swait.ge [sflag:s14], $0x8000  }
0x17b: {  	[sflag:s14] =	ssyncset.done $0x0  }
0x17c: {  	[sflag:s14] =	ssyncadd.s32 $0xFFFF8000  }
0x17d: {  	[tilespmem:s10], [sflag:$0x1] =	stream.indirect.gather [hbm4b:s4+s6], $0x40, s18, s6, $0xb8;
	[tilespmem:$0x1EE00] =	vst v63  }
0x17e: {  	_ =	swait.ge [sflag:s13], $0x8000  }
0x17f: {  	[sflag:s13] =	ssyncset.done $0x0  }
0x180: {  	[sflag:s13] =	ssyncadd.s32 $0xFFFF8000  }
0x181: {  	[tilespmem:s8], [sflag:$0x2] =	stream.indirect.gather [hbm4b:s4+s6], $0x40, s17, s6, $0xb8;
	[tilespmem:$0x1EE00] =	vst v63  }
0x182: {  	_ =	swait.ge [sflag:s11], $0x8000  }
0x183: {  	[sflag:s11] =	ssyncset.done $0x0  }
0x184: {  	[sflag:s11] =	ssyncadd.s32 $0xFFFF8000  }
0x185: {  	[spmem:s3] =	stream.indirect.scatter.add.f32 [tilespmem:s10], [sflag:$0x3], $0x40, s16, s6, $0xb8;
	[tilespmem:$0x1EE00] =	vst v63  }
0x186: {  	_ =	swait.ge [sflag:s12], $0x8000  }
0x187: {  	[sflag:s12] =	ssyncset.done $0x0  }
0x188: {  	[sflag:s12] =	ssyncadd.s32 $0xFFFF8000  }
0x189: {  	[spmem:s3] =	stream.indirect.scatter.add.f32 [tilespmem:s8], [sflag:$0x4], $0x40, s15, s6, $0xb8;
	[tilespmem:$0x1EE00] =	vst v63  }
0x18a: {  	_ =	swait.ge [sflag:s14], $0x8000  }
0x18b: {  	[sflag:s14] =	ssyncset.done $0x0  }
0x18c: {  	[sflag:s14] =	ssyncadd.s32 $0xFFFF8000  }
0x18d: {  	[tilespmem:s10], [sflag:$0x1] =	stream.indirect.gather [hbm4b:s4+s6], $0x40, s2, s6, $0xb8;
	[tilespmem:$0x1EE00] =	vst v63  }
0x18e: {  	_ =	swait.ge [sflag:s13], $0x8000  }
0x18f: {  	[sflag:s13] =	ssyncset.done $0x0  }
0x190: {  	[sflag:s13] =	ssyncadd.s32 $0xFFFF8000  }
0x191: {  	[tilespmem:s8], [sflag:$0x2] =	stream.indirect.gather [hbm4b:s4+s6], $0x40, s6, s6, $0xb8;
	[tilespmem:$0x1EE00] =	vst v63  }
0x192: {  	_ =	swait.ge [sflag:s11], $0x8000  }
0x193: {  	[sflag:s11] =	ssyncset.done $0x0  }
0x194: {  	[sflag:s11] =	ssyncadd.s32 $0xFFFF8000  }
0x195: {  	_ =	swait.ge [sflag:s12], $0x8000  }
0x196: {  	[sflag:s12] =	ssyncset.done $0x0  }
0x197: {  	p1 =	sne.s32 s1, $0x1;
	[sflag:s12] =	ssyncadd.s32 $0xFFFF8000  }
.Ltmp2:
0x198: {  	[bflag:$0x0] =	sbarrier.arrive $0xFFFF;
	(pc) =	sbr.rel @p1 .LBB2_2-.Ltmp2, $4  }
0x199: {  	s0 =	rddreg [dreg:$0x6]  }
0x19a: {  	[hbm:s0], [sflag:s7] =	dma.local [spmem:s9], $0x13C0  }
0x19b: {  	_ =	swait.ge [sflag:s5], $0x13C0  }
0x19c: {  	s1 =	sadd.s32 $0xFFFFFFFF, s1;
	s0 =	rddreg [dreg:$0x3];
	[sflag:s5] =	ssyncset.done $0x0  }
.LBB2_3:
0x19d: {  	[sflag:s5] =	ssyncadd.s32 @p0 $0xFFFFEC40  }
0x19e: {  	[tilespmem:s2], [sflag:$0x5] =	stream.linear.gather [hbm4b:s0+s2], $0x2800, $0x38;
	[tilespmem:$0x1EE00] =	vst v63  }
0x19f: {  	_ =	swait.ge [sflag:s5], $0x2800  }
0x1a0: {  	[sflag:s5] =	ssyncset.done $0x0  }
0x1a1: {  	s1 =	rddreg [dreg:$0x4];
	[sflag:s5] =	ssyncadd.s32 $0xFFFFD800  }
0x1a2: {  	[tilespmem:s31], [sflag:$0x5] =	stream.linear.gather [hbm4b:s1+s2], $0x2800, $0x38;
	[tilespmem:$0x1EE00] =	vst v63  }
0x1a3: {  	_ =	swait.ge [sflag:s5], $0x2800  }
0x1a4: {  	[sflag:s5] =	ssyncset.done $0x0  }
0x1a5: {  	[sflag:s5] =	ssyncadd.s32 $0xFFFFD800  }
0x1a6: {  	[tilespmem:s10], [sflag:$0x1] =	stream.indirect.gather [hbm4b:s4+s6], $0x40, s2, s6, $0xb8;
	[tilespmem:$0x1EE00] =	vst v63  }
0x1a7: {  	s1 =	rddreg [dreg:$0x5]  }
0x1a8: {  	[tilespmem:s8], [sflag:$0x2] =	stream.indirect.gather [hbm4b:s4+s6], $0x40, s6, s6, $0xb8;
	[tilespmem:$0x1EE00] =	vst v63  }
0x1a9: {  	[spmem:s9], [sflag:s7] =	dma.local [hbm:s1], $0x13C0  }
0x1aa: {  	_ =	swait.ge [sflag:s5], $0x13C0  }
0x1ab: {  	[sflag:s5] =	ssyncset.done $0x0  }
0x1ac: {  	[sflag:s5] =	ssyncadd.s32 $0xFFFFEC40  }
0x1ad: {  	[bflag:$0x0] =	sbarrier.arrive $0xFFFF  }
0x1ae: {  	_ =	swait.ge [sflag:s11], $0x8000  }
0x1af: {  	[sflag:s11] =	ssyncset.done $0x0  }
0x1b0: {  	[sflag:s11] =	ssyncadd.s32 $0xFFFF8000  }
0x1b1: {  	[spmem:s3] =	stream.indirect.scatter.add.f32 [tilespmem:s10], [sflag:$0x3], $0x40, s31, s6, $0xb8;
	[tilespmem:$0x1EE00] =	vst v63  }
0x1b2: {  	_ =	swait.ge [sflag:s12], $0x8000  }
0x1b3: {  	[sflag:s12] =	ssyncset.done $0x0  }
0x1b4: {  	s31 =	rddreg [dreg:$0x7];
	[sflag:s12] =	ssyncadd.s32 $0xFFFF8000  }
0x1b5: {  	[spmem:s3] =	stream.indirect.scatter.add.f32 [tilespmem:s8], [sflag:$0x4], $0x40, s31, s6, $0xb8;
	[tilespmem:$0x1EE00] =	vst v63  }
0x1b6: {  	_ =	swait.ge [sflag:s14], $0x8000  }
0x1b7: {  	[sflag:s14] =	ssyncset.done $0x0  }
0x1b8: {  	s1 =	rddreg [dreg:$0x8];
	[sflag:s14] =	ssyncadd.s32 $0xFFFF8000  }
0x1b9: {  	[tilespmem:s10], [sflag:$0x1] =	stream.indirect.gather [hbm4b:s4+s6], $0x40, s1, s6, $0xb8;
	[tilespmem:$0x1EE00] =	vst v63  }
0x1ba: {  	_ =	swait.ge [sflag:s13], $0x8000  }
0x1bb: {  	[sflag:s13] =	ssyncset.done $0x0  }
0x1bc: {  	s31 =	rddreg [dreg:$0x9];
	[sflag:s13] =	ssyncadd.s32 $0xFFFF8000  }
0x1bd: {  	[tilespmem:s8], [sflag:$0x2] =	stream.indirect.gather [hbm4b:s4+s6], $0x40, s31, s6, $0xb8;
	[tilespmem:$0x1EE00] =	vst v63  }
0x1be: {  	_ =	swait.ge [sflag:s11], $0x8000  }
0x1bf: {  	[sflag:s11] =	ssyncset.done $0x0  }
0x1c0: {  	s1 =	rddreg [dreg:$0xa];
	[sflag:s11] =	ssyncadd.s32 $0xFFFF8000  }
0x1c1: {  	[spmem:s3] =	stream.indirect.scatter.add.f32 [tilespmem:s10], [sflag:$0x3], $0x40, s1, s6, $0xb8;
	[tilespmem:$0x1EE00] =	vst v63  }
0x1c2: {  	_ =	swait.ge [sflag:s12], $0x8000  }
0x1c3: {  	[sflag:s12] =	ssyncset.done $0x0  }
0x1c4: {  	s31 =	rddreg [dreg:$0xb];
	[sflag:s12] =	ssyncadd.s32 $0xFFFF8000  }
0x1c5: {  	[spmem:s3] =	stream.indirect.scatter.add.f32 [tilespmem:s8], [sflag:$0x4], $0x40, s31, s6, $0xb8;
	[tilespmem:$0x1EE00] =	vst v63  }
0x1c6: {  	_ =	swait.ge [sflag:s14], $0x8000  }
0x1c7: {  	[sflag:s14] =	ssyncset.done $0x0  }
0x1c8: {  	s1 =	rddreg [dreg:$0xc];
	[sflag:s14] =	ssyncadd.s32 $0xFFFF8000  }
0x1c9: {  	[tilespmem:s10], [sflag:$0x1] =	stream.indirect.gather [hbm4b:s4+s6], $0x40, s1, s6, $0xb8;
	[tilespmem:$0x1EE00] =	vst v63  }
0x1ca: {  	_ =	swait.ge [sflag:s13], $0x8000  }
0x1cb: {  	[sflag:s13] =	ssyncset.done $0x0  }
0x1cc: {  	s31 =	rddreg [dreg:$0xd];
	[sflag:s13] =	ssyncadd.s32 $0xFFFF8000  }
0x1cd: {  	[tilespmem:s8], [sflag:$0x2] =	stream.indirect.gather [hbm4b:s4+s6], $0x40, s31, s6, $0xb8;
	[tilespmem:$0x1EE00] =	vst v63  }
0x1ce: {  	_ =	swait.ge [sflag:s11], $0x8000  }
0x1cf: {  	[sflag:s11] =	ssyncset.done $0x0  }
0x1d0: {  	s1 =	rddreg [dreg:$0xe];
	[sflag:s11] =	ssyncadd.s32 $0xFFFF8000  }
0x1d1: {  	[spmem:s3] =	stream.indirect.scatter.add.f32 [tilespmem:s10], [sflag:$0x3], $0x40, s1, s6, $0xb8;
	[tilespmem:$0x1EE00] =	vst v63  }
0x1d2: {  	_ =	swait.ge [sflag:s12], $0x8000  }
0x1d3: {  	[sflag:s12] =	ssyncset.done $0x0  }
0x1d4: {  	s31 =	rddreg [dreg:$0xf];
	[sflag:s12] =	ssyncadd.s32 $0xFFFF8000  }
0x1d5: {  	[spmem:s3] =	stream.indirect.scatter.add.f32 [tilespmem:s8], [sflag:$0x4], $0x40, s31, s6, $0xb8;
	[tilespmem:$0x1EE00] =	vst v63  }
0x1d6: {  	_ =	swait.ge [sflag:s14], $0x8000  }
0x1d7: {  	[sflag:s14] =	ssyncset.done $0x0  }
0x1d8: {  	s1 =	rddreg [dreg:$0x10];
	[sflag:s14] =	ssyncadd.s32 $0xFFFF8000  }
0x1d9: {  	[tilespmem:s10], [sflag:$0x1] =	stream.indirect.gather [hbm4b:s4+s6], $0x40, s1, s6, $0xb8;
	[tilespmem:$0x1EE00] =	vst v63  }
0x1da: {  	_ =	swait.ge [sflag:s13], $0x8000  }
0x1db: {  	[sflag:s13] =	ssyncset.done $0x0  }
0x1dc: {  	s31 =	rddreg [dreg:$0x11];
	[sflag:s13] =	ssyncadd.s32 $0xFFFF8000  }
0x1dd: {  	[tilespmem:s8], [sflag:$0x2] =	stream.indirect.gather [hbm4b:s4+s6], $0x40, s31, s6, $0xb8;
	[tilespmem:$0x1EE00] =	vst v63  }
0x1de: {  	_ =	swait.ge [sflag:s11], $0x8000  }
0x1df: {  	[sflag:s11] =	ssyncset.done $0x0  }
0x1e0: {  	s1 =	rddreg [dreg:$0x12];
	[sflag:s11] =	ssyncadd.s32 $0xFFFF8000  }
0x1e1: {  	[spmem:s3] =	stream.indirect.scatter.add.f32 [tilespmem:s10], [sflag:$0x3], $0x40, s1, s6, $0xb8;
	[tilespmem:$0x1EE00] =	vst v63  }
0x1e2: {  	_ =	swait.ge [sflag:s12], $0x8000  }
0x1e3: {  	[sflag:s12] =	ssyncset.done $0x0  }
0x1e4: {  	s31 =	rddreg [dreg:$0x13];
	[sflag:s12] =	ssyncadd.s32 $0xFFFF8000  }
0x1e5: {  	[spmem:s3] =	stream.indirect.scatter.add.f32 [tilespmem:s8], [sflag:$0x4], $0x40, s31, s6, $0xb8;
	[tilespmem:$0x1EE00] =	vst v63  }
0x1e6: {  	_ =	swait.ge [sflag:s14], $0x8000  }
0x1e7: {  	[sflag:s14] =	ssyncset.done $0x0  }
0x1e8: {  	s1 =	rddreg [dreg:$0x14];
	[sflag:s14] =	ssyncadd.s32 $0xFFFF8000  }
0x1e9: {  	[tilespmem:s10], [sflag:$0x1] =	stream.indirect.gather [hbm4b:s4+s6], $0x40, s1, s6, $0xb8;
	[tilespmem:$0x1EE00] =	vst v63  }
0x1ea: {  	_ =	swait.ge [sflag:s13], $0x8000  }
0x1eb: {  	[sflag:s13] =	ssyncset.done $0x0  }
0x1ec: {  	s31 =	rddreg [dreg:$0x15];
	[sflag:s13] =	ssyncadd.s32 $0xFFFF8000  }
0x1ed: {  	[tilespmem:s8], [sflag:$0x2] =	stream.indirect.gather [hbm4b:s4+s6], $0x40, s31, s6, $0xb8;
	[tilespmem:$0x1EE00] =	vst v63  }
0x1ee: {  	_ =	swait.ge [sflag:s11], $0x8000  }
0x1ef: {  	[sflag:s11] =	ssyncset.done $0x0  }
0x1f0: {  	s1 =	rddreg [dreg:$0x16];
	[sflag:s11] =	ssyncadd.s32 $0xFFFF8000  }
0x1f1: {  	[spmem:s3] =	stream.indirect.scatter.add.f32 [tilespmem:s10], [sflag:$0x3], $0x40, s1, s6, $0xb8;
	[tilespmem:$0x1EE00] =	vst v63  }
0x1f2: {  	_ =	swait.ge [sflag:s12], $0x8000  }
0x1f3: {  	[sflag:s12] =	ssyncset.done $0x0  }
0x1f4: {  	s31 =	rddreg [dreg:$0x17];
	[sflag:s12] =	ssyncadd.s32 $0xFFFF8000  }
0x1f5: {  	[spmem:s3] =	stream.indirect.scatter.add.f32 [tilespmem:s8], [sflag:$0x4], $0x40, s31, s6, $0xb8;
	[tilespmem:$0x1EE00] =	vst v63  }
0x1f6: {  	_ =	swait.ge [sflag:s14], $0x8000  }
0x1f7: {  	[sflag:s14] =	ssyncset.done $0x0  }
0x1f8: {  	s1 =	rddreg [dreg:$0x18];
	[sflag:s14] =	ssyncadd.s32 $0xFFFF8000  }
0x1f9: {  	[tilespmem:s10], [sflag:$0x1] =	stream.indirect.gather [hbm4b:s4+s6], $0x40, s1, s6, $0xb8;
	[tilespmem:$0x1EE00] =	vst v63  }
0x1fa: {  	_ =	swait.ge [sflag:s13], $0x8000  }
0x1fb: {  	[sflag:s13] =	ssyncset.done $0x0  }
0x1fc: {  	s31 =	rddreg [dreg:$0x19];
	[sflag:s13] =	ssyncadd.s32 $0xFFFF8000  }
0x1fd: {  	[tilespmem:s8], [sflag:$0x2] =	stream.indirect.gather [hbm4b:s4+s6], $0x40, s31, s6, $0xb8;
	[tilespmem:$0x1EE00] =	vst v63  }
0x1fe: {  	_ =	swait.ge [sflag:s11], $0x8000  }
0x1ff: {  	[sflag:s11] =	ssyncset.done $0x0  }
0x200: {  	s1 =	rddreg [dreg:$0x1a];
	[sflag:s11] =	ssyncadd.s32 $0xFFFF8000  }
0x201: {  	[spmem:s3] =	stream.indirect.scatter.add.f32 [tilespmem:s10], [sflag:$0x3], $0x40, s1, s6, $0xb8;
	[tilespmem:$0x1EE00] =	vst v63  }
0x202: {  	_ =	swait.ge [sflag:s12], $0x8000  }
0x203: {  	[sflag:s12] =	ssyncset.done $0x0  }
0x204: {  	s31 =	rddreg [dreg:$0x1b];
	[sflag:s12] =	ssyncadd.s32 $0xFFFF8000  }
0x205: {  	[spmem:s3] =	stream.indirect.scatter.add.f32 [tilespmem:s8], [sflag:$0x4], $0x40, s31, s6, $0xb8;
	[tilespmem:$0x1EE00] =	vst v63  }
0x206: {  	_ =	swait.ge [sflag:s14], $0x8000  }
0x207: {  	[sflag:s14] =	ssyncset.done $0x0  }
0x208: {  	s1 =	rddreg [dreg:$0x1c];
	[sflag:s14] =	ssyncadd.s32 $0xFFFF8000  }
0x209: {  	[tilespmem:s10], [sflag:$0x1] =	stream.indirect.gather [hbm4b:s4+s6], $0x40, s1, s6, $0xb8;
	[tilespmem:$0x1EE00] =	vst v63  }
0x20a: {  	_ =	swait.ge [sflag:s13], $0x8000  }
0x20b: {  	[sflag:s13] =	ssyncset.done $0x0  }
0x20c: {  	[sflag:s13] =	ssyncadd.s32 $0xFFFF8000  }
0x20d: {  	[tilespmem:s8], [sflag:$0x2] =	stream.indirect.gather [hbm4b:s4+s6], $0x40, s30, s6, $0xb8;
	[tilespmem:$0x1EE00] =	vst v63  }
0x20e: {  	_ =	swait.ge [sflag:s11], $0x8000  }
0x20f: {  	[sflag:s11] =	ssyncset.done $0x0  }
0x210: {  	[sflag:s11] =	ssyncadd.s32 $0xFFFF8000  }
0x211: {  	[spmem:s3] =	stream.indirect.scatter.add.f32 [tilespmem:s10], [sflag:$0x3], $0x40, s29, s6, $0xb8;
	[tilespmem:$0x1EE00] =	vst v63  }
0x212: {  	_ =	swait.ge [sflag:s12], $0x8000  }
0x213: {  	[sflag:s12] =	ssyncset.done $0x0  }
0x214: {  	[sflag:s12] =	ssyncadd.s32 $0xFFFF8000  }
0x215: {  	[spmem:s3] =	stream.indirect.scatter.add.f32 [tilespmem:s8], [sflag:$0x4], $0x40, s28, s6, $0xb8;
	[tilespmem:$0x1EE00] =	vst v63  }
0x216: {  	_ =	swait.ge [sflag:s14], $0x8000  }
0x217: {  	[sflag:s14] =	ssyncset.done $0x0  }
0x218: {  	[sflag:s14] =	ssyncadd.s32 $0xFFFF8000  }
0x219: {  	[tilespmem:s10], [sflag:$0x1] =	stream.indirect.gather [hbm4b:s4+s6], $0x40, s26, s6, $0xb8;
	[tilespmem:$0x1EE00] =	vst v63  }
0x21a: {  	_ =	swait.ge [sflag:s13], $0x8000  }
0x21b: {  	[sflag:s13] =	ssyncset.done $0x0  }
0x21c: {  	[sflag:s13] =	ssyncadd.s32 $0xFFFF8000  }
0x21d: {  	[tilespmem:s8], [sflag:$0x2] =	stream.indirect.gather [hbm4b:s4+s6], $0x40, s25, s6, $0xb8;
	[tilespmem:$0x1EE00] =	vst v63  }
0x21e: {  	_ =	swait.ge [sflag:s11], $0x8000  }
0x21f: {  	[sflag:s11] =	ssyncset.done $0x0  }
0x220: {  	[sflag:s11] =	ssyncadd.s32 $0xFFFF8000  }
0x221: {  	[spmem:s3] =	stream.indirect.scatter.add.f32 [tilespmem:s10], [sflag:$0x3], $0x40, s24, s6, $0xb8;
	[tilespmem:$0x1EE00] =	vst v63  }
0x222: {  	_ =	swait.ge [sflag:s12], $0x8000  }
0x223: {  	[sflag:s12] =	ssyncset.done $0x0  }
0x224: {  	[sflag:s12] =	ssyncadd.s32 $0xFFFF8000  }
0x225: {  	[spmem:s3] =	stream.indirect.scatter.add.f32 [tilespmem:s8], [sflag:$0x4], $0x40, s23, s6, $0xb8;
	[tilespmem:$0x1EE00] =	vst v63  }
0x226: {  	_ =	swait.ge [sflag:s14], $0x8000  }
0x227: {  	[sflag:s14] =	ssyncset.done $0x0  }
0x228: {  	[sflag:s14] =	ssyncadd.s32 $0xFFFF8000  }
0x229: {  	[tilespmem:s10], [sflag:$0x1] =	stream.indirect.gather [hbm4b:s4+s6], $0x40, s22, s6, $0xb8;
	[tilespmem:$0x1EE00] =	vst v63  }
0x22a: {  	_ =	swait.ge [sflag:s13], $0x8000  }
0x22b: {  	[sflag:s13] =	ssyncset.done $0x0  }
0x22c: {  	[sflag:s13] =	ssyncadd.s32 $0xFFFF8000  }
0x22d: {  	[tilespmem:s8], [sflag:$0x2] =	stream.indirect.gather [hbm4b:s4+s6], $0x40, s20, s6, $0xb8;
	[tilespmem:$0x1EE00] =	vst v63  }
0x22e: {  	_ =	swait.ge [sflag:s11], $0x8000  }
0x22f: {  	[sflag:s11] =	ssyncset.done $0x0  }
0x230: {  	[sflag:s11] =	ssyncadd.s32 $0xFFFF8000  }
0x231: {  	[spmem:s3] =	stream.indirect.scatter.add.f32 [tilespmem:s10], [sflag:$0x3], $0x40, s21, s6, $0xb8;
	[tilespmem:$0x1EE00] =	vst v63  }
0x232: {  	_ =	swait.ge [sflag:s12], $0x8000  }
0x233: {  	[sflag:s12] =	ssyncset.done $0x0  }
0x234: {  	[sflag:s12] =	ssyncadd.s32 $0xFFFF8000  }
0x235: {  	[spmem:s3] =	stream.indirect.scatter.add.f32 [tilespmem:s8], [sflag:$0x4], $0x40, s19, s6, $0xb8;
	[tilespmem:$0x1EE00] =	vst v63  }
0x236: {  	_ =	swait.ge [sflag:s14], $0x8000  }
0x237: {  	[sflag:s14] =	ssyncset.done $0x0  }
0x238: {  	[sflag:s14] =	ssyncadd.s32 $0xFFFF8000  }
0x239: {  	[tilespmem:s10], [sflag:$0x1] =	stream.indirect.gather [hbm4b:s4+s6], $0x40, s18, s6, $0xb8;
	[tilespmem:$0x1EE00] =	vst v63  }
0x23a: {  	_ =	swait.ge [sflag:s13], $0x8000  }
0x23b: {  	[sflag:s13] =	ssyncset.done $0x0  }
0x23c: {  	[sflag:s13] =	ssyncadd.s32 $0xFFFF8000  }
0x23d: {  	[tilespmem:s8], [sflag:$0x2] =	stream.indirect.gather [hbm4b:s4+s6], $0x40, s17, s6, $0xb8;
	[tilespmem:$0x1EE00] =	vst v63  }
0x23e: {  	_ =	swait.ge [sflag:s11], $0x8000  }
0x23f: {  	[sflag:s11] =	ssyncset.done $0x0  }
0x240: {  	[sflag:s11] =	ssyncadd.s32 $0xFFFF8000  }
0x241: {  	[spmem:s3] =	stream.indirect.scatter.add.f32 [tilespmem:s10], [sflag:$0x3], $0x40, s16, s6, $0xb8;
	[tilespmem:$0x1EE00] =	vst v63  }
0x242: {  	_ =	swait.ge [sflag:s12], $0x8000  }
0x243: {  	[sflag:s12] =	ssyncset.done $0x0  }
0x244: {  	[sflag:s12] =	ssyncadd.s32 $0xFFFF8000  }
0x245: {  	[spmem:s3] =	stream.indirect.scatter.add.f32 [tilespmem:s8], [sflag:$0x4], $0x40, s15, s6, $0xb8;
	[tilespmem:$0x1EE00] =	vst v63  }
0x246: {  	_ =	swait.ge [sflag:s14], $0x8000  }
0x247: {  	[sflag:s14] =	ssyncset.done $0x0  }
0x248: {  	[sflag:s14] =	ssyncadd.s32 $0xFFFF8000  }
0x249: {  	[tilespmem:s10], [sflag:$0x1] =	stream.indirect.gather [hbm4b:s4+s6], $0x40, s2, s6, $0xb8;
	[tilespmem:$0x1EE00] =	vst v63  }
0x24a: {  	_ =	swait.ge [sflag:s13], $0x8000  }
0x24b: {  	[sflag:s13] =	ssyncset.done $0x0  }
0x24c: {  	[sflag:s13] =	ssyncadd.s32 $0xFFFF8000  }
0x24d: {  	[tilespmem:s8], [sflag:$0x2] =	stream.indirect.gather [hbm4b:s4+s6], $0x40, s6, s6, $0xb8;
	[tilespmem:$0x1EE00] =	vst v63  }
0x24e: {  	_ =	swait.ge [sflag:s11], $0x8000  }
0x24f: {  	[sflag:s11] =	ssyncset.done $0x0  }
0x250: {  	[sflag:s11] =	ssyncadd.s32 $0xFFFF8000  }
0x251: {  	_ =	swait.ge [sflag:s12], $0x8000  }
0x252: {  	[sflag:s12] =	ssyncset.done $0x0  }
0x253: {  	[sflag:s12] =	ssyncadd.s32 $0xFFFF8000  }
0x254: {  	[bflag:$0x0] =	sbarrier.arrive $0xFFFF  }
0x255: {  	s30 =	rddreg [dreg:$0x6]  }
0x256: {  	[hbm:s30], [sflag:s7] =	dma.local [spmem:s9], $0x13C0  }
0x257: {  	_ =	swait.ge [sflag:s5], $0x13C0  }
0x258: {  	[sflag:s5] =	ssyncset.done $0x0  }
0x259: {  	[sflag:s5] =	ssyncadd.s32 $0xFFFFEC40  }
0x25a: {  	_ =	sfence.sel $0x180000  }
0x25b: {  	[bflag:$0x0] =	sbarrier.arrive $0xFFFF  }
0x25c: {  	_ =	strace $0x90000050  }
0x25d: {  	s31 =	stileid.u32;
	[bflag:$0x2] =	sbarrier.arrive $0xFFFF  }
0x25e: {  	p0 =	sne.s32 s31, $0x0;
	s0 =	rddreg [dreg:$0x2]  }
0x25f: {  	s0 =	sadd.s32 @!p0 $0x100000, s0  }
0x260: {  	[sflag:s0] =	ssyncadd.tile.s32 @!p0 $0x1;
	_ =	shalt  }
.Lfunc_end2:
_tile_overlayer_lowered:
.L_overlay_start_2:
0x261: {  	(tag) =	ssettag $0x2  }
0x262: {  	s0 =	rddreg [dreg:$0x0];
	s2 =	stileid.u32  }
0x263: {  	s1 =	rddreg [dreg:$0x1];
	p0 =	sne.s32 s2, $0x0  }
0x264: {  	s3 =	rddreg [dreg:$0x2];
	[bflag:$0x3] =	sbarrier.arrive $0xFFFF;
	s2 =	simm.s32 @!p0 $0x1C05  }
0x265: {  	[timem:s3], [sflag:s2] =	dma.local @!p0 [hbm:s0], s1  }
0x266: {  	s0 =	simm.s32 @!p0 $0x5  }
0x267: {  	_ =	swait.ge @!p0 [sflag:s0], s1  }
0x268: {  	s1 =	ssub.s32 @!p0 $0x0, s1;
	[sflag:s0] =	ssyncset.done @!p0 $0x0  }
0x269: {  	[sflag:s0] =	ssyncadd.s32 @!p0 s1  }
0x26a: {  	[bflag:$0x3] =	sbarrier.arrive $0xFFFF  }
0x26b: {  	_ =	shalt  }

</sc_bundles>
